<compile_context>
chip_gen: v7x
topology: tpu7x:2x2x1
jax: 0.10.2.dev20260603
libtpu: 0.0.44.dev20260713+nightly
codegen_flags: <defaults>
</compile_context>

<pallas_src>
import jax
import jax.numpy as jnp
from jax import lax
from jax.experimental import pallas as pl
from jax.experimental.pallas import tpu as pltpu
from jax.experimental.pallas import tpu_sc as plsc

B = 1024
NREG = 17
F = 7
P = 170
Q = P * F
XW = NREG * F
XH = 120
CELLS = 82 * 67
CTRLN = CELLS * F
CTRL_ALLOC = 38480

NC = 2
NS = 16
NW = NC * NS
NQW = 38
NCH = 75
KPAD = 176
XWIN = 24
NBCH = B // 16
H1 = 20

OFF_ROWS = 0
OFF_COLS = KPAD
OFF_RAT = 2 * KPAD
RATN = 192
COMBO_N = 2 * KPAD + RATN

BBLK = 128


def _sc_body(xt_hbm, combo_hbm, xt2_hbm, out_hbm, sem0,
             xw_v, combo_v, key_v, ctrl_v, out_v, xq_v):
    wid = lax.axis_index("s") * NC + lax.axis_index("c")
    q0 = wid * NQW

    p0 = q0 // F
    c0 = (p0 // 10) * F
    rbase = jnp.minimum(c0 - c0 % 8, XH - XWIN)
    rbase = pl.multiple_of(rbase, 8)

    xw_cp = pltpu.async_copy(xt_hbm.at[pl.ds(rbase * B, XWIN * B)], xw_v, sem0)
    pltpu.sync_copy(combo_hbm, combo_v)

    iota = lax.broadcasted_iota(jnp.int32, (16,), 0)

    def key_c(c, cy):
        c16 = pl.multiple_of(c * 16, 16)
        rws = combo_v[pl.ds(OFF_ROWS + c16, 16)]
        cls = combo_v[pl.ds(OFF_COLS + c16, 16)]
        kv = rws * 67 + cls
        key_v[pl.ds(c16, 16)] = kv
        plsc.store_scatter(ctrl_v, [kv * F], (iota + c16).astype(jnp.float32))
        return cy

    lax.fori_loop(0, KPAD // 16, key_c, 0)

    def chk_c(c, accum):
        c16 = pl.multiple_of(c * 16, 16)
        keyc = key_v[pl.ds(c16, 16)] * F
        pid = (iota + c16).astype(jnp.float32)
        got = plsc.load_gather(ctrl_v, [keyc])
        valid = (iota + c16) < P
        return accum + jnp.where(jnp.logical_and(valid, got != pid), 1, 0)

    acc = lax.fori_loop(0, KPAD // 16, chk_c, jnp.zeros((16,), jnp.int32))
    has_dup = jnp.max(acc)
    xw_cp.wait()

    nodup = has_dup == 0

    @pl.when(nodup)
    def _():
        cp = pl.multiple_of((p0 // 16) * 16, 16)
        rv0 = plsc.bitcast(combo_v[pl.ds(OFF_RAT + cp, 16)], jnp.float32)
        rv1 = plsc.bitcast(combo_v[pl.ds(OFF_RAT + cp + 16, 16)], jnp.float32)

        def one_row(qq):
            qi = q0 + qq
            pi = qi // F
            fi = qi - pi * F
            src = jnp.minimum((pi // 10) * F + fi - rbase, XWIN - 1)
            li = pi - cp
            ws = (jnp.sum(jnp.where(iota == li, rv0, 0.0))
                  + jnp.sum(jnp.where(iota == li - 16, rv1, 0.0)))
            wg = jnp.full((16,), ws)
            sbase = pl.multiple_of(src * B, 16)
            obase = pl.multiple_of(qq * B, 16)
            for j in range(NBCH):
                out_v[pl.ds(obase + j * 16, 16)] = (
                    xw_v[pl.ds(sbase + j * 16, 16)] * wg)

        @plsc.parallel_loop(0, H1, step=1, unroll=1)
        def _rows1(qq):
            one_row(qq)

        @pl.when(wid < NW - 1)
        def _():
            pltpu.async_copy(out_v.at[pl.ds(0, H1 * B)],
                             out_hbm.at[pl.ds(q0 * B, H1 * B)], sem0)

        @plsc.parallel_loop(H1, NQW, step=1, unroll=1)
        def _rows2(qq):
            one_row(qq)

        @pl.when(wid < NW - 1)
        def _():
            pltpu.make_async_copy(out_v.at[pl.ds(0, H1 * B)],
                                  out_hbm.at[pl.ds(q0 * B, H1 * B)],
                                  sem0).wait()
            pltpu.sync_copy(out_v.at[pl.ds(H1 * B, (NQW - H1) * B)],
                            out_hbm.at[pl.ds((q0 + H1) * B, (NQW - H1) * B)])

        @pl.when(wid == NW - 1)
        def _():
            ntail = Q - (NW - 1) * NQW
            pltpu.sync_copy(out_v.at[pl.ds(0, ntail * B)],
                            out_hbm.at[pl.ds(q0 * B, ntail * B)])

    @pl.when(jnp.logical_not(nodup))
    def _():
        clo = q0 // 16
        qhi = jnp.minimum(q0 + NQW, Q)

        def chunk_idx(coff):
            qv = iota + coff
            pv = qv // F
            fv = qv - pv * F
            kv = plsc.load_gather(key_v, [pv])
            qd = kv * F + fv
            sv = (pv // 10) * F + fv
            wv = plsc.load_gather(combo_v, [OFF_RAT + pv])
            return qd, sv, plsc.bitcast(wv, jnp.float32)

        def blk_body(k, carry):
            pltpu.sync_copy(xt2_hbm.at[:, pl.ds(k * BBLK, BBLK)], xq_v)

            def bl_body(bl, carry2):
                b = k * BBLK + bl
                zero = jnp.zeros((16,), jnp.float32)

                def zero_c(c, cy):
                    qd, _, _ = chunk_idx(c * 16)
                    plsc.store_scatter(ctrl_v, [qd], zero)
                    return cy

                lax.fori_loop(0, NCH, zero_c, 0)
                blv = jnp.full((16,), bl, jnp.int32)

                def add_c(c, cy):
                    qd, sv, wv = chunk_idx(c * 16)
                    v = plsc.load_gather(xq_v, [sv, blv]) * wv
                    plsc.addupdate_scatter(ctrl_v, [qd], v)
                    return cy

                lax.fori_loop(0, NCH, add_c, 0)

                def get_c(cc, cy):
                    coff = (clo + cc) * 16
                    qv = iota + coff
                    qd, _, _ = chunk_idx(coff)
                    got = plsc.load_gather(ctrl_v, [qd])
                    m = jnp.logical_and(qv >= q0, qv < qhi)
                    plsc.store_scatter(out_v, [(qv - q0) * B + b], got, mask=m)
                    return cy

                lax.fori_loop(0, 4, get_c, 0)
                return carry2

            lax.fori_loop(0, BBLK, bl_body, 0)
            return carry

        lax.fori_loop(0, B // BBLK, blk_body, 0)

        @pl.when(wid < NW - 1)
        def _():
            pltpu.sync_copy(out_v, out_hbm.at[pl.ds(q0 * B, NQW * B)])

        @pl.when(wid == NW - 1)
        def _():
            ntail = Q - (NW - 1) * NQW
            pltpu.sync_copy(out_v.at[pl.ds(0, ntail * B)],
                            out_hbm.at[pl.ds(q0 * B, ntail * B)])


def kernel(inputs, ratios, rows, cols):
    rows_f = jnp.concatenate(
        [rows.reshape(-1).astype(jnp.int32), jnp.full((KPAD - P,), 82, jnp.int32)])
    cols_f = jnp.concatenate(
        [cols.reshape(-1).astype(jnp.int32), jnp.zeros((KPAD - P,), jnp.int32)])
    rat_f = jnp.pad(ratios.reshape(-1), (0, RATN - P)).view(jnp.int32)
    combo = jnp.concatenate([rows_f, cols_f, rat_f])

    x_t = jnp.pad(inputs, ((0, 0), (0, XH - XW))).T.reshape(-1)

    mesh = plsc.VectorSubcoreMesh(
        core_axis_name="c", subcore_axis_name="s", num_cores=NC, num_subcores=NS
    )
    run = pl.kernel(
        _sc_body,
        out_type=jax.ShapeDtypeStruct((Q * B,), jnp.float32),
        mesh=mesh,
        compiler_params=pltpu.CompilerParams(needs_layout_passes=False),
        scratch_types=[
            pltpu.SemaphoreType.DMA,
            pltpu.VMEM((XWIN * B,), jnp.float32),
            pltpu.VMEM((COMBO_N,), jnp.int32),
            pltpu.VMEM((KPAD,), jnp.int32),
            pltpu.VMEM((CTRL_ALLOC,), jnp.float32),
            pltpu.VMEM((NQW * B,), jnp.float32),
            pltpu.VMEM((XH, BBLK), jnp.float32),
        ],
    )
    out_qb = run(x_t, combo, x_t.reshape(XH, B))
    out4 = out_qb.reshape(P, F, 8, 128)
    return out4.transpose(2, 3, 0, 1).reshape(B, P, 1, F)

# --- scband reference (transcript-rebuilt; emitter-appended) ---
"""Pipeline reference for scband-gridding-layer-40939628266083 (READ-ONLY COPY).

The authoritative reference and input builder live on the scoring server;
editing this copy changes nothing except your own understanding.
"""

import jax, jax.numpy as jnp
import numpy as np


def _make_allocation():
    # Matches the allocation dict passed to GriddingLayer.__init__:
    # region i (i=0..16) owns 10 cells: Row = i*4 + j, Column = i*3 + 2*j, Ratio = 10.0 (-> /100 = 0.10)
    rows = np.array([[i * 4 + j for j in range(10)] for i in range(17)], dtype=np.int32)
    cols = np.array([[i * 3 + 2 * j for j in range(10)] for i in range(17)], dtype=np.int32)
    ratios = np.full((17, 10), 0.10, dtype=np.float32)
    return rows, cols, ratios


def setup_inputs(seed: int = 0) -> dict:
    key = jax.random.key(seed)
    inputs = jax.random.normal(key, (1024, 119), dtype=jnp.float32)
    rows, cols, ratios = _make_allocation()
    return {
        "inputs": inputs,
        "ratios": jnp.asarray(ratios),
        "rows": jnp.asarray(rows),
        "cols": jnp.asarray(cols),
    }


def reference(inputs, ratios, rows, cols):
    B = inputs.shape[0]
    reshaped = inputs.reshape(B, 17, 7)
    # value_i = reshaped[:, i:i+1, :] * ratio_i, vectorized over all 17 regions
    values = reshaped[:, :, None, :] * ratios[None, :, :, None]  # (B, 17, 10, 7)
    ctrl_map = jnp.zeros((B, 82, 67, 7), dtype=jnp.float32)
    # tf.tensor_scatter_nd_add over (batch, row, col) -> scatter-add with duplicate accumulation
    ctrl_map = ctrl_map.at[:, rows, cols, :].add(values)
    # tf.gather_nd back at the same (row, col) list, in region order
    flat_rows = rows.reshape(-1)
    flat_cols = cols.reshape(-1)
    selected = ctrl_map[:, flat_rows, flat_cols, :]  # (B, 170, 7)
    return selected.reshape(B, -1, 1, 7)

if __name__ == "__main__":
    import jax
    _d = setup_inputs()
    print(jax.jit(kernel)(*tuple(_d.values())))

</pallas_src>

<mosaic_0001>
#map = affine_map<(d0, d1) -> (0)>
#map1 = affine_map<(d0, d1) -> (0, 0)>
module attributes {stable_mosaic.version = 14 : i64} {
  func.func @_sc_body(%arg0: i32, %arg1: i32, %arg2: memref<122880xf32, #tpu.memory_space<hbm>>, %arg3: memref<544xi32, #tpu.memory_space<hbm>>, %arg4: memref<120x1024xf32, #tpu.memory_space<hbm>>, %arg5: memref<1218560xf32, #tpu.memory_space<hbm>>, %arg6: memref<!tpu.dma_semaphore, #tpu.memory_space<semaphore_mem>>, %arg7: memref<24576xf32, #tpu.memory_space<vmem>>, %arg8: memref<544xi32, #tpu.memory_space<vmem>>, %arg9: memref<176xi32, #tpu.memory_space<vmem>>, %arg10: memref<38480xf32, #tpu.memory_space<vmem>>, %arg11: memref<38912xf32, #tpu.memory_space<vmem>>, %arg12: memref<120x128xf32, #tpu.memory_space<vmem>>) attributes {dimension_semantics = [#tpu.dimension_semantics<core_parallel>, #tpu.dimension_semantics<subcore_parallel>], iteration_bounds = array<i64: 2, 16>, scalar_prefetch = 0 : i64, scratch_operands = 7 : i64, tpu.core_type = #tpu.core_type<sc_vector_subcore>, window_params = [{transform_indices = #map}, {transform_indices = #map}, {transform_indices = #map1}, {transform_indices = #map}]} {
    %mul3A = arith.constant 2 : i32
    %mul3A_0 = arith.muli %arg1, %mul3A : i32
    %add3A = arith.addi %mul3A_0, %arg0 : i32
    %mul3A_1 = arith.constant 38 : i32
    %mul3A_2 = arith.muli %add3A, %mul3A_1 : i32
    %jit3A = arith.constant 7 : i32
    %div3A = arith.divsi %mul3A_2, %jit3A : i32
    %sign3A = arith.constant 0 : i32
    %sign3A_3 = arith.cmpi sgt, %mul3A_2, %sign3A : i32
    %sign3A_4 = arith.extui %sign3A_3 : i1 to i32
    %sign3A_5 = arith.constant 0 : i32
    %sign3A_6 = arith.cmpi slt, %mul3A_2, %sign3A_5 : i32
    %sign3A_7 = arith.extui %sign3A_6 : i1 to i32
    %sign3A_8 = arith.subi %sign3A_4, %sign3A_7 : i32
    %sign3A_9 = arith.constant 0 : i32
    %sign3A_10 = arith.cmpi sgt, %jit3A, %sign3A_9 : i32
    %sign3A_11 = arith.extui %sign3A_10 : i1 to i32
    %sign3A_12 = arith.constant 0 : i32
    %sign3A_13 = arith.cmpi slt, %jit3A, %sign3A_12 : i32
    %sign3A_14 = arith.extui %sign3A_13 : i1 to i32
    %sign3A_15 = arith.subi %sign3A_11, %sign3A_14 : i32
    %ne3A = arith.cmpi ne, %sign3A_8, %sign3A_15 : i32
    %rem3A = arith.remsi %mul3A_2, %jit3A : i32
    %ne3A_16 = arith.constant 0 : i32
    %ne3A_17 = arith.cmpi ne, %rem3A, %ne3A_16 : i32
    %and3A = arith.andi %ne3A, %ne3A_17 : i1
    %sub3A = arith.constant 1 : i32
    %sub3A_18 = arith.subi %div3A, %sub3A : i32
    %select_n3A = arith.select %and3A, %sub3A_18, %div3A : i32
    %jit3A_19 = arith.constant 10 : i32
    %div3A_20 = arith.divsi %select_n3A, %jit3A_19 : i32
    %sign3A_21 = arith.constant 0 : i32
    %sign3A_22 = arith.cmpi sgt, %select_n3A, %sign3A_21 : i32
    %sign3A_23 = arith.extui %sign3A_22 : i1 to i32
    %sign3A_24 = arith.constant 0 : i32
    %sign3A_25 = arith.cmpi slt, %select_n3A, %sign3A_24 : i32
    %sign3A_26 = arith.extui %sign3A_25 : i1 to i32
    %sign3A_27 = arith.subi %sign3A_23, %sign3A_26 : i32
    %sign3A_28 = arith.constant 0 : i32
    %sign3A_29 = arith.cmpi sgt, %jit3A_19, %sign3A_28 : i32
    %sign3A_30 = arith.extui %sign3A_29 : i1 to i32
    %sign3A_31 = arith.constant 0 : i32
    %sign3A_32 = arith.cmpi slt, %jit3A_19, %sign3A_31 : i32
    %sign3A_33 = arith.extui %sign3A_32 : i1 to i32
    %sign3A_34 = arith.subi %sign3A_30, %sign3A_33 : i32
    %ne3A_35 = arith.cmpi ne, %sign3A_27, %sign3A_34 : i32
    %rem3A_36 = arith.remsi %select_n3A, %jit3A_19 : i32
    %ne3A_37 = arith.constant 0 : i32
    %ne3A_38 = arith.cmpi ne, %rem3A_36, %ne3A_37 : i32
    %and3A_39 = arith.andi %ne3A_35, %ne3A_38 : i1
    %sub3A_40 = arith.constant 1 : i32
    %sub3A_41 = arith.subi %div3A_20, %sub3A_40 : i32
    %select_n3A_42 = arith.select %and3A_39, %sub3A_41, %div3A_20 : i32
    %mul3A_43 = arith.constant 7 : i32
    %mul3A_44 = arith.muli %select_n3A_42, %mul3A_43 : i32
    %jit3A_45 = arith.constant 8 : i32
    %eq3A = arith.constant 0 : i32
    %eq3A_46 = arith.cmpi eq, %jit3A_45, %eq3A : i32
    %jit3A_47 = arith.constant 1 : i32
    %select_n3A_48 = arith.select %eq3A_46, %jit3A_47, %jit3A_45 : i32
    %rem3A_49 = arith.remsi %mul3A_44, %select_n3A_48 : i32
    %ne3A_50 = arith.constant 0 : i32
    %ne3A_51 = arith.cmpi ne, %rem3A_49, %ne3A_50 : i32
    %lt3A = arith.constant 0 : i32
    %lt3A_52 = arith.cmpi slt, %rem3A_49, %lt3A : i32
    %lt3A_53 = arith.constant 0 : i32
    %lt3A_54 = arith.cmpi slt, %select_n3A_48, %lt3A_53 : i32
    %ne3A_55 = arith.xori %lt3A_52, %lt3A_54 : i1
    %and3A_56 = arith.andi %ne3A_55, %ne3A_51 : i1
    %add3A_57 = arith.addi %rem3A_49, %select_n3A_48 : i32
    %select_n3A_58 = arith.select %and3A_56, %add3A_57, %rem3A_49 : i32
    %sub3A_59 = arith.subi %mul3A_44, %select_n3A_58 : i32
    %min3A = arith.constant 96 : i32
    %min3A_60 = arith.minsi %sub3A_59, %min3A : i32
    %multiple_of3A = tpu.assume_multiple %min3A_60, 8 : i32
    %mul3A_61 = arith.constant 1024 : i32
    %mul3A_62 = arith.muli %multiple_of3A, %mul3A_61 : i32
    %dma_start3A = tpu.memref_slice %arg2[%mul3A_62] : memref<122880xf32, #tpu.memory_space<hbm>> -> memref<24576xf32, #tpu.memory_space<hbm>>
    %dma_start3A_63 = tpu.memref_slice %arg2[%mul3A_62] : memref<122880xf32, #tpu.memory_space<hbm>> -> memref<24576xf32, #tpu.memory_space<hbm>>
    tpu.enqueue_dma source(%dma_start3A_63 : memref<24576xf32, #tpu.memory_space<hbm>>) target(%arg7 : memref<24576xf32, #tpu.memory_space<vmem>>) target_semaphore(%arg6 : memref<!tpu.dma_semaphore, #tpu.memory_space<semaphore_mem>>)
    "tpu.region"() ({
      %run_scoped3A = tpu.sem_alloc : memref<!tpu.dma_semaphore, #tpu.memory_space<semaphore_mem>>
      tpu.enqueue_dma source(%arg3 : memref<544xi32, #tpu.memory_space<hbm>>) target(%arg8 : memref<544xi32, #tpu.memory_space<vmem>>) target_semaphore(%run_scoped3A : memref<!tpu.dma_semaphore, #tpu.memory_space<semaphore_mem>>)
      tpu.wait_dma2 semaphore(%run_scoped3A : memref<!tpu.dma_semaphore, #tpu.memory_space<semaphore_mem>>) src(%arg3 : memref<544xi32, #tpu.memory_space<hbm>>) dst(%arg8 : memref<544xi32, #tpu.memory_space<vmem>>)
      tpu.yield
    }) : () -> ()
    %iota3A = tpu.iota {dimensions = array<i32: 0>} : vector<16xi32>
    %scan3A = arith.constant 0 : i32
    %scan3A_64 = arith.constant 0 : i32
    %scan3A_65 = arith.constant 11 : i32
    %scan3A_66 = arith.addi %scan3A_64, %scan3A_65 : i32
    %scan3A_67 = arith.constant 1 : i32
    scf.for %scan3A_91 = %scan3A_64 to %scan3A_66 step %scan3A_67  : i32 {
      %mul3A_92 = arith.constant 16 : i32
      %mul3A_93 = arith.muli %scan3A_91, %mul3A_92 : i32
      %multiple_of3A_94 = tpu.assume_multiple %mul3A_93, 16 : i32
      %add3A_95 = arith.constant 0 : i32
      %add3A_96 = arith.addi %add3A_95, %multiple_of3A_94 : i32
      %get3A = arith.index_cast %add3A_96 : i32 to index
      %get3A_97 = tpu.vector_load %arg8[%get3A] {strides = array<i32>} : memref<544xi32, #tpu.memory_space<vmem>>, vector<16xi32>,
      %add3A_98 = arith.constant 176 : i32
      %add3A_99 = arith.addi %add3A_98, %multiple_of3A_94 : i32
      %get3A_100 = arith.index_cast %add3A_99 : i32 to index
      %get3A_101 = tpu.vector_load %arg8[%get3A_100] {strides = array<i32>} : memref<544xi32, #tpu.memory_space<vmem>>, vector<16xi32>,
      %mul3A_102 = arith.constant 67 : i32
      %mul3A_103 = vector.broadcast %mul3A_102 : i32 to vector<16xi32>
      %mul3A_104 = arith.muli %get3A_97, %mul3A_103 : vector<16xi32>
      %add3A_105 = arith.addi %mul3A_104, %get3A_101 : vector<16xi32>
      %swap3A = arith.index_cast %multiple_of3A_94 : i32 to index
      %swap3A_106 = tpu.vector_load %arg9[%swap3A] {strides = array<i32>} : memref<176xi32, #tpu.memory_space<vmem>>, vector<16xi32>,
      tpu.vector_store %arg9[%swap3A], %add3A_105 {strides = array<i32>} : memref<176xi32, #tpu.memory_space<vmem>>, vector<16xi32>,
      %mul3A_107 = arith.constant 7 : i32
      %mul3A_108 = vector.broadcast %mul3A_107 : i32 to vector<16xi32>
      %mul3A_109 = arith.muli %add3A_105, %mul3A_108 : vector<16xi32>
      %add3A_110 = vector.broadcast %multiple_of3A_94 : i32 to vector<16xi32>
      %add3A_111 = arith.addi %iota3A, %add3A_110 : vector<16xi32>
      %convert_element_type3A_112 = arith.sitofp %add3A_111 : vector<16xi32> to vector<16xf32>
      tpu.vector_store_idx %arg10[%mul3A_109], %convert_element_type3A_112 : memref<38480xf32, #tpu.memory_space<vmem>>[vector<16xi32>], vector<16xf32>,
    }
    %scan3A_68 = arith.constant 11 : i32
    %broadcast_in_dim3A = arith.constant 0 : i32
    %broadcast_in_dim3A_69 = vector.broadcast %broadcast_in_dim3A : i32 to vector<16xi32>
    %scan3A_70 = arith.constant 0 : i32
    %scan3A_71 = arith.constant 11 : i32
    %scan3A_72 = arith.addi %scan3A_70, %scan3A_71 : i32
    %scan3A_73 = arith.constant 1 : i32
    %scan3A_74 = scf.for %scan3A_91 = %scan3A_70 to %scan3A_72 step %scan3A_73 iter_args(%scan3A_92 = %broadcast_in_dim3A_69) -> (vector<16xi32>)  : i32 {
      %mul3A_93 = arith.constant 16 : i32
      %mul3A_94 = arith.muli %scan3A_91, %mul3A_93 : i32
      %multiple_of3A_95 = tpu.assume_multiple %mul3A_94, 16 : i32
      %get3A = arith.index_cast %multiple_of3A_95 : i32 to index
      %get3A_96 = tpu.vector_load %arg9[%get3A] {strides = array<i32>} : memref<176xi32, #tpu.memory_space<vmem>>, vector<16xi32>,
      %mul3A_97 = arith.constant 7 : i32
      %mul3A_98 = vector.broadcast %mul3A_97 : i32 to vector<16xi32>
      %mul3A_99 = arith.muli %get3A_96, %mul3A_98 : vector<16xi32>
      %add3A_100 = vector.broadcast %multiple_of3A_95 : i32 to vector<16xi32>
      %add3A_101 = arith.addi %iota3A, %add3A_100 : vector<16xi32>
      %convert_element_type3A_102 = arith.sitofp %add3A_101 : vector<16xi32> to vector<16xf32>
      %gather3A = tpu.vector_load_idx %arg10[%mul3A_99] : memref<38480xf32, #tpu.memory_space<vmem>>[vector<16xi32>], vector<16xf32>,
      %add3A_103 = vector.broadcast %multiple_of3A_95 : i32 to vector<16xi32>
      %add3A_104 = arith.addi %iota3A, %add3A_103 : vector<16xi32>
      %lt3A_105 = arith.constant 170 : i32
      %lt3A_106 = vector.broadcast %lt3A_105 : i32 to vector<16xi32>
      %lt3A_107 = arith.cmpi slt, %add3A_104, %lt3A_106 : vector<16xi32>
      %ne3A_108 = arith.cmpf one, %gather3A, %convert_element_type3A_102 : vector<16xf32>
      %and3A_109 = arith.andi %lt3A_107, %ne3A_108 : vector<16xi1>
      %jit3A_110 = arith.constant 1 : i32
      %jit3A_111 = arith.constant 0 : i32
      %broadcast_in_dim3A_112 = vector.broadcast %jit3A_110 : i32 to vector<16xi32>
      %broadcast_in_dim3A_113 = vector.broadcast %jit3A_111 : i32 to vector<16xi32>
      %select_n3A_114 = arith.select %and3A_109, %broadcast_in_dim3A_112, %broadcast_in_dim3A_113 : vector<16xi1>, vector<16xi32>
      %add3A_115 = arith.addi %scan3A_92, %select_n3A_114 : vector<16xi32>
      scf.yield %add3A_115 : vector<16xi32>
    }
    %scan3A_75 = arith.constant 11 : i32
    %reduce_max3A = arith.constant true
    %reduce_max3A_76 = vector.broadcast %reduce_max3A : i1 to vector<16xi1>
    %reduce_max3A_77 = arith.constant -2147483648 : i32
    %reduce_max3A_78 = vector.broadcast %reduce_max3A_77 : i32 to vector<16xi32>
    %reduce_max3A_79 = arith.xori %scan3A_74, %reduce_max3A_78 : vector<16xi32>
    %reduce_max3A_80 = tpu.scan <max>, %reduce_max3A_79 masked %reduce_max3A_76 : vector<16xi32>, vector<16xi1> -> vector<16xi32>
    %reduce_max3A_81 = arith.xori %reduce_max3A_80, %reduce_max3A_78 : vector<16xi32>
    %reduce_max3A_82 = vector.extract %reduce_max3A_81[15] : i32 from vector<16xi32>
    %dma_wait3A = tpu.memref_slice %arg2[%mul3A_62] : memref<122880xf32, #tpu.memory_space<hbm>> -> memref<24576xf32, #tpu.memory_space<hbm>>
    %dma_wait3A_83 = tpu.memref_slice %arg2[%mul3A_62] : memref<122880xf32, #tpu.memory_space<hbm>> -> memref<24576xf32, #tpu.memory_space<hbm>>
    tpu.wait_dma2 semaphore(%arg6 : memref<!tpu.dma_semaphore, #tpu.memory_space<semaphore_mem>>) src(%dma_wait3A_83 : memref<24576xf32, #tpu.memory_space<hbm>>) dst(%arg7 : memref<24576xf32, #tpu.memory_space<vmem>>)
    %eq3A_84 = arith.constant 0 : i32
    %eq3A_85 = arith.cmpi eq, %reduce_max3A_82, %eq3A_84 : i32
    %convert_element_type3A = arith.extui %eq3A_85 : i1 to i32
    %cond3A = arith.constant 0 : i32
    %cond3A_86 = arith.cmpi ne, %convert_element_type3A, %cond3A : i32
    scf.if %cond3A_86 {
      %jit3A_91 = arith.constant 16 : i32
      %div3A_92 = arith.divsi %select_n3A, %jit3A_91 : i32
      %sign3A_93 = arith.constant 0 : i32
      %sign3A_94 = arith.cmpi sgt, %select_n3A, %sign3A_93 : i32
      %sign3A_95 = arith.extui %sign3A_94 : i1 to i32
      %sign3A_96 = arith.constant 0 : i32
      %sign3A_97 = arith.cmpi slt, %select_n3A, %sign3A_96 : i32
      %sign3A_98 = arith.extui %sign3A_97 : i1 to i32
      %sign3A_99 = arith.subi %sign3A_95, %sign3A_98 : i32
      %sign3A_100 = arith.constant 0 : i32
      %sign3A_101 = arith.cmpi sgt, %jit3A_91, %sign3A_100 : i32
      %sign3A_102 = arith.extui %sign3A_101 : i1 to i32
      %sign3A_103 = arith.constant 0 : i32
      %sign3A_104 = arith.cmpi slt, %jit3A_91, %sign3A_103 : i32
      %sign3A_105 = arith.extui %sign3A_104 : i1 to i32
      %sign3A_106 = arith.subi %sign3A_102, %sign3A_105 : i32
      %ne3A_107 = arith.cmpi ne, %sign3A_99, %sign3A_106 : i32
      %rem3A_108 = arith.remsi %select_n3A, %jit3A_91 : i32
      %ne3A_109 = arith.constant 0 : i32
      %ne3A_110 = arith.cmpi ne, %rem3A_108, %ne3A_109 : i32
      %and3A_111 = arith.andi %ne3A_107, %ne3A_110 : i1
      %sub3A_112 = arith.constant 1 : i32
      %sub3A_113 = arith.subi %div3A_92, %sub3A_112 : i32
      %select_n3A_114 = arith.select %and3A_111, %sub3A_113, %div3A_92 : i32
      %mul3A_115 = arith.constant 16 : i32
      %mul3A_116 = arith.muli %select_n3A_114, %mul3A_115 : i32
      %multiple_of3A_117 = tpu.assume_multiple %mul3A_116, 16 : i32
      %add3A_118 = arith.constant 352 : i32
      %add3A_119 = arith.addi %add3A_118, %multiple_of3A_117 : i32
      %get3A = arith.index_cast %add3A_119 : i32 to index
      %get3A_120 = tpu.vector_load %arg8[%get3A] {strides = array<i32>} : memref<544xi32, #tpu.memory_space<vmem>>, vector<16xi32>,
      %bitcast3A = vector.bitcast %get3A_120 : vector<16xi32> to vector<16xf32>
      %add3A_121 = arith.constant 352 : i32
      %add3A_122 = arith.addi %add3A_121, %multiple_of3A_117 : i32
      %add3A_123 = arith.constant 16 : i32
      %add3A_124 = arith.addi %add3A_122, %add3A_123 : i32
      %get3A_125 = arith.index_cast %add3A_124 : i32 to index
      %get3A_126 = tpu.vector_load %arg8[%get3A_125] {strides = array<i32>} : memref<544xi32, #tpu.memory_space<vmem>>, vector<16xi32>,
      %bitcast3A_127 = vector.bitcast %get3A_126 : vector<16xi32> to vector<16xf32>
      %parallel_loop3A = arith.constant 0 : i32
      %parallel_loop3A_128 = arith.constant 20 : i32
      %parallel_loop3A_129 = arith.constant 1 : i32
      scf.for %parallel_loop3A_148 = %parallel_loop3A to %parallel_loop3A_128 step %parallel_loop3A_129  : i32 {
        %parallel_loop3A_149 = arith.addi %mul3A_2, %parallel_loop3A_148 : i32
        %parallel_loop3A_150 = arith.constant 7 : i32
        %parallel_loop3A_151 = arith.divsi %parallel_loop3A_149, %parallel_loop3A_150 : i32
        %parallel_loop3A_152 = arith.constant 0 : i32
        %parallel_loop3A_153 = arith.cmpi sgt, %parallel_loop3A_149, %parallel_loop3A_152 : i32
        %parallel_loop3A_154 = arith.extui %parallel_loop3A_153 : i1 to i32
        %parallel_loop3A_155 = arith.constant 0 : i32
        %parallel_loop3A_156 = arith.cmpi slt, %parallel_loop3A_149, %parallel_loop3A_155 : i32
        %parallel_loop3A_157 = arith.extui %parallel_loop3A_156 : i1 to i32
        %parallel_loop3A_158 = arith.subi %parallel_loop3A_154, %parallel_loop3A_157 : i32
        %parallel_loop3A_159 = arith.constant 0 : i32
        %parallel_loop3A_160 = arith.cmpi sgt, %parallel_loop3A_150, %parallel_loop3A_159 : i32
        %parallel_loop3A_161 = arith.extui %parallel_loop3A_160 : i1 to i32
        %parallel_loop3A_162 = arith.constant 0 : i32
        %parallel_loop3A_163 = arith.cmpi slt, %parallel_loop3A_150, %parallel_loop3A_162 : i32
        %parallel_loop3A_164 = arith.extui %parallel_loop3A_163 : i1 to i32
        %parallel_loop3A_165 = arith.subi %parallel_loop3A_161, %parallel_loop3A_164 : i32
        %parallel_loop3A_166 = arith.cmpi ne, %parallel_loop3A_158, %parallel_loop3A_165 : i32
        %parallel_loop3A_167 = arith.remsi %parallel_loop3A_149, %parallel_loop3A_150 : i32
        %parallel_loop3A_168 = arith.constant 0 : i32
        %parallel_loop3A_169 = arith.cmpi ne, %parallel_loop3A_167, %parallel_loop3A_168 : i32
        %parallel_loop3A_170 = arith.andi %parallel_loop3A_166, %parallel_loop3A_169 : i1
        %parallel_loop3A_171 = arith.constant 1 : i32
        %parallel_loop3A_172 = arith.subi %parallel_loop3A_151, %parallel_loop3A_171 : i32
        %parallel_loop3A_173 = arith.select %parallel_loop3A_170, %parallel_loop3A_172, %parallel_loop3A_151 : i32
        %parallel_loop3A_174 = arith.constant 7 : i32
        %parallel_loop3A_175 = arith.muli %parallel_loop3A_173, %parallel_loop3A_174 : i32
        %parallel_loop3A_176 = arith.subi %parallel_loop3A_149, %parallel_loop3A_175 : i32
        %parallel_loop3A_177 = arith.constant 10 : i32
        %parallel_loop3A_178 = arith.divsi %parallel_loop3A_173, %parallel_loop3A_177 : i32
        %parallel_loop3A_179 = arith.constant 0 : i32
        %parallel_loop3A_180 = arith.cmpi sgt, %parallel_loop3A_173, %parallel_loop3A_179 : i32
        %parallel_loop3A_181 = arith.extui %parallel_loop3A_180 : i1 to i32
        %parallel_loop3A_182 = arith.constant 0 : i32
        %parallel_loop3A_183 = arith.cmpi slt, %parallel_loop3A_173, %parallel_loop3A_182 : i32
        %parallel_loop3A_184 = arith.extui %parallel_loop3A_183 : i1 to i32
        %parallel_loop3A_185 = arith.subi %parallel_loop3A_181, %parallel_loop3A_184 : i32
        %parallel_loop3A_186 = arith.constant 0 : i32
        %parallel_loop3A_187 = arith.cmpi sgt, %parallel_loop3A_177, %parallel_loop3A_186 : i32
        %parallel_loop3A_188 = arith.extui %parallel_loop3A_187 : i1 to i32
        %parallel_loop3A_189 = arith.constant 0 : i32
        %parallel_loop3A_190 = arith.cmpi slt, %parallel_loop3A_177, %parallel_loop3A_189 : i32
        %parallel_loop3A_191 = arith.extui %parallel_loop3A_190 : i1 to i32
        %parallel_loop3A_192 = arith.subi %parallel_loop3A_188, %parallel_loop3A_191 : i32
        %parallel_loop3A_193 = arith.cmpi ne, %parallel_loop3A_185, %parallel_loop3A_192 : i32
        %parallel_loop3A_194 = arith.remsi %parallel_loop3A_173, %parallel_loop3A_177 : i32
        %parallel_loop3A_195 = arith.constant 0 : i32
        %parallel_loop3A_196 = arith.cmpi ne, %parallel_loop3A_194, %parallel_loop3A_195 : i32
        %parallel_loop3A_197 = arith.andi %parallel_loop3A_193, %parallel_loop3A_196 : i1
        %parallel_loop3A_198 = arith.constant 1 : i32
        %parallel_loop3A_199 = arith.subi %parallel_loop3A_178, %parallel_loop3A_198 : i32
        %parallel_loop3A_200 = arith.select %parallel_loop3A_197, %parallel_loop3A_199, %parallel_loop3A_178 : i32
        %parallel_loop3A_201 = arith.constant 7 : i32
        %parallel_loop3A_202 = arith.muli %parallel_loop3A_200, %parallel_loop3A_201 : i32
        %parallel_loop3A_203 = arith.addi %parallel_loop3A_202, %parallel_loop3A_176 : i32
        %parallel_loop3A_204 = arith.subi %parallel_loop3A_203, %multiple_of3A : i32
        %parallel_loop3A_205 = arith.constant 23 : i32
        %parallel_loop3A_206 = arith.minsi %parallel_loop3A_204, %parallel_loop3A_205 : i32
        %parallel_loop3A_207 = arith.subi %parallel_loop3A_173, %multiple_of3A_117 : i32
        %parallel_loop3A_208 = vector.broadcast %parallel_loop3A_207 : i32 to vector<16xi32>
        %parallel_loop3A_209 = arith.cmpi eq, %iota3A, %parallel_loop3A_208 : vector<16xi32>
        %parallel_loop3A_210 = arith.constant 0.000000e+00 : f32
        %parallel_loop3A_211 = vector.broadcast %parallel_loop3A_210 : f32 to vector<16xf32>
        %parallel_loop3A_212 = arith.select %parallel_loop3A_209, %bitcast3A, %parallel_loop3A_211 : vector<16xi1>, vector<16xf32>
        %parallel_loop3A_213 = arith.constant true
        %parallel_loop3A_214 = vector.broadcast %parallel_loop3A_213 : i1 to vector<16xi1>
        %parallel_loop3A_215 = tpu.scan <sum>, %parallel_loop3A_212 masked %parallel_loop3A_214 : vector<16xf32>, vector<16xi1> -> vector<16xf32>
        %parallel_loop3A_216 = vector.extract %parallel_loop3A_215[15] : f32 from vector<16xf32>
        %parallel_loop3A_217 = arith.constant 16 : i32
        %parallel_loop3A_218 = arith.subi %parallel_loop3A_207, %parallel_loop3A_217 : i32
        %parallel_loop3A_219 = vector.broadcast %parallel_loop3A_218 : i32 to vector<16xi32>
        %parallel_loop3A_220 = arith.cmpi eq, %iota3A, %parallel_loop3A_219 : vector<16xi32>
        %parallel_loop3A_221 = arith.constant 0.000000e+00 : f32
        %parallel_loop3A_222 = vector.broadcast %parallel_loop3A_221 : f32 to vector<16xf32>
        %parallel_loop3A_223 = arith.select %parallel_loop3A_220, %bitcast3A_127, %parallel_loop3A_222 : vector<16xi1>, vector<16xf32>
        %parallel_loop3A_224 = arith.constant true
        %parallel_loop3A_225 = vector.broadcast %parallel_loop3A_224 : i1 to vector<16xi1>
        %parallel_loop3A_226 = tpu.scan <sum>, %parallel_loop3A_223 masked %parallel_loop3A_225 : vector<16xf32>, vector<16xi1> -> vector<16xf32>
        %parallel_loop3A_227 = vector.extract %parallel_loop3A_226[15] : f32 from vector<16xf32>
        %parallel_loop3A_228 = arith.addf %parallel_loop3A_216, %parallel_loop3A_227 : f32
        %parallel_loop3A_229 = vector.broadcast %parallel_loop3A_228 : f32 to vector<16xf32>
        %parallel_loop3A_230 = arith.constant 1024 : i32
        %parallel_loop3A_231 = arith.muli %parallel_loop3A_206, %parallel_loop3A_230 : i32
        %parallel_loop3A_232 = tpu.assume_multiple %parallel_loop3A_231, 16 : i32
        %parallel_loop3A_233 = arith.constant 1024 : i32
        %parallel_loop3A_234 = arith.muli %parallel_loop3A_148, %parallel_loop3A_233 : i32
        %parallel_loop3A_235 = tpu.assume_multiple %parallel_loop3A_234, 16 : i32
        %parallel_loop3A_236 = arith.constant 0 : i32
        %parallel_loop3A_237 = arith.addi %parallel_loop3A_232, %parallel_loop3A_236 : i32
        %parallel_loop3A_238 = arith.index_cast %parallel_loop3A_237 : i32 to index
        %parallel_loop3A_239 = tpu.vector_load %arg7[%parallel_loop3A_238] {strides = array<i32>} : memref<24576xf32, #tpu.memory_space<vmem>>, vector<16xf32>,
        %parallel_loop3A_240 = arith.mulf %parallel_loop3A_239, %parallel_loop3A_229 : vector<16xf32>
        %parallel_loop3A_241 = arith.constant 0 : i32
        %parallel_loop3A_242 = arith.addi %parallel_loop3A_235, %parallel_loop3A_241 : i32
        %parallel_loop3A_243 = arith.index_cast %parallel_loop3A_242 : i32 to index
        %parallel_loop3A_244 = tpu.vector_load %arg11[%parallel_loop3A_243] {strides = array<i32>} : memref<38912xf32, #tpu.memory_space<vmem>>, vector<16xf32>,
        tpu.vector_store %arg11[%parallel_loop3A_243], %parallel_loop3A_240 {strides = array<i32>} : memref<38912xf32, #tpu.memory_space<vmem>>, vector<16xf32>,
        %parallel_loop3A_245 = arith.constant 16 : i32
        %parallel_loop3A_246 = arith.addi %parallel_loop3A_232, %parallel_loop3A_245 : i32
        %parallel_loop3A_247 = arith.index_cast %parallel_loop3A_246 : i32 to index
        %parallel_loop3A_248 = tpu.vector_load %arg7[%parallel_loop3A_247] {strides = array<i32>} : memref<24576xf32, #tpu.memory_space<vmem>>, vector<16xf32>,
        %parallel_loop3A_249 = arith.mulf %parallel_loop3A_248, %parallel_loop3A_229 : vector<16xf32>
        %parallel_loop3A_250 = arith.constant 16 : i32
        %parallel_loop3A_251 = arith.addi %parallel_loop3A_235, %parallel_loop3A_250 : i32
        %parallel_loop3A_252 = arith.index_cast %parallel_loop3A_251 : i32 to index
        %parallel_loop3A_253 = tpu.vector_load %arg11[%parallel_loop3A_252] {strides = array<i32>} : memref<38912xf32, #tpu.memory_space<vmem>>, vector<16xf32>,
        tpu.vector_store %arg11[%parallel_loop3A_252], %parallel_loop3A_249 {strides = array<i32>} : memref<38912xf32, #tpu.memory_space<vmem>>, vector<16xf32>,
        %parallel_loop3A_254 = arith.constant 32 : i32
        %parallel_loop3A_255 = arith.addi %parallel_loop3A_232, %parallel_loop3A_254 : i32
        %parallel_loop3A_256 = arith.index_cast %parallel_loop3A_255 : i32 to index
        %parallel_loop3A_257 = tpu.vector_load %arg7[%parallel_loop3A_256] {strides = array<i32>} : memref<24576xf32, #tpu.memory_space<vmem>>, vector<16xf32>,
        %parallel_loop3A_258 = arith.mulf %parallel_loop3A_257, %parallel_loop3A_229 : vector<16xf32>
        %parallel_loop3A_259 = arith.constant 32 : i32
        %parallel_loop3A_260 = arith.addi %parallel_loop3A_235, %parallel_loop3A_259 : i32
        %parallel_loop3A_261 = arith.index_cast %parallel_loop3A_260 : i32 to index
        %parallel_loop3A_262 = tpu.vector_load %arg11[%parallel_loop3A_261] {strides = array<i32>} : memref<38912xf32, #tpu.memory_space<vmem>>, vector<16xf32>,
        tpu.vector_store %arg11[%parallel_loop3A_261], %parallel_loop3A_258 {strides = array<i32>} : memref<38912xf32, #tpu.memory_space<vmem>>, vector<16xf32>,
        %parallel_loop3A_263 = arith.constant 48 : i32
        %parallel_loop3A_264 = arith.addi %parallel_loop3A_232, %parallel_loop3A_263 : i32
        %parallel_loop3A_265 = arith.index_cast %parallel_loop3A_264 : i32 to index
        %parallel_loop3A_266 = tpu.vector_load %arg7[%parallel_loop3A_265] {strides = array<i32>} : memref<24576xf32, #tpu.memory_space<vmem>>, vector<16xf32>,
        %parallel_loop3A_267 = arith.mulf %parallel_loop3A_266, %parallel_loop3A_229 : vector<16xf32>
        %parallel_loop3A_268 = arith.constant 48 : i32
        %parallel_loop3A_269 = arith.addi %parallel_loop3A_235, %parallel_loop3A_268 : i32
        %parallel_loop3A_270 = arith.index_cast %parallel_loop3A_269 : i32 to index
        %parallel_loop3A_271 = tpu.vector_load %arg11[%parallel_loop3A_270] {strides = array<i32>} : memref<38912xf32, #tpu.memory_space<vmem>>, vector<16xf32>,
        tpu.vector_store %arg11[%parallel_loop3A_270], %parallel_loop3A_267 {strides = array<i32>} : memref<38912xf32, #tpu.memory_space<vmem>>, vector<16xf32>,
        %parallel_loop3A_272 = arith.constant 64 : i32
        %parallel_loop3A_273 = arith.addi %parallel_loop3A_232, %parallel_loop3A_272 : i32
        %parallel_loop3A_274 = arith.index_cast %parallel_loop3A_273 : i32 to index
        %parallel_loop3A_275 = tpu.vector_load %arg7[%parallel_loop3A_274] {strides = array<i32>} : memref<24576xf32, #tpu.memory_space<vmem>>, vector<16xf32>,
        %parallel_loop3A_276 = arith.mulf %parallel_loop3A_275, %parallel_loop3A_229 : vector<16xf32>
        %parallel_loop3A_277 = arith.constant 64 : i32
        %parallel_loop3A_278 = arith.addi %parallel_loop3A_235, %parallel_loop3A_277 : i32
        %parallel_loop3A_279 = arith.index_cast %parallel_loop3A_278 : i32 to index
        %parallel_loop3A_280 = tpu.vector_load %arg11[%parallel_loop3A_279] {strides = array<i32>} : memref<38912xf32, #tpu.memory_space<vmem>>, vector<16xf32>,
        tpu.vector_store %arg11[%parallel_loop3A_279], %parallel_loop3A_276 {strides = array<i32>} : memref<38912xf32, #tpu.memory_space<vmem>>, vector<16xf32>,
        %parallel_loop3A_281 = arith.constant 80 : i32
        %parallel_loop3A_282 = arith.addi %parallel_loop3A_232, %parallel_loop3A_281 : i32
        %parallel_loop3A_283 = arith.index_cast %parallel_loop3A_282 : i32 to index
        %parallel_loop3A_284 = tpu.vector_load %arg7[%parallel_loop3A_283] {strides = array<i32>} : memref<24576xf32, #tpu.memory_space<vmem>>, vector<16xf32>,
        %parallel_loop3A_285 = arith.mulf %parallel_loop3A_284, %parallel_loop3A_229 : vector<16xf32>
        %parallel_loop3A_286 = arith.constant 80 : i32
        %parallel_loop3A_287 = arith.addi %parallel_loop3A_235, %parallel_loop3A_286 : i32
        %parallel_loop3A_288 = arith.index_cast %parallel_loop3A_287 : i32 to index
        %parallel_loop3A_289 = tpu.vector_load %arg11[%parallel_loop3A_288] {strides = array<i32>} : memref<38912xf32, #tpu.memory_space<vmem>>, vector<16xf32>,
        tpu.vector_store %arg11[%parallel_loop3A_288], %parallel_loop3A_285 {strides = array<i32>} : memref<38912xf32, #tpu.memory_space<vmem>>, vector<16xf32>,
        %parallel_loop3A_290 = arith.constant 96 : i32
        %parallel_loop3A_291 = arith.addi %parallel_loop3A_232, %parallel_loop3A_290 : i32
        %parallel_loop3A_292 = arith.index_cast %parallel_loop3A_291 : i32 to index
        %parallel_loop3A_293 = tpu.vector_load %arg7[%parallel_loop3A_292] {strides = array<i32>} : memref<24576xf32, #tpu.memory_space<vmem>>, vector<16xf32>,
        %parallel_loop3A_294 = arith.mulf %parallel_loop3A_293, %parallel_loop3A_229 : vector<16xf32>
        %parallel_loop3A_295 = arith.constant 96 : i32
        %parallel_loop3A_296 = arith.addi %parallel_loop3A_235, %parallel_loop3A_295 : i32
        %parallel_loop3A_297 = arith.index_cast %parallel_loop3A_296 : i32 to index
        %parallel_loop3A_298 = tpu.vector_load %arg11[%parallel_loop3A_297] {strides = array<i32>} : memref<38912xf32, #tpu.memory_space<vmem>>, vector<16xf32>,
        tpu.vector_store %arg11[%parallel_loop3A_297], %parallel_loop3A_294 {strides = array<i32>} : memref<38912xf32, #tpu.memory_space<vmem>>, vector<16xf32>,
        %parallel_loop3A_299 = arith.constant 112 : i32
        %parallel_loop3A_300 = arith.addi %parallel_loop3A_232, %parallel_loop3A_299 : i32
        %parallel_loop3A_301 = arith.index_cast %parallel_loop3A_300 : i32 to index
        %parallel_loop3A_302 = tpu.vector_load %arg7[%parallel_loop3A_301] {strides = array<i32>} : memref<24576xf32, #tpu.memory_space<vmem>>, vector<16xf32>,
        %parallel_loop3A_303 = arith.mulf %parallel_loop3A_302, %parallel_loop3A_229 : vector<16xf32>
        %parallel_loop3A_304 = arith.constant 112 : i32
        %parallel_loop3A_305 = arith.addi %parallel_loop3A_235, %parallel_loop3A_304 : i32
        %parallel_loop3A_306 = arith.index_cast %parallel_loop3A_305 : i32 to index
        %parallel_loop3A_307 = tpu.vector_load %arg11[%parallel_loop3A_306] {strides = array<i32>} : memref<38912xf32, #tpu.memory_space<vmem>>, vector<16xf32>,
        tpu.vector_store %arg11[%parallel_loop3A_306], %parallel_loop3A_303 {strides = array<i32>} : memref<38912xf32, #tpu.memory_space<vmem>>, vector<16xf32>,
        %parallel_loop3A_308 = arith.constant 128 : i32
        %parallel_loop3A_309 = arith.addi %parallel_loop3A_232, %parallel_loop3A_308 : i32
        %parallel_loop3A_310 = arith.index_cast %parallel_loop3A_309 : i32 to index
        %parallel_loop3A_311 = tpu.vector_load %arg7[%parallel_loop3A_310] {strides = array<i32>} : memref<24576xf32, #tpu.memory_space<vmem>>, vector<16xf32>,
        %parallel_loop3A_312 = arith.mulf %parallel_loop3A_311, %parallel_loop3A_229 : vector<16xf32>
        %parallel_loop3A_313 = arith.constant 128 : i32
        %parallel_loop3A_314 = arith.addi %parallel_loop3A_235, %parallel_loop3A_313 : i32
        %parallel_loop3A_315 = arith.index_cast %parallel_loop3A_314 : i32 to index
        %parallel_loop3A_316 = tpu.vector_load %arg11[%parallel_loop3A_315] {strides = array<i32>} : memref<38912xf32, #tpu.memory_space<vmem>>, vector<16xf32>,
        tpu.vector_store %arg11[%parallel_loop3A_315], %parallel_loop3A_312 {strides = array<i32>} : memref<38912xf32, #tpu.memory_space<vmem>>, vector<16xf32>,
        %parallel_loop3A_317 = arith.constant 144 : i32
        %parallel_loop3A_318 = arith.addi %parallel_loop3A_232, %parallel_loop3A_317 : i32
        %parallel_loop3A_319 = arith.index_cast %parallel_loop3A_318 : i32 to index
        %parallel_loop3A_320 = tpu.vector_load %arg7[%parallel_loop3A_319] {strides = array<i32>} : memref<24576xf32, #tpu.memory_space<vmem>>, vector<16xf32>,
        %parallel_loop3A_321 = arith.mulf %parallel_loop3A_320, %parallel_loop3A_229 : vector<16xf32>
        %parallel_loop3A_322 = arith.constant 144 : i32
        %parallel_loop3A_323 = arith.addi %parallel_loop3A_235, %parallel_loop3A_322 : i32
        %parallel_loop3A_324 = arith.index_cast %parallel_loop3A_323 : i32 to index
        %parallel_loop3A_325 = tpu.vector_load %arg11[%parallel_loop3A_324] {strides = array<i32>} : memref<38912xf32, #tpu.memory_space<vmem>>, vector<16xf32>,
        tpu.vector_store %arg11[%parallel_loop3A_324], %parallel_loop3A_321 {strides = array<i32>} : memref<38912xf32, #tpu.memory_space<vmem>>, vector<16xf32>,
        %parallel_loop3A_326 = arith.constant 160 : i32
        %parallel_loop3A_327 = arith.addi %parallel_loop3A_232, %parallel_loop3A_326 : i32
        %parallel_loop3A_328 = arith.index_cast %parallel_loop3A_327 : i32 to index
        %parallel_loop3A_329 = tpu.vector_load %arg7[%parallel_loop3A_328] {strides = array<i32>} : memref<24576xf32, #tpu.memory_space<vmem>>, vector<16xf32>,
        %parallel_loop3A_330 = arith.mulf %parallel_loop3A_329, %parallel_loop3A_229 : vector<16xf32>
        %parallel_loop3A_331 = arith.constant 160 : i32
        %parallel_loop3A_332 = arith.addi %parallel_loop3A_235, %parallel_loop3A_331 : i32
        %parallel_loop3A_333 = arith.index_cast %parallel_loop3A_332 : i32 to index
        %parallel_loop3A_334 = tpu.vector_load %arg11[%parallel_loop3A_333] {strides = array<i32>} : memref<38912xf32, #tpu.memory_space<vmem>>, vector<16xf32>,
        tpu.vector_store %arg11[%parallel_loop3A_333], %parallel_loop3A_330 {strides = array<i32>} : memref<38912xf32, #tpu.memory_space<vmem>>, vector<16xf32>,
        %parallel_loop3A_335 = arith.constant 176 : i32
        %parallel_loop3A_336 = arith.addi %parallel_loop3A_232, %parallel_loop3A_335 : i32
        %parallel_loop3A_337 = arith.index_cast %parallel_loop3A_336 : i32 to index
        %parallel_loop3A_338 = tpu.vector_load %arg7[%parallel_loop3A_337] {strides = array<i32>} : memref<24576xf32, #tpu.memory_space<vmem>>, vector<16xf32>,
        %parallel_loop3A_339 = arith.mulf %parallel_loop3A_338, %parallel_loop3A_229 : vector<16xf32>
        %parallel_loop3A_340 = arith.constant 176 : i32
        %parallel_loop3A_341 = arith.addi %parallel_loop3A_235, %parallel_loop3A_340 : i32
        %parallel_loop3A_342 = arith.index_cast %parallel_loop3A_341 : i32 to index
        %parallel_loop3A_343 = tpu.vector_load %arg11[%parallel_loop3A_342] {strides = array<i32>} : memref<38912xf32, #tpu.memory_space<vmem>>, vector<16xf32>,
        tpu.vector_store %arg11[%parallel_loop3A_342], %parallel_loop3A_339 {strides = array<i32>} : memref<38912xf32, #tpu.memory_space<vmem>>, vector<16xf32>,
        %parallel_loop3A_344 = arith.constant 192 : i32
        %parallel_loop3A_345 = arith.addi %parallel_loop3A_232, %parallel_loop3A_344 : i32
        %parallel_loop3A_346 = arith.index_cast %parallel_loop3A_345 : i32 to index
        %parallel_loop3A_347 = tpu.vector_load %arg7[%parallel_loop3A_346] {strides = array<i32>} : memref<24576xf32, #tpu.memory_space<vmem>>, vector<16xf32>,
        %parallel_loop3A_348 = arith.mulf %parallel_loop3A_347, %parallel_loop3A_229 : vector<16xf32>
        %parallel_loop3A_349 = arith.constant 192 : i32
        %parallel_loop3A_350 = arith.addi %parallel_loop3A_235, %parallel_loop3A_349 : i32
        %parallel_loop3A_351 = arith.index_cast %parallel_loop3A_350 : i32 to index
        %parallel_loop3A_352 = tpu.vector_load %arg11[%parallel_loop3A_351] {strides = array<i32>} : memref<38912xf32, #tpu.memory_space<vmem>>, vector<16xf32>,
        tpu.vector_store %arg11[%parallel_loop3A_351], %parallel_loop3A_348 {strides = array<i32>} : memref<38912xf32, #tpu.memory_space<vmem>>, vector<16xf32>,
        %parallel_loop3A_353 = arith.constant 208 : i32
        %parallel_loop3A_354 = arith.addi %parallel_loop3A_232, %parallel_loop3A_353 : i32
        %parallel_loop3A_355 = arith.index_cast %parallel_loop3A_354 : i32 to index
        %parallel_loop3A_356 = tpu.vector_load %arg7[%parallel_loop3A_355] {strides = array<i32>} : memref<24576xf32, #tpu.memory_space<vmem>>, vector<16xf32>,
        %parallel_loop3A_357 = arith.mulf %parallel_loop3A_356, %parallel_loop3A_229 : vector<16xf32>
        %parallel_loop3A_358 = arith.constant 208 : i32
        %parallel_loop3A_359 = arith.addi %parallel_loop3A_235, %parallel_loop3A_358 : i32
        %parallel_loop3A_360 = arith.index_cast %parallel_loop3A_359 : i32 to index
        %parallel_loop3A_361 = tpu.vector_load %arg11[%parallel_loop3A_360] {strides = array<i32>} : memref<38912xf32, #tpu.memory_space<vmem>>, vector<16xf32>,
        tpu.vector_store %arg11[%parallel_loop3A_360], %parallel_loop3A_357 {strides = array<i32>} : memref<38912xf32, #tpu.memory_space<vmem>>, vector<16xf32>,
        %parallel_loop3A_362 = arith.constant 224 : i32
        %parallel_loop3A_363 = arith.addi %parallel_loop3A_232, %parallel_loop3A_362 : i32
        %parallel_loop3A_364 = arith.index_cast %parallel_loop3A_363 : i32 to index
        %parallel_loop3A_365 = tpu.vector_load %arg7[%parallel_loop3A_364] {strides = array<i32>} : memref<24576xf32, #tpu.memory_space<vmem>>, vector<16xf32>,
        %parallel_loop3A_366 = arith.mulf %parallel_loop3A_365, %parallel_loop3A_229 : vector<16xf32>
        %parallel_loop3A_367 = arith.constant 224 : i32
        %parallel_loop3A_368 = arith.addi %parallel_loop3A_235, %parallel_loop3A_367 : i32
        %parallel_loop3A_369 = arith.index_cast %parallel_loop3A_368 : i32 to index
        %parallel_loop3A_370 = tpu.vector_load %arg11[%parallel_loop3A_369] {strides = array<i32>} : memref<38912xf32, #tpu.memory_space<vmem>>, vector<16xf32>,
        tpu.vector_store %arg11[%parallel_loop3A_369], %parallel_loop3A_366 {strides = array<i32>} : memref<38912xf32, #tpu.memory_space<vmem>>, vector<16xf32>,
        %parallel_loop3A_371 = arith.constant 240 : i32
        %parallel_loop3A_372 = arith.addi %parallel_loop3A_232, %parallel_loop3A_371 : i32
        %parallel_loop3A_373 = arith.index_cast %parallel_loop3A_372 : i32 to index
        %parallel_loop3A_374 = tpu.vector_load %arg7[%parallel_loop3A_373] {strides = array<i32>} : memref<24576xf32, #tpu.memory_space<vmem>>, vector<16xf32>,
        %parallel_loop3A_375 = arith.mulf %parallel_loop3A_374, %parallel_loop3A_229 : vector<16xf32>
        %parallel_loop3A_376 = arith.constant 240 : i32
        %parallel_loop3A_377 = arith.addi %parallel_loop3A_235, %parallel_loop3A_376 : i32
        %parallel_loop3A_378 = arith.index_cast %parallel_loop3A_377 : i32 to index
        %parallel_loop3A_379 = tpu.vector_load %arg11[%parallel_loop3A_378] {strides = array<i32>} : memref<38912xf32, #tpu.memory_space<vmem>>, vector<16xf32>,
        tpu.vector_store %arg11[%parallel_loop3A_378], %parallel_loop3A_375 {strides = array<i32>} : memref<38912xf32, #tpu.memory_space<vmem>>, vector<16xf32>,
        %parallel_loop3A_380 = arith.constant 256 : i32
        %parallel_loop3A_381 = arith.addi %parallel_loop3A_232, %parallel_loop3A_380 : i32
        %parallel_loop3A_382 = arith.index_cast %parallel_loop3A_381 : i32 to index
        %parallel_loop3A_383 = tpu.vector_load %arg7[%parallel_loop3A_382] {strides = array<i32>} : memref<24576xf32, #tpu.memory_space<vmem>>, vector<16xf32>,
        %parallel_loop3A_384 = arith.mulf %parallel_loop3A_383, %parallel_loop3A_229 : vector<16xf32>
        %parallel_loop3A_385 = arith.constant 256 : i32
        %parallel_loop3A_386 = arith.addi %parallel_loop3A_235, %parallel_loop3A_385 : i32
        %parallel_loop3A_387 = arith.index_cast %parallel_loop3A_386 : i32 to index
        %parallel_loop3A_388 = tpu.vector_load %arg11[%parallel_loop3A_387] {strides = array<i32>} : memref<38912xf32, #tpu.memory_space<vmem>>, vector<16xf32>,
        tpu.vector_store %arg11[%parallel_loop3A_387], %parallel_loop3A_384 {strides = array<i32>} : memref<38912xf32, #tpu.memory_space<vmem>>, vector<16xf32>,
        %parallel_loop3A_389 = arith.constant 272 : i32
        %parallel_loop3A_390 = arith.addi %parallel_loop3A_232, %parallel_loop3A_389 : i32
        %parallel_loop3A_391 = arith.index_cast %parallel_loop3A_390 : i32 to index
        %parallel_loop3A_392 = tpu.vector_load %arg7[%parallel_loop3A_391] {strides = array<i32>} : memref<24576xf32, #tpu.memory_space<vmem>>, vector<16xf32>,
        %parallel_loop3A_393 = arith.mulf %parallel_loop3A_392, %parallel_loop3A_229 : vector<16xf32>
        %parallel_loop3A_394 = arith.constant 272 : i32
        %parallel_loop3A_395 = arith.addi %parallel_loop3A_235, %parallel_loop3A_394 : i32
        %parallel_loop3A_396 = arith.index_cast %parallel_loop3A_395 : i32 to index
        %parallel_loop3A_397 = tpu.vector_load %arg11[%parallel_loop3A_396] {strides = array<i32>} : memref<38912xf32, #tpu.memory_space<vmem>>, vector<16xf32>,
        tpu.vector_store %arg11[%parallel_loop3A_396], %parallel_loop3A_393 {strides = array<i32>} : memref<38912xf32, #tpu.memory_space<vmem>>, vector<16xf32>,
        %parallel_loop3A_398 = arith.constant 288 : i32
        %parallel_loop3A_399 = arith.addi %parallel_loop3A_232, %parallel_loop3A_398 : i32
        %parallel_loop3A_400 = arith.index_cast %parallel_loop3A_399 : i32 to index
        %parallel_loop3A_401 = tpu.vector_load %arg7[%parallel_loop3A_400] {strides = array<i32>} : memref<24576xf32, #tpu.memory_space<vmem>>, vector<16xf32>,
        %parallel_loop3A_402 = arith.mulf %parallel_loop3A_401, %parallel_loop3A_229 : vector<16xf32>
        %parallel_loop3A_403 = arith.constant 288 : i32
        %parallel_loop3A_404 = arith.addi %parallel_loop3A_235, %parallel_loop3A_403 : i32
        %parallel_loop3A_405 = arith.index_cast %parallel_loop3A_404 : i32 to index
        %parallel_loop3A_406 = tpu.vector_load %arg11[%parallel_loop3A_405] {strides = array<i32>} : memref<38912xf32, #tpu.memory_space<vmem>>, vector<16xf32>,
        tpu.vector_store %arg11[%parallel_loop3A_405], %parallel_loop3A_402 {strides = array<i32>} : memref<38912xf32, #tpu.memory_space<vmem>>, vector<16xf32>,
        %parallel_loop3A_407 = arith.constant 304 : i32
        %parallel_loop3A_408 = arith.addi %parallel_loop3A_232, %parallel_loop3A_407 : i32
        %parallel_loop3A_409 = arith.index_cast %parallel_loop3A_408 : i32 to index
        %parallel_loop3A_410 = tpu.vector_load %arg7[%parallel_loop3A_409] {strides = array<i32>} : memref<24576xf32, #tpu.memory_space<vmem>>, vector<16xf32>,
        %parallel_loop3A_411 = arith.mulf %parallel_loop3A_410, %parallel_loop3A_229 : vector<16xf32>
        %parallel_loop3A_412 = arith.constant 304 : i32
        %parallel_loop3A_413 = arith.addi %parallel_loop3A_235, %parallel_loop3A_412 : i32
        %parallel_loop3A_414 = arith.index_cast %parallel_loop3A_413 : i32 to index
        %parallel_loop3A_415 = tpu.vector_load %arg11[%parallel_loop3A_414] {strides = array<i32>} : memref<38912xf32, #tpu.memory_space<vmem>>, vector<16xf32>,
        tpu.vector_store %arg11[%parallel_loop3A_414], %parallel_loop3A_411 {strides = array<i32>} : memref<38912xf32, #tpu.memory_space<vmem>>, vector<16xf32>,
        %parallel_loop3A_416 = arith.constant 320 : i32
        %parallel_loop3A_417 = arith.addi %parallel_loop3A_232, %parallel_loop3A_416 : i32
        %parallel_loop3A_418 = arith.index_cast %parallel_loop3A_417 : i32 to index
        %parallel_loop3A_419 = tpu.vector_load %arg7[%parallel_loop3A_418] {strides = array<i32>} : memref<24576xf32, #tpu.memory_space<vmem>>, vector<16xf32>,
        %parallel_loop3A_420 = arith.mulf %parallel_loop3A_419, %parallel_loop3A_229 : vector<16xf32>
        %parallel_loop3A_421 = arith.constant 320 : i32
        %parallel_loop3A_422 = arith.addi %parallel_loop3A_235, %parallel_loop3A_421 : i32
        %parallel_loop3A_423 = arith.index_cast %parallel_loop3A_422 : i32 to index
        %parallel_loop3A_424 = tpu.vector_load %arg11[%parallel_loop3A_423] {strides = array<i32>} : memref<38912xf32, #tpu.memory_space<vmem>>, vector<16xf32>,
        tpu.vector_store %arg11[%parallel_loop3A_423], %parallel_loop3A_420 {strides = array<i32>} : memref<38912xf32, #tpu.memory_space<vmem>>, vector<16xf32>,
        %parallel_loop3A_425 = arith.constant 336 : i32
        %parallel_loop3A_426 = arith.addi %parallel_loop3A_232, %parallel_loop3A_425 : i32
        %parallel_loop3A_427 = arith.index_cast %parallel_loop3A_426 : i32 to index
        %parallel_loop3A_428 = tpu.vector_load %arg7[%parallel_loop3A_427] {strides = array<i32>} : memref<24576xf32, #tpu.memory_space<vmem>>, vector<16xf32>,
        %parallel_loop3A_429 = arith.mulf %parallel_loop3A_428, %parallel_loop3A_229 : vector<16xf32>
        %parallel_loop3A_430 = arith.constant 336 : i32
        %parallel_loop3A_431 = arith.addi %parallel_loop3A_235, %parallel_loop3A_430 : i32
        %parallel_loop3A_432 = arith.index_cast %parallel_loop3A_431 : i32 to index
        %parallel_loop3A_433 = tpu.vector_load %arg11[%parallel_loop3A_432] {strides = array<i32>} : memref<38912xf32, #tpu.memory_space<vmem>>, vector<16xf32>,
        tpu.vector_store %arg11[%parallel_loop3A_432], %parallel_loop3A_429 {strides = array<i32>} : memref<38912xf32, #tpu.memory_space<vmem>>, vector<16xf32>,
        %parallel_loop3A_434 = arith.constant 352 : i32
        %parallel_loop3A_435 = arith.addi %parallel_loop3A_232, %parallel_loop3A_434 : i32
        %parallel_loop3A_436 = arith.index_cast %parallel_loop3A_435 : i32 to index
        %parallel_loop3A_437 = tpu.vector_load %arg7[%parallel_loop3A_436] {strides = array<i32>} : memref<24576xf32, #tpu.memory_space<vmem>>, vector<16xf32>,
        %parallel_loop3A_438 = arith.mulf %parallel_loop3A_437, %parallel_loop3A_229 : vector<16xf32>
        %parallel_loop3A_439 = arith.constant 352 : i32
        %parallel_loop3A_440 = arith.addi %parallel_loop3A_235, %parallel_loop3A_439 : i32
        %parallel_loop3A_441 = arith.index_cast %parallel_loop3A_440 : i32 to index
        %parallel_loop3A_442 = tpu.vector_load %arg11[%parallel_loop3A_441] {strides = array<i32>} : memref<38912xf32, #tpu.memory_space<vmem>>, vector<16xf32>,
        tpu.vector_store %arg11[%parallel_loop3A_441], %parallel_loop3A_438 {strides = array<i32>} : memref<38912xf32, #tpu.memory_space<vmem>>, vector<16xf32>,
        %parallel_loop3A_443 = arith.constant 368 : i32
        %parallel_loop3A_444 = arith.addi %parallel_loop3A_232, %parallel_loop3A_443 : i32
        %parallel_loop3A_445 = arith.index_cast %parallel_loop3A_444 : i32 to index
        %parallel_loop3A_446 = tpu.vector_load %arg7[%parallel_loop3A_445] {strides = array<i32>} : memref<24576xf32, #tpu.memory_space<vmem>>, vector<16xf32>,
        %parallel_loop3A_447 = arith.mulf %parallel_loop3A_446, %parallel_loop3A_229 : vector<16xf32>
        %parallel_loop3A_448 = arith.constant 368 : i32
        %parallel_loop3A_449 = arith.addi %parallel_loop3A_235, %parallel_loop3A_448 : i32
        %parallel_loop3A_450 = arith.index_cast %parallel_loop3A_449 : i32 to index
        %parallel_loop3A_451 = tpu.vector_load %arg11[%parallel_loop3A_450] {strides = array<i32>} : memref<38912xf32, #tpu.memory_space<vmem>>, vector<16xf32>,
        tpu.vector_store %arg11[%parallel_loop3A_450], %parallel_loop3A_447 {strides = array<i32>} : memref<38912xf32, #tpu.memory_space<vmem>>, vector<16xf32>,
        %parallel_loop3A_452 = arith.constant 384 : i32
        %parallel_loop3A_453 = arith.addi %parallel_loop3A_232, %parallel_loop3A_452 : i32
        %parallel_loop3A_454 = arith.index_cast %parallel_loop3A_453 : i32 to index
        %parallel_loop3A_455 = tpu.vector_load %arg7[%parallel_loop3A_454] {strides = array<i32>} : memref<24576xf32, #tpu.memory_space<vmem>>, vector<16xf32>,
        %parallel_loop3A_456 = arith.mulf %parallel_loop3A_455, %parallel_loop3A_229 : vector<16xf32>
        %parallel_loop3A_457 = arith.constant 384 : i32
        %parallel_loop3A_458 = arith.addi %parallel_loop3A_235, %parallel_loop3A_457 : i32
        %parallel_loop3A_459 = arith.index_cast %parallel_loop3A_458 : i32 to index
        %parallel_loop3A_460 = tpu.vector_load %arg11[%parallel_loop3A_459] {strides = array<i32>} : memref<38912xf32, #tpu.memory_space<vmem>>, vector<16xf32>,
        tpu.vector_store %arg11[%parallel_loop3A_459], %parallel_loop3A_456 {strides = array<i32>} : memref<38912xf32, #tpu.memory_space<vmem>>, vector<16xf32>,
        %parallel_loop3A_461 = arith.constant 400 : i32
        %parallel_loop3A_462 = arith.addi %parallel_loop3A_232, %parallel_loop3A_461 : i32
        %parallel_loop3A_463 = arith.index_cast %parallel_loop3A_462 : i32 to index
        %parallel_loop3A_464 = tpu.vector_load %arg7[%parallel_loop3A_463] {strides = array<i32>} : memref<24576xf32, #tpu.memory_space<vmem>>, vector<16xf32>,
        %parallel_loop3A_465 = arith.mulf %parallel_loop3A_464, %parallel_loop3A_229 : vector<16xf32>
        %parallel_loop3A_466 = arith.constant 400 : i32
        %parallel_loop3A_467 = arith.addi %parallel_loop3A_235, %parallel_loop3A_466 : i32
        %parallel_loop3A_468 = arith.index_cast %parallel_loop3A_467 : i32 to index
        %parallel_loop3A_469 = tpu.vector_load %arg11[%parallel_loop3A_468] {strides = array<i32>} : memref<38912xf32, #tpu.memory_space<vmem>>, vector<16xf32>,
        tpu.vector_store %arg11[%parallel_loop3A_468], %parallel_loop3A_465 {strides = array<i32>} : memref<38912xf32, #tpu.memory_space<vmem>>, vector<16xf32>,
        %parallel_loop3A_470 = arith.constant 416 : i32
        %parallel_loop3A_471 = arith.addi %parallel_loop3A_232, %parallel_loop3A_470 : i32
        %parallel_loop3A_472 = arith.index_cast %parallel_loop3A_471 : i32 to index
        %parallel_loop3A_473 = tpu.vector_load %arg7[%parallel_loop3A_472] {strides = array<i32>} : memref<24576xf32, #tpu.memory_space<vmem>>, vector<16xf32>,
        %parallel_loop3A_474 = arith.mulf %parallel_loop3A_473, %parallel_loop3A_229 : vector<16xf32>
        %parallel_loop3A_475 = arith.constant 416 : i32
        %parallel_loop3A_476 = arith.addi %parallel_loop3A_235, %parallel_loop3A_475 : i32
        %parallel_loop3A_477 = arith.index_cast %parallel_loop3A_476 : i32 to index
        %parallel_loop3A_478 = tpu.vector_load %arg11[%parallel_loop3A_477] {strides = array<i32>} : memref<38912xf32, #tpu.memory_space<vmem>>, vector<16xf32>,
        tpu.vector_store %arg11[%parallel_loop3A_477], %parallel_loop3A_474 {strides = array<i32>} : memref<38912xf32, #tpu.memory_space<vmem>>, vector<16xf32>,
        %parallel_loop3A_479 = arith.constant 432 : i32
        %parallel_loop3A_480 = arith.addi %parallel_loop3A_232, %parallel_loop3A_479 : i32
        %parallel_loop3A_481 = arith.index_cast %parallel_loop3A_480 : i32 to index
        %parallel_loop3A_482 = tpu.vector_load %arg7[%parallel_loop3A_481] {strides = array<i32>} : memref<24576xf32, #tpu.memory_space<vmem>>, vector<16xf32>,
        %parallel_loop3A_483 = arith.mulf %parallel_loop3A_482, %parallel_loop3A_229 : vector<16xf32>
        %parallel_loop3A_484 = arith.constant 432 : i32
        %parallel_loop3A_485 = arith.addi %parallel_loop3A_235, %parallel_loop3A_484 : i32
        %parallel_loop3A_486 = arith.index_cast %parallel_loop3A_485 : i32 to index
        %parallel_loop3A_487 = tpu.vector_load %arg11[%parallel_loop3A_486] {strides = array<i32>} : memref<38912xf32, #tpu.memory_space<vmem>>, vector<16xf32>,
        tpu.vector_store %arg11[%parallel_loop3A_486], %parallel_loop3A_483 {strides = array<i32>} : memref<38912xf32, #tpu.memory_space<vmem>>, vector<16xf32>,
        %parallel_loop3A_488 = arith.constant 448 : i32
        %parallel_loop3A_489 = arith.addi %parallel_loop3A_232, %parallel_loop3A_488 : i32
        %parallel_loop3A_490 = arith.index_cast %parallel_loop3A_489 : i32 to index
        %parallel_loop3A_491 = tpu.vector_load %arg7[%parallel_loop3A_490] {strides = array<i32>} : memref<24576xf32, #tpu.memory_space<vmem>>, vector<16xf32>,
        %parallel_loop3A_492 = arith.mulf %parallel_loop3A_491, %parallel_loop3A_229 : vector<16xf32>
        %parallel_loop3A_493 = arith.constant 448 : i32
        %parallel_loop3A_494 = arith.addi %parallel_loop3A_235, %parallel_loop3A_493 : i32
        %parallel_loop3A_495 = arith.index_cast %parallel_loop3A_494 : i32 to index
        %parallel_loop3A_496 = tpu.vector_load %arg11[%parallel_loop3A_495] {strides = array<i32>} : memref<38912xf32, #tpu.memory_space<vmem>>, vector<16xf32>,
        tpu.vector_store %arg11[%parallel_loop3A_495], %parallel_loop3A_492 {strides = array<i32>} : memref<38912xf32, #tpu.memory_space<vmem>>, vector<16xf32>,
        %parallel_loop3A_497 = arith.constant 464 : i32
        %parallel_loop3A_498 = arith.addi %parallel_loop3A_232, %parallel_loop3A_497 : i32
        %parallel_loop3A_499 = arith.index_cast %parallel_loop3A_498 : i32 to index
        %parallel_loop3A_500 = tpu.vector_load %arg7[%parallel_loop3A_499] {strides = array<i32>} : memref<24576xf32, #tpu.memory_space<vmem>>, vector<16xf32>,
        %parallel_loop3A_501 = arith.mulf %parallel_loop3A_500, %parallel_loop3A_229 : vector<16xf32>
        %parallel_loop3A_502 = arith.constant 464 : i32
        %parallel_loop3A_503 = arith.addi %parallel_loop3A_235, %parallel_loop3A_502 : i32
        %parallel_loop3A_504 = arith.index_cast %parallel_loop3A_503 : i32 to index
        %parallel_loop3A_505 = tpu.vector_load %arg11[%parallel_loop3A_504] {strides = array<i32>} : memref<38912xf32, #tpu.memory_space<vmem>>, vector<16xf32>,
        tpu.vector_store %arg11[%parallel_loop3A_504], %parallel_loop3A_501 {strides = array<i32>} : memref<38912xf32, #tpu.memory_space<vmem>>, vector<16xf32>,
        %parallel_loop3A_506 = arith.constant 480 : i32
        %parallel_loop3A_507 = arith.addi %parallel_loop3A_232, %parallel_loop3A_506 : i32
        %parallel_loop3A_508 = arith.index_cast %parallel_loop3A_507 : i32 to index
        %parallel_loop3A_509 = tpu.vector_load %arg7[%parallel_loop3A_508] {strides = array<i32>} : memref<24576xf32, #tpu.memory_space<vmem>>, vector<16xf32>,
        %parallel_loop3A_510 = arith.mulf %parallel_loop3A_509, %parallel_loop3A_229 : vector<16xf32>
        %parallel_loop3A_511 = arith.constant 480 : i32
        %parallel_loop3A_512 = arith.addi %parallel_loop3A_235, %parallel_loop3A_511 : i32
        %parallel_loop3A_513 = arith.index_cast %parallel_loop3A_512 : i32 to index
        %parallel_loop3A_514 = tpu.vector_load %arg11[%parallel_loop3A_513] {strides = array<i32>} : memref<38912xf32, #tpu.memory_space<vmem>>, vector<16xf32>,
        tpu.vector_store %arg11[%parallel_loop3A_513], %parallel_loop3A_510 {strides = array<i32>} : memref<38912xf32, #tpu.memory_space<vmem>>, vector<16xf32>,
        %parallel_loop3A_515 = arith.constant 496 : i32
        %parallel_loop3A_516 = arith.addi %parallel_loop3A_232, %parallel_loop3A_515 : i32
        %parallel_loop3A_517 = arith.index_cast %parallel_loop3A_516 : i32 to index
        %parallel_loop3A_518 = tpu.vector_load %arg7[%parallel_loop3A_517] {strides = array<i32>} : memref<24576xf32, #tpu.memory_space<vmem>>, vector<16xf32>,
        %parallel_loop3A_519 = arith.mulf %parallel_loop3A_518, %parallel_loop3A_229 : vector<16xf32>
        %parallel_loop3A_520 = arith.constant 496 : i32
        %parallel_loop3A_521 = arith.addi %parallel_loop3A_235, %parallel_loop3A_520 : i32
        %parallel_loop3A_522 = arith.index_cast %parallel_loop3A_521 : i32 to index
        %parallel_loop3A_523 = tpu.vector_load %arg11[%parallel_loop3A_522] {strides = array<i32>} : memref<38912xf32, #tpu.memory_space<vmem>>, vector<16xf32>,
        tpu.vector_store %arg11[%parallel_loop3A_522], %parallel_loop3A_519 {strides = array<i32>} : memref<38912xf32, #tpu.memory_space<vmem>>, vector<16xf32>,
        %parallel_loop3A_524 = arith.constant 512 : i32
        %parallel_loop3A_525 = arith.addi %parallel_loop3A_232, %parallel_loop3A_524 : i32
        %parallel_loop3A_526 = arith.index_cast %parallel_loop3A_525 : i32 to index
        %parallel_loop3A_527 = tpu.vector_load %arg7[%parallel_loop3A_526] {strides = array<i32>} : memref<24576xf32, #tpu.memory_space<vmem>>, vector<16xf32>,
        %parallel_loop3A_528 = arith.mulf %parallel_loop3A_527, %parallel_loop3A_229 : vector<16xf32>
        %parallel_loop3A_529 = arith.constant 512 : i32
        %parallel_loop3A_530 = arith.addi %parallel_loop3A_235, %parallel_loop3A_529 : i32
        %parallel_loop3A_531 = arith.index_cast %parallel_loop3A_530 : i32 to index
        %parallel_loop3A_532 = tpu.vector_load %arg11[%parallel_loop3A_531] {strides = array<i32>} : memref<38912xf32, #tpu.memory_space<vmem>>, vector<16xf32>,
        tpu.vector_store %arg11[%parallel_loop3A_531], %parallel_loop3A_528 {strides = array<i32>} : memref<38912xf32, #tpu.memory_space<vmem>>, vector<16xf32>,
        %parallel_loop3A_533 = arith.constant 528 : i32
        %parallel_loop3A_534 = arith.addi %parallel_loop3A_232, %parallel_loop3A_533 : i32
        %parallel_loop3A_535 = arith.index_cast %parallel_loop3A_534 : i32 to index
        %parallel_loop3A_536 = tpu.vector_load %arg7[%parallel_loop3A_535] {strides = array<i32>} : memref<24576xf32, #tpu.memory_space<vmem>>, vector<16xf32>,
        %parallel_loop3A_537 = arith.mulf %parallel_loop3A_536, %parallel_loop3A_229 : vector<16xf32>
        %parallel_loop3A_538 = arith.constant 528 : i32
        %parallel_loop3A_539 = arith.addi %parallel_loop3A_235, %parallel_loop3A_538 : i32
        %parallel_loop3A_540 = arith.index_cast %parallel_loop3A_539 : i32 to index
        %parallel_loop3A_541 = tpu.vector_load %arg11[%parallel_loop3A_540] {strides = array<i32>} : memref<38912xf32, #tpu.memory_space<vmem>>, vector<16xf32>,
        tpu.vector_store %arg11[%parallel_loop3A_540], %parallel_loop3A_537 {strides = array<i32>} : memref<38912xf32, #tpu.memory_space<vmem>>, vector<16xf32>,
        %parallel_loop3A_542 = arith.constant 544 : i32
        %parallel_loop3A_543 = arith.addi %parallel_loop3A_232, %parallel_loop3A_542 : i32
        %parallel_loop3A_544 = arith.index_cast %parallel_loop3A_543 : i32 to index
        %parallel_loop3A_545 = tpu.vector_load %arg7[%parallel_loop3A_544] {strides = array<i32>} : memref<24576xf32, #tpu.memory_space<vmem>>, vector<16xf32>,
        %parallel_loop3A_546 = arith.mulf %parallel_loop3A_545, %parallel_loop3A_229 : vector<16xf32>
        %parallel_loop3A_547 = arith.constant 544 : i32
        %parallel_loop3A_548 = arith.addi %parallel_loop3A_235, %parallel_loop3A_547 : i32
        %parallel_loop3A_549 = arith.index_cast %parallel_loop3A_548 : i32 to index
        %parallel_loop3A_550 = tpu.vector_load %arg11[%parallel_loop3A_549] {strides = array<i32>} : memref<38912xf32, #tpu.memory_space<vmem>>, vector<16xf32>,
        tpu.vector_store %arg11[%parallel_loop3A_549], %parallel_loop3A_546 {strides = array<i32>} : memref<38912xf32, #tpu.memory_space<vmem>>, vector<16xf32>,
        %parallel_loop3A_551 = arith.constant 560 : i32
        %parallel_loop3A_552 = arith.addi %parallel_loop3A_232, %parallel_loop3A_551 : i32
        %parallel_loop3A_553 = arith.index_cast %parallel_loop3A_552 : i32 to index
        %parallel_loop3A_554 = tpu.vector_load %arg7[%parallel_loop3A_553] {strides = array<i32>} : memref<24576xf32, #tpu.memory_space<vmem>>, vector<16xf32>,
        %parallel_loop3A_555 = arith.mulf %parallel_loop3A_554, %parallel_loop3A_229 : vector<16xf32>
        %parallel_loop3A_556 = arith.constant 560 : i32
        %parallel_loop3A_557 = arith.addi %parallel_loop3A_235, %parallel_loop3A_556 : i32
        %parallel_loop3A_558 = arith.index_cast %parallel_loop3A_557 : i32 to index
        %parallel_loop3A_559 = tpu.vector_load %arg11[%parallel_loop3A_558] {strides = array<i32>} : memref<38912xf32, #tpu.memory_space<vmem>>, vector<16xf32>,
        tpu.vector_store %arg11[%parallel_loop3A_558], %parallel_loop3A_555 {strides = array<i32>} : memref<38912xf32, #tpu.memory_space<vmem>>, vector<16xf32>,
        %parallel_loop3A_560 = arith.constant 576 : i32
        %parallel_loop3A_561 = arith.addi %parallel_loop3A_232, %parallel_loop3A_560 : i32
        %parallel_loop3A_562 = arith.index_cast %parallel_loop3A_561 : i32 to index
        %parallel_loop3A_563 = tpu.vector_load %arg7[%parallel_loop3A_562] {strides = array<i32>} : memref<24576xf32, #tpu.memory_space<vmem>>, vector<16xf32>,
        %parallel_loop3A_564 = arith.mulf %parallel_loop3A_563, %parallel_loop3A_229 : vector<16xf32>
        %parallel_loop3A_565 = arith.constant 576 : i32
        %parallel_loop3A_566 = arith.addi %parallel_loop3A_235, %parallel_loop3A_565 : i32
        %parallel_loop3A_567 = arith.index_cast %parallel_loop3A_566 : i32 to index
        %parallel_loop3A_568 = tpu.vector_load %arg11[%parallel_loop3A_567] {strides = array<i32>} : memref<38912xf32, #tpu.memory_space<vmem>>, vector<16xf32>,
        tpu.vector_store %arg11[%parallel_loop3A_567], %parallel_loop3A_564 {strides = array<i32>} : memref<38912xf32, #tpu.memory_space<vmem>>, vector<16xf32>,
        %parallel_loop3A_569 = arith.constant 592 : i32
        %parallel_loop3A_570 = arith.addi %parallel_loop3A_232, %parallel_loop3A_569 : i32
        %parallel_loop3A_571 = arith.index_cast %parallel_loop3A_570 : i32 to index
        %parallel_loop3A_572 = tpu.vector_load %arg7[%parallel_loop3A_571] {strides = array<i32>} : memref<24576xf32, #tpu.memory_space<vmem>>, vector<16xf32>,
        %parallel_loop3A_573 = arith.mulf %parallel_loop3A_572, %parallel_loop3A_229 : vector<16xf32>
        %parallel_loop3A_574 = arith.constant 592 : i32
        %parallel_loop3A_575 = arith.addi %parallel_loop3A_235, %parallel_loop3A_574 : i32
        %parallel_loop3A_576 = arith.index_cast %parallel_loop3A_575 : i32 to index
        %parallel_loop3A_577 = tpu.vector_load %arg11[%parallel_loop3A_576] {strides = array<i32>} : memref<38912xf32, #tpu.memory_space<vmem>>, vector<16xf32>,
        tpu.vector_store %arg11[%parallel_loop3A_576], %parallel_loop3A_573 {strides = array<i32>} : memref<38912xf32, #tpu.memory_space<vmem>>, vector<16xf32>,
        %parallel_loop3A_578 = arith.constant 608 : i32
        %parallel_loop3A_579 = arith.addi %parallel_loop3A_232, %parallel_loop3A_578 : i32
        %parallel_loop3A_580 = arith.index_cast %parallel_loop3A_579 : i32 to index
        %parallel_loop3A_581 = tpu.vector_load %arg7[%parallel_loop3A_580] {strides = array<i32>} : memref<24576xf32, #tpu.memory_space<vmem>>, vector<16xf32>,
        %parallel_loop3A_582 = arith.mulf %parallel_loop3A_581, %parallel_loop3A_229 : vector<16xf32>
        %parallel_loop3A_583 = arith.constant 608 : i32
        %parallel_loop3A_584 = arith.addi %parallel_loop3A_235, %parallel_loop3A_583 : i32
        %parallel_loop3A_585 = arith.index_cast %parallel_loop3A_584 : i32 to index
        %parallel_loop3A_586 = tpu.vector_load %arg11[%parallel_loop3A_585] {strides = array<i32>} : memref<38912xf32, #tpu.memory_space<vmem>>, vector<16xf32>,
        tpu.vector_store %arg11[%parallel_loop3A_585], %parallel_loop3A_582 {strides = array<i32>} : memref<38912xf32, #tpu.memory_space<vmem>>, vector<16xf32>,
        %parallel_loop3A_587 = arith.constant 624 : i32
        %parallel_loop3A_588 = arith.addi %parallel_loop3A_232, %parallel_loop3A_587 : i32
        %parallel_loop3A_589 = arith.index_cast %parallel_loop3A_588 : i32 to index
        %parallel_loop3A_590 = tpu.vector_load %arg7[%parallel_loop3A_589] {strides = array<i32>} : memref<24576xf32, #tpu.memory_space<vmem>>, vector<16xf32>,
        %parallel_loop3A_591 = arith.mulf %parallel_loop3A_590, %parallel_loop3A_229 : vector<16xf32>
        %parallel_loop3A_592 = arith.constant 624 : i32
        %parallel_loop3A_593 = arith.addi %parallel_loop3A_235, %parallel_loop3A_592 : i32
        %parallel_loop3A_594 = arith.index_cast %parallel_loop3A_593 : i32 to index
        %parallel_loop3A_595 = tpu.vector_load %arg11[%parallel_loop3A_594] {strides = array<i32>} : memref<38912xf32, #tpu.memory_space<vmem>>, vector<16xf32>,
        tpu.vector_store %arg11[%parallel_loop3A_594], %parallel_loop3A_591 {strides = array<i32>} : memref<38912xf32, #tpu.memory_space<vmem>>, vector<16xf32>,
        %parallel_loop3A_596 = arith.constant 640 : i32
        %parallel_loop3A_597 = arith.addi %parallel_loop3A_232, %parallel_loop3A_596 : i32
        %parallel_loop3A_598 = arith.index_cast %parallel_loop3A_597 : i32 to index
        %parallel_loop3A_599 = tpu.vector_load %arg7[%parallel_loop3A_598] {strides = array<i32>} : memref<24576xf32, #tpu.memory_space<vmem>>, vector<16xf32>,
        %parallel_loop3A_600 = arith.mulf %parallel_loop3A_599, %parallel_loop3A_229 : vector<16xf32>
        %parallel_loop3A_601 = arith.constant 640 : i32
        %parallel_loop3A_602 = arith.addi %parallel_loop3A_235, %parallel_loop3A_601 : i32
        %parallel_loop3A_603 = arith.index_cast %parallel_loop3A_602 : i32 to index
        %parallel_loop3A_604 = tpu.vector_load %arg11[%parallel_loop3A_603] {strides = array<i32>} : memref<38912xf32, #tpu.memory_space<vmem>>, vector<16xf32>,
        tpu.vector_store %arg11[%parallel_loop3A_603], %parallel_loop3A_600 {strides = array<i32>} : memref<38912xf32, #tpu.memory_space<vmem>>, vector<16xf32>,
        %parallel_loop3A_605 = arith.constant 656 : i32
        %parallel_loop3A_606 = arith.addi %parallel_loop3A_232, %parallel_loop3A_605 : i32
        %parallel_loop3A_607 = arith.index_cast %parallel_loop3A_606 : i32 to index
        %parallel_loop3A_608 = tpu.vector_load %arg7[%parallel_loop3A_607] {strides = array<i32>} : memref<24576xf32, #tpu.memory_space<vmem>>, vector<16xf32>,
        %parallel_loop3A_609 = arith.mulf %parallel_loop3A_608, %parallel_loop3A_229 : vector<16xf32>
        %parallel_loop3A_610 = arith.constant 656 : i32
        %parallel_loop3A_611 = arith.addi %parallel_loop3A_235, %parallel_loop3A_610 : i32
        %parallel_loop3A_612 = arith.index_cast %parallel_loop3A_611 : i32 to index
        %parallel_loop3A_613 = tpu.vector_load %arg11[%parallel_loop3A_612] {strides = array<i32>} : memref<38912xf32, #tpu.memory_space<vmem>>, vector<16xf32>,
        tpu.vector_store %arg11[%parallel_loop3A_612], %parallel_loop3A_609 {strides = array<i32>} : memref<38912xf32, #tpu.memory_space<vmem>>, vector<16xf32>,
        %parallel_loop3A_614 = arith.constant 672 : i32
        %parallel_loop3A_615 = arith.addi %parallel_loop3A_232, %parallel_loop3A_614 : i32
        %parallel_loop3A_616 = arith.index_cast %parallel_loop3A_615 : i32 to index
        %parallel_loop3A_617 = tpu.vector_load %arg7[%parallel_loop3A_616] {strides = array<i32>} : memref<24576xf32, #tpu.memory_space<vmem>>, vector<16xf32>,
        %parallel_loop3A_618 = arith.mulf %parallel_loop3A_617, %parallel_loop3A_229 : vector<16xf32>
        %parallel_loop3A_619 = arith.constant 672 : i32
        %parallel_loop3A_620 = arith.addi %parallel_loop3A_235, %parallel_loop3A_619 : i32
        %parallel_loop3A_621 = arith.index_cast %parallel_loop3A_620 : i32 to index
        %parallel_loop3A_622 = tpu.vector_load %arg11[%parallel_loop3A_621] {strides = array<i32>} : memref<38912xf32, #tpu.memory_space<vmem>>, vector<16xf32>,
        tpu.vector_store %arg11[%parallel_loop3A_621], %parallel_loop3A_618 {strides = array<i32>} : memref<38912xf32, #tpu.memory_space<vmem>>, vector<16xf32>,
        %parallel_loop3A_623 = arith.constant 688 : i32
        %parallel_loop3A_624 = arith.addi %parallel_loop3A_232, %parallel_loop3A_623 : i32
        %parallel_loop3A_625 = arith.index_cast %parallel_loop3A_624 : i32 to index
        %parallel_loop3A_626 = tpu.vector_load %arg7[%parallel_loop3A_625] {strides = array<i32>} : memref<24576xf32, #tpu.memory_space<vmem>>, vector<16xf32>,
        %parallel_loop3A_627 = arith.mulf %parallel_loop3A_626, %parallel_loop3A_229 : vector<16xf32>
        %parallel_loop3A_628 = arith.constant 688 : i32
        %parallel_loop3A_629 = arith.addi %parallel_loop3A_235, %parallel_loop3A_628 : i32
        %parallel_loop3A_630 = arith.index_cast %parallel_loop3A_629 : i32 to index
        %parallel_loop3A_631 = tpu.vector_load %arg11[%parallel_loop3A_630] {strides = array<i32>} : memref<38912xf32, #tpu.memory_space<vmem>>, vector<16xf32>,
        tpu.vector_store %arg11[%parallel_loop3A_630], %parallel_loop3A_627 {strides = array<i32>} : memref<38912xf32, #tpu.memory_space<vmem>>, vector<16xf32>,
        %parallel_loop3A_632 = arith.constant 704 : i32
        %parallel_loop3A_633 = arith.addi %parallel_loop3A_232, %parallel_loop3A_632 : i32
        %parallel_loop3A_634 = arith.index_cast %parallel_loop3A_633 : i32 to index
        %parallel_loop3A_635 = tpu.vector_load %arg7[%parallel_loop3A_634] {strides = array<i32>} : memref<24576xf32, #tpu.memory_space<vmem>>, vector<16xf32>,
        %parallel_loop3A_636 = arith.mulf %parallel_loop3A_635, %parallel_loop3A_229 : vector<16xf32>
        %parallel_loop3A_637 = arith.constant 704 : i32
        %parallel_loop3A_638 = arith.addi %parallel_loop3A_235, %parallel_loop3A_637 : i32
        %parallel_loop3A_639 = arith.index_cast %parallel_loop3A_638 : i32 to index
        %parallel_loop3A_640 = tpu.vector_load %arg11[%parallel_loop3A_639] {strides = array<i32>} : memref<38912xf32, #tpu.memory_space<vmem>>, vector<16xf32>,
        tpu.vector_store %arg11[%parallel_loop3A_639], %parallel_loop3A_636 {strides = array<i32>} : memref<38912xf32, #tpu.memory_space<vmem>>, vector<16xf32>,
        %parallel_loop3A_641 = arith.constant 720 : i32
        %parallel_loop3A_642 = arith.addi %parallel_loop3A_232, %parallel_loop3A_641 : i32
        %parallel_loop3A_643 = arith.index_cast %parallel_loop3A_642 : i32 to index
        %parallel_loop3A_644 = tpu.vector_load %arg7[%parallel_loop3A_643] {strides = array<i32>} : memref<24576xf32, #tpu.memory_space<vmem>>, vector<16xf32>,
        %parallel_loop3A_645 = arith.mulf %parallel_loop3A_644, %parallel_loop3A_229 : vector<16xf32>
        %parallel_loop3A_646 = arith.constant 720 : i32
        %parallel_loop3A_647 = arith.addi %parallel_loop3A_235, %parallel_loop3A_646 : i32
        %parallel_loop3A_648 = arith.index_cast %parallel_loop3A_647 : i32 to index
        %parallel_loop3A_649 = tpu.vector_load %arg11[%parallel_loop3A_648] {strides = array<i32>} : memref<38912xf32, #tpu.memory_space<vmem>>, vector<16xf32>,
        tpu.vector_store %arg11[%parallel_loop3A_648], %parallel_loop3A_645 {strides = array<i32>} : memref<38912xf32, #tpu.memory_space<vmem>>, vector<16xf32>,
        %parallel_loop3A_650 = arith.constant 736 : i32
        %parallel_loop3A_651 = arith.addi %parallel_loop3A_232, %parallel_loop3A_650 : i32
        %parallel_loop3A_652 = arith.index_cast %parallel_loop3A_651 : i32 to index
        %parallel_loop3A_653 = tpu.vector_load %arg7[%parallel_loop3A_652] {strides = array<i32>} : memref<24576xf32, #tpu.memory_space<vmem>>, vector<16xf32>,
        %parallel_loop3A_654 = arith.mulf %parallel_loop3A_653, %parallel_loop3A_229 : vector<16xf32>
        %parallel_loop3A_655 = arith.constant 736 : i32
        %parallel_loop3A_656 = arith.addi %parallel_loop3A_235, %parallel_loop3A_655 : i32
        %parallel_loop3A_657 = arith.index_cast %parallel_loop3A_656 : i32 to index
        %parallel_loop3A_658 = tpu.vector_load %arg11[%parallel_loop3A_657] {strides = array<i32>} : memref<38912xf32, #tpu.memory_space<vmem>>, vector<16xf32>,
        tpu.vector_store %arg11[%parallel_loop3A_657], %parallel_loop3A_654 {strides = array<i32>} : memref<38912xf32, #tpu.memory_space<vmem>>, vector<16xf32>,
        %parallel_loop3A_659 = arith.constant 752 : i32
        %parallel_loop3A_660 = arith.addi %parallel_loop3A_232, %parallel_loop3A_659 : i32
        %parallel_loop3A_661 = arith.index_cast %parallel_loop3A_660 : i32 to index
        %parallel_loop3A_662 = tpu.vector_load %arg7[%parallel_loop3A_661] {strides = array<i32>} : memref<24576xf32, #tpu.memory_space<vmem>>, vector<16xf32>,
        %parallel_loop3A_663 = arith.mulf %parallel_loop3A_662, %parallel_loop3A_229 : vector<16xf32>
        %parallel_loop3A_664 = arith.constant 752 : i32
        %parallel_loop3A_665 = arith.addi %parallel_loop3A_235, %parallel_loop3A_664 : i32
        %parallel_loop3A_666 = arith.index_cast %parallel_loop3A_665 : i32 to index
        %parallel_loop3A_667 = tpu.vector_load %arg11[%parallel_loop3A_666] {strides = array<i32>} : memref<38912xf32, #tpu.memory_space<vmem>>, vector<16xf32>,
        tpu.vector_store %arg11[%parallel_loop3A_666], %parallel_loop3A_663 {strides = array<i32>} : memref<38912xf32, #tpu.memory_space<vmem>>, vector<16xf32>,
        %parallel_loop3A_668 = arith.constant 768 : i32
        %parallel_loop3A_669 = arith.addi %parallel_loop3A_232, %parallel_loop3A_668 : i32
        %parallel_loop3A_670 = arith.index_cast %parallel_loop3A_669 : i32 to index
        %parallel_loop3A_671 = tpu.vector_load %arg7[%parallel_loop3A_670] {strides = array<i32>} : memref<24576xf32, #tpu.memory_space<vmem>>, vector<16xf32>,
        %parallel_loop3A_672 = arith.mulf %parallel_loop3A_671, %parallel_loop3A_229 : vector<16xf32>
        %parallel_loop3A_673 = arith.constant 768 : i32
        %parallel_loop3A_674 = arith.addi %parallel_loop3A_235, %parallel_loop3A_673 : i32
        %parallel_loop3A_675 = arith.index_cast %parallel_loop3A_674 : i32 to index
        %parallel_loop3A_676 = tpu.vector_load %arg11[%parallel_loop3A_675] {strides = array<i32>} : memref<38912xf32, #tpu.memory_space<vmem>>, vector<16xf32>,
        tpu.vector_store %arg11[%parallel_loop3A_675], %parallel_loop3A_672 {strides = array<i32>} : memref<38912xf32, #tpu.memory_space<vmem>>, vector<16xf32>,
        %parallel_loop3A_677 = arith.constant 784 : i32
        %parallel_loop3A_678 = arith.addi %parallel_loop3A_232, %parallel_loop3A_677 : i32
        %parallel_loop3A_679 = arith.index_cast %parallel_loop3A_678 : i32 to index
        %parallel_loop3A_680 = tpu.vector_load %arg7[%parallel_loop3A_679] {strides = array<i32>} : memref<24576xf32, #tpu.memory_space<vmem>>, vector<16xf32>,
        %parallel_loop3A_681 = arith.mulf %parallel_loop3A_680, %parallel_loop3A_229 : vector<16xf32>
        %parallel_loop3A_682 = arith.constant 784 : i32
        %parallel_loop3A_683 = arith.addi %parallel_loop3A_235, %parallel_loop3A_682 : i32
        %parallel_loop3A_684 = arith.index_cast %parallel_loop3A_683 : i32 to index
        %parallel_loop3A_685 = tpu.vector_load %arg11[%parallel_loop3A_684] {strides = array<i32>} : memref<38912xf32, #tpu.memory_space<vmem>>, vector<16xf32>,
        tpu.vector_store %arg11[%parallel_loop3A_684], %parallel_loop3A_681 {strides = array<i32>} : memref<38912xf32, #tpu.memory_space<vmem>>, vector<16xf32>,
        %parallel_loop3A_686 = arith.constant 800 : i32
        %parallel_loop3A_687 = arith.addi %parallel_loop3A_232, %parallel_loop3A_686 : i32
        %parallel_loop3A_688 = arith.index_cast %parallel_loop3A_687 : i32 to index
        %parallel_loop3A_689 = tpu.vector_load %arg7[%parallel_loop3A_688] {strides = array<i32>} : memref<24576xf32, #tpu.memory_space<vmem>>, vector<16xf32>,
        %parallel_loop3A_690 = arith.mulf %parallel_loop3A_689, %parallel_loop3A_229 : vector<16xf32>
        %parallel_loop3A_691 = arith.constant 800 : i32
        %parallel_loop3A_692 = arith.addi %parallel_loop3A_235, %parallel_loop3A_691 : i32
        %parallel_loop3A_693 = arith.index_cast %parallel_loop3A_692 : i32 to index
        %parallel_loop3A_694 = tpu.vector_load %arg11[%parallel_loop3A_693] {strides = array<i32>} : memref<38912xf32, #tpu.memory_space<vmem>>, vector<16xf32>,
        tpu.vector_store %arg11[%parallel_loop3A_693], %parallel_loop3A_690 {strides = array<i32>} : memref<38912xf32, #tpu.memory_space<vmem>>, vector<16xf32>,
        %parallel_loop3A_695 = arith.constant 816 : i32
        %parallel_loop3A_696 = arith.addi %parallel_loop3A_232, %parallel_loop3A_695 : i32
        %parallel_loop3A_697 = arith.index_cast %parallel_loop3A_696 : i32 to index
        %parallel_loop3A_698 = tpu.vector_load %arg7[%parallel_loop3A_697] {strides = array<i32>} : memref<24576xf32, #tpu.memory_space<vmem>>, vector<16xf32>,
        %parallel_loop3A_699 = arith.mulf %parallel_loop3A_698, %parallel_loop3A_229 : vector<16xf32>
        %parallel_loop3A_700 = arith.constant 816 : i32
        %parallel_loop3A_701 = arith.addi %parallel_loop3A_235, %parallel_loop3A_700 : i32
        %parallel_loop3A_702 = arith.index_cast %parallel_loop3A_701 : i32 to index
        %parallel_loop3A_703 = tpu.vector_load %arg11[%parallel_loop3A_702] {strides = array<i32>} : memref<38912xf32, #tpu.memory_space<vmem>>, vector<16xf32>,
        tpu.vector_store %arg11[%parallel_loop3A_702], %parallel_loop3A_699 {strides = array<i32>} : memref<38912xf32, #tpu.memory_space<vmem>>, vector<16xf32>,
        %parallel_loop3A_704 = arith.constant 832 : i32
        %parallel_loop3A_705 = arith.addi %parallel_loop3A_232, %parallel_loop3A_704 : i32
        %parallel_loop3A_706 = arith.index_cast %parallel_loop3A_705 : i32 to index
        %parallel_loop3A_707 = tpu.vector_load %arg7[%parallel_loop3A_706] {strides = array<i32>} : memref<24576xf32, #tpu.memory_space<vmem>>, vector<16xf32>,
        %parallel_loop3A_708 = arith.mulf %parallel_loop3A_707, %parallel_loop3A_229 : vector<16xf32>
        %parallel_loop3A_709 = arith.constant 832 : i32
        %parallel_loop3A_710 = arith.addi %parallel_loop3A_235, %parallel_loop3A_709 : i32
        %parallel_loop3A_711 = arith.index_cast %parallel_loop3A_710 : i32 to index
        %parallel_loop3A_712 = tpu.vector_load %arg11[%parallel_loop3A_711] {strides = array<i32>} : memref<38912xf32, #tpu.memory_space<vmem>>, vector<16xf32>,
        tpu.vector_store %arg11[%parallel_loop3A_711], %parallel_loop3A_708 {strides = array<i32>} : memref<38912xf32, #tpu.memory_space<vmem>>, vector<16xf32>,
        %parallel_loop3A_713 = arith.constant 848 : i32
        %parallel_loop3A_714 = arith.addi %parallel_loop3A_232, %parallel_loop3A_713 : i32
        %parallel_loop3A_715 = arith.index_cast %parallel_loop3A_714 : i32 to index
        %parallel_loop3A_716 = tpu.vector_load %arg7[%parallel_loop3A_715] {strides = array<i32>} : memref<24576xf32, #tpu.memory_space<vmem>>, vector<16xf32>,
        %parallel_loop3A_717 = arith.mulf %parallel_loop3A_716, %parallel_loop3A_229 : vector<16xf32>
        %parallel_loop3A_718 = arith.constant 848 : i32
        %parallel_loop3A_719 = arith.addi %parallel_loop3A_235, %parallel_loop3A_718 : i32
        %parallel_loop3A_720 = arith.index_cast %parallel_loop3A_719 : i32 to index
        %parallel_loop3A_721 = tpu.vector_load %arg11[%parallel_loop3A_720] {strides = array<i32>} : memref<38912xf32, #tpu.memory_space<vmem>>, vector<16xf32>,
        tpu.vector_store %arg11[%parallel_loop3A_720], %parallel_loop3A_717 {strides = array<i32>} : memref<38912xf32, #tpu.memory_space<vmem>>, vector<16xf32>,
        %parallel_loop3A_722 = arith.constant 864 : i32
        %parallel_loop3A_723 = arith.addi %parallel_loop3A_232, %parallel_loop3A_722 : i32
        %parallel_loop3A_724 = arith.index_cast %parallel_loop3A_723 : i32 to index
        %parallel_loop3A_725 = tpu.vector_load %arg7[%parallel_loop3A_724] {strides = array<i32>} : memref<24576xf32, #tpu.memory_space<vmem>>, vector<16xf32>,
        %parallel_loop3A_726 = arith.mulf %parallel_loop3A_725, %parallel_loop3A_229 : vector<16xf32>
        %parallel_loop3A_727 = arith.constant 864 : i32
        %parallel_loop3A_728 = arith.addi %parallel_loop3A_235, %parallel_loop3A_727 : i32
        %parallel_loop3A_729 = arith.index_cast %parallel_loop3A_728 : i32 to index
        %parallel_loop3A_730 = tpu.vector_load %arg11[%parallel_loop3A_729] {strides = array<i32>} : memref<38912xf32, #tpu.memory_space<vmem>>, vector<16xf32>,
        tpu.vector_store %arg11[%parallel_loop3A_729], %parallel_loop3A_726 {strides = array<i32>} : memref<38912xf32, #tpu.memory_space<vmem>>, vector<16xf32>,
        %parallel_loop3A_731 = arith.constant 880 : i32
        %parallel_loop3A_732 = arith.addi %parallel_loop3A_232, %parallel_loop3A_731 : i32
        %parallel_loop3A_733 = arith.index_cast %parallel_loop3A_732 : i32 to index
        %parallel_loop3A_734 = tpu.vector_load %arg7[%parallel_loop3A_733] {strides = array<i32>} : memref<24576xf32, #tpu.memory_space<vmem>>, vector<16xf32>,
        %parallel_loop3A_735 = arith.mulf %parallel_loop3A_734, %parallel_loop3A_229 : vector<16xf32>
        %parallel_loop3A_736 = arith.constant 880 : i32
        %parallel_loop3A_737 = arith.addi %parallel_loop3A_235, %parallel_loop3A_736 : i32
        %parallel_loop3A_738 = arith.index_cast %parallel_loop3A_737 : i32 to index
        %parallel_loop3A_739 = tpu.vector_load %arg11[%parallel_loop3A_738] {strides = array<i32>} : memref<38912xf32, #tpu.memory_space<vmem>>, vector<16xf32>,
        tpu.vector_store %arg11[%parallel_loop3A_738], %parallel_loop3A_735 {strides = array<i32>} : memref<38912xf32, #tpu.memory_space<vmem>>, vector<16xf32>,
        %parallel_loop3A_740 = arith.constant 896 : i32
        %parallel_loop3A_741 = arith.addi %parallel_loop3A_232, %parallel_loop3A_740 : i32
        %parallel_loop3A_742 = arith.index_cast %parallel_loop3A_741 : i32 to index
        %parallel_loop3A_743 = tpu.vector_load %arg7[%parallel_loop3A_742] {strides = array<i32>} : memref<24576xf32, #tpu.memory_space<vmem>>, vector<16xf32>,
        %parallel_loop3A_744 = arith.mulf %parallel_loop3A_743, %parallel_loop3A_229 : vector<16xf32>
        %parallel_loop3A_745 = arith.constant 896 : i32
        %parallel_loop3A_746 = arith.addi %parallel_loop3A_235, %parallel_loop3A_745 : i32
        %parallel_loop3A_747 = arith.index_cast %parallel_loop3A_746 : i32 to index
        %parallel_loop3A_748 = tpu.vector_load %arg11[%parallel_loop3A_747] {strides = array<i32>} : memref<38912xf32, #tpu.memory_space<vmem>>, vector<16xf32>,
        tpu.vector_store %arg11[%parallel_loop3A_747], %parallel_loop3A_744 {strides = array<i32>} : memref<38912xf32, #tpu.memory_space<vmem>>, vector<16xf32>,
        %parallel_loop3A_749 = arith.constant 912 : i32
        %parallel_loop3A_750 = arith.addi %parallel_loop3A_232, %parallel_loop3A_749 : i32
        %parallel_loop3A_751 = arith.index_cast %parallel_loop3A_750 : i32 to index
        %parallel_loop3A_752 = tpu.vector_load %arg7[%parallel_loop3A_751] {strides = array<i32>} : memref<24576xf32, #tpu.memory_space<vmem>>, vector<16xf32>,
        %parallel_loop3A_753 = arith.mulf %parallel_loop3A_752, %parallel_loop3A_229 : vector<16xf32>
        %parallel_loop3A_754 = arith.constant 912 : i32
        %parallel_loop3A_755 = arith.addi %parallel_loop3A_235, %parallel_loop3A_754 : i32
        %parallel_loop3A_756 = arith.index_cast %parallel_loop3A_755 : i32 to index
        %parallel_loop3A_757 = tpu.vector_load %arg11[%parallel_loop3A_756] {strides = array<i32>} : memref<38912xf32, #tpu.memory_space<vmem>>, vector<16xf32>,
        tpu.vector_store %arg11[%parallel_loop3A_756], %parallel_loop3A_753 {strides = array<i32>} : memref<38912xf32, #tpu.memory_space<vmem>>, vector<16xf32>,
        %parallel_loop3A_758 = arith.constant 928 : i32
        %parallel_loop3A_759 = arith.addi %parallel_loop3A_232, %parallel_loop3A_758 : i32
        %parallel_loop3A_760 = arith.index_cast %parallel_loop3A_759 : i32 to index
        %parallel_loop3A_761 = tpu.vector_load %arg7[%parallel_loop3A_760] {strides = array<i32>} : memref<24576xf32, #tpu.memory_space<vmem>>, vector<16xf32>,
        %parallel_loop3A_762 = arith.mulf %parallel_loop3A_761, %parallel_loop3A_229 : vector<16xf32>
        %parallel_loop3A_763 = arith.constant 928 : i32
        %parallel_loop3A_764 = arith.addi %parallel_loop3A_235, %parallel_loop3A_763 : i32
        %parallel_loop3A_765 = arith.index_cast %parallel_loop3A_764 : i32 to index
        %parallel_loop3A_766 = tpu.vector_load %arg11[%parallel_loop3A_765] {strides = array<i32>} : memref<38912xf32, #tpu.memory_space<vmem>>, vector<16xf32>,
        tpu.vector_store %arg11[%parallel_loop3A_765], %parallel_loop3A_762 {strides = array<i32>} : memref<38912xf32, #tpu.memory_space<vmem>>, vector<16xf32>,
        %parallel_loop3A_767 = arith.constant 944 : i32
        %parallel_loop3A_768 = arith.addi %parallel_loop3A_232, %parallel_loop3A_767 : i32
        %parallel_loop3A_769 = arith.index_cast %parallel_loop3A_768 : i32 to index
        %parallel_loop3A_770 = tpu.vector_load %arg7[%parallel_loop3A_769] {strides = array<i32>} : memref<24576xf32, #tpu.memory_space<vmem>>, vector<16xf32>,
        %parallel_loop3A_771 = arith.mulf %parallel_loop3A_770, %parallel_loop3A_229 : vector<16xf32>
        %parallel_loop3A_772 = arith.constant 944 : i32
        %parallel_loop3A_773 = arith.addi %parallel_loop3A_235, %parallel_loop3A_772 : i32
        %parallel_loop3A_774 = arith.index_cast %parallel_loop3A_773 : i32 to index
        %parallel_loop3A_775 = tpu.vector_load %arg11[%parallel_loop3A_774] {strides = array<i32>} : memref<38912xf32, #tpu.memory_space<vmem>>, vector<16xf32>,
        tpu.vector_store %arg11[%parallel_loop3A_774], %parallel_loop3A_771 {strides = array<i32>} : memref<38912xf32, #tpu.memory_space<vmem>>, vector<16xf32>,
        %parallel_loop3A_776 = arith.constant 960 : i32
        %parallel_loop3A_777 = arith.addi %parallel_loop3A_232, %parallel_loop3A_776 : i32
        %parallel_loop3A_778 = arith.index_cast %parallel_loop3A_777 : i32 to index
        %parallel_loop3A_779 = tpu.vector_load %arg7[%parallel_loop3A_778] {strides = array<i32>} : memref<24576xf32, #tpu.memory_space<vmem>>, vector<16xf32>,
        %parallel_loop3A_780 = arith.mulf %parallel_loop3A_779, %parallel_loop3A_229 : vector<16xf32>
        %parallel_loop3A_781 = arith.constant 960 : i32
        %parallel_loop3A_782 = arith.addi %parallel_loop3A_235, %parallel_loop3A_781 : i32
        %parallel_loop3A_783 = arith.index_cast %parallel_loop3A_782 : i32 to index
        %parallel_loop3A_784 = tpu.vector_load %arg11[%parallel_loop3A_783] {strides = array<i32>} : memref<38912xf32, #tpu.memory_space<vmem>>, vector<16xf32>,
        tpu.vector_store %arg11[%parallel_loop3A_783], %parallel_loop3A_780 {strides = array<i32>} : memref<38912xf32, #tpu.memory_space<vmem>>, vector<16xf32>,
        %parallel_loop3A_785 = arith.constant 976 : i32
        %parallel_loop3A_786 = arith.addi %parallel_loop3A_232, %parallel_loop3A_785 : i32
        %parallel_loop3A_787 = arith.index_cast %parallel_loop3A_786 : i32 to index
        %parallel_loop3A_788 = tpu.vector_load %arg7[%parallel_loop3A_787] {strides = array<i32>} : memref<24576xf32, #tpu.memory_space<vmem>>, vector<16xf32>,
        %parallel_loop3A_789 = arith.mulf %parallel_loop3A_788, %parallel_loop3A_229 : vector<16xf32>
        %parallel_loop3A_790 = arith.constant 976 : i32
        %parallel_loop3A_791 = arith.addi %parallel_loop3A_235, %parallel_loop3A_790 : i32
        %parallel_loop3A_792 = arith.index_cast %parallel_loop3A_791 : i32 to index
        %parallel_loop3A_793 = tpu.vector_load %arg11[%parallel_loop3A_792] {strides = array<i32>} : memref<38912xf32, #tpu.memory_space<vmem>>, vector<16xf32>,
        tpu.vector_store %arg11[%parallel_loop3A_792], %parallel_loop3A_789 {strides = array<i32>} : memref<38912xf32, #tpu.memory_space<vmem>>, vector<16xf32>,
        %parallel_loop3A_794 = arith.constant 992 : i32
        %parallel_loop3A_795 = arith.addi %parallel_loop3A_232, %parallel_loop3A_794 : i32
        %parallel_loop3A_796 = arith.index_cast %parallel_loop3A_795 : i32 to index
        %parallel_loop3A_797 = tpu.vector_load %arg7[%parallel_loop3A_796] {strides = array<i32>} : memref<24576xf32, #tpu.memory_space<vmem>>, vector<16xf32>,
        %parallel_loop3A_798 = arith.mulf %parallel_loop3A_797, %parallel_loop3A_229 : vector<16xf32>
        %parallel_loop3A_799 = arith.constant 992 : i32
        %parallel_loop3A_800 = arith.addi %parallel_loop3A_235, %parallel_loop3A_799 : i32
        %parallel_loop3A_801 = arith.index_cast %parallel_loop3A_800 : i32 to index
        %parallel_loop3A_802 = tpu.vector_load %arg11[%parallel_loop3A_801] {strides = array<i32>} : memref<38912xf32, #tpu.memory_space<vmem>>, vector<16xf32>,
        tpu.vector_store %arg11[%parallel_loop3A_801], %parallel_loop3A_798 {strides = array<i32>} : memref<38912xf32, #tpu.memory_space<vmem>>, vector<16xf32>,
        %parallel_loop3A_803 = arith.constant 1008 : i32
        %parallel_loop3A_804 = arith.addi %parallel_loop3A_232, %parallel_loop3A_803 : i32
        %parallel_loop3A_805 = arith.index_cast %parallel_loop3A_804 : i32 to index
        %parallel_loop3A_806 = tpu.vector_load %arg7[%parallel_loop3A_805] {strides = array<i32>} : memref<24576xf32, #tpu.memory_space<vmem>>, vector<16xf32>,
        %parallel_loop3A_807 = arith.mulf %parallel_loop3A_806, %parallel_loop3A_229 : vector<16xf32>
        %parallel_loop3A_808 = arith.constant 1008 : i32
        %parallel_loop3A_809 = arith.addi %parallel_loop3A_235, %parallel_loop3A_808 : i32
        %parallel_loop3A_810 = arith.index_cast %parallel_loop3A_809 : i32 to index
        %parallel_loop3A_811 = tpu.vector_load %arg11[%parallel_loop3A_810] {strides = array<i32>} : memref<38912xf32, #tpu.memory_space<vmem>>, vector<16xf32>,
        tpu.vector_store %arg11[%parallel_loop3A_810], %parallel_loop3A_807 {strides = array<i32>} : memref<38912xf32, #tpu.memory_space<vmem>>, vector<16xf32>,
      } {sc.loop_unroll_factor = 1 : i64, sc.parallel_access}
      %lt3A_130 = arith.constant 31 : i32
      %lt3A_131 = arith.cmpi slt, %add3A, %lt3A_130 : i32
      %convert_element_type3A_132 = arith.extui %lt3A_131 : i1 to i32
      %cond3A_133 = arith.constant 0 : i32
      %cond3A_134 = arith.cmpi ne, %convert_element_type3A_132, %cond3A_133 : i32
      scf.if %cond3A_134 {
        %mul3A_148 = arith.constant 1024 : i32
        %mul3A_149 = arith.muli %mul3A_2, %mul3A_148 : i32
        %dma_start3A_150 = arith.constant 0 : i32
        %dma_start3A_151 = tpu.memref_slice %arg11[%dma_start3A_150] : memref<38912xf32, #tpu.memory_space<vmem>> -> memref<20480xf32, #tpu.memory_space<vmem>>
        %dma_start3A_152 = tpu.memref_slice %arg5[%mul3A_149] : memref<1218560xf32, #tpu.memory_space<hbm>> -> memref<20480xf32, #tpu.memory_space<hbm>>
        %dma_start3A_153 = tpu.memref_slice %arg5[%mul3A_149] : memref<1218560xf32, #tpu.memory_space<hbm>> -> memref<20480xf32, #tpu.memory_space<hbm>>
        %dma_start3A_154 = arith.constant 0 : i32
        %dma_start3A_155 = tpu.memref_slice %arg11[%dma_start3A_154] : memref<38912xf32, #tpu.memory_space<vmem>> -> memref<20480xf32, #tpu.memory_space<vmem>>
        tpu.enqueue_dma source(%dma_start3A_155 : memref<20480xf32, #tpu.memory_space<vmem>>) target(%dma_start3A_153 : memref<20480xf32, #tpu.memory_space<hbm>>) target_semaphore(%arg6 : memref<!tpu.dma_semaphore, #tpu.memory_space<semaphore_mem>>)
      } else {
      }
      %parallel_loop3A_135 = arith.constant 20 : i32
      %parallel_loop3A_136 = arith.constant 38 : i32
      %parallel_loop3A_137 = arith.constant 1 : i32
      scf.for %parallel_loop3A_148 = %parallel_loop3A_135 to %parallel_loop3A_136 step %parallel_loop3A_137  : i32 {
        %parallel_loop3A_149 = arith.addi %mul3A_2, %parallel_loop3A_148 : i32
        %parallel_loop3A_150 = arith.constant 7 : i32
        %parallel_loop3A_151 = arith.divsi %parallel_loop3A_149, %parallel_loop3A_150 : i32
        %parallel_loop3A_152 = arith.constant 0 : i32
        %parallel_loop3A_153 = arith.cmpi sgt, %parallel_loop3A_149, %parallel_loop3A_152 : i32
        %parallel_loop3A_154 = arith.extui %parallel_loop3A_153 : i1 to i32
        %parallel_loop3A_155 = arith.constant 0 : i32
        %parallel_loop3A_156 = arith.cmpi slt, %parallel_loop3A_149, %parallel_loop3A_155 : i32
        %parallel_loop3A_157 = arith.extui %parallel_loop3A_156 : i1 to i32
        %parallel_loop3A_158 = arith.subi %parallel_loop3A_154, %parallel_loop3A_157 : i32
        %parallel_loop3A_159 = arith.constant 0 : i32
        %parallel_loop3A_160 = arith.cmpi sgt, %parallel_loop3A_150, %parallel_loop3A_159 : i32
        %parallel_loop3A_161 = arith.extui %parallel_loop3A_160 : i1 to i32
        %parallel_loop3A_162 = arith.constant 0 : i32
        %parallel_loop3A_163 = arith.cmpi slt, %parallel_loop3A_150, %parallel_loop3A_162 : i32
        %parallel_loop3A_164 = arith.extui %parallel_loop3A_163 : i1 to i32
        %parallel_loop3A_165 = arith.subi %parallel_loop3A_161, %parallel_loop3A_164 : i32
        %parallel_loop3A_166 = arith.cmpi ne, %parallel_loop3A_158, %parallel_loop3A_165 : i32
        %parallel_loop3A_167 = arith.remsi %parallel_loop3A_149, %parallel_loop3A_150 : i32
        %parallel_loop3A_168 = arith.constant 0 : i32
        %parallel_loop3A_169 = arith.cmpi ne, %parallel_loop3A_167, %parallel_loop3A_168 : i32
        %parallel_loop3A_170 = arith.andi %parallel_loop3A_166, %parallel_loop3A_169 : i1
        %parallel_loop3A_171 = arith.constant 1 : i32
        %parallel_loop3A_172 = arith.subi %parallel_loop3A_151, %parallel_loop3A_171 : i32
        %parallel_loop3A_173 = arith.select %parallel_loop3A_170, %parallel_loop3A_172, %parallel_loop3A_151 : i32
        %parallel_loop3A_174 = arith.constant 7 : i32
        %parallel_loop3A_175 = arith.muli %parallel_loop3A_173, %parallel_loop3A_174 : i32
        %parallel_loop3A_176 = arith.subi %parallel_loop3A_149, %parallel_loop3A_175 : i32
        %parallel_loop3A_177 = arith.constant 10 : i32
        %parallel_loop3A_178 = arith.divsi %parallel_loop3A_173, %parallel_loop3A_177 : i32
        %parallel_loop3A_179 = arith.constant 0 : i32
        %parallel_loop3A_180 = arith.cmpi sgt, %parallel_loop3A_173, %parallel_loop3A_179 : i32
        %parallel_loop3A_181 = arith.extui %parallel_loop3A_180 : i1 to i32
        %parallel_loop3A_182 = arith.constant 0 : i32
        %parallel_loop3A_183 = arith.cmpi slt, %parallel_loop3A_173, %parallel_loop3A_182 : i32
        %parallel_loop3A_184 = arith.extui %parallel_loop3A_183 : i1 to i32
        %parallel_loop3A_185 = arith.subi %parallel_loop3A_181, %parallel_loop3A_184 : i32
        %parallel_loop3A_186 = arith.constant 0 : i32
        %parallel_loop3A_187 = arith.cmpi sgt, %parallel_loop3A_177, %parallel_loop3A_186 : i32
        %parallel_loop3A_188 = arith.extui %parallel_loop3A_187 : i1 to i32
        %parallel_loop3A_189 = arith.constant 0 : i32
        %parallel_loop3A_190 = arith.cmpi slt, %parallel_loop3A_177, %parallel_loop3A_189 : i32
        %parallel_loop3A_191 = arith.extui %parallel_loop3A_190 : i1 to i32
        %parallel_loop3A_192 = arith.subi %parallel_loop3A_188, %parallel_loop3A_191 : i32
        %parallel_loop3A_193 = arith.cmpi ne, %parallel_loop3A_185, %parallel_loop3A_192 : i32
        %parallel_loop3A_194 = arith.remsi %parallel_loop3A_173, %parallel_loop3A_177 : i32
        %parallel_loop3A_195 = arith.constant 0 : i32
        %parallel_loop3A_196 = arith.cmpi ne, %parallel_loop3A_194, %parallel_loop3A_195 : i32
        %parallel_loop3A_197 = arith.andi %parallel_loop3A_193, %parallel_loop3A_196 : i1
        %parallel_loop3A_198 = arith.constant 1 : i32
        %parallel_loop3A_199 = arith.subi %parallel_loop3A_178, %parallel_loop3A_198 : i32
        %parallel_loop3A_200 = arith.select %parallel_loop3A_197, %parallel_loop3A_199, %parallel_loop3A_178 : i32
        %parallel_loop3A_201 = arith.constant 7 : i32
        %parallel_loop3A_202 = arith.muli %parallel_loop3A_200, %parallel_loop3A_201 : i32
        %parallel_loop3A_203 = arith.addi %parallel_loop3A_202, %parallel_loop3A_176 : i32
        %parallel_loop3A_204 = arith.subi %parallel_loop3A_203, %multiple_of3A : i32
        %parallel_loop3A_205 = arith.constant 23 : i32
        %parallel_loop3A_206 = arith.minsi %parallel_loop3A_204, %parallel_loop3A_205 : i32
        %parallel_loop3A_207 = arith.subi %parallel_loop3A_173, %multiple_of3A_117 : i32
        %parallel_loop3A_208 = vector.broadcast %parallel_loop3A_207 : i32 to vector<16xi32>
        %parallel_loop3A_209 = arith.cmpi eq, %iota3A, %parallel_loop3A_208 : vector<16xi32>
        %parallel_loop3A_210 = arith.constant 0.000000e+00 : f32
        %parallel_loop3A_211 = vector.broadcast %parallel_loop3A_210 : f32 to vector<16xf32>
        %parallel_loop3A_212 = arith.select %parallel_loop3A_209, %bitcast3A, %parallel_loop3A_211 : vector<16xi1>, vector<16xf32>
        %parallel_loop3A_213 = arith.constant true
        %parallel_loop3A_214 = vector.broadcast %parallel_loop3A_213 : i1 to vector<16xi1>
        %parallel_loop3A_215 = tpu.scan <sum>, %parallel_loop3A_212 masked %parallel_loop3A_214 : vector<16xf32>, vector<16xi1> -> vector<16xf32>
        %parallel_loop3A_216 = vector.extract %parallel_loop3A_215[15] : f32 from vector<16xf32>
        %parallel_loop3A_217 = arith.constant 16 : i32
        %parallel_loop3A_218 = arith.subi %parallel_loop3A_207, %parallel_loop3A_217 : i32
        %parallel_loop3A_219 = vector.broadcast %parallel_loop3A_218 : i32 to vector<16xi32>
        %parallel_loop3A_220 = arith.cmpi eq, %iota3A, %parallel_loop3A_219 : vector<16xi32>
        %parallel_loop3A_221 = arith.constant 0.000000e+00 : f32
        %parallel_loop3A_222 = vector.broadcast %parallel_loop3A_221 : f32 to vector<16xf32>
        %parallel_loop3A_223 = arith.select %parallel_loop3A_220, %bitcast3A_127, %parallel_loop3A_222 : vector<16xi1>, vector<16xf32>
        %parallel_loop3A_224 = arith.constant true
        %parallel_loop3A_225 = vector.broadcast %parallel_loop3A_224 : i1 to vector<16xi1>
        %parallel_loop3A_226 = tpu.scan <sum>, %parallel_loop3A_223 masked %parallel_loop3A_225 : vector<16xf32>, vector<16xi1> -> vector<16xf32>
        %parallel_loop3A_227 = vector.extract %parallel_loop3A_226[15] : f32 from vector<16xf32>
        %parallel_loop3A_228 = arith.addf %parallel_loop3A_216, %parallel_loop3A_227 : f32
        %parallel_loop3A_229 = vector.broadcast %parallel_loop3A_228 : f32 to vector<16xf32>
        %parallel_loop3A_230 = arith.constant 1024 : i32
        %parallel_loop3A_231 = arith.muli %parallel_loop3A_206, %parallel_loop3A_230 : i32
        %parallel_loop3A_232 = tpu.assume_multiple %parallel_loop3A_231, 16 : i32
        %parallel_loop3A_233 = arith.constant 1024 : i32
        %parallel_loop3A_234 = arith.muli %parallel_loop3A_148, %parallel_loop3A_233 : i32
        %parallel_loop3A_235 = tpu.assume_multiple %parallel_loop3A_234, 16 : i32
        %parallel_loop3A_236 = arith.constant 0 : i32
        %parallel_loop3A_237 = arith.addi %parallel_loop3A_232, %parallel_loop3A_236 : i32
        %parallel_loop3A_238 = arith.index_cast %parallel_loop3A_237 : i32 to index
        %parallel_loop3A_239 = tpu.vector_load %arg7[%parallel_loop3A_238] {strides = array<i32>} : memref<24576xf32, #tpu.memory_space<vmem>>, vector<16xf32>,
        %parallel_loop3A_240 = arith.mulf %parallel_loop3A_239, %parallel_loop3A_229 : vector<16xf32>
        %parallel_loop3A_241 = arith.constant 0 : i32
        %parallel_loop3A_242 = arith.addi %parallel_loop3A_235, %parallel_loop3A_241 : i32
        %parallel_loop3A_243 = arith.index_cast %parallel_loop3A_242 : i32 to index
        %parallel_loop3A_244 = tpu.vector_load %arg11[%parallel_loop3A_243] {strides = array<i32>} : memref<38912xf32, #tpu.memory_space<vmem>>, vector<16xf32>,
        tpu.vector_store %arg11[%parallel_loop3A_243], %parallel_loop3A_240 {strides = array<i32>} : memref<38912xf32, #tpu.memory_space<vmem>>, vector<16xf32>,
        %parallel_loop3A_245 = arith.constant 16 : i32
        %parallel_loop3A_246 = arith.addi %parallel_loop3A_232, %parallel_loop3A_245 : i32
        %parallel_loop3A_247 = arith.index_cast %parallel_loop3A_246 : i32 to index
        %parallel_loop3A_248 = tpu.vector_load %arg7[%parallel_loop3A_247] {strides = array<i32>} : memref<24576xf32, #tpu.memory_space<vmem>>, vector<16xf32>,
        %parallel_loop3A_249 = arith.mulf %parallel_loop3A_248, %parallel_loop3A_229 : vector<16xf32>
        %parallel_loop3A_250 = arith.constant 16 : i32
        %parallel_loop3A_251 = arith.addi %parallel_loop3A_235, %parallel_loop3A_250 : i32
        %parallel_loop3A_252 = arith.index_cast %parallel_loop3A_251 : i32 to index
        %parallel_loop3A_253 = tpu.vector_load %arg11[%parallel_loop3A_252] {strides = array<i32>} : memref<38912xf32, #tpu.memory_space<vmem>>, vector<16xf32>,
        tpu.vector_store %arg11[%parallel_loop3A_252], %parallel_loop3A_249 {strides = array<i32>} : memref<38912xf32, #tpu.memory_space<vmem>>, vector<16xf32>,
        %parallel_loop3A_254 = arith.constant 32 : i32
        %parallel_loop3A_255 = arith.addi %parallel_loop3A_232, %parallel_loop3A_254 : i32
        %parallel_loop3A_256 = arith.index_cast %parallel_loop3A_255 : i32 to index
        %parallel_loop3A_257 = tpu.vector_load %arg7[%parallel_loop3A_256] {strides = array<i32>} : memref<24576xf32, #tpu.memory_space<vmem>>, vector<16xf32>,
        %parallel_loop3A_258 = arith.mulf %parallel_loop3A_257, %parallel_loop3A_229 : vector<16xf32>
        %parallel_loop3A_259 = arith.constant 32 : i32
        %parallel_loop3A_260 = arith.addi %parallel_loop3A_235, %parallel_loop3A_259 : i32
        %parallel_loop3A_261 = arith.index_cast %parallel_loop3A_260 : i32 to index
        %parallel_loop3A_262 = tpu.vector_load %arg11[%parallel_loop3A_261] {strides = array<i32>} : memref<38912xf32, #tpu.memory_space<vmem>>, vector<16xf32>,
        tpu.vector_store %arg11[%parallel_loop3A_261], %parallel_loop3A_258 {strides = array<i32>} : memref<38912xf32, #tpu.memory_space<vmem>>, vector<16xf32>,
        %parallel_loop3A_263 = arith.constant 48 : i32
        %parallel_loop3A_264 = arith.addi %parallel_loop3A_232, %parallel_loop3A_263 : i32
        %parallel_loop3A_265 = arith.index_cast %parallel_loop3A_264 : i32 to index
        %parallel_loop3A_266 = tpu.vector_load %arg7[%parallel_loop3A_265] {strides = array<i32>} : memref<24576xf32, #tpu.memory_space<vmem>>, vector<16xf32>,
        %parallel_loop3A_267 = arith.mulf %parallel_loop3A_266, %parallel_loop3A_229 : vector<16xf32>
        %parallel_loop3A_268 = arith.constant 48 : i32
        %parallel_loop3A_269 = arith.addi %parallel_loop3A_235, %parallel_loop3A_268 : i32
        %parallel_loop3A_270 = arith.index_cast %parallel_loop3A_269 : i32 to index
        %parallel_loop3A_271 = tpu.vector_load %arg11[%parallel_loop3A_270] {strides = array<i32>} : memref<38912xf32, #tpu.memory_space<vmem>>, vector<16xf32>,
        tpu.vector_store %arg11[%parallel_loop3A_270], %parallel_loop3A_267 {strides = array<i32>} : memref<38912xf32, #tpu.memory_space<vmem>>, vector<16xf32>,
        %parallel_loop3A_272 = arith.constant 64 : i32
        %parallel_loop3A_273 = arith.addi %parallel_loop3A_232, %parallel_loop3A_272 : i32
        %parallel_loop3A_274 = arith.index_cast %parallel_loop3A_273 : i32 to index
        %parallel_loop3A_275 = tpu.vector_load %arg7[%parallel_loop3A_274] {strides = array<i32>} : memref<24576xf32, #tpu.memory_space<vmem>>, vector<16xf32>,
        %parallel_loop3A_276 = arith.mulf %parallel_loop3A_275, %parallel_loop3A_229 : vector<16xf32>
        %parallel_loop3A_277 = arith.constant 64 : i32
        %parallel_loop3A_278 = arith.addi %parallel_loop3A_235, %parallel_loop3A_277 : i32
        %parallel_loop3A_279 = arith.index_cast %parallel_loop3A_278 : i32 to index
        %parallel_loop3A_280 = tpu.vector_load %arg11[%parallel_loop3A_279] {strides = array<i32>} : memref<38912xf32, #tpu.memory_space<vmem>>, vector<16xf32>,
        tpu.vector_store %arg11[%parallel_loop3A_279], %parallel_loop3A_276 {strides = array<i32>} : memref<38912xf32, #tpu.memory_space<vmem>>, vector<16xf32>,
        %parallel_loop3A_281 = arith.constant 80 : i32
        %parallel_loop3A_282 = arith.addi %parallel_loop3A_232, %parallel_loop3A_281 : i32
        %parallel_loop3A_283 = arith.index_cast %parallel_loop3A_282 : i32 to index
        %parallel_loop3A_284 = tpu.vector_load %arg7[%parallel_loop3A_283] {strides = array<i32>} : memref<24576xf32, #tpu.memory_space<vmem>>, vector<16xf32>,
        %parallel_loop3A_285 = arith.mulf %parallel_loop3A_284, %parallel_loop3A_229 : vector<16xf32>
        %parallel_loop3A_286 = arith.constant 80 : i32
        %parallel_loop3A_287 = arith.addi %parallel_loop3A_235, %parallel_loop3A_286 : i32
        %parallel_loop3A_288 = arith.index_cast %parallel_loop3A_287 : i32 to index
        %parallel_loop3A_289 = tpu.vector_load %arg11[%parallel_loop3A_288] {strides = array<i32>} : memref<38912xf32, #tpu.memory_space<vmem>>, vector<16xf32>,
        tpu.vector_store %arg11[%parallel_loop3A_288], %parallel_loop3A_285 {strides = array<i32>} : memref<38912xf32, #tpu.memory_space<vmem>>, vector<16xf32>,
        %parallel_loop3A_290 = arith.constant 96 : i32
        %parallel_loop3A_291 = arith.addi %parallel_loop3A_232, %parallel_loop3A_290 : i32
        %parallel_loop3A_292 = arith.index_cast %parallel_loop3A_291 : i32 to index
        %parallel_loop3A_293 = tpu.vector_load %arg7[%parallel_loop3A_292] {strides = array<i32>} : memref<24576xf32, #tpu.memory_space<vmem>>, vector<16xf32>,
        %parallel_loop3A_294 = arith.mulf %parallel_loop3A_293, %parallel_loop3A_229 : vector<16xf32>
        %parallel_loop3A_295 = arith.constant 96 : i32
        %parallel_loop3A_296 = arith.addi %parallel_loop3A_235, %parallel_loop3A_295 : i32
        %parallel_loop3A_297 = arith.index_cast %parallel_loop3A_296 : i32 to index
        %parallel_loop3A_298 = tpu.vector_load %arg11[%parallel_loop3A_297] {strides = array<i32>} : memref<38912xf32, #tpu.memory_space<vmem>>, vector<16xf32>,
        tpu.vector_store %arg11[%parallel_loop3A_297], %parallel_loop3A_294 {strides = array<i32>} : memref<38912xf32, #tpu.memory_space<vmem>>, vector<16xf32>,
        %parallel_loop3A_299 = arith.constant 112 : i32
        %parallel_loop3A_300 = arith.addi %parallel_loop3A_232, %parallel_loop3A_299 : i32
        %parallel_loop3A_301 = arith.index_cast %parallel_loop3A_300 : i32 to index
        %parallel_loop3A_302 = tpu.vector_load %arg7[%parallel_loop3A_301] {strides = array<i32>} : memref<24576xf32, #tpu.memory_space<vmem>>, vector<16xf32>,
        %parallel_loop3A_303 = arith.mulf %parallel_loop3A_302, %parallel_loop3A_229 : vector<16xf32>
        %parallel_loop3A_304 = arith.constant 112 : i32
        %parallel_loop3A_305 = arith.addi %parallel_loop3A_235, %parallel_loop3A_304 : i32
        %parallel_loop3A_306 = arith.index_cast %parallel_loop3A_305 : i32 to index
        %parallel_loop3A_307 = tpu.vector_load %arg11[%parallel_loop3A_306] {strides = array<i32>} : memref<38912xf32, #tpu.memory_space<vmem>>, vector<16xf32>,
        tpu.vector_store %arg11[%parallel_loop3A_306], %parallel_loop3A_303 {strides = array<i32>} : memref<38912xf32, #tpu.memory_space<vmem>>, vector<16xf32>,
        %parallel_loop3A_308 = arith.constant 128 : i32
        %parallel_loop3A_309 = arith.addi %parallel_loop3A_232, %parallel_loop3A_308 : i32
        %parallel_loop3A_310 = arith.index_cast %parallel_loop3A_309 : i32 to index
        %parallel_loop3A_311 = tpu.vector_load %arg7[%parallel_loop3A_310] {strides = array<i32>} : memref<24576xf32, #tpu.memory_space<vmem>>, vector<16xf32>,
        %parallel_loop3A_312 = arith.mulf %parallel_loop3A_311, %parallel_loop3A_229 : vector<16xf32>
        %parallel_loop3A_313 = arith.constant 128 : i32
        %parallel_loop3A_314 = arith.addi %parallel_loop3A_235, %parallel_loop3A_313 : i32
        %parallel_loop3A_315 = arith.index_cast %parallel_loop3A_314 : i32 to index
        %parallel_loop3A_316 = tpu.vector_load %arg11[%parallel_loop3A_315] {strides = array<i32>} : memref<38912xf32, #tpu.memory_space<vmem>>, vector<16xf32>,
        tpu.vector_store %arg11[%parallel_loop3A_315], %parallel_loop3A_312 {strides = array<i32>} : memref<38912xf32, #tpu.memory_space<vmem>>, vector<16xf32>,
        %parallel_loop3A_317 = arith.constant 144 : i32
        %parallel_loop3A_318 = arith.addi %parallel_loop3A_232, %parallel_loop3A_317 : i32
        %parallel_loop3A_319 = arith.index_cast %parallel_loop3A_318 : i32 to index
        %parallel_loop3A_320 = tpu.vector_load %arg7[%parallel_loop3A_319] {strides = array<i32>} : memref<24576xf32, #tpu.memory_space<vmem>>, vector<16xf32>,
        %parallel_loop3A_321 = arith.mulf %parallel_loop3A_320, %parallel_loop3A_229 : vector<16xf32>
        %parallel_loop3A_322 = arith.constant 144 : i32
        %parallel_loop3A_323 = arith.addi %parallel_loop3A_235, %parallel_loop3A_322 : i32
        %parallel_loop3A_324 = arith.index_cast %parallel_loop3A_323 : i32 to index
        %parallel_loop3A_325 = tpu.vector_load %arg11[%parallel_loop3A_324] {strides = array<i32>} : memref<38912xf32, #tpu.memory_space<vmem>>, vector<16xf32>,
        tpu.vector_store %arg11[%parallel_loop3A_324], %parallel_loop3A_321 {strides = array<i32>} : memref<38912xf32, #tpu.memory_space<vmem>>, vector<16xf32>,
        %parallel_loop3A_326 = arith.constant 160 : i32
        %parallel_loop3A_327 = arith.addi %parallel_loop3A_232, %parallel_loop3A_326 : i32
        %parallel_loop3A_328 = arith.index_cast %parallel_loop3A_327 : i32 to index
        %parallel_loop3A_329 = tpu.vector_load %arg7[%parallel_loop3A_328] {strides = array<i32>} : memref<24576xf32, #tpu.memory_space<vmem>>, vector<16xf32>,
        %parallel_loop3A_330 = arith.mulf %parallel_loop3A_329, %parallel_loop3A_229 : vector<16xf32>
        %parallel_loop3A_331 = arith.constant 160 : i32
        %parallel_loop3A_332 = arith.addi %parallel_loop3A_235, %parallel_loop3A_331 : i32
        %parallel_loop3A_333 = arith.index_cast %parallel_loop3A_332 : i32 to index
        %parallel_loop3A_334 = tpu.vector_load %arg11[%parallel_loop3A_333] {strides = array<i32>} : memref<38912xf32, #tpu.memory_space<vmem>>, vector<16xf32>,
        tpu.vector_store %arg11[%parallel_loop3A_333], %parallel_loop3A_330 {strides = array<i32>} : memref<38912xf32, #tpu.memory_space<vmem>>, vector<16xf32>,
        %parallel_loop3A_335 = arith.constant 176 : i32
        %parallel_loop3A_336 = arith.addi %parallel_loop3A_232, %parallel_loop3A_335 : i32
        %parallel_loop3A_337 = arith.index_cast %parallel_loop3A_336 : i32 to index
        %parallel_loop3A_338 = tpu.vector_load %arg7[%parallel_loop3A_337] {strides = array<i32>} : memref<24576xf32, #tpu.memory_space<vmem>>, vector<16xf32>,
        %parallel_loop3A_339 = arith.mulf %parallel_loop3A_338, %parallel_loop3A_229 : vector<16xf32>
        %parallel_loop3A_340 = arith.constant 176 : i32
        %parallel_loop3A_341 = arith.addi %parallel_loop3A_235, %parallel_loop3A_340 : i32
        %parallel_loop3A_342 = arith.index_cast %parallel_loop3A_341 : i32 to index
        %parallel_loop3A_343 = tpu.vector_load %arg11[%parallel_loop3A_342] {strides = array<i32>} : memref<38912xf32, #tpu.memory_space<vmem>>, vector<16xf32>,
        tpu.vector_store %arg11[%parallel_loop3A_342], %parallel_loop3A_339 {strides = array<i32>} : memref<38912xf32, #tpu.memory_space<vmem>>, vector<16xf32>,
        %parallel_loop3A_344 = arith.constant 192 : i32
        %parallel_loop3A_345 = arith.addi %parallel_loop3A_232, %parallel_loop3A_344 : i32
        %parallel_loop3A_346 = arith.index_cast %parallel_loop3A_345 : i32 to index
        %parallel_loop3A_347 = tpu.vector_load %arg7[%parallel_loop3A_346] {strides = array<i32>} : memref<24576xf32, #tpu.memory_space<vmem>>, vector<16xf32>,
        %parallel_loop3A_348 = arith.mulf %parallel_loop3A_347, %parallel_loop3A_229 : vector<16xf32>
        %parallel_loop3A_349 = arith.constant 192 : i32
        %parallel_loop3A_350 = arith.addi %parallel_loop3A_235, %parallel_loop3A_349 : i32
        %parallel_loop3A_351 = arith.index_cast %parallel_loop3A_350 : i32 to index
        %parallel_loop3A_352 = tpu.vector_load %arg11[%parallel_loop3A_351] {strides = array<i32>} : memref<38912xf32, #tpu.memory_space<vmem>>, vector<16xf32>,
        tpu.vector_store %arg11[%parallel_loop3A_351], %parallel_loop3A_348 {strides = array<i32>} : memref<38912xf32, #tpu.memory_space<vmem>>, vector<16xf32>,
        %parallel_loop3A_353 = arith.constant 208 : i32
        %parallel_loop3A_354 = arith.addi %parallel_loop3A_232, %parallel_loop3A_353 : i32
        %parallel_loop3A_355 = arith.index_cast %parallel_loop3A_354 : i32 to index
        %parallel_loop3A_356 = tpu.vector_load %arg7[%parallel_loop3A_355] {strides = array<i32>} : memref<24576xf32, #tpu.memory_space<vmem>>, vector<16xf32>,
        %parallel_loop3A_357 = arith.mulf %parallel_loop3A_356, %parallel_loop3A_229 : vector<16xf32>
        %parallel_loop3A_358 = arith.constant 208 : i32
        %parallel_loop3A_359 = arith.addi %parallel_loop3A_235, %parallel_loop3A_358 : i32
        %parallel_loop3A_360 = arith.index_cast %parallel_loop3A_359 : i32 to index
        %parallel_loop3A_361 = tpu.vector_load %arg11[%parallel_loop3A_360] {strides = array<i32>} : memref<38912xf32, #tpu.memory_space<vmem>>, vector<16xf32>,
        tpu.vector_store %arg11[%parallel_loop3A_360], %parallel_loop3A_357 {strides = array<i32>} : memref<38912xf32, #tpu.memory_space<vmem>>, vector<16xf32>,
        %parallel_loop3A_362 = arith.constant 224 : i32
        %parallel_loop3A_363 = arith.addi %parallel_loop3A_232, %parallel_loop3A_362 : i32
        %parallel_loop3A_364 = arith.index_cast %parallel_loop3A_363 : i32 to index
        %parallel_loop3A_365 = tpu.vector_load %arg7[%parallel_loop3A_364] {strides = array<i32>} : memref<24576xf32, #tpu.memory_space<vmem>>, vector<16xf32>,
        %parallel_loop3A_366 = arith.mulf %parallel_loop3A_365, %parallel_loop3A_229 : vector<16xf32>
        %parallel_loop3A_367 = arith.constant 224 : i32
        %parallel_loop3A_368 = arith.addi %parallel_loop3A_235, %parallel_loop3A_367 : i32
        %parallel_loop3A_369 = arith.index_cast %parallel_loop3A_368 : i32 to index
        %parallel_loop3A_370 = tpu.vector_load %arg11[%parallel_loop3A_369] {strides = array<i32>} : memref<38912xf32, #tpu.memory_space<vmem>>, vector<16xf32>,
        tpu.vector_store %arg11[%parallel_loop3A_369], %parallel_loop3A_366 {strides = array<i32>} : memref<38912xf32, #tpu.memory_space<vmem>>, vector<16xf32>,
        %parallel_loop3A_371 = arith.constant 240 : i32
        %parallel_loop3A_372 = arith.addi %parallel_loop3A_232, %parallel_loop3A_371 : i32
        %parallel_loop3A_373 = arith.index_cast %parallel_loop3A_372 : i32 to index
        %parallel_loop3A_374 = tpu.vector_load %arg7[%parallel_loop3A_373] {strides = array<i32>} : memref<24576xf32, #tpu.memory_space<vmem>>, vector<16xf32>,
        %parallel_loop3A_375 = arith.mulf %parallel_loop3A_374, %parallel_loop3A_229 : vector<16xf32>
        %parallel_loop3A_376 = arith.constant 240 : i32
        %parallel_loop3A_377 = arith.addi %parallel_loop3A_235, %parallel_loop3A_376 : i32
        %parallel_loop3A_378 = arith.index_cast %parallel_loop3A_377 : i32 to index
        %parallel_loop3A_379 = tpu.vector_load %arg11[%parallel_loop3A_378] {strides = array<i32>} : memref<38912xf32, #tpu.memory_space<vmem>>, vector<16xf32>,
        tpu.vector_store %arg11[%parallel_loop3A_378], %parallel_loop3A_375 {strides = array<i32>} : memref<38912xf32, #tpu.memory_space<vmem>>, vector<16xf32>,
        %parallel_loop3A_380 = arith.constant 256 : i32
        %parallel_loop3A_381 = arith.addi %parallel_loop3A_232, %parallel_loop3A_380 : i32
        %parallel_loop3A_382 = arith.index_cast %parallel_loop3A_381 : i32 to index
        %parallel_loop3A_383 = tpu.vector_load %arg7[%parallel_loop3A_382] {strides = array<i32>} : memref<24576xf32, #tpu.memory_space<vmem>>, vector<16xf32>,
        %parallel_loop3A_384 = arith.mulf %parallel_loop3A_383, %parallel_loop3A_229 : vector<16xf32>
        %parallel_loop3A_385 = arith.constant 256 : i32
        %parallel_loop3A_386 = arith.addi %parallel_loop3A_235, %parallel_loop3A_385 : i32
        %parallel_loop3A_387 = arith.index_cast %parallel_loop3A_386 : i32 to index
        %parallel_loop3A_388 = tpu.vector_load %arg11[%parallel_loop3A_387] {strides = array<i32>} : memref<38912xf32, #tpu.memory_space<vmem>>, vector<16xf32>,
        tpu.vector_store %arg11[%parallel_loop3A_387], %parallel_loop3A_384 {strides = array<i32>} : memref<38912xf32, #tpu.memory_space<vmem>>, vector<16xf32>,
        %parallel_loop3A_389 = arith.constant 272 : i32
        %parallel_loop3A_390 = arith.addi %parallel_loop3A_232, %parallel_loop3A_389 : i32
        %parallel_loop3A_391 = arith.index_cast %parallel_loop3A_390 : i32 to index
        %parallel_loop3A_392 = tpu.vector_load %arg7[%parallel_loop3A_391] {strides = array<i32>} : memref<24576xf32, #tpu.memory_space<vmem>>, vector<16xf32>,
        %parallel_loop3A_393 = arith.mulf %parallel_loop3A_392, %parallel_loop3A_229 : vector<16xf32>
        %parallel_loop3A_394 = arith.constant 272 : i32
        %parallel_loop3A_395 = arith.addi %parallel_loop3A_235, %parallel_loop3A_394 : i32
        %parallel_loop3A_396 = arith.index_cast %parallel_loop3A_395 : i32 to index
        %parallel_loop3A_397 = tpu.vector_load %arg11[%parallel_loop3A_396] {strides = array<i32>} : memref<38912xf32, #tpu.memory_space<vmem>>, vector<16xf32>,
        tpu.vector_store %arg11[%parallel_loop3A_396], %parallel_loop3A_393 {strides = array<i32>} : memref<38912xf32, #tpu.memory_space<vmem>>, vector<16xf32>,
        %parallel_loop3A_398 = arith.constant 288 : i32
        %parallel_loop3A_399 = arith.addi %parallel_loop3A_232, %parallel_loop3A_398 : i32
        %parallel_loop3A_400 = arith.index_cast %parallel_loop3A_399 : i32 to index
        %parallel_loop3A_401 = tpu.vector_load %arg7[%parallel_loop3A_400] {strides = array<i32>} : memref<24576xf32, #tpu.memory_space<vmem>>, vector<16xf32>,
        %parallel_loop3A_402 = arith.mulf %parallel_loop3A_401, %parallel_loop3A_229 : vector<16xf32>
        %parallel_loop3A_403 = arith.constant 288 : i32
        %parallel_loop3A_404 = arith.addi %parallel_loop3A_235, %parallel_loop3A_403 : i32
        %parallel_loop3A_405 = arith.index_cast %parallel_loop3A_404 : i32 to index
        %parallel_loop3A_406 = tpu.vector_load %arg11[%parallel_loop3A_405] {strides = array<i32>} : memref<38912xf32, #tpu.memory_space<vmem>>, vector<16xf32>,
        tpu.vector_store %arg11[%parallel_loop3A_405], %parallel_loop3A_402 {strides = array<i32>} : memref<38912xf32, #tpu.memory_space<vmem>>, vector<16xf32>,
        %parallel_loop3A_407 = arith.constant 304 : i32
        %parallel_loop3A_408 = arith.addi %parallel_loop3A_232, %parallel_loop3A_407 : i32
        %parallel_loop3A_409 = arith.index_cast %parallel_loop3A_408 : i32 to index
        %parallel_loop3A_410 = tpu.vector_load %arg7[%parallel_loop3A_409] {strides = array<i32>} : memref<24576xf32, #tpu.memory_space<vmem>>, vector<16xf32>,
        %parallel_loop3A_411 = arith.mulf %parallel_loop3A_410, %parallel_loop3A_229 : vector<16xf32>
        %parallel_loop3A_412 = arith.constant 304 : i32
        %parallel_loop3A_413 = arith.addi %parallel_loop3A_235, %parallel_loop3A_412 : i32
        %parallel_loop3A_414 = arith.index_cast %parallel_loop3A_413 : i32 to index
        %parallel_loop3A_415 = tpu.vector_load %arg11[%parallel_loop3A_414] {strides = array<i32>} : memref<38912xf32, #tpu.memory_space<vmem>>, vector<16xf32>,
        tpu.vector_store %arg11[%parallel_loop3A_414], %parallel_loop3A_411 {strides = array<i32>} : memref<38912xf32, #tpu.memory_space<vmem>>, vector<16xf32>,
        %parallel_loop3A_416 = arith.constant 320 : i32
        %parallel_loop3A_417 = arith.addi %parallel_loop3A_232, %parallel_loop3A_416 : i32
        %parallel_loop3A_418 = arith.index_cast %parallel_loop3A_417 : i32 to index
        %parallel_loop3A_419 = tpu.vector_load %arg7[%parallel_loop3A_418] {strides = array<i32>} : memref<24576xf32, #tpu.memory_space<vmem>>, vector<16xf32>,
        %parallel_loop3A_420 = arith.mulf %parallel_loop3A_419, %parallel_loop3A_229 : vector<16xf32>
        %parallel_loop3A_421 = arith.constant 320 : i32
        %parallel_loop3A_422 = arith.addi %parallel_loop3A_235, %parallel_loop3A_421 : i32
        %parallel_loop3A_423 = arith.index_cast %parallel_loop3A_422 : i32 to index
        %parallel_loop3A_424 = tpu.vector_load %arg11[%parallel_loop3A_423] {strides = array<i32>} : memref<38912xf32, #tpu.memory_space<vmem>>, vector<16xf32>,
        tpu.vector_store %arg11[%parallel_loop3A_423], %parallel_loop3A_420 {strides = array<i32>} : memref<38912xf32, #tpu.memory_space<vmem>>, vector<16xf32>,
        %parallel_loop3A_425 = arith.constant 336 : i32
        %parallel_loop3A_426 = arith.addi %parallel_loop3A_232, %parallel_loop3A_425 : i32
        %parallel_loop3A_427 = arith.index_cast %parallel_loop3A_426 : i32 to index
        %parallel_loop3A_428 = tpu.vector_load %arg7[%parallel_loop3A_427] {strides = array<i32>} : memref<24576xf32, #tpu.memory_space<vmem>>, vector<16xf32>,
        %parallel_loop3A_429 = arith.mulf %parallel_loop3A_428, %parallel_loop3A_229 : vector<16xf32>
        %parallel_loop3A_430 = arith.constant 336 : i32
        %parallel_loop3A_431 = arith.addi %parallel_loop3A_235, %parallel_loop3A_430 : i32
        %parallel_loop3A_432 = arith.index_cast %parallel_loop3A_431 : i32 to index
        %parallel_loop3A_433 = tpu.vector_load %arg11[%parallel_loop3A_432] {strides = array<i32>} : memref<38912xf32, #tpu.memory_space<vmem>>, vector<16xf32>,
        tpu.vector_store %arg11[%parallel_loop3A_432], %parallel_loop3A_429 {strides = array<i32>} : memref<38912xf32, #tpu.memory_space<vmem>>, vector<16xf32>,
        %parallel_loop3A_434 = arith.constant 352 : i32
        %parallel_loop3A_435 = arith.addi %parallel_loop3A_232, %parallel_loop3A_434 : i32
        %parallel_loop3A_436 = arith.index_cast %parallel_loop3A_435 : i32 to index
        %parallel_loop3A_437 = tpu.vector_load %arg7[%parallel_loop3A_436] {strides = array<i32>} : memref<24576xf32, #tpu.memory_space<vmem>>, vector<16xf32>,
        %parallel_loop3A_438 = arith.mulf %parallel_loop3A_437, %parallel_loop3A_229 : vector<16xf32>
        %parallel_loop3A_439 = arith.constant 352 : i32
        %parallel_loop3A_440 = arith.addi %parallel_loop3A_235, %parallel_loop3A_439 : i32
        %parallel_loop3A_441 = arith.index_cast %parallel_loop3A_440 : i32 to index
        %parallel_loop3A_442 = tpu.vector_load %arg11[%parallel_loop3A_441] {strides = array<i32>} : memref<38912xf32, #tpu.memory_space<vmem>>, vector<16xf32>,
        tpu.vector_store %arg11[%parallel_loop3A_441], %parallel_loop3A_438 {strides = array<i32>} : memref<38912xf32, #tpu.memory_space<vmem>>, vector<16xf32>,
        %parallel_loop3A_443 = arith.constant 368 : i32
        %parallel_loop3A_444 = arith.addi %parallel_loop3A_232, %parallel_loop3A_443 : i32
        %parallel_loop3A_445 = arith.index_cast %parallel_loop3A_444 : i32 to index
        %parallel_loop3A_446 = tpu.vector_load %arg7[%parallel_loop3A_445] {strides = array<i32>} : memref<24576xf32, #tpu.memory_space<vmem>>, vector<16xf32>,
        %parallel_loop3A_447 = arith.mulf %parallel_loop3A_446, %parallel_loop3A_229 : vector<16xf32>
        %parallel_loop3A_448 = arith.constant 368 : i32
        %parallel_loop3A_449 = arith.addi %parallel_loop3A_235, %parallel_loop3A_448 : i32
        %parallel_loop3A_450 = arith.index_cast %parallel_loop3A_449 : i32 to index
        %parallel_loop3A_451 = tpu.vector_load %arg11[%parallel_loop3A_450] {strides = array<i32>} : memref<38912xf32, #tpu.memory_space<vmem>>, vector<16xf32>,
        tpu.vector_store %arg11[%parallel_loop3A_450], %parallel_loop3A_447 {strides = array<i32>} : memref<38912xf32, #tpu.memory_space<vmem>>, vector<16xf32>,
        %parallel_loop3A_452 = arith.constant 384 : i32
        %parallel_loop3A_453 = arith.addi %parallel_loop3A_232, %parallel_loop3A_452 : i32
        %parallel_loop3A_454 = arith.index_cast %parallel_loop3A_453 : i32 to index
        %parallel_loop3A_455 = tpu.vector_load %arg7[%parallel_loop3A_454] {strides = array<i32>} : memref<24576xf32, #tpu.memory_space<vmem>>, vector<16xf32>,
        %parallel_loop3A_456 = arith.mulf %parallel_loop3A_455, %parallel_loop3A_229 : vector<16xf32>
        %parallel_loop3A_457 = arith.constant 384 : i32
        %parallel_loop3A_458 = arith.addi %parallel_loop3A_235, %parallel_loop3A_457 : i32
        %parallel_loop3A_459 = arith.index_cast %parallel_loop3A_458 : i32 to index
        %parallel_loop3A_460 = tpu.vector_load %arg11[%parallel_loop3A_459] {strides = array<i32>} : memref<38912xf32, #tpu.memory_space<vmem>>, vector<16xf32>,
        tpu.vector_store %arg11[%parallel_loop3A_459], %parallel_loop3A_456 {strides = array<i32>} : memref<38912xf32, #tpu.memory_space<vmem>>, vector<16xf32>,
        %parallel_loop3A_461 = arith.constant 400 : i32
        %parallel_loop3A_462 = arith.addi %parallel_loop3A_232, %parallel_loop3A_461 : i32
        %parallel_loop3A_463 = arith.index_cast %parallel_loop3A_462 : i32 to index
        %parallel_loop3A_464 = tpu.vector_load %arg7[%parallel_loop3A_463] {strides = array<i32>} : memref<24576xf32, #tpu.memory_space<vmem>>, vector<16xf32>,
        %parallel_loop3A_465 = arith.mulf %parallel_loop3A_464, %parallel_loop3A_229 : vector<16xf32>
        %parallel_loop3A_466 = arith.constant 400 : i32
        %parallel_loop3A_467 = arith.addi %parallel_loop3A_235, %parallel_loop3A_466 : i32
        %parallel_loop3A_468 = arith.index_cast %parallel_loop3A_467 : i32 to index
        %parallel_loop3A_469 = tpu.vector_load %arg11[%parallel_loop3A_468] {strides = array<i32>} : memref<38912xf32, #tpu.memory_space<vmem>>, vector<16xf32>,
        tpu.vector_store %arg11[%parallel_loop3A_468], %parallel_loop3A_465 {strides = array<i32>} : memref<38912xf32, #tpu.memory_space<vmem>>, vector<16xf32>,
        %parallel_loop3A_470 = arith.constant 416 : i32
        %parallel_loop3A_471 = arith.addi %parallel_loop3A_232, %parallel_loop3A_470 : i32
        %parallel_loop3A_472 = arith.index_cast %parallel_loop3A_471 : i32 to index
        %parallel_loop3A_473 = tpu.vector_load %arg7[%parallel_loop3A_472] {strides = array<i32>} : memref<24576xf32, #tpu.memory_space<vmem>>, vector<16xf32>,
        %parallel_loop3A_474 = arith.mulf %parallel_loop3A_473, %parallel_loop3A_229 : vector<16xf32>
        %parallel_loop3A_475 = arith.constant 416 : i32
        %parallel_loop3A_476 = arith.addi %parallel_loop3A_235, %parallel_loop3A_475 : i32
        %parallel_loop3A_477 = arith.index_cast %parallel_loop3A_476 : i32 to index
        %parallel_loop3A_478 = tpu.vector_load %arg11[%parallel_loop3A_477] {strides = array<i32>} : memref<38912xf32, #tpu.memory_space<vmem>>, vector<16xf32>,
        tpu.vector_store %arg11[%parallel_loop3A_477], %parallel_loop3A_474 {strides = array<i32>} : memref<38912xf32, #tpu.memory_space<vmem>>, vector<16xf32>,
        %parallel_loop3A_479 = arith.constant 432 : i32
        %parallel_loop3A_480 = arith.addi %parallel_loop3A_232, %parallel_loop3A_479 : i32
        %parallel_loop3A_481 = arith.index_cast %parallel_loop3A_480 : i32 to index
        %parallel_loop3A_482 = tpu.vector_load %arg7[%parallel_loop3A_481] {strides = array<i32>} : memref<24576xf32, #tpu.memory_space<vmem>>, vector<16xf32>,
        %parallel_loop3A_483 = arith.mulf %parallel_loop3A_482, %parallel_loop3A_229 : vector<16xf32>
        %parallel_loop3A_484 = arith.constant 432 : i32
        %parallel_loop3A_485 = arith.addi %parallel_loop3A_235, %parallel_loop3A_484 : i32
        %parallel_loop3A_486 = arith.index_cast %parallel_loop3A_485 : i32 to index
        %parallel_loop3A_487 = tpu.vector_load %arg11[%parallel_loop3A_486] {strides = array<i32>} : memref<38912xf32, #tpu.memory_space<vmem>>, vector<16xf32>,
        tpu.vector_store %arg11[%parallel_loop3A_486], %parallel_loop3A_483 {strides = array<i32>} : memref<38912xf32, #tpu.memory_space<vmem>>, vector<16xf32>,
        %parallel_loop3A_488 = arith.constant 448 : i32
        %parallel_loop3A_489 = arith.addi %parallel_loop3A_232, %parallel_loop3A_488 : i32
        %parallel_loop3A_490 = arith.index_cast %parallel_loop3A_489 : i32 to index
        %parallel_loop3A_491 = tpu.vector_load %arg7[%parallel_loop3A_490] {strides = array<i32>} : memref<24576xf32, #tpu.memory_space<vmem>>, vector<16xf32>,
        %parallel_loop3A_492 = arith.mulf %parallel_loop3A_491, %parallel_loop3A_229 : vector<16xf32>
        %parallel_loop3A_493 = arith.constant 448 : i32
        %parallel_loop3A_494 = arith.addi %parallel_loop3A_235, %parallel_loop3A_493 : i32
        %parallel_loop3A_495 = arith.index_cast %parallel_loop3A_494 : i32 to index
        %parallel_loop3A_496 = tpu.vector_load %arg11[%parallel_loop3A_495] {strides = array<i32>} : memref<38912xf32, #tpu.memory_space<vmem>>, vector<16xf32>,
        tpu.vector_store %arg11[%parallel_loop3A_495], %parallel_loop3A_492 {strides = array<i32>} : memref<38912xf32, #tpu.memory_space<vmem>>, vector<16xf32>,
        %parallel_loop3A_497 = arith.constant 464 : i32
        %parallel_loop3A_498 = arith.addi %parallel_loop3A_232, %parallel_loop3A_497 : i32
        %parallel_loop3A_499 = arith.index_cast %parallel_loop3A_498 : i32 to index
        %parallel_loop3A_500 = tpu.vector_load %arg7[%parallel_loop3A_499] {strides = array<i32>} : memref<24576xf32, #tpu.memory_space<vmem>>, vector<16xf32>,
        %parallel_loop3A_501 = arith.mulf %parallel_loop3A_500, %parallel_loop3A_229 : vector<16xf32>
        %parallel_loop3A_502 = arith.constant 464 : i32
        %parallel_loop3A_503 = arith.addi %parallel_loop3A_235, %parallel_loop3A_502 : i32
        %parallel_loop3A_504 = arith.index_cast %parallel_loop3A_503 : i32 to index
        %parallel_loop3A_505 = tpu.vector_load %arg11[%parallel_loop3A_504] {strides = array<i32>} : memref<38912xf32, #tpu.memory_space<vmem>>, vector<16xf32>,
        tpu.vector_store %arg11[%parallel_loop3A_504], %parallel_loop3A_501 {strides = array<i32>} : memref<38912xf32, #tpu.memory_space<vmem>>, vector<16xf32>,
        %parallel_loop3A_506 = arith.constant 480 : i32
        %parallel_loop3A_507 = arith.addi %parallel_loop3A_232, %parallel_loop3A_506 : i32
        %parallel_loop3A_508 = arith.index_cast %parallel_loop3A_507 : i32 to index
        %parallel_loop3A_509 = tpu.vector_load %arg7[%parallel_loop3A_508] {strides = array<i32>} : memref<24576xf32, #tpu.memory_space<vmem>>, vector<16xf32>,
        %parallel_loop3A_510 = arith.mulf %parallel_loop3A_509, %parallel_loop3A_229 : vector<16xf32>
        %parallel_loop3A_511 = arith.constant 480 : i32
        %parallel_loop3A_512 = arith.addi %parallel_loop3A_235, %parallel_loop3A_511 : i32
        %parallel_loop3A_513 = arith.index_cast %parallel_loop3A_512 : i32 to index
        %parallel_loop3A_514 = tpu.vector_load %arg11[%parallel_loop3A_513] {strides = array<i32>} : memref<38912xf32, #tpu.memory_space<vmem>>, vector<16xf32>,
        tpu.vector_store %arg11[%parallel_loop3A_513], %parallel_loop3A_510 {strides = array<i32>} : memref<38912xf32, #tpu.memory_space<vmem>>, vector<16xf32>,
        %parallel_loop3A_515 = arith.constant 496 : i32
        %parallel_loop3A_516 = arith.addi %parallel_loop3A_232, %parallel_loop3A_515 : i32
        %parallel_loop3A_517 = arith.index_cast %parallel_loop3A_516 : i32 to index
        %parallel_loop3A_518 = tpu.vector_load %arg7[%parallel_loop3A_517] {strides = array<i32>} : memref<24576xf32, #tpu.memory_space<vmem>>, vector<16xf32>,
        %parallel_loop3A_519 = arith.mulf %parallel_loop3A_518, %parallel_loop3A_229 : vector<16xf32>
        %parallel_loop3A_520 = arith.constant 496 : i32
        %parallel_loop3A_521 = arith.addi %parallel_loop3A_235, %parallel_loop3A_520 : i32
        %parallel_loop3A_522 = arith.index_cast %parallel_loop3A_521 : i32 to index
        %parallel_loop3A_523 = tpu.vector_load %arg11[%parallel_loop3A_522] {strides = array<i32>} : memref<38912xf32, #tpu.memory_space<vmem>>, vector<16xf32>,
        tpu.vector_store %arg11[%parallel_loop3A_522], %parallel_loop3A_519 {strides = array<i32>} : memref<38912xf32, #tpu.memory_space<vmem>>, vector<16xf32>,
        %parallel_loop3A_524 = arith.constant 512 : i32
        %parallel_loop3A_525 = arith.addi %parallel_loop3A_232, %parallel_loop3A_524 : i32
        %parallel_loop3A_526 = arith.index_cast %parallel_loop3A_525 : i32 to index
        %parallel_loop3A_527 = tpu.vector_load %arg7[%parallel_loop3A_526] {strides = array<i32>} : memref<24576xf32, #tpu.memory_space<vmem>>, vector<16xf32>,
        %parallel_loop3A_528 = arith.mulf %parallel_loop3A_527, %parallel_loop3A_229 : vector<16xf32>
        %parallel_loop3A_529 = arith.constant 512 : i32
        %parallel_loop3A_530 = arith.addi %parallel_loop3A_235, %parallel_loop3A_529 : i32
        %parallel_loop3A_531 = arith.index_cast %parallel_loop3A_530 : i32 to index
        %parallel_loop3A_532 = tpu.vector_load %arg11[%parallel_loop3A_531] {strides = array<i32>} : memref<38912xf32, #tpu.memory_space<vmem>>, vector<16xf32>,
        tpu.vector_store %arg11[%parallel_loop3A_531], %parallel_loop3A_528 {strides = array<i32>} : memref<38912xf32, #tpu.memory_space<vmem>>, vector<16xf32>,
        %parallel_loop3A_533 = arith.constant 528 : i32
        %parallel_loop3A_534 = arith.addi %parallel_loop3A_232, %parallel_loop3A_533 : i32
        %parallel_loop3A_535 = arith.index_cast %parallel_loop3A_534 : i32 to index
        %parallel_loop3A_536 = tpu.vector_load %arg7[%parallel_loop3A_535] {strides = array<i32>} : memref<24576xf32, #tpu.memory_space<vmem>>, vector<16xf32>,
        %parallel_loop3A_537 = arith.mulf %parallel_loop3A_536, %parallel_loop3A_229 : vector<16xf32>
        %parallel_loop3A_538 = arith.constant 528 : i32
        %parallel_loop3A_539 = arith.addi %parallel_loop3A_235, %parallel_loop3A_538 : i32
        %parallel_loop3A_540 = arith.index_cast %parallel_loop3A_539 : i32 to index
        %parallel_loop3A_541 = tpu.vector_load %arg11[%parallel_loop3A_540] {strides = array<i32>} : memref<38912xf32, #tpu.memory_space<vmem>>, vector<16xf32>,
        tpu.vector_store %arg11[%parallel_loop3A_540], %parallel_loop3A_537 {strides = array<i32>} : memref<38912xf32, #tpu.memory_space<vmem>>, vector<16xf32>,
        %parallel_loop3A_542 = arith.constant 544 : i32
        %parallel_loop3A_543 = arith.addi %parallel_loop3A_232, %parallel_loop3A_542 : i32
        %parallel_loop3A_544 = arith.index_cast %parallel_loop3A_543 : i32 to index
        %parallel_loop3A_545 = tpu.vector_load %arg7[%parallel_loop3A_544] {strides = array<i32>} : memref<24576xf32, #tpu.memory_space<vmem>>, vector<16xf32>,
        %parallel_loop3A_546 = arith.mulf %parallel_loop3A_545, %parallel_loop3A_229 : vector<16xf32>
        %parallel_loop3A_547 = arith.constant 544 : i32
        %parallel_loop3A_548 = arith.addi %parallel_loop3A_235, %parallel_loop3A_547 : i32
        %parallel_loop3A_549 = arith.index_cast %parallel_loop3A_548 : i32 to index
        %parallel_loop3A_550 = tpu.vector_load %arg11[%parallel_loop3A_549] {strides = array<i32>} : memref<38912xf32, #tpu.memory_space<vmem>>, vector<16xf32>,
        tpu.vector_store %arg11[%parallel_loop3A_549], %parallel_loop3A_546 {strides = array<i32>} : memref<38912xf32, #tpu.memory_space<vmem>>, vector<16xf32>,
        %parallel_loop3A_551 = arith.constant 560 : i32
        %parallel_loop3A_552 = arith.addi %parallel_loop3A_232, %parallel_loop3A_551 : i32
        %parallel_loop3A_553 = arith.index_cast %parallel_loop3A_552 : i32 to index
        %parallel_loop3A_554 = tpu.vector_load %arg7[%parallel_loop3A_553] {strides = array<i32>} : memref<24576xf32, #tpu.memory_space<vmem>>, vector<16xf32>,
        %parallel_loop3A_555 = arith.mulf %parallel_loop3A_554, %parallel_loop3A_229 : vector<16xf32>
        %parallel_loop3A_556 = arith.constant 560 : i32
        %parallel_loop3A_557 = arith.addi %parallel_loop3A_235, %parallel_loop3A_556 : i32
        %parallel_loop3A_558 = arith.index_cast %parallel_loop3A_557 : i32 to index
        %parallel_loop3A_559 = tpu.vector_load %arg11[%parallel_loop3A_558] {strides = array<i32>} : memref<38912xf32, #tpu.memory_space<vmem>>, vector<16xf32>,
        tpu.vector_store %arg11[%parallel_loop3A_558], %parallel_loop3A_555 {strides = array<i32>} : memref<38912xf32, #tpu.memory_space<vmem>>, vector<16xf32>,
        %parallel_loop3A_560 = arith.constant 576 : i32
        %parallel_loop3A_561 = arith.addi %parallel_loop3A_232, %parallel_loop3A_560 : i32
        %parallel_loop3A_562 = arith.index_cast %parallel_loop3A_561 : i32 to index
        %parallel_loop3A_563 = tpu.vector_load %arg7[%parallel_loop3A_562] {strides = array<i32>} : memref<24576xf32, #tpu.memory_space<vmem>>, vector<16xf32>,
        %parallel_loop3A_564 = arith.mulf %parallel_loop3A_563, %parallel_loop3A_229 : vector<16xf32>
        %parallel_loop3A_565 = arith.constant 576 : i32
        %parallel_loop3A_566 = arith.addi %parallel_loop3A_235, %parallel_loop3A_565 : i32
        %parallel_loop3A_567 = arith.index_cast %parallel_loop3A_566 : i32 to index
        %parallel_loop3A_568 = tpu.vector_load %arg11[%parallel_loop3A_567] {strides = array<i32>} : memref<38912xf32, #tpu.memory_space<vmem>>, vector<16xf32>,
        tpu.vector_store %arg11[%parallel_loop3A_567], %parallel_loop3A_564 {strides = array<i32>} : memref<38912xf32, #tpu.memory_space<vmem>>, vector<16xf32>,
        %parallel_loop3A_569 = arith.constant 592 : i32
        %parallel_loop3A_570 = arith.addi %parallel_loop3A_232, %parallel_loop3A_569 : i32
        %parallel_loop3A_571 = arith.index_cast %parallel_loop3A_570 : i32 to index
        %parallel_loop3A_572 = tpu.vector_load %arg7[%parallel_loop3A_571] {strides = array<i32>} : memref<24576xf32, #tpu.memory_space<vmem>>, vector<16xf32>,
        %parallel_loop3A_573 = arith.mulf %parallel_loop3A_572, %parallel_loop3A_229 : vector<16xf32>
        %parallel_loop3A_574 = arith.constant 592 : i32
        %parallel_loop3A_575 = arith.addi %parallel_loop3A_235, %parallel_loop3A_574 : i32
        %parallel_loop3A_576 = arith.index_cast %parallel_loop3A_575 : i32 to index
        %parallel_loop3A_577 = tpu.vector_load %arg11[%parallel_loop3A_576] {strides = array<i32>} : memref<38912xf32, #tpu.memory_space<vmem>>, vector<16xf32>,
        tpu.vector_store %arg11[%parallel_loop3A_576], %parallel_loop3A_573 {strides = array<i32>} : memref<38912xf32, #tpu.memory_space<vmem>>, vector<16xf32>,
        %parallel_loop3A_578 = arith.constant 608 : i32
        %parallel_loop3A_579 = arith.addi %parallel_loop3A_232, %parallel_loop3A_578 : i32
        %parallel_loop3A_580 = arith.index_cast %parallel_loop3A_579 : i32 to index
        %parallel_loop3A_581 = tpu.vector_load %arg7[%parallel_loop3A_580] {strides = array<i32>} : memref<24576xf32, #tpu.memory_space<vmem>>, vector<16xf32>,
        %parallel_loop3A_582 = arith.mulf %parallel_loop3A_581, %parallel_loop3A_229 : vector<16xf32>
        %parallel_loop3A_583 = arith.constant 608 : i32
        %parallel_loop3A_584 = arith.addi %parallel_loop3A_235, %parallel_loop3A_583 : i32
        %parallel_loop3A_585 = arith.index_cast %parallel_loop3A_584 : i32 to index
        %parallel_loop3A_586 = tpu.vector_load %arg11[%parallel_loop3A_585] {strides = array<i32>} : memref<38912xf32, #tpu.memory_space<vmem>>, vector<16xf32>,
        tpu.vector_store %arg11[%parallel_loop3A_585], %parallel_loop3A_582 {strides = array<i32>} : memref<38912xf32, #tpu.memory_space<vmem>>, vector<16xf32>,
        %parallel_loop3A_587 = arith.constant 624 : i32
        %parallel_loop3A_588 = arith.addi %parallel_loop3A_232, %parallel_loop3A_587 : i32
        %parallel_loop3A_589 = arith.index_cast %parallel_loop3A_588 : i32 to index
        %parallel_loop3A_590 = tpu.vector_load %arg7[%parallel_loop3A_589] {strides = array<i32>} : memref<24576xf32, #tpu.memory_space<vmem>>, vector<16xf32>,
        %parallel_loop3A_591 = arith.mulf %parallel_loop3A_590, %parallel_loop3A_229 : vector<16xf32>
        %parallel_loop3A_592 = arith.constant 624 : i32
        %parallel_loop3A_593 = arith.addi %parallel_loop3A_235, %parallel_loop3A_592 : i32
        %parallel_loop3A_594 = arith.index_cast %parallel_loop3A_593 : i32 to index
        %parallel_loop3A_595 = tpu.vector_load %arg11[%parallel_loop3A_594] {strides = array<i32>} : memref<38912xf32, #tpu.memory_space<vmem>>, vector<16xf32>,
        tpu.vector_store %arg11[%parallel_loop3A_594], %parallel_loop3A_591 {strides = array<i32>} : memref<38912xf32, #tpu.memory_space<vmem>>, vector<16xf32>,
        %parallel_loop3A_596 = arith.constant 640 : i32
        %parallel_loop3A_597 = arith.addi %parallel_loop3A_232, %parallel_loop3A_596 : i32
        %parallel_loop3A_598 = arith.index_cast %parallel_loop3A_597 : i32 to index
        %parallel_loop3A_599 = tpu.vector_load %arg7[%parallel_loop3A_598] {strides = array<i32>} : memref<24576xf32, #tpu.memory_space<vmem>>, vector<16xf32>,
        %parallel_loop3A_600 = arith.mulf %parallel_loop3A_599, %parallel_loop3A_229 : vector<16xf32>
        %parallel_loop3A_601 = arith.constant 640 : i32
        %parallel_loop3A_602 = arith.addi %parallel_loop3A_235, %parallel_loop3A_601 : i32
        %parallel_loop3A_603 = arith.index_cast %parallel_loop3A_602 : i32 to index
        %parallel_loop3A_604 = tpu.vector_load %arg11[%parallel_loop3A_603] {strides = array<i32>} : memref<38912xf32, #tpu.memory_space<vmem>>, vector<16xf32>,
        tpu.vector_store %arg11[%parallel_loop3A_603], %parallel_loop3A_600 {strides = array<i32>} : memref<38912xf32, #tpu.memory_space<vmem>>, vector<16xf32>,
        %parallel_loop3A_605 = arith.constant 656 : i32
        %parallel_loop3A_606 = arith.addi %parallel_loop3A_232, %parallel_loop3A_605 : i32
        %parallel_loop3A_607 = arith.index_cast %parallel_loop3A_606 : i32 to index
        %parallel_loop3A_608 = tpu.vector_load %arg7[%parallel_loop3A_607] {strides = array<i32>} : memref<24576xf32, #tpu.memory_space<vmem>>, vector<16xf32>,
        %parallel_loop3A_609 = arith.mulf %parallel_loop3A_608, %parallel_loop3A_229 : vector<16xf32>
        %parallel_loop3A_610 = arith.constant 656 : i32
        %parallel_loop3A_611 = arith.addi %parallel_loop3A_235, %parallel_loop3A_610 : i32
        %parallel_loop3A_612 = arith.index_cast %parallel_loop3A_611 : i32 to index
        %parallel_loop3A_613 = tpu.vector_load %arg11[%parallel_loop3A_612] {strides = array<i32>} : memref<38912xf32, #tpu.memory_space<vmem>>, vector<16xf32>,
        tpu.vector_store %arg11[%parallel_loop3A_612], %parallel_loop3A_609 {strides = array<i32>} : memref<38912xf32, #tpu.memory_space<vmem>>, vector<16xf32>,
        %parallel_loop3A_614 = arith.constant 672 : i32
        %parallel_loop3A_615 = arith.addi %parallel_loop3A_232, %parallel_loop3A_614 : i32
        %parallel_loop3A_616 = arith.index_cast %parallel_loop3A_615 : i32 to index
        %parallel_loop3A_617 = tpu.vector_load %arg7[%parallel_loop3A_616] {strides = array<i32>} : memref<24576xf32, #tpu.memory_space<vmem>>, vector<16xf32>,
        %parallel_loop3A_618 = arith.mulf %parallel_loop3A_617, %parallel_loop3A_229 : vector<16xf32>
        %parallel_loop3A_619 = arith.constant 672 : i32
        %parallel_loop3A_620 = arith.addi %parallel_loop3A_235, %parallel_loop3A_619 : i32
        %parallel_loop3A_621 = arith.index_cast %parallel_loop3A_620 : i32 to index
        %parallel_loop3A_622 = tpu.vector_load %arg11[%parallel_loop3A_621] {strides = array<i32>} : memref<38912xf32, #tpu.memory_space<vmem>>, vector<16xf32>,
        tpu.vector_store %arg11[%parallel_loop3A_621], %parallel_loop3A_618 {strides = array<i32>} : memref<38912xf32, #tpu.memory_space<vmem>>, vector<16xf32>,
        %parallel_loop3A_623 = arith.constant 688 : i32
        %parallel_loop3A_624 = arith.addi %parallel_loop3A_232, %parallel_loop3A_623 : i32
        %parallel_loop3A_625 = arith.index_cast %parallel_loop3A_624 : i32 to index
        %parallel_loop3A_626 = tpu.vector_load %arg7[%parallel_loop3A_625] {strides = array<i32>} : memref<24576xf32, #tpu.memory_space<vmem>>, vector<16xf32>,
        %parallel_loop3A_627 = arith.mulf %parallel_loop3A_626, %parallel_loop3A_229 : vector<16xf32>
        %parallel_loop3A_628 = arith.constant 688 : i32
        %parallel_loop3A_629 = arith.addi %parallel_loop3A_235, %parallel_loop3A_628 : i32
        %parallel_loop3A_630 = arith.index_cast %parallel_loop3A_629 : i32 to index
        %parallel_loop3A_631 = tpu.vector_load %arg11[%parallel_loop3A_630] {strides = array<i32>} : memref<38912xf32, #tpu.memory_space<vmem>>, vector<16xf32>,
        tpu.vector_store %arg11[%parallel_loop3A_630], %parallel_loop3A_627 {strides = array<i32>} : memref<38912xf32, #tpu.memory_space<vmem>>, vector<16xf32>,
        %parallel_loop3A_632 = arith.constant 704 : i32
        %parallel_loop3A_633 = arith.addi %parallel_loop3A_232, %parallel_loop3A_632 : i32
        %parallel_loop3A_634 = arith.index_cast %parallel_loop3A_633 : i32 to index
        %parallel_loop3A_635 = tpu.vector_load %arg7[%parallel_loop3A_634] {strides = array<i32>} : memref<24576xf32, #tpu.memory_space<vmem>>, vector<16xf32>,
        %parallel_loop3A_636 = arith.mulf %parallel_loop3A_635, %parallel_loop3A_229 : vector<16xf32>
        %parallel_loop3A_637 = arith.constant 704 : i32
        %parallel_loop3A_638 = arith.addi %parallel_loop3A_235, %parallel_loop3A_637 : i32
        %parallel_loop3A_639 = arith.index_cast %parallel_loop3A_638 : i32 to index
        %parallel_loop3A_640 = tpu.vector_load %arg11[%parallel_loop3A_639] {strides = array<i32>} : memref<38912xf32, #tpu.memory_space<vmem>>, vector<16xf32>,
        tpu.vector_store %arg11[%parallel_loop3A_639], %parallel_loop3A_636 {strides = array<i32>} : memref<38912xf32, #tpu.memory_space<vmem>>, vector<16xf32>,
        %parallel_loop3A_641 = arith.constant 720 : i32
        %parallel_loop3A_642 = arith.addi %parallel_loop3A_232, %parallel_loop3A_641 : i32
        %parallel_loop3A_643 = arith.index_cast %parallel_loop3A_642 : i32 to index
        %parallel_loop3A_644 = tpu.vector_load %arg7[%parallel_loop3A_643] {strides = array<i32>} : memref<24576xf32, #tpu.memory_space<vmem>>, vector<16xf32>,
        %parallel_loop3A_645 = arith.mulf %parallel_loop3A_644, %parallel_loop3A_229 : vector<16xf32>
        %parallel_loop3A_646 = arith.constant 720 : i32
        %parallel_loop3A_647 = arith.addi %parallel_loop3A_235, %parallel_loop3A_646 : i32
        %parallel_loop3A_648 = arith.index_cast %parallel_loop3A_647 : i32 to index
        %parallel_loop3A_649 = tpu.vector_load %arg11[%parallel_loop3A_648] {strides = array<i32>} : memref<38912xf32, #tpu.memory_space<vmem>>, vector<16xf32>,
        tpu.vector_store %arg11[%parallel_loop3A_648], %parallel_loop3A_645 {strides = array<i32>} : memref<38912xf32, #tpu.memory_space<vmem>>, vector<16xf32>,
        %parallel_loop3A_650 = arith.constant 736 : i32
        %parallel_loop3A_651 = arith.addi %parallel_loop3A_232, %parallel_loop3A_650 : i32
        %parallel_loop3A_652 = arith.index_cast %parallel_loop3A_651 : i32 to index
        %parallel_loop3A_653 = tpu.vector_load %arg7[%parallel_loop3A_652] {strides = array<i32>} : memref<24576xf32, #tpu.memory_space<vmem>>, vector<16xf32>,
        %parallel_loop3A_654 = arith.mulf %parallel_loop3A_653, %parallel_loop3A_229 : vector<16xf32>
        %parallel_loop3A_655 = arith.constant 736 : i32
        %parallel_loop3A_656 = arith.addi %parallel_loop3A_235, %parallel_loop3A_655 : i32
        %parallel_loop3A_657 = arith.index_cast %parallel_loop3A_656 : i32 to index
        %parallel_loop3A_658 = tpu.vector_load %arg11[%parallel_loop3A_657] {strides = array<i32>} : memref<38912xf32, #tpu.memory_space<vmem>>, vector<16xf32>,
        tpu.vector_store %arg11[%parallel_loop3A_657], %parallel_loop3A_654 {strides = array<i32>} : memref<38912xf32, #tpu.memory_space<vmem>>, vector<16xf32>,
        %parallel_loop3A_659 = arith.constant 752 : i32
        %parallel_loop3A_660 = arith.addi %parallel_loop3A_232, %parallel_loop3A_659 : i32
        %parallel_loop3A_661 = arith.index_cast %parallel_loop3A_660 : i32 to index
        %parallel_loop3A_662 = tpu.vector_load %arg7[%parallel_loop3A_661] {strides = array<i32>} : memref<24576xf32, #tpu.memory_space<vmem>>, vector<16xf32>,
        %parallel_loop3A_663 = arith.mulf %parallel_loop3A_662, %parallel_loop3A_229 : vector<16xf32>
        %parallel_loop3A_664 = arith.constant 752 : i32
        %parallel_loop3A_665 = arith.addi %parallel_loop3A_235, %parallel_loop3A_664 : i32
        %parallel_loop3A_666 = arith.index_cast %parallel_loop3A_665 : i32 to index
        %parallel_loop3A_667 = tpu.vector_load %arg11[%parallel_loop3A_666] {strides = array<i32>} : memref<38912xf32, #tpu.memory_space<vmem>>, vector<16xf32>,
        tpu.vector_store %arg11[%parallel_loop3A_666], %parallel_loop3A_663 {strides = array<i32>} : memref<38912xf32, #tpu.memory_space<vmem>>, vector<16xf32>,
        %parallel_loop3A_668 = arith.constant 768 : i32
        %parallel_loop3A_669 = arith.addi %parallel_loop3A_232, %parallel_loop3A_668 : i32
        %parallel_loop3A_670 = arith.index_cast %parallel_loop3A_669 : i32 to index
        %parallel_loop3A_671 = tpu.vector_load %arg7[%parallel_loop3A_670] {strides = array<i32>} : memref<24576xf32, #tpu.memory_space<vmem>>, vector<16xf32>,
        %parallel_loop3A_672 = arith.mulf %parallel_loop3A_671, %parallel_loop3A_229 : vector<16xf32>
        %parallel_loop3A_673 = arith.constant 768 : i32
        %parallel_loop3A_674 = arith.addi %parallel_loop3A_235, %parallel_loop3A_673 : i32
        %parallel_loop3A_675 = arith.index_cast %parallel_loop3A_674 : i32 to index
        %parallel_loop3A_676 = tpu.vector_load %arg11[%parallel_loop3A_675] {strides = array<i32>} : memref<38912xf32, #tpu.memory_space<vmem>>, vector<16xf32>,
        tpu.vector_store %arg11[%parallel_loop3A_675], %parallel_loop3A_672 {strides = array<i32>} : memref<38912xf32, #tpu.memory_space<vmem>>, vector<16xf32>,
        %parallel_loop3A_677 = arith.constant 784 : i32
        %parallel_loop3A_678 = arith.addi %parallel_loop3A_232, %parallel_loop3A_677 : i32
        %parallel_loop3A_679 = arith.index_cast %parallel_loop3A_678 : i32 to index
        %parallel_loop3A_680 = tpu.vector_load %arg7[%parallel_loop3A_679] {strides = array<i32>} : memref<24576xf32, #tpu.memory_space<vmem>>, vector<16xf32>,
        %parallel_loop3A_681 = arith.mulf %parallel_loop3A_680, %parallel_loop3A_229 : vector<16xf32>
        %parallel_loop3A_682 = arith.constant 784 : i32
        %parallel_loop3A_683 = arith.addi %parallel_loop3A_235, %parallel_loop3A_682 : i32
        %parallel_loop3A_684 = arith.index_cast %parallel_loop3A_683 : i32 to index
        %parallel_loop3A_685 = tpu.vector_load %arg11[%parallel_loop3A_684] {strides = array<i32>} : memref<38912xf32, #tpu.memory_space<vmem>>, vector<16xf32>,
        tpu.vector_store %arg11[%parallel_loop3A_684], %parallel_loop3A_681 {strides = array<i32>} : memref<38912xf32, #tpu.memory_space<vmem>>, vector<16xf32>,
        %parallel_loop3A_686 = arith.constant 800 : i32
        %parallel_loop3A_687 = arith.addi %parallel_loop3A_232, %parallel_loop3A_686 : i32
        %parallel_loop3A_688 = arith.index_cast %parallel_loop3A_687 : i32 to index
        %parallel_loop3A_689 = tpu.vector_load %arg7[%parallel_loop3A_688] {strides = array<i32>} : memref<24576xf32, #tpu.memory_space<vmem>>, vector<16xf32>,
        %parallel_loop3A_690 = arith.mulf %parallel_loop3A_689, %parallel_loop3A_229 : vector<16xf32>
        %parallel_loop3A_691 = arith.constant 800 : i32
        %parallel_loop3A_692 = arith.addi %parallel_loop3A_235, %parallel_loop3A_691 : i32
        %parallel_loop3A_693 = arith.index_cast %parallel_loop3A_692 : i32 to index
        %parallel_loop3A_694 = tpu.vector_load %arg11[%parallel_loop3A_693] {strides = array<i32>} : memref<38912xf32, #tpu.memory_space<vmem>>, vector<16xf32>,
        tpu.vector_store %arg11[%parallel_loop3A_693], %parallel_loop3A_690 {strides = array<i32>} : memref<38912xf32, #tpu.memory_space<vmem>>, vector<16xf32>,
        %parallel_loop3A_695 = arith.constant 816 : i32
        %parallel_loop3A_696 = arith.addi %parallel_loop3A_232, %parallel_loop3A_695 : i32
        %parallel_loop3A_697 = arith.index_cast %parallel_loop3A_696 : i32 to index
        %parallel_loop3A_698 = tpu.vector_load %arg7[%parallel_loop3A_697] {strides = array<i32>} : memref<24576xf32, #tpu.memory_space<vmem>>, vector<16xf32>,
        %parallel_loop3A_699 = arith.mulf %parallel_loop3A_698, %parallel_loop3A_229 : vector<16xf32>
        %parallel_loop3A_700 = arith.constant 816 : i32
        %parallel_loop3A_701 = arith.addi %parallel_loop3A_235, %parallel_loop3A_700 : i32
        %parallel_loop3A_702 = arith.index_cast %parallel_loop3A_701 : i32 to index
        %parallel_loop3A_703 = tpu.vector_load %arg11[%parallel_loop3A_702] {strides = array<i32>} : memref<38912xf32, #tpu.memory_space<vmem>>, vector<16xf32>,
        tpu.vector_store %arg11[%parallel_loop3A_702], %parallel_loop3A_699 {strides = array<i32>} : memref<38912xf32, #tpu.memory_space<vmem>>, vector<16xf32>,
        %parallel_loop3A_704 = arith.constant 832 : i32
        %parallel_loop3A_705 = arith.addi %parallel_loop3A_232, %parallel_loop3A_704 : i32
        %parallel_loop3A_706 = arith.index_cast %parallel_loop3A_705 : i32 to index
        %parallel_loop3A_707 = tpu.vector_load %arg7[%parallel_loop3A_706] {strides = array<i32>} : memref<24576xf32, #tpu.memory_space<vmem>>, vector<16xf32>,
        %parallel_loop3A_708 = arith.mulf %parallel_loop3A_707, %parallel_loop3A_229 : vector<16xf32>
        %parallel_loop3A_709 = arith.constant 832 : i32
        %parallel_loop3A_710 = arith.addi %parallel_loop3A_235, %parallel_loop3A_709 : i32
        %parallel_loop3A_711 = arith.index_cast %parallel_loop3A_710 : i32 to index
        %parallel_loop3A_712 = tpu.vector_load %arg11[%parallel_loop3A_711] {strides = array<i32>} : memref<38912xf32, #tpu.memory_space<vmem>>, vector<16xf32>,
        tpu.vector_store %arg11[%parallel_loop3A_711], %parallel_loop3A_708 {strides = array<i32>} : memref<38912xf32, #tpu.memory_space<vmem>>, vector<16xf32>,
        %parallel_loop3A_713 = arith.constant 848 : i32
        %parallel_loop3A_714 = arith.addi %parallel_loop3A_232, %parallel_loop3A_713 : i32
        %parallel_loop3A_715 = arith.index_cast %parallel_loop3A_714 : i32 to index
        %parallel_loop3A_716 = tpu.vector_load %arg7[%parallel_loop3A_715] {strides = array<i32>} : memref<24576xf32, #tpu.memory_space<vmem>>, vector<16xf32>,
        %parallel_loop3A_717 = arith.mulf %parallel_loop3A_716, %parallel_loop3A_229 : vector<16xf32>
        %parallel_loop3A_718 = arith.constant 848 : i32
        %parallel_loop3A_719 = arith.addi %parallel_loop3A_235, %parallel_loop3A_718 : i32
        %parallel_loop3A_720 = arith.index_cast %parallel_loop3A_719 : i32 to index
        %parallel_loop3A_721 = tpu.vector_load %arg11[%parallel_loop3A_720] {strides = array<i32>} : memref<38912xf32, #tpu.memory_space<vmem>>, vector<16xf32>,
        tpu.vector_store %arg11[%parallel_loop3A_720], %parallel_loop3A_717 {strides = array<i32>} : memref<38912xf32, #tpu.memory_space<vmem>>, vector<16xf32>,
        %parallel_loop3A_722 = arith.constant 864 : i32
        %parallel_loop3A_723 = arith.addi %parallel_loop3A_232, %parallel_loop3A_722 : i32
        %parallel_loop3A_724 = arith.index_cast %parallel_loop3A_723 : i32 to index
        %parallel_loop3A_725 = tpu.vector_load %arg7[%parallel_loop3A_724] {strides = array<i32>} : memref<24576xf32, #tpu.memory_space<vmem>>, vector<16xf32>,
        %parallel_loop3A_726 = arith.mulf %parallel_loop3A_725, %parallel_loop3A_229 : vector<16xf32>
        %parallel_loop3A_727 = arith.constant 864 : i32
        %parallel_loop3A_728 = arith.addi %parallel_loop3A_235, %parallel_loop3A_727 : i32
        %parallel_loop3A_729 = arith.index_cast %parallel_loop3A_728 : i32 to index
        %parallel_loop3A_730 = tpu.vector_load %arg11[%parallel_loop3A_729] {strides = array<i32>} : memref<38912xf32, #tpu.memory_space<vmem>>, vector<16xf32>,
        tpu.vector_store %arg11[%parallel_loop3A_729], %parallel_loop3A_726 {strides = array<i32>} : memref<38912xf32, #tpu.memory_space<vmem>>, vector<16xf32>,
        %parallel_loop3A_731 = arith.constant 880 : i32
        %parallel_loop3A_732 = arith.addi %parallel_loop3A_232, %parallel_loop3A_731 : i32
        %parallel_loop3A_733 = arith.index_cast %parallel_loop3A_732 : i32 to index
        %parallel_loop3A_734 = tpu.vector_load %arg7[%parallel_loop3A_733] {strides = array<i32>} : memref<24576xf32, #tpu.memory_space<vmem>>, vector<16xf32>,
        %parallel_loop3A_735 = arith.mulf %parallel_loop3A_734, %parallel_loop3A_229 : vector<16xf32>
        %parallel_loop3A_736 = arith.constant 880 : i32
        %parallel_loop3A_737 = arith.addi %parallel_loop3A_235, %parallel_loop3A_736 : i32
        %parallel_loop3A_738 = arith.index_cast %parallel_loop3A_737 : i32 to index
        %parallel_loop3A_739 = tpu.vector_load %arg11[%parallel_loop3A_738] {strides = array<i32>} : memref<38912xf32, #tpu.memory_space<vmem>>, vector<16xf32>,
        tpu.vector_store %arg11[%parallel_loop3A_738], %parallel_loop3A_735 {strides = array<i32>} : memref<38912xf32, #tpu.memory_space<vmem>>, vector<16xf32>,
        %parallel_loop3A_740 = arith.constant 896 : i32
        %parallel_loop3A_741 = arith.addi %parallel_loop3A_232, %parallel_loop3A_740 : i32
        %parallel_loop3A_742 = arith.index_cast %parallel_loop3A_741 : i32 to index
        %parallel_loop3A_743 = tpu.vector_load %arg7[%parallel_loop3A_742] {strides = array<i32>} : memref<24576xf32, #tpu.memory_space<vmem>>, vector<16xf32>,
        %parallel_loop3A_744 = arith.mulf %parallel_loop3A_743, %parallel_loop3A_229 : vector<16xf32>
        %parallel_loop3A_745 = arith.constant 896 : i32
        %parallel_loop3A_746 = arith.addi %parallel_loop3A_235, %parallel_loop3A_745 : i32
        %parallel_loop3A_747 = arith.index_cast %parallel_loop3A_746 : i32 to index
        %parallel_loop3A_748 = tpu.vector_load %arg11[%parallel_loop3A_747] {strides = array<i32>} : memref<38912xf32, #tpu.memory_space<vmem>>, vector<16xf32>,
        tpu.vector_store %arg11[%parallel_loop3A_747], %parallel_loop3A_744 {strides = array<i32>} : memref<38912xf32, #tpu.memory_space<vmem>>, vector<16xf32>,
        %parallel_loop3A_749 = arith.constant 912 : i32
        %parallel_loop3A_750 = arith.addi %parallel_loop3A_232, %parallel_loop3A_749 : i32
        %parallel_loop3A_751 = arith.index_cast %parallel_loop3A_750 : i32 to index
        %parallel_loop3A_752 = tpu.vector_load %arg7[%parallel_loop3A_751] {strides = array<i32>} : memref<24576xf32, #tpu.memory_space<vmem>>, vector<16xf32>,
        %parallel_loop3A_753 = arith.mulf %parallel_loop3A_752, %parallel_loop3A_229 : vector<16xf32>
        %parallel_loop3A_754 = arith.constant 912 : i32
        %parallel_loop3A_755 = arith.addi %parallel_loop3A_235, %parallel_loop3A_754 : i32
        %parallel_loop3A_756 = arith.index_cast %parallel_loop3A_755 : i32 to index
        %parallel_loop3A_757 = tpu.vector_load %arg11[%parallel_loop3A_756] {strides = array<i32>} : memref<38912xf32, #tpu.memory_space<vmem>>, vector<16xf32>,
        tpu.vector_store %arg11[%parallel_loop3A_756], %parallel_loop3A_753 {strides = array<i32>} : memref<38912xf32, #tpu.memory_space<vmem>>, vector<16xf32>,
        %parallel_loop3A_758 = arith.constant 928 : i32
        %parallel_loop3A_759 = arith.addi %parallel_loop3A_232, %parallel_loop3A_758 : i32
        %parallel_loop3A_760 = arith.index_cast %parallel_loop3A_759 : i32 to index
        %parallel_loop3A_761 = tpu.vector_load %arg7[%parallel_loop3A_760] {strides = array<i32>} : memref<24576xf32, #tpu.memory_space<vmem>>, vector<16xf32>,
        %parallel_loop3A_762 = arith.mulf %parallel_loop3A_761, %parallel_loop3A_229 : vector<16xf32>
        %parallel_loop3A_763 = arith.constant 928 : i32
        %parallel_loop3A_764 = arith.addi %parallel_loop3A_235, %parallel_loop3A_763 : i32
        %parallel_loop3A_765 = arith.index_cast %parallel_loop3A_764 : i32 to index
        %parallel_loop3A_766 = tpu.vector_load %arg11[%parallel_loop3A_765] {strides = array<i32>} : memref<38912xf32, #tpu.memory_space<vmem>>, vector<16xf32>,
        tpu.vector_store %arg11[%parallel_loop3A_765], %parallel_loop3A_762 {strides = array<i32>} : memref<38912xf32, #tpu.memory_space<vmem>>, vector<16xf32>,
        %parallel_loop3A_767 = arith.constant 944 : i32
        %parallel_loop3A_768 = arith.addi %parallel_loop3A_232, %parallel_loop3A_767 : i32
        %parallel_loop3A_769 = arith.index_cast %parallel_loop3A_768 : i32 to index
        %parallel_loop3A_770 = tpu.vector_load %arg7[%parallel_loop3A_769] {strides = array<i32>} : memref<24576xf32, #tpu.memory_space<vmem>>, vector<16xf32>,
        %parallel_loop3A_771 = arith.mulf %parallel_loop3A_770, %parallel_loop3A_229 : vector<16xf32>
        %parallel_loop3A_772 = arith.constant 944 : i32
        %parallel_loop3A_773 = arith.addi %parallel_loop3A_235, %parallel_loop3A_772 : i32
        %parallel_loop3A_774 = arith.index_cast %parallel_loop3A_773 : i32 to index
        %parallel_loop3A_775 = tpu.vector_load %arg11[%parallel_loop3A_774] {strides = array<i32>} : memref<38912xf32, #tpu.memory_space<vmem>>, vector<16xf32>,
        tpu.vector_store %arg11[%parallel_loop3A_774], %parallel_loop3A_771 {strides = array<i32>} : memref<38912xf32, #tpu.memory_space<vmem>>, vector<16xf32>,
        %parallel_loop3A_776 = arith.constant 960 : i32
        %parallel_loop3A_777 = arith.addi %parallel_loop3A_232, %parallel_loop3A_776 : i32
        %parallel_loop3A_778 = arith.index_cast %parallel_loop3A_777 : i32 to index
        %parallel_loop3A_779 = tpu.vector_load %arg7[%parallel_loop3A_778] {strides = array<i32>} : memref<24576xf32, #tpu.memory_space<vmem>>, vector<16xf32>,
        %parallel_loop3A_780 = arith.mulf %parallel_loop3A_779, %parallel_loop3A_229 : vector<16xf32>
        %parallel_loop3A_781 = arith.constant 960 : i32
        %parallel_loop3A_782 = arith.addi %parallel_loop3A_235, %parallel_loop3A_781 : i32
        %parallel_loop3A_783 = arith.index_cast %parallel_loop3A_782 : i32 to index
        %parallel_loop3A_784 = tpu.vector_load %arg11[%parallel_loop3A_783] {strides = array<i32>} : memref<38912xf32, #tpu.memory_space<vmem>>, vector<16xf32>,
        tpu.vector_store %arg11[%parallel_loop3A_783], %parallel_loop3A_780 {strides = array<i32>} : memref<38912xf32, #tpu.memory_space<vmem>>, vector<16xf32>,
        %parallel_loop3A_785 = arith.constant 976 : i32
        %parallel_loop3A_786 = arith.addi %parallel_loop3A_232, %parallel_loop3A_785 : i32
        %parallel_loop3A_787 = arith.index_cast %parallel_loop3A_786 : i32 to index
        %parallel_loop3A_788 = tpu.vector_load %arg7[%parallel_loop3A_787] {strides = array<i32>} : memref<24576xf32, #tpu.memory_space<vmem>>, vector<16xf32>,
        %parallel_loop3A_789 = arith.mulf %parallel_loop3A_788, %parallel_loop3A_229 : vector<16xf32>
        %parallel_loop3A_790 = arith.constant 976 : i32
        %parallel_loop3A_791 = arith.addi %parallel_loop3A_235, %parallel_loop3A_790 : i32
        %parallel_loop3A_792 = arith.index_cast %parallel_loop3A_791 : i32 to index
        %parallel_loop3A_793 = tpu.vector_load %arg11[%parallel_loop3A_792] {strides = array<i32>} : memref<38912xf32, #tpu.memory_space<vmem>>, vector<16xf32>,
        tpu.vector_store %arg11[%parallel_loop3A_792], %parallel_loop3A_789 {strides = array<i32>} : memref<38912xf32, #tpu.memory_space<vmem>>, vector<16xf32>,
        %parallel_loop3A_794 = arith.constant 992 : i32
        %parallel_loop3A_795 = arith.addi %parallel_loop3A_232, %parallel_loop3A_794 : i32
        %parallel_loop3A_796 = arith.index_cast %parallel_loop3A_795 : i32 to index
        %parallel_loop3A_797 = tpu.vector_load %arg7[%parallel_loop3A_796] {strides = array<i32>} : memref<24576xf32, #tpu.memory_space<vmem>>, vector<16xf32>,
        %parallel_loop3A_798 = arith.mulf %parallel_loop3A_797, %parallel_loop3A_229 : vector<16xf32>
        %parallel_loop3A_799 = arith.constant 992 : i32
        %parallel_loop3A_800 = arith.addi %parallel_loop3A_235, %parallel_loop3A_799 : i32
        %parallel_loop3A_801 = arith.index_cast %parallel_loop3A_800 : i32 to index
        %parallel_loop3A_802 = tpu.vector_load %arg11[%parallel_loop3A_801] {strides = array<i32>} : memref<38912xf32, #tpu.memory_space<vmem>>, vector<16xf32>,
        tpu.vector_store %arg11[%parallel_loop3A_801], %parallel_loop3A_798 {strides = array<i32>} : memref<38912xf32, #tpu.memory_space<vmem>>, vector<16xf32>,
        %parallel_loop3A_803 = arith.constant 1008 : i32
        %parallel_loop3A_804 = arith.addi %parallel_loop3A_232, %parallel_loop3A_803 : i32
        %parallel_loop3A_805 = arith.index_cast %parallel_loop3A_804 : i32 to index
        %parallel_loop3A_806 = tpu.vector_load %arg7[%parallel_loop3A_805] {strides = array<i32>} : memref<24576xf32, #tpu.memory_space<vmem>>, vector<16xf32>,
        %parallel_loop3A_807 = arith.mulf %parallel_loop3A_806, %parallel_loop3A_229 : vector<16xf32>
        %parallel_loop3A_808 = arith.constant 1008 : i32
        %parallel_loop3A_809 = arith.addi %parallel_loop3A_235, %parallel_loop3A_808 : i32
        %parallel_loop3A_810 = arith.index_cast %parallel_loop3A_809 : i32 to index
        %parallel_loop3A_811 = tpu.vector_load %arg11[%parallel_loop3A_810] {strides = array<i32>} : memref<38912xf32, #tpu.memory_space<vmem>>, vector<16xf32>,
        tpu.vector_store %arg11[%parallel_loop3A_810], %parallel_loop3A_807 {strides = array<i32>} : memref<38912xf32, #tpu.memory_space<vmem>>, vector<16xf32>,
      } {sc.loop_unroll_factor = 1 : i64, sc.parallel_access}
      %lt3A_138 = arith.constant 31 : i32
      %lt3A_139 = arith.cmpi slt, %add3A, %lt3A_138 : i32
      %convert_element_type3A_140 = arith.extui %lt3A_139 : i1 to i32
      %cond3A_141 = arith.constant 0 : i32
      %cond3A_142 = arith.cmpi ne, %convert_element_type3A_140, %cond3A_141 : i32
      scf.if %cond3A_142 {
        %mul3A_148 = arith.constant 1024 : i32
        %mul3A_149 = arith.muli %mul3A_2, %mul3A_148 : i32
        %dma_wait3A_150 = arith.constant 0 : i32
        %dma_wait3A_151 = tpu.memref_slice %arg11[%dma_wait3A_150] : memref<38912xf32, #tpu.memory_space<vmem>> -> memref<20480xf32, #tpu.memory_space<vmem>>
        %dma_wait3A_152 = tpu.memref_slice %arg5[%mul3A_149] : memref<1218560xf32, #tpu.memory_space<hbm>> -> memref<20480xf32, #tpu.memory_space<hbm>>
        %dma_wait3A_153 = tpu.memref_slice %arg5[%mul3A_149] : memref<1218560xf32, #tpu.memory_space<hbm>> -> memref<20480xf32, #tpu.memory_space<hbm>>
        %dma_wait3A_154 = arith.constant 0 : i32
        %dma_wait3A_155 = tpu.memref_slice %arg11[%dma_wait3A_154] : memref<38912xf32, #tpu.memory_space<vmem>> -> memref<20480xf32, #tpu.memory_space<vmem>>
        tpu.wait_dma2 semaphore(%arg6 : memref<!tpu.dma_semaphore, #tpu.memory_space<semaphore_mem>>) src(%dma_wait3A_155 : memref<20480xf32, #tpu.memory_space<vmem>>) dst(%dma_wait3A_153 : memref<20480xf32, #tpu.memory_space<hbm>>)
        %add3A_156 = arith.constant 20 : i32
        %add3A_157 = arith.addi %mul3A_2, %add3A_156 : i32
        %mul3A_158 = arith.constant 1024 : i32
        %mul3A_159 = arith.muli %add3A_157, %mul3A_158 : i32
        "tpu.region"() ({
          %run_scoped3A = tpu.sem_alloc : memref<!tpu.dma_semaphore, #tpu.memory_space<semaphore_mem>>
          %dma_start3A_160 = arith.constant 20480 : i32
          %dma_start3A_161 = tpu.memref_slice %arg11[%dma_start3A_160] : memref<38912xf32, #tpu.memory_space<vmem>> -> memref<18432xf32, #tpu.memory_space<vmem>>
          %dma_start3A_162 = tpu.memref_slice %arg5[%mul3A_159] : memref<1218560xf32, #tpu.memory_space<hbm>> -> memref<18432xf32, #tpu.memory_space<hbm>>
          %dma_start3A_163 = tpu.memref_slice %arg5[%mul3A_159] : memref<1218560xf32, #tpu.memory_space<hbm>> -> memref<18432xf32, #tpu.memory_space<hbm>>
          %dma_start3A_164 = arith.constant 20480 : i32
          %dma_start3A_165 = tpu.memref_slice %arg11[%dma_start3A_164] : memref<38912xf32, #tpu.memory_space<vmem>> -> memref<18432xf32, #tpu.memory_space<vmem>>
          tpu.enqueue_dma source(%dma_start3A_165 : memref<18432xf32, #tpu.memory_space<vmem>>) target(%dma_start3A_163 : memref<18432xf32, #tpu.memory_space<hbm>>) target_semaphore(%run_scoped3A : memref<!tpu.dma_semaphore, #tpu.memory_space<semaphore_mem>>)
          %dma_wait3A_166 = arith.constant 20480 : i32
          %dma_wait3A_167 = tpu.memref_slice %arg11[%dma_wait3A_166] : memref<38912xf32, #tpu.memory_space<vmem>> -> memref<18432xf32, #tpu.memory_space<vmem>>
          %dma_wait3A_168 = tpu.memref_slice %arg5[%mul3A_159] : memref<1218560xf32, #tpu.memory_space<hbm>> -> memref<18432xf32, #tpu.memory_space<hbm>>
          %dma_wait3A_169 = tpu.memref_slice %arg5[%mul3A_159] : memref<1218560xf32, #tpu.memory_space<hbm>> -> memref<18432xf32, #tpu.memory_space<hbm>>
          %dma_wait3A_170 = arith.constant 20480 : i32
          %dma_wait3A_171 = tpu.memref_slice %arg11[%dma_wait3A_170] : memref<38912xf32, #tpu.memory_space<vmem>> -> memref<18432xf32, #tpu.memory_space<vmem>>
          tpu.wait_dma2 semaphore(%run_scoped3A : memref<!tpu.dma_semaphore, #tpu.memory_space<semaphore_mem>>) src(%dma_wait3A_171 : memref<18432xf32, #tpu.memory_space<vmem>>) dst(%dma_wait3A_169 : memref<18432xf32, #tpu.memory_space<hbm>>)
          tpu.yield
        }) : () -> ()
      } else {
      }
      %eq3A_143 = arith.constant 31 : i32
      %eq3A_144 = arith.cmpi eq, %add3A, %eq3A_143 : i32
      %convert_element_type3A_145 = arith.extui %eq3A_144 : i1 to i32
      %cond3A_146 = arith.constant 0 : i32
      %cond3A_147 = arith.cmpi ne, %convert_element_type3A_145, %cond3A_146 : i32
      scf.if %cond3A_147 {
        %mul3A_148 = arith.constant 1024 : i32
        %mul3A_149 = arith.muli %mul3A_2, %mul3A_148 : i32
        "tpu.region"() ({
          %run_scoped3A = tpu.sem_alloc : memref<!tpu.dma_semaphore, #tpu.memory_space<semaphore_mem>>
          %dma_start3A_150 = arith.constant 0 : i32
          %dma_start3A_151 = tpu.memref_slice %arg11[%dma_start3A_150] : memref<38912xf32, #tpu.memory_space<vmem>> -> memref<12288xf32, #tpu.memory_space<vmem>>
          %dma_start3A_152 = tpu.memref_slice %arg5[%mul3A_149] : memref<1218560xf32, #tpu.memory_space<hbm>> -> memref<12288xf32, #tpu.memory_space<hbm>>
          %dma_start3A_153 = tpu.memref_slice %arg5[%mul3A_149] : memref<1218560xf32, #tpu.memory_space<hbm>> -> memref<12288xf32, #tpu.memory_space<hbm>>
          %dma_start3A_154 = arith.constant 0 : i32
          %dma_start3A_155 = tpu.memref_slice %arg11[%dma_start3A_154] : memref<38912xf32, #tpu.memory_space<vmem>> -> memref<12288xf32, #tpu.memory_space<vmem>>
          tpu.enqueue_dma source(%dma_start3A_155 : memref<12288xf32, #tpu.memory_space<vmem>>) target(%dma_start3A_153 : memref<12288xf32, #tpu.memory_space<hbm>>) target_semaphore(%run_scoped3A : memref<!tpu.dma_semaphore, #tpu.memory_space<semaphore_mem>>)
          %dma_wait3A_156 = arith.constant 0 : i32
          %dma_wait3A_157 = tpu.memref_slice %arg11[%dma_wait3A_156] : memref<38912xf32, #tpu.memory_space<vmem>> -> memref<12288xf32, #tpu.memory_space<vmem>>
          %dma_wait3A_158 = tpu.memref_slice %arg5[%mul3A_149] : memref<1218560xf32, #tpu.memory_space<hbm>> -> memref<12288xf32, #tpu.memory_space<hbm>>
          %dma_wait3A_159 = tpu.memref_slice %arg5[%mul3A_149] : memref<1218560xf32, #tpu.memory_space<hbm>> -> memref<12288xf32, #tpu.memory_space<hbm>>
          %dma_wait3A_160 = arith.constant 0 : i32
          %dma_wait3A_161 = tpu.memref_slice %arg11[%dma_wait3A_160] : memref<38912xf32, #tpu.memory_space<vmem>> -> memref<12288xf32, #tpu.memory_space<vmem>>
          tpu.wait_dma2 semaphore(%run_scoped3A : memref<!tpu.dma_semaphore, #tpu.memory_space<semaphore_mem>>) src(%dma_wait3A_161 : memref<12288xf32, #tpu.memory_space<vmem>>) dst(%dma_wait3A_159 : memref<12288xf32, #tpu.memory_space<hbm>>)
          tpu.yield
        }) : () -> ()
      } else {
      }
    } else {
    }
    %not3A = arith.constant true
    %not3A_87 = arith.xori %eq3A_85, %not3A : i1
    %convert_element_type3A_88 = arith.extui %not3A_87 : i1 to i32
    %cond3A_89 = arith.constant 0 : i32
    %cond3A_90 = arith.cmpi ne, %convert_element_type3A_88, %cond3A_89 : i32
    scf.if %cond3A_90 {
      %jit3A_91 = arith.constant 16 : i32
      %div3A_92 = arith.divsi %mul3A_2, %jit3A_91 : i32
      %sign3A_93 = arith.constant 0 : i32
      %sign3A_94 = arith.cmpi sgt, %mul3A_2, %sign3A_93 : i32
      %sign3A_95 = arith.extui %sign3A_94 : i1 to i32
      %sign3A_96 = arith.constant 0 : i32
      %sign3A_97 = arith.cmpi slt, %mul3A_2, %sign3A_96 : i32
      %sign3A_98 = arith.extui %sign3A_97 : i1 to i32
      %sign3A_99 = arith.subi %sign3A_95, %sign3A_98 : i32
      %sign3A_100 = arith.constant 0 : i32
      %sign3A_101 = arith.cmpi sgt, %jit3A_91, %sign3A_100 : i32
      %sign3A_102 = arith.extui %sign3A_101 : i1 to i32
      %sign3A_103 = arith.constant 0 : i32
      %sign3A_104 = arith.cmpi slt, %jit3A_91, %sign3A_103 : i32
      %sign3A_105 = arith.extui %sign3A_104 : i1 to i32
      %sign3A_106 = arith.subi %sign3A_102, %sign3A_105 : i32
      %ne3A_107 = arith.cmpi ne, %sign3A_99, %sign3A_106 : i32
      %rem3A_108 = arith.remsi %mul3A_2, %jit3A_91 : i32
      %ne3A_109 = arith.constant 0 : i32
      %ne3A_110 = arith.cmpi ne, %rem3A_108, %ne3A_109 : i32
      %and3A_111 = arith.andi %ne3A_107, %ne3A_110 : i1
      %sub3A_112 = arith.constant 1 : i32
      %sub3A_113 = arith.subi %div3A_92, %sub3A_112 : i32
      %select_n3A_114 = arith.select %and3A_111, %sub3A_113, %div3A_92 : i32
      %add3A_115 = arith.constant 38 : i32
      %add3A_116 = arith.addi %mul3A_2, %add3A_115 : i32
      %min3A_117 = arith.constant 1190 : i32
      %min3A_118 = arith.minsi %add3A_116, %min3A_117 : i32
      %scan3A_119 = arith.constant 0 : i32
      %scan3A_120 = arith.constant 0 : i32
      %scan3A_121 = arith.constant 8 : i32
      %scan3A_122 = arith.addi %scan3A_120, %scan3A_121 : i32
      %scan3A_123 = arith.constant 1 : i32
      scf.for %scan3A_135 = %scan3A_120 to %scan3A_122 step %scan3A_123  : i32 {
        %mul3A_136 = arith.constant 128 : i32
        %mul3A_137 = arith.muli %scan3A_135, %mul3A_136 : i32
        "tpu.region"() ({
          %run_scoped3A = tpu.sem_alloc : memref<!tpu.dma_semaphore, #tpu.memory_space<semaphore_mem>>
          %dma_start3A_144 = arith.constant 0 : i32
          %dma_start3A_145 = tpu.memref_slice %arg4[%dma_start3A_144, %mul3A_137] : memref<120x1024xf32, #tpu.memory_space<hbm>> -> memref<120x128xf32, #tpu.memory_space<hbm>>
          %dma_start3A_146 = arith.constant 0 : i32
          %dma_start3A_147 = tpu.memref_slice %arg4[%dma_start3A_146, %mul3A_137] : memref<120x1024xf32, #tpu.memory_space<hbm>> -> memref<120x128xf32, #tpu.memory_space<hbm>>
          tpu.enqueue_dma source(%dma_start3A_147 : memref<120x128xf32, #tpu.memory_space<hbm>>) target(%arg12 : memref<120x128xf32, #tpu.memory_space<vmem>>) target_semaphore(%run_scoped3A : memref<!tpu.dma_semaphore, #tpu.memory_space<semaphore_mem>>)
          %dma_wait3A_148 = arith.constant 0 : i32
          %dma_wait3A_149 = tpu.memref_slice %arg4[%dma_wait3A_148, %mul3A_137] : memref<120x1024xf32, #tpu.memory_space<hbm>> -> memref<120x128xf32, #tpu.memory_space<hbm>>
          %dma_wait3A_150 = arith.constant 0 : i32
          %dma_wait3A_151 = tpu.memref_slice %arg4[%dma_wait3A_150, %mul3A_137] : memref<120x1024xf32, #tpu.memory_space<hbm>> -> memref<120x128xf32, #tpu.memory_space<hbm>>
          tpu.wait_dma2 semaphore(%run_scoped3A : memref<!tpu.dma_semaphore, #tpu.memory_space<semaphore_mem>>) src(%dma_wait3A_151 : memref<120x128xf32, #tpu.memory_space<hbm>>) dst(%arg12 : memref<120x128xf32, #tpu.memory_space<vmem>>)
          tpu.yield
        }) : () -> ()
        %scan3A_138 = arith.constant 0 : i32
        %scan3A_139 = arith.constant 0 : i32
        %scan3A_140 = arith.constant 128 : i32
        %scan3A_141 = arith.addi %scan3A_139, %scan3A_140 : i32
        %scan3A_142 = arith.constant 1 : i32
        scf.for %scan3A_144 = %scan3A_139 to %scan3A_141 step %scan3A_142  : i32 {
          %mul3A_145 = arith.constant 128 : i32
          %mul3A_146 = arith.muli %scan3A_135, %mul3A_145 : i32
          %add3A_147 = arith.addi %mul3A_146, %scan3A_144 : i32
          %broadcast_in_dim3A_148 = arith.constant 0.000000e+00 : f32
          %broadcast_in_dim3A_149 = vector.broadcast %broadcast_in_dim3A_148 : f32 to vector<16xf32>
          %scan3A_150 = arith.constant 0 : i32
          %scan3A_151 = arith.constant 0 : i32
          %scan3A_152 = arith.constant 75 : i32
          %scan3A_153 = arith.addi %scan3A_151, %scan3A_152 : i32
          %scan3A_154 = arith.constant 1 : i32
          scf.for %scan3A_169 = %scan3A_151 to %scan3A_153 step %scan3A_154  : i32 {
            %mul3A_170 = arith.constant 16 : i32
            %mul3A_171 = arith.muli %scan3A_169, %mul3A_170 : i32
            %add3A_172 = vector.broadcast %mul3A_171 : i32 to vector<16xi32>
            %add3A_173 = arith.addi %iota3A, %add3A_172 : vector<16xi32>
            %jit3A_174 = arith.constant 7 : i32
            %div3A_175 = vector.broadcast %jit3A_174 : i32 to vector<16xi32>
            %div3A_176 = arith.divsi %add3A_173, %div3A_175 : vector<16xi32>
            %sign3A_177 = arith.constant 0 : i32
            %sign3A_178 = vector.broadcast %sign3A_177 : i32 to vector<16xi32>
            %sign3A_179 = arith.cmpi sgt, %add3A_173, %sign3A_178 : vector<16xi32>
            %sign3A_180 = arith.extui %sign3A_179 : vector<16xi1> to vector<16xi32>
            %sign3A_181 = arith.constant 0 : i32
            %sign3A_182 = vector.broadcast %sign3A_181 : i32 to vector<16xi32>
            %sign3A_183 = arith.cmpi slt, %add3A_173, %sign3A_182 : vector<16xi32>
            %sign3A_184 = arith.extui %sign3A_183 : vector<16xi1> to vector<16xi32>
            %sign3A_185 = arith.subi %sign3A_180, %sign3A_184 : vector<16xi32>
            %sign3A_186 = arith.constant 0 : i32
            %sign3A_187 = arith.cmpi sgt, %jit3A_174, %sign3A_186 : i32
            %sign3A_188 = arith.extui %sign3A_187 : i1 to i32
            %sign3A_189 = arith.constant 0 : i32
            %sign3A_190 = arith.cmpi slt, %jit3A_174, %sign3A_189 : i32
            %sign3A_191 = arith.extui %sign3A_190 : i1 to i32
            %sign3A_192 = arith.subi %sign3A_188, %sign3A_191 : i32
            %ne3A_193 = vector.broadcast %sign3A_192 : i32 to vector<16xi32>
            %ne3A_194 = arith.cmpi ne, %sign3A_185, %ne3A_193 : vector<16xi32>
            %rem3A_195 = vector.broadcast %jit3A_174 : i32 to vector<16xi32>
            %rem3A_196 = arith.remsi %add3A_173, %rem3A_195 : vector<16xi32>
            %ne3A_197 = arith.constant 0 : i32
            %ne3A_198 = vector.broadcast %ne3A_197 : i32 to vector<16xi32>
            %ne3A_199 = arith.cmpi ne, %rem3A_196, %ne3A_198 : vector<16xi32>
            %and3A_200 = arith.andi %ne3A_194, %ne3A_199 : vector<16xi1>
            %sub3A_201 = arith.constant 1 : i32
            %sub3A_202 = vector.broadcast %sub3A_201 : i32 to vector<16xi32>
            %sub3A_203 = arith.subi %div3A_176, %sub3A_202 : vector<16xi32>
            %select_n3A_204 = arith.select %and3A_200, %sub3A_203, %div3A_176 : vector<16xi1>, vector<16xi32>
            %mul3A_205 = arith.constant 7 : i32
            %mul3A_206 = vector.broadcast %mul3A_205 : i32 to vector<16xi32>
            %mul3A_207 = arith.muli %select_n3A_204, %mul3A_206 : vector<16xi32>
            %sub3A_208 = arith.subi %add3A_173, %mul3A_207 : vector<16xi32>
            %gather3A = tpu.vector_load_idx %arg9[%select_n3A_204] : memref<176xi32, #tpu.memory_space<vmem>>[vector<16xi32>], vector<16xi32>,
            %mul3A_209 = arith.constant 7 : i32
            %mul3A_210 = vector.broadcast %mul3A_209 : i32 to vector<16xi32>
            %mul3A_211 = arith.muli %gather3A, %mul3A_210 : vector<16xi32>
            %add3A_212 = arith.addi %mul3A_211, %sub3A_208 : vector<16xi32>
            %jit3A_213 = arith.constant 10 : i32
            %div3A_214 = vector.broadcast %jit3A_213 : i32 to vector<16xi32>
            %div3A_215 = arith.divsi %select_n3A_204, %div3A_214 : vector<16xi32>
            %sign3A_216 = arith.constant 0 : i32
            %sign3A_217 = vector.broadcast %sign3A_216 : i32 to vector<16xi32>
            %sign3A_218 = arith.cmpi sgt, %select_n3A_204, %sign3A_217 : vector<16xi32>
            %sign3A_219 = arith.extui %sign3A_218 : vector<16xi1> to vector<16xi32>
            %sign3A_220 = arith.constant 0 : i32
            %sign3A_221 = vector.broadcast %sign3A_220 : i32 to vector<16xi32>
            %sign3A_222 = arith.cmpi slt, %select_n3A_204, %sign3A_221 : vector<16xi32>
            %sign3A_223 = arith.extui %sign3A_222 : vector<16xi1> to vector<16xi32>
            %sign3A_224 = arith.subi %sign3A_219, %sign3A_223 : vector<16xi32>
            %sign3A_225 = arith.constant 0 : i32
            %sign3A_226 = arith.cmpi sgt, %jit3A_213, %sign3A_225 : i32
            %sign3A_227 = arith.extui %sign3A_226 : i1 to i32
            %sign3A_228 = arith.constant 0 : i32
            %sign3A_229 = arith.cmpi slt, %jit3A_213, %sign3A_228 : i32
            %sign3A_230 = arith.extui %sign3A_229 : i1 to i32
            %sign3A_231 = arith.subi %sign3A_227, %sign3A_230 : i32
            %ne3A_232 = vector.broadcast %sign3A_231 : i32 to vector<16xi32>
            %ne3A_233 = arith.cmpi ne, %sign3A_224, %ne3A_232 : vector<16xi32>
            %rem3A_234 = vector.broadcast %jit3A_213 : i32 to vector<16xi32>
            %rem3A_235 = arith.remsi %select_n3A_204, %rem3A_234 : vector<16xi32>
            %ne3A_236 = arith.constant 0 : i32
            %ne3A_237 = vector.broadcast %ne3A_236 : i32 to vector<16xi32>
            %ne3A_238 = arith.cmpi ne, %rem3A_235, %ne3A_237 : vector<16xi32>
            %and3A_239 = arith.andi %ne3A_233, %ne3A_238 : vector<16xi1>
            %sub3A_240 = arith.constant 1 : i32
            %sub3A_241 = vector.broadcast %sub3A_240 : i32 to vector<16xi32>
            %sub3A_242 = arith.subi %div3A_215, %sub3A_241 : vector<16xi32>
            %select_n3A_243 = arith.select %and3A_239, %sub3A_242, %div3A_215 : vector<16xi1>, vector<16xi32>
            %mul3A_244 = arith.constant 7 : i32
            %mul3A_245 = vector.broadcast %mul3A_244 : i32 to vector<16xi32>
            %mul3A_246 = arith.muli %select_n3A_243, %mul3A_245 : vector<16xi32>
            %add3A_247 = arith.addi %mul3A_246, %sub3A_208 : vector<16xi32>
            %add3A_248 = arith.constant 352 : i32
            %add3A_249 = vector.broadcast %add3A_248 : i32 to vector<16xi32>
            %add3A_250 = arith.addi %add3A_249, %select_n3A_204 : vector<16xi32>
            %gather3A_251 = tpu.vector_load_idx %arg8[%add3A_250] : memref<544xi32, #tpu.memory_space<vmem>>[vector<16xi32>], vector<16xi32>,
            %bitcast3A = vector.bitcast %gather3A_251 : vector<16xi32> to vector<16xf32>
            tpu.vector_store_idx %arg10[%add3A_212], %broadcast_in_dim3A_149 : memref<38480xf32, #tpu.memory_space<vmem>>[vector<16xi32>], vector<16xf32>,
          }
          %scan3A_155 = arith.constant 75 : i32
          %broadcast_in_dim3A_156 = vector.broadcast %scan3A_144 : i32 to vector<16xi32>
          %scan3A_157 = arith.constant 0 : i32
          %scan3A_158 = arith.constant 0 : i32
          %scan3A_159 = arith.constant 75 : i32
          %scan3A_160 = arith.addi %scan3A_158, %scan3A_159 : i32
          %scan3A_161 = arith.constant 1 : i32
          scf.for %scan3A_169 = %scan3A_158 to %scan3A_160 step %scan3A_161  : i32 {
            %mul3A_170 = arith.constant 16 : i32
            %mul3A_171 = arith.muli %scan3A_169, %mul3A_170 : i32
            %add3A_172 = vector.broadcast %mul3A_171 : i32 to vector<16xi32>
            %add3A_173 = arith.addi %iota3A, %add3A_172 : vector<16xi32>
            %jit3A_174 = arith.constant 7 : i32
            %div3A_175 = vector.broadcast %jit3A_174 : i32 to vector<16xi32>
            %div3A_176 = arith.divsi %add3A_173, %div3A_175 : vector<16xi32>
            %sign3A_177 = arith.constant 0 : i32
            %sign3A_178 = vector.broadcast %sign3A_177 : i32 to vector<16xi32>
            %sign3A_179 = arith.cmpi sgt, %add3A_173, %sign3A_178 : vector<16xi32>
            %sign3A_180 = arith.extui %sign3A_179 : vector<16xi1> to vector<16xi32>
            %sign3A_181 = arith.constant 0 : i32
            %sign3A_182 = vector.broadcast %sign3A_181 : i32 to vector<16xi32>
            %sign3A_183 = arith.cmpi slt, %add3A_173, %sign3A_182 : vector<16xi32>
            %sign3A_184 = arith.extui %sign3A_183 : vector<16xi1> to vector<16xi32>
            %sign3A_185 = arith.subi %sign3A_180, %sign3A_184 : vector<16xi32>
            %sign3A_186 = arith.constant 0 : i32
            %sign3A_187 = arith.cmpi sgt, %jit3A_174, %sign3A_186 : i32
            %sign3A_188 = arith.extui %sign3A_187 : i1 to i32
            %sign3A_189 = arith.constant 0 : i32
            %sign3A_190 = arith.cmpi slt, %jit3A_174, %sign3A_189 : i32
            %sign3A_191 = arith.extui %sign3A_190 : i1 to i32
            %sign3A_192 = arith.subi %sign3A_188, %sign3A_191 : i32
            %ne3A_193 = vector.broadcast %sign3A_192 : i32 to vector<16xi32>
            %ne3A_194 = arith.cmpi ne, %sign3A_185, %ne3A_193 : vector<16xi32>
            %rem3A_195 = vector.broadcast %jit3A_174 : i32 to vector<16xi32>
            %rem3A_196 = arith.remsi %add3A_173, %rem3A_195 : vector<16xi32>
            %ne3A_197 = arith.constant 0 : i32
            %ne3A_198 = vector.broadcast %ne3A_197 : i32 to vector<16xi32>
            %ne3A_199 = arith.cmpi ne, %rem3A_196, %ne3A_198 : vector<16xi32>
            %and3A_200 = arith.andi %ne3A_194, %ne3A_199 : vector<16xi1>
            %sub3A_201 = arith.constant 1 : i32
            %sub3A_202 = vector.broadcast %sub3A_201 : i32 to vector<16xi32>
            %sub3A_203 = arith.subi %div3A_176, %sub3A_202 : vector<16xi32>
            %select_n3A_204 = arith.select %and3A_200, %sub3A_203, %div3A_176 : vector<16xi1>, vector<16xi32>
            %mul3A_205 = arith.constant 7 : i32
            %mul3A_206 = vector.broadcast %mul3A_205 : i32 to vector<16xi32>
            %mul3A_207 = arith.muli %select_n3A_204, %mul3A_206 : vector<16xi32>
            %sub3A_208 = arith.subi %add3A_173, %mul3A_207 : vector<16xi32>
            %gather3A = tpu.vector_load_idx %arg9[%select_n3A_204] : memref<176xi32, #tpu.memory_space<vmem>>[vector<16xi32>], vector<16xi32>,
            %mul3A_209 = arith.constant 7 : i32
            %mul3A_210 = vector.broadcast %mul3A_209 : i32 to vector<16xi32>
            %mul3A_211 = arith.muli %gather3A, %mul3A_210 : vector<16xi32>
            %add3A_212 = arith.addi %mul3A_211, %sub3A_208 : vector<16xi32>
            %jit3A_213 = arith.constant 10 : i32
            %div3A_214 = vector.broadcast %jit3A_213 : i32 to vector<16xi32>
            %div3A_215 = arith.divsi %select_n3A_204, %div3A_214 : vector<16xi32>
            %sign3A_216 = arith.constant 0 : i32
            %sign3A_217 = vector.broadcast %sign3A_216 : i32 to vector<16xi32>
            %sign3A_218 = arith.cmpi sgt, %select_n3A_204, %sign3A_217 : vector<16xi32>
            %sign3A_219 = arith.extui %sign3A_218 : vector<16xi1> to vector<16xi32>
            %sign3A_220 = arith.constant 0 : i32
            %sign3A_221 = vector.broadcast %sign3A_220 : i32 to vector<16xi32>
            %sign3A_222 = arith.cmpi slt, %select_n3A_204, %sign3A_221 : vector<16xi32>
            %sign3A_223 = arith.extui %sign3A_222 : vector<16xi1> to vector<16xi32>
            %sign3A_224 = arith.subi %sign3A_219, %sign3A_223 : vector<16xi32>
            %sign3A_225 = arith.constant 0 : i32
            %sign3A_226 = arith.cmpi sgt, %jit3A_213, %sign3A_225 : i32
            %sign3A_227 = arith.extui %sign3A_226 : i1 to i32
            %sign3A_228 = arith.constant 0 : i32
            %sign3A_229 = arith.cmpi slt, %jit3A_213, %sign3A_228 : i32
            %sign3A_230 = arith.extui %sign3A_229 : i1 to i32
            %sign3A_231 = arith.subi %sign3A_227, %sign3A_230 : i32
            %ne3A_232 = vector.broadcast %sign3A_231 : i32 to vector<16xi32>
            %ne3A_233 = arith.cmpi ne, %sign3A_224, %ne3A_232 : vector<16xi32>
            %rem3A_234 = vector.broadcast %jit3A_213 : i32 to vector<16xi32>
            %rem3A_235 = arith.remsi %select_n3A_204, %rem3A_234 : vector<16xi32>
            %ne3A_236 = arith.constant 0 : i32
            %ne3A_237 = vector.broadcast %ne3A_236 : i32 to vector<16xi32>
            %ne3A_238 = arith.cmpi ne, %rem3A_235, %ne3A_237 : vector<16xi32>
            %and3A_239 = arith.andi %ne3A_233, %ne3A_238 : vector<16xi1>
            %sub3A_240 = arith.constant 1 : i32
            %sub3A_241 = vector.broadcast %sub3A_240 : i32 to vector<16xi32>
            %sub3A_242 = arith.subi %div3A_215, %sub3A_241 : vector<16xi32>
            %select_n3A_243 = arith.select %and3A_239, %sub3A_242, %div3A_215 : vector<16xi1>, vector<16xi32>
            %mul3A_244 = arith.constant 7 : i32
            %mul3A_245 = vector.broadcast %mul3A_244 : i32 to vector<16xi32>
            %mul3A_246 = arith.muli %select_n3A_243, %mul3A_245 : vector<16xi32>
            %add3A_247 = arith.addi %mul3A_246, %sub3A_208 : vector<16xi32>
            %add3A_248 = arith.constant 352 : i32
            %add3A_249 = vector.broadcast %add3A_248 : i32 to vector<16xi32>
            %add3A_250 = arith.addi %add3A_249, %select_n3A_204 : vector<16xi32>
            %gather3A_251 = tpu.vector_load_idx %arg8[%add3A_250] : memref<544xi32, #tpu.memory_space<vmem>>[vector<16xi32>], vector<16xi32>,
            %bitcast3A = vector.bitcast %gather3A_251 : vector<16xi32> to vector<16xf32>
            %gather3A_252 = tpu.vector_load_idx %arg12[%add3A_247, %broadcast_in_dim3A_156] : memref<120x128xf32, #tpu.memory_space<vmem>>[vector<16xi32>, vector<16xi32>], vector<16xf32>,
            %mul3A_253 = arith.mulf %gather3A_252, %bitcast3A : vector<16xf32>
            tpu.vector_store_idx %arg10[%add3A_212], %mul3A_253 {add = true} : memref<38480xf32, #tpu.memory_space<vmem>>[vector<16xi32>], vector<16xf32>,
          }
          %scan3A_162 = arith.constant 75 : i32
          %scan3A_163 = arith.constant 0 : i32
          %scan3A_164 = arith.constant 0 : i32
          %scan3A_165 = arith.constant 4 : i32
          %scan3A_166 = arith.addi %scan3A_164, %scan3A_165 : i32
          %scan3A_167 = arith.constant 1 : i32
          scf.for %scan3A_169 = %scan3A_164 to %scan3A_166 step %scan3A_167  : i32 {
            %add3A_170 = arith.addi %select_n3A_114, %scan3A_169 : i32
            %mul3A_171 = arith.constant 16 : i32
            %mul3A_172 = arith.muli %add3A_170, %mul3A_171 : i32
            %add3A_173 = vector.broadcast %mul3A_172 : i32 to vector<16xi32>
            %add3A_174 = arith.addi %iota3A, %add3A_173 : vector<16xi32>
            %add3A_175 = vector.broadcast %mul3A_172 : i32 to vector<16xi32>
            %add3A_176 = arith.addi %iota3A, %add3A_175 : vector<16xi32>
            %jit3A_177 = arith.constant 7 : i32
            %div3A_178 = vector.broadcast %jit3A_177 : i32 to vector<16xi32>
            %div3A_179 = arith.divsi %add3A_176, %div3A_178 : vector<16xi32>
            %sign3A_180 = arith.constant 0 : i32
            %sign3A_181 = vector.broadcast %sign3A_180 : i32 to vector<16xi32>
            %sign3A_182 = arith.cmpi sgt, %add3A_176, %sign3A_181 : vector<16xi32>
            %sign3A_183 = arith.extui %sign3A_182 : vector<16xi1> to vector<16xi32>
            %sign3A_184 = arith.constant 0 : i32
            %sign3A_185 = vector.broadcast %sign3A_184 : i32 to vector<16xi32>
            %sign3A_186 = arith.cmpi slt, %add3A_176, %sign3A_185 : vector<16xi32>
            %sign3A_187 = arith.extui %sign3A_186 : vector<16xi1> to vector<16xi32>
            %sign3A_188 = arith.subi %sign3A_183, %sign3A_187 : vector<16xi32>
            %sign3A_189 = arith.constant 0 : i32
            %sign3A_190 = arith.cmpi sgt, %jit3A_177, %sign3A_189 : i32
            %sign3A_191 = arith.extui %sign3A_190 : i1 to i32
            %sign3A_192 = arith.constant 0 : i32
            %sign3A_193 = arith.cmpi slt, %jit3A_177, %sign3A_192 : i32
            %sign3A_194 = arith.extui %sign3A_193 : i1 to i32
            %sign3A_195 = arith.subi %sign3A_191, %sign3A_194 : i32
            %ne3A_196 = vector.broadcast %sign3A_195 : i32 to vector<16xi32>
            %ne3A_197 = arith.cmpi ne, %sign3A_188, %ne3A_196 : vector<16xi32>
            %rem3A_198 = vector.broadcast %jit3A_177 : i32 to vector<16xi32>
            %rem3A_199 = arith.remsi %add3A_176, %rem3A_198 : vector<16xi32>
            %ne3A_200 = arith.constant 0 : i32
            %ne3A_201 = vector.broadcast %ne3A_200 : i32 to vector<16xi32>
            %ne3A_202 = arith.cmpi ne, %rem3A_199, %ne3A_201 : vector<16xi32>
            %and3A_203 = arith.andi %ne3A_197, %ne3A_202 : vector<16xi1>
            %sub3A_204 = arith.constant 1 : i32
            %sub3A_205 = vector.broadcast %sub3A_204 : i32 to vector<16xi32>
            %sub3A_206 = arith.subi %div3A_179, %sub3A_205 : vector<16xi32>
            %select_n3A_207 = arith.select %and3A_203, %sub3A_206, %div3A_179 : vector<16xi1>, vector<16xi32>
            %mul3A_208 = arith.constant 7 : i32
            %mul3A_209 = vector.broadcast %mul3A_208 : i32 to vector<16xi32>
            %mul3A_210 = arith.muli %select_n3A_207, %mul3A_209 : vector<16xi32>
            %sub3A_211 = arith.subi %add3A_176, %mul3A_210 : vector<16xi32>
            %gather3A = tpu.vector_load_idx %arg9[%select_n3A_207] : memref<176xi32, #tpu.memory_space<vmem>>[vector<16xi32>], vector<16xi32>,
            %mul3A_212 = arith.constant 7 : i32
            %mul3A_213 = vector.broadcast %mul3A_212 : i32 to vector<16xi32>
            %mul3A_214 = arith.muli %gather3A, %mul3A_213 : vector<16xi32>
            %add3A_215 = arith.addi %mul3A_214, %sub3A_211 : vector<16xi32>
            %jit3A_216 = arith.constant 10 : i32
            %div3A_217 = vector.broadcast %jit3A_216 : i32 to vector<16xi32>
            %div3A_218 = arith.divsi %select_n3A_207, %div3A_217 : vector<16xi32>
            %sign3A_219 = arith.constant 0 : i32
            %sign3A_220 = vector.broadcast %sign3A_219 : i32 to vector<16xi32>
            %sign3A_221 = arith.cmpi sgt, %select_n3A_207, %sign3A_220 : vector<16xi32>
            %sign3A_222 = arith.extui %sign3A_221 : vector<16xi1> to vector<16xi32>
            %sign3A_223 = arith.constant 0 : i32
            %sign3A_224 = vector.broadcast %sign3A_223 : i32 to vector<16xi32>
            %sign3A_225 = arith.cmpi slt, %select_n3A_207, %sign3A_224 : vector<16xi32>
            %sign3A_226 = arith.extui %sign3A_225 : vector<16xi1> to vector<16xi32>
            %sign3A_227 = arith.subi %sign3A_222, %sign3A_226 : vector<16xi32>
            %sign3A_228 = arith.constant 0 : i32
            %sign3A_229 = arith.cmpi sgt, %jit3A_216, %sign3A_228 : i32
            %sign3A_230 = arith.extui %sign3A_229 : i1 to i32
            %sign3A_231 = arith.constant 0 : i32
            %sign3A_232 = arith.cmpi slt, %jit3A_216, %sign3A_231 : i32
            %sign3A_233 = arith.extui %sign3A_232 : i1 to i32
            %sign3A_234 = arith.subi %sign3A_230, %sign3A_233 : i32
            %ne3A_235 = vector.broadcast %sign3A_234 : i32 to vector<16xi32>
            %ne3A_236 = arith.cmpi ne, %sign3A_227, %ne3A_235 : vector<16xi32>
            %rem3A_237 = vector.broadcast %jit3A_216 : i32 to vector<16xi32>
            %rem3A_238 = arith.remsi %select_n3A_207, %rem3A_237 : vector<16xi32>
            %ne3A_239 = arith.constant 0 : i32
            %ne3A_240 = vector.broadcast %ne3A_239 : i32 to vector<16xi32>
            %ne3A_241 = arith.cmpi ne, %rem3A_238, %ne3A_240 : vector<16xi32>
            %and3A_242 = arith.andi %ne3A_236, %ne3A_241 : vector<16xi1>
            %sub3A_243 = arith.constant 1 : i32
            %sub3A_244 = vector.broadcast %sub3A_243 : i32 to vector<16xi32>
            %sub3A_245 = arith.subi %div3A_218, %sub3A_244 : vector<16xi32>
            %select_n3A_246 = arith.select %and3A_242, %sub3A_245, %div3A_218 : vector<16xi1>, vector<16xi32>
            %mul3A_247 = arith.constant 7 : i32
            %mul3A_248 = vector.broadcast %mul3A_247 : i32 to vector<16xi32>
            %mul3A_249 = arith.muli %select_n3A_246, %mul3A_248 : vector<16xi32>
            %add3A_250 = arith.addi %mul3A_249, %sub3A_211 : vector<16xi32>
            %add3A_251 = arith.constant 352 : i32
            %add3A_252 = vector.broadcast %add3A_251 : i32 to vector<16xi32>
            %add3A_253 = arith.addi %add3A_252, %select_n3A_207 : vector<16xi32>
            %gather3A_254 = tpu.vector_load_idx %arg8[%add3A_253] : memref<544xi32, #tpu.memory_space<vmem>>[vector<16xi32>], vector<16xi32>,
            %bitcast3A = vector.bitcast %gather3A_254 : vector<16xi32> to vector<16xf32>
            %gather3A_255 = tpu.vector_load_idx %arg10[%add3A_215] : memref<38480xf32, #tpu.memory_space<vmem>>[vector<16xi32>], vector<16xf32>,
            %ge3A = vector.broadcast %mul3A_2 : i32 to vector<16xi32>
            %ge3A_256 = arith.cmpi sge, %add3A_174, %ge3A : vector<16xi32>
            %lt3A_257 = vector.broadcast %min3A_118 : i32 to vector<16xi32>
            %lt3A_258 = arith.cmpi slt, %add3A_174, %lt3A_257 : vector<16xi32>
            %and3A_259 = arith.andi %ge3A_256, %lt3A_258 : vector<16xi1>
            %sub3A_260 = vector.broadcast %mul3A_2 : i32 to vector<16xi32>
            %sub3A_261 = arith.subi %add3A_174, %sub3A_260 : vector<16xi32>
            %mul3A_262 = arith.constant 1024 : i32
            %mul3A_263 = vector.broadcast %mul3A_262 : i32 to vector<16xi32>
            %mul3A_264 = arith.muli %sub3A_261, %mul3A_263 : vector<16xi32>
            %add3A_265 = vector.broadcast %add3A_147 : i32 to vector<16xi32>
            %add3A_266 = arith.addi %mul3A_264, %add3A_265 : vector<16xi32>
            tpu.vector_store_idx %arg11[%add3A_266], %gather3A_255 masked %and3A_259 : memref<38912xf32, #tpu.memory_space<vmem>>[vector<16xi32>], vector<16xf32>, vector<16xi1>
          }
          %scan3A_168 = arith.constant 4 : i32
        }
        %scan3A_143 = arith.constant 128 : i32
      }
      %scan3A_124 = arith.constant 8 : i32
      %lt3A_125 = arith.constant 31 : i32
      %lt3A_126 = arith.cmpi slt, %add3A, %lt3A_125 : i32
      %convert_element_type3A_127 = arith.extui %lt3A_126 : i1 to i32
      %cond3A_128 = arith.constant 0 : i32
      %cond3A_129 = arith.cmpi ne, %convert_element_type3A_127, %cond3A_128 : i32
      scf.if %cond3A_129 {
        %mul3A_135 = arith.constant 1024 : i32
        %mul3A_136 = arith.muli %mul3A_2, %mul3A_135 : i32
        "tpu.region"() ({
          %run_scoped3A = tpu.sem_alloc : memref<!tpu.dma_semaphore, #tpu.memory_space<semaphore_mem>>
          %dma_start3A_137 = tpu.memref_slice %arg5[%mul3A_136] : memref<1218560xf32, #tpu.memory_space<hbm>> -> memref<38912xf32, #tpu.memory_space<hbm>>
          %dma_start3A_138 = tpu.memref_slice %arg5[%mul3A_136] : memref<1218560xf32, #tpu.memory_space<hbm>> -> memref<38912xf32, #tpu.memory_space<hbm>>
          tpu.enqueue_dma source(%arg11 : memref<38912xf32, #tpu.memory_space<vmem>>) target(%dma_start3A_138 : memref<38912xf32, #tpu.memory_space<hbm>>) target_semaphore(%run_scoped3A : memref<!tpu.dma_semaphore, #tpu.memory_space<semaphore_mem>>)
          %dma_wait3A_139 = tpu.memref_slice %arg5[%mul3A_136] : memref<1218560xf32, #tpu.memory_space<hbm>> -> memref<38912xf32, #tpu.memory_space<hbm>>
          %dma_wait3A_140 = tpu.memref_slice %arg5[%mul3A_136] : memref<1218560xf32, #tpu.memory_space<hbm>> -> memref<38912xf32, #tpu.memory_space<hbm>>
          tpu.wait_dma2 semaphore(%run_scoped3A : memref<!tpu.dma_semaphore, #tpu.memory_space<semaphore_mem>>) src(%arg11 : memref<38912xf32, #tpu.memory_space<vmem>>) dst(%dma_wait3A_140 : memref<38912xf32, #tpu.memory_space<hbm>>)
          tpu.yield
        }) : () -> ()
      } else {
      }
      %eq3A_130 = arith.constant 31 : i32
      %eq3A_131 = arith.cmpi eq, %add3A, %eq3A_130 : i32
      %convert_element_type3A_132 = arith.extui %eq3A_131 : i1 to i32
      %cond3A_133 = arith.constant 0 : i32
      %cond3A_134 = arith.cmpi ne, %convert_element_type3A_132, %cond3A_133 : i32
      scf.if %cond3A_134 {
        %mul3A_135 = arith.constant 1024 : i32
        %mul3A_136 = arith.muli %mul3A_2, %mul3A_135 : i32
        "tpu.region"() ({
          %run_scoped3A = tpu.sem_alloc : memref<!tpu.dma_semaphore, #tpu.memory_space<semaphore_mem>>
          %dma_start3A_137 = arith.constant 0 : i32
          %dma_start3A_138 = tpu.memref_slice %arg11[%dma_start3A_137] : memref<38912xf32, #tpu.memory_space<vmem>> -> memref<12288xf32, #tpu.memory_space<vmem>>
          %dma_start3A_139 = tpu.memref_slice %arg5[%mul3A_136] : memref<1218560xf32, #tpu.memory_space<hbm>> -> memref<12288xf32, #tpu.memory_space<hbm>>
          %dma_start3A_140 = tpu.memref_slice %arg5[%mul3A_136] : memref<1218560xf32, #tpu.memory_space<hbm>> -> memref<12288xf32, #tpu.memory_space<hbm>>
          %dma_start3A_141 = arith.constant 0 : i32
          %dma_start3A_142 = tpu.memref_slice %arg11[%dma_start3A_141] : memref<38912xf32, #tpu.memory_space<vmem>> -> memref<12288xf32, #tpu.memory_space<vmem>>
          tpu.enqueue_dma source(%dma_start3A_142 : memref<12288xf32, #tpu.memory_space<vmem>>) target(%dma_start3A_140 : memref<12288xf32, #tpu.memory_space<hbm>>) target_semaphore(%run_scoped3A : memref<!tpu.dma_semaphore, #tpu.memory_space<semaphore_mem>>)
          %dma_wait3A_143 = arith.constant 0 : i32
          %dma_wait3A_144 = tpu.memref_slice %arg11[%dma_wait3A_143] : memref<38912xf32, #tpu.memory_space<vmem>> -> memref<12288xf32, #tpu.memory_space<vmem>>
          %dma_wait3A_145 = tpu.memref_slice %arg5[%mul3A_136] : memref<1218560xf32, #tpu.memory_space<hbm>> -> memref<12288xf32, #tpu.memory_space<hbm>>
          %dma_wait3A_146 = tpu.memref_slice %arg5[%mul3A_136] : memref<1218560xf32, #tpu.memory_space<hbm>> -> memref<12288xf32, #tpu.memory_space<hbm>>
          %dma_wait3A_147 = arith.constant 0 : i32
          %dma_wait3A_148 = tpu.memref_slice %arg11[%dma_wait3A_147] : memref<38912xf32, #tpu.memory_space<vmem>> -> memref<12288xf32, #tpu.memory_space<vmem>>
          tpu.wait_dma2 semaphore(%run_scoped3A : memref<!tpu.dma_semaphore, #tpu.memory_space<semaphore_mem>>) src(%dma_wait3A_148 : memref<12288xf32, #tpu.memory_space<vmem>>) dst(%dma_wait3A_146 : memref<12288xf32, #tpu.memory_space<hbm>>)
          tpu.yield
        }) : () -> ()
      } else {
      }
    } else {
    }
    return
  }
}

</mosaic_0001>

<sc_bundles>
// kernel: kernel.3.cloned.1.call-start
scs
__scs_entry_jumppad:
0x0: {  	(pc) =	sbr.rel $0x88, $3  }
0x1: {  	(tag) =	ssettag $0x0;
	lr =	simm.s32 $0x1  }
0x2: {  	[smem:$0x3F9D] =	sst lr;
	_ =	strace $0xD0000000  }
0x3: {  	_ = 	snop  }
0x4: {  	_ = 	snop  }
0x5: {  	_ = 	snop  }
0x6: {  	_ = 	snop  }
0x7: {  	_ = 	snop  }
__scs_overlays_trampoline_lowered:
0x8: {  	[smem:$0x3FAC] =	sst s0  }
0x9: {  	[smem:$0x3FAD] =	sst s1  }
0xa: {  	[smem:$0x3FAE] =	sst s2  }
0xb: {  	[smem:$0x3FAF] =	sst s3  }
0xc: {  	[smem:$0x3FB0] =	sst s4  }
0xd: {  	[smem:$0x3FB1] =	sst s5  }
0xe: {  	[smem:$0x3FB2] =	sst s6  }
0xf: {  	[smem:$0x3FB3] =	sst s7  }
0x10: {  	[smem:$0x3FB4] =	sst s8  }
0x11: {  	[smem:$0x3FB5] =	sst s9;
	s0 =	simm.s32 @!p0 $0x0  }
0x12: {  	s1 =	sld [smem:$0x3F9B];
	s0 =	simm.s32 @p0 $0x1  }
0x13: {  	[smem:$0x3FB6] =	sst s0;
	s0 =	simm.s32 @!p1 $0x0  }
0x14: {  	s2 =	sld [smem:$0x3F9A];
	s0 =	simm.s32 @p1 $0x1  }
0x15: {  	[smem:$0x3FB7] =	sst s0;
	s0 =	simm.s32 @!p2 $0x0  }
0x16: {  	s3 =	sld [smem:$0x3FDB];
	s0 =	simm.s32 @p2 $0x1  }
0x17: {  	s4 =	simm.s32 $0x1BF5;
	[smem:$0x3FB9] =	sst s0  }
0x18: {  	s0 =	sld [smem:$0x3F9C];
	_ =	swait.ge [sflag:s4], $0x0  }
0x19: {  	s7 =	sld [smem:$0x3F9D]  }
0x1a: {  	s8 =	sadd.s32 $0xFFFFE003, lr  }
0x1b: {  	s9 =	sadd.s32 $0xFFFFFEF7, lr;
	s5 =	simm.s32 $0xFFFFFFFF;
	p2 =	slt.u32 s8, $0xFFFFF086  }
0x1c: {  	p1 =	slt.u32 s9, $0xF7A;
	s5 =	simm.s32 @!p2 $0x0  }
0x1d: {  	s5 =	simm.s32 @p1 $0x1;
	p0 =	seq.s32 s7, s2  }
0x1e: {  	s7 =	smul.u32 @!p0 $0xF7A, s2;
	p2 =	seq.s32 @!p0 s5, $0x0  }
0x1f: {  	s9 =	smul.u32 $0xF7A, s1;
	s8 =	simm.s32 @!p0 $0x1BF5;
	p2 =	por !p2, p0  }
0x20: {  	[sflag:s8] =	ssyncset.s32 @!p0 $0xFFFFF086;
	s6 =	sadd.s32 @!p0 s3, s7;
	s7 =	simm.s32 @!p0 $0x108  }
0x21: {  	s3 =	sadd.s32 s3, s9;
	s6 =	sadd.s32 @!p0 $0x88, s6;
	s7 =	simm.s32 @p2 $0x1082  }
0x22: {  	[simem:s7], [sflag:s8] =	dma.local @!p0 [hbm:s6], $0xF7A  }
0x23: {  	s9 =	sor.u32 $0xD0000000, s2;
	s6 =	simm.s32 $0x108;
	_ =	swait.ge @!p0 [sflag:s8], $0x0  }
0x24: {  	s3 =	sadd.s32 $0x88, s3;
	s6 =	simm.s32 @!p1 $0x1082;
	[sflag:s4] =	ssyncset.s32 $0xFFFFF086  }
0x25: {  	[simem:s6], [sflag:s4] =	dma.local [hbm:s3], $0xF7A  }
0x26: {  	[smem:$0x3F9D] =	sst s1;
	(tag) =	ssettag s2;
	_ =	strace s9  }
0x27: {  	s1 =	sld [smem:$0x3FAD]  }
0x28: {  	s2 =	sld [smem:$0x3FAE]  }
0x29: {  	s4 =	sld [smem:$0x3FB0]  }
0x2a: {  	p0 =	seq.s32 s5, $0x0;
	s5 =	sld [smem:$0x3FB1]  }
0x2b: {  	s6 =	sld [smem:$0x3FB2]  }
0x2c: {  	s7 =	sld [smem:$0x3FB3]  }
0x2d: {  	s3 =	simm.s32 $0x108;
	s8 =	sld [smem:$0x3FB4]  }
0x2e: {  	s3 =	simm.s32 @!p0 $0x1082;
	s9 =	sld [smem:$0x3FB5]  }
0x2f: {  	lr =	sadd.s32 s0, s3;
	s0 =	sld [smem:$0x3FAC]  }
0x30: {  	s3 =	sld [smem:$0x3FAF]  }
0x31: {  	[smem:$0x3FB8] =	sst s10  }
0x32: {  	s10 =	sld [smem:$0x3FB6];
	_ =	sdelay $0x3  }
0x33: {  	p0 =	seq.s32 s10, $0x1;
	s10 =	sld [smem:$0x3FB8];
	_ =	sdelay $0x3  }
0x34: {  	[smem:$0x3FB8] =	sst s10  }
0x35: {  	s10 =	sld [smem:$0x3FB7];
	_ =	sdelay $0x3  }
0x36: {  	p1 =	seq.s32 s10, $0x1;
	s10 =	sld [smem:$0x3FB8];
	_ =	sdelay $0x3  }
0x37: {  	[smem:$0x3FB8] =	sst s10  }
0x38: {  	s10 =	sld [smem:$0x3FB9]  }
0x39: {  	_ = 	snop;
	(pc) =	sbr.ind lr, $3  }
0x3a: {  	_ = 	snop  }
0x3b: {  	_ = 	snop  }
0x3c: {  	p2 =	seq.s32 s10, $0x1;
	s10 =	sld [smem:$0x3FB8]  }
0x3d: {  	_ =	shalt  }
0x3e: {  	_ =	shalt  }
0x3f: {  	_ =	shalt  }
0x40: {  	_ =	shalt  }
0x41: {  	_ =	shalt  }
0x42: {  	_ =	shalt  }
0x43: {  	_ =	shalt  }
0x44: {  	_ =	shalt  }
0x45: {  	_ =	shalt  }
0x46: {  	_ =	shalt  }
0x47: {  	_ =	shalt  }
0x48: {  	_ =	shalt  }
0x49: {  	_ =	shalt  }
0x4a: {  	_ =	shalt  }
0x4b: {  	_ =	shalt  }
0x4c: {  	_ =	shalt  }
0x4d: {  	_ =	shalt  }
0x4e: {  	_ =	shalt  }
0x4f: {  	_ =	shalt  }
0x50: {  	_ =	shalt  }
0x51: {  	_ =	shalt  }
0x52: {  	_ =	shalt  }
0x53: {  	_ =	shalt  }
0x54: {  	_ =	shalt  }
0x55: {  	_ =	shalt  }
0x56: {  	_ =	shalt  }
0x57: {  	_ =	shalt  }
0x58: {  	_ =	shalt  }
0x59: {  	_ =	shalt  }
0x5a: {  	_ =	shalt  }
0x5b: {  	_ =	shalt  }
0x5c: {  	_ =	shalt  }
0x5d: {  	_ =	shalt  }
0x5e: {  	_ =	shalt  }
0x5f: {  	_ =	shalt  }
0x60: {  	_ =	shalt  }
0x61: {  	_ =	shalt  }
0x62: {  	_ =	shalt  }
0x63: {  	_ =	shalt  }
0x64: {  	_ =	shalt  }
0x65: {  	_ =	shalt  }
0x66: {  	_ =	shalt  }
0x67: {  	_ =	shalt  }
0x68: {  	_ =	shalt  }
0x69: {  	_ =	shalt  }
0x6a: {  	_ =	shalt  }
0x6b: {  	_ =	shalt  }
0x6c: {  	_ =	shalt  }
0x6d: {  	_ =	shalt  }
0x6e: {  	_ =	shalt  }
0x6f: {  	_ =	shalt  }
0x70: {  	_ =	shalt  }
0x71: {  	_ =	shalt  }
0x72: {  	_ =	shalt  }
0x73: {  	_ =	shalt  }
0x74: {  	_ =	shalt  }
0x75: {  	_ =	shalt  }
0x76: {  	_ =	shalt  }
0x77: {  	_ =	shalt  }
0x78: {  	_ =	shalt  }
0x79: {  	_ =	shalt  }
0x7a: {  	_ =	shalt  }
0x7b: {  	_ =	shalt  }
0x7c: {  	_ =	shalt  }
0x7d: {  	_ =	shalt  }
0x7e: {  	_ =	shalt  }
0x7f: {  	_ =	shalt  }
0x80: {  	_ =	shalt  }
0x81: {  	_ =	shalt  }
0x82: {  	_ =	shalt  }
0x83: {  	_ =	shalt  }
0x84: {  	_ =	shalt  }
0x85: {  	_ =	shalt  }
0x86: {  	_ =	shalt  }
0x87: {  	_ =	shalt  }
.Lfunc_end0:
.L_simem_size_0:
called_computation_lowered:
.L_overlay_start_0:
0x88: {  	s2 =	sld [smem:$0x3FD9]  }
0x89: {  	s3 =	sld [smem:$0x3FFE];
	_ =	sdelay $0x1  }
0x8a: {  	s1 =	srdreg.scid  }
0x8b: {  	s0 =	sand.u32 $0x1, s1  }
0x8c: {  	s17 =	sshll.u32 s0, $0xA;
	s2 =	sadd.s32 s3, s2  }
0x8d: {  	s2 =	sadd.s32 s2, s17  }
0x8e: {  	[smem:$0x3FC4] =	sst s2  }
0x8f: {  	_ = 	snop  }
0x90: {  	s2 =	sld [smem:$0x3FD0];
	(tm) =	ssettm $0x1  }
0x91: {  	s18 =	sld [smem:$0x3FFB];
	_ =	sdelay $0x3  }
0x92: {  	_ =	strace s18  }
0x93: {  	s3 =	sld [smem:$0x3FFC];
	_ =	sdelay $0x3  }
0x94: {  	_ =	strace s3  }
0x95: {  	s3 =	sld [smem:$0x3FFD];
	_ =	sdelay $0x3  }
0x96: {  	_ =	strace s3  }
0x97: {  	_ =	strace $0x8FFFFFFF  }
0x98: {  	s19 =	sld [smem:$0x3FDB];
	_ =	sdelay $0x1  }
0x99: {  	s4 =	simm.s32 $_scs_section_size  }
0x9a: {  	s5 =	simm.s32 $_size__tile_overlayer_lowered;
	s6 =	simm.s32 $_tile_overlayer_lowered  }
0x9b: {  	s22 =	simm.s32 $0x1BFF;
	s21 =	sshll.u32 s6, $0x1;
	s3 =	sadd.s32 s4, s19  }
0x9c: {  	s7 =	simm.s32 $0x0;
	s20 =	sshll.u32 s5, $0x1;
	s5 =	sadd.s32 s21, s3  }
0x9d: {  	[timem:s7], [sflag:s22] =	dma.local [hbm:s5], s20  }
0x9e: {  	_ =	swait.ge [sflag:s22], s20  }
0x9f: {  	s4 =	ssub.s32 $0x0, s20;
	[sflag:s22] =	ssyncset.done $0x0  }
0xa0: {  	[sflag:s22] =	ssyncadd.s32 s4;
	_ =	sdelay $0x1  }
0xa1: {  	s23 =	simm.s32 $0x1B8B  }
0xa2: {  	_ =	swait.ge [sflag:s23], $0x1  }
0xa3: {  	[sflag:s23] =	ssyncset.done $0x0  }
0xa4: {  	s25 =	simm.s32 $0x1B8E;
	s24 =	sld [smem:$0x3FFE];
	[sflag:s23] =	ssyncadd.s32 $0xFFFFFFFF  }
0xa5: {  	s26 =	simm.s32 $execute0_lowered;
	[smem:$0x3FD2] =	sst s25  }
0xa6: {  	s5 =	sshll.u32 s26, $0x1;
	_ =	strace $0x80000046;
	[dreg:$0x1] =	wrdreg $0xFFFFFFFF  }
0xa7: {  	s28 =	simm.s32 $_size_execute0_lowered;
	s3 =	sadd.s32 s3, s5;
	[dreg:$0x0] =	wrdreg $0x0  }
0xa8: {  	s5 =	sshll.u32 s28, $0x1;
	[dreg:$0x2] =	wrdreg s3  }
0xa9: {  	[dreg:$0x3] =	wrdreg s5  }
0xaa: {  	[dreg:$0x4] =	wrdreg $0xC0  }
0xab: {  	_ =	task [dreg:s7], $0x5FFFF  }
0xac: {  	[dreg:$0x1] =	wrdreg $0xFFFFFFFF  }
0xad: {  	[dreg:$0x0] =	wrdreg $0x60  }
0xae: {  	[dreg:$0x2] =	wrdreg s24  }
0xaf: {  	[dreg:$0x3] =	wrdreg s2  }
0xb0: {  	[dreg:$0x4] =	wrdreg $0x9  }
0xb1: {  	_ =	task.clear_ibuf [dreg:s7], $0x5FFFF;
	_ =	strace $0x90000046  }
0xb2: {  	s29 =	simm.s32 $0x9;
	_ =	strace $0x80000048  }
0xb3: {  	_ =	swait.ge [sflag:s29], $0x1  }
0xb4: {  	[sflag:s29] =	ssyncadd.s32 $0xFFFFFFFF  }
0xb5: {  	_ =	strace $0x90000048  }
0xb6: {  	_ =	sfence  }
0xb7: {  	s30 =	sld [smem:$0x0];
	_ =	sdelay $0x2  }
0xb8: {  	s31 =	sshll.u32 s1, $0xD;
	s1 =	sshrl.u32 s1, $0x2  }
0xb9: {  	s3 =	sand.u32 $0x4000, s31;
	s1 =	sadd.s32 s1, s30  }
0xba: {  	s0 =	sor.u32 s3, s0;
	s1 =	sshll.u32 s1, $0x11  }
0xbb: {  	s0 =	sor.u32 s1, s0  }
0xbc: {  	s0 =	sadd.s32 $0x8F2B, s0  }
0xbd: {  	[sflag:s0] =	ssyncadd.remote.s32 $0x1  }
0xbe: {  	_ =	sfence.sel $0xFFFF  }
0xbf: {  	[dreg:$0x0] =	wrdreg $0xFFFFFFFF;
	(pc) =	sbr.abs _section_cstart, $3  }
0xc0: {  	[dreg:$0x1] =	wrdreg $0xFFFFFFFF  }
0xc1: {  	_ =	task.clear_ibuf [dreg:s7], $0x2FFFF;
	_ =	strace $0x9FFFFFFF  }
0xc2: {  	(tm) =	ssettm $0x7FFFFFFF  }
0xc3: {  	_ =	shalt  }
tec
execute0_lowered:
.L_overlay_start_1:
0x0: {  	(tag) =	ssettag $0x1  }
0x1: {  	s0 =	srdreg.scid;
	s9 =	stileid.u32  }
0x2: {  	s1 =	sand.u32 $0x1, s0;
	s12 =	sshll.u32 s9, $0x1  }
0x3: {  	s0 =	sor.u32 s1, s12  }
0x4: {  	s2 =	smul.u32 $0x56DD2, s0;
	_ =	sdelay $0x1  }
0x5: {  	s5 =	rddreg [dreg:$0x0];
	s2 =	sshrl.u32 s2, $0x10  }
0x6: {  	s6 =	rddreg [dreg:$0x1];
	s7 =	simm.s32 $0x0;
	s3 =	smul.u32 $0xFFFFFFCD, s2  }
0x7: {  	[smem:$0x7FF] =	sst s7;
	s9 =	smul.u32 $0x4C, s9  }
0x8: {  	s10 =	sadd.s32 $0x7E00, s5;
	s23 =	sadd.s32 $0x24D00, s6;
	s4 =	sand.u32 $0xFE, s3  }
0x9: {  	_ =	strace $0x80000047;
	s3 =	sshll.u32 s3, $0x7;
	s4 =	sshrl.u32 s4, $0x1  }
0xa: {  	s8 =	ssub.s32 $0x2, s1;
	[dreg:$0x19] =	wrdreg s10;
	s3 =	sor.u32 s3, s4  }
0xb: {  	s1 =	smul.u32 $0x26, s1;
	[dreg:$0x1d] =	wrdreg s23;
	s3 =	sand.u32 $0xFF, s3  }
0xc: {  	p0 =	seq.s32 s0, $0x0;
	s13 =	smul.u32 $0x11606, s0;
	p1 =	sgt.u32 s3, $0x19  }
0xd: {  	s23 =	simm.s32 $0x19200;
	s14 =	smul.u32 $0x26, s0;
	p1 =	por !p0, !p1  }
0xe: {  	s18 =	smul.u32 $0x1300, s0;
	s4 =	simm.s32 $0x1;
	p1 =	por !p1, !p1  }
0xf: {  	s21 =	smul.u32 $0x15B7E, s0;
	s3 =	sshrl.u32 s13, $0x11;
	s4 =	simm.s32 @!p1 $0x0  }
0x10: {  	s15 =	sshrl.u32 s8, $0x1;
	s22 =	smul.u32 $0x9800, s0;
	s3 =	ssub.s32 s3, s4  }
0x11: {  	s16 =	ssub.s32 s8, s15;
	s9 =	sadd.s32 s1, s9;
	s3 =	smul.u32 $0x7, s3  }
0x12: {  	s17 =	smin.u32 s14, $0x480;
	s20 =	smulhi.u32 $0x3A83A84, s9;
	s8 =	sadd.s32 s6, s18  }
0x13: {  	s24 =	sshrl.u32 s21, $0x12;
	s28 =	smax.u32 s16, $0x1;
	s3 =	sand.u32 $0xFFFFFFF8, s3  }
0x14: {  	s18 =	sand.u32 $0xFF0, s9;
	[dreg:$0x4] =	wrdreg s9;
	p1 =	slt.s32 s3, $0x60  }
0x15: {  	s30 =	sadd.s32 $0x14, s9;
	[dreg:$0x1c] =	wrdreg s8;
	s3 =	simm.s32 @!p1 $0x60  }
0x16: {  	s21 =	simm.s32 $0x6000;
	[dreg:$0x1f] =	wrdreg s28;
	s3 =	sshll.u32 s3, $0x7  }
0x17: {  	s19 =	sadd.s32 $0x26, s17;
	[smem:$0x7FB] =	sst s30;
	s3 =	sand.u32 $0x1FFFFC00, s3  }
0x18: {  	s2 =	sand.u32 $0xF, s2;
	[smem:$0x7FD] =	sst s18;
	s3 =	sadd.s32 s3, s5  }
0x19: {  	p6 =	sne.s32 s2, $0x0;
	s2 =	sshrl.u32 s22, $0x3;
	s3 =	sadd.s32 $0x4200, s3  }
0x1a: {  	p0 =	por !p0, !p6;
	[dreg:$0x1b] =	wrdreg s3;
	s3 =	ssub.s32 s20, s4  }
0x1b: {  	p0 =	por !p0, !p0;
	s4 =	simm.s32 $0x1;
	s3 =	smul.u32 $0x7, s3  }
0x1c: {  	v2 =	vlaneseq.u32;
	s26 =	sadd.s32 s6, s2;
	s5 =	sadd.s32 $0x600, s5;
	s4 =	simm.s32 @!p0 $0x0  }
0x1d: {  	v5 =	vimm.s32 $0xECA86420;
	v3 =	vimm.s32 $0x0;
	v4 =	vimm.f32 $0.0e+00;
	[dreg:$0x1a] =	wrdreg s5;
	s25 =	ssub.s32 s24, s4;
	s3 =	sand.u32 $0xFFFFFFF8, s3  }
.Ltmp0:
0x1e: {  	vm0 =	vcmask $0xB08;
	vm1 =	vcmask $0x1310;
	vm2 =	vcmask $0x1B18;
	s1 =	sshll.u32 s25, $0x4;
	p0 =	slt.s32 s3, $0x60;
	(pc) =	sbr.rel .LBB2_1-.Ltmp0, $4  }
0x1f: {  	vm3 =	vcmask $0x2320;
	vm4 =	vcmask $0x2B28;
	vm8 =	vmmov $0xff;
	[dreg:$0x5] =	wrdreg s1;
	s1 =	sadd.s32 $0xA00, s26;
	s3 =	simm.s32 @!p0 $0x60  }
0x20: {  	vm14 =	vcmask $0x704;
	vm5 =	vcmask $0x3734;
	v5 =	vunpack.c.l.s4.s8 v5;
	s22 =	simm.s32 $0x6380;
	[dreg:$0x1e] =	wrdreg s1;
	s29 =	ssub.s32 s9, s3  }
0x21: {  	vm7 =	vcmask $0x3330;
	vm15 =	vcmask $0x2F2C;
	v6 =	vmul.u32 $0x2, v2;
	s5 =	simm.s32 $0x6280;
	s31 =	ssub.s32 s30, s3;
	[dreg:$0x3] =	wrdreg s29  }
0x22: {  	v5 =	vunpack.c.0.s8.s32 v5;
	v0 =	vmov s14;
	v1 =	vmov s19;
	p0 =	seq.s32 s0, $0x1F;
	s1 =	simm.s32 $0x0;
	[smem:$0x7FC] =	sst s31  }
.LBB2_21:
0x23: {  	s1 =	sadd.s32 $0x1, s1;
	s0 =	rddreg [dreg:$0x1f]  }
0x24: {  	p1 =	sne.s32 s1, s0  }
.Ltmp1:
0x25: {  	_ = 	snop;
	(pc) =	sbr.rel @!p1 .LBB2_22-.Ltmp1, $1  }
0x26: {  	_ =	sdelay $0x3  }
.LBB2_1:
0x27: {  	[smem:$0x7FA] =	sst s1  }
0x28: {  	s0 =	simm.s32 $0x0;
	s29 =	rddreg [dreg:$0x1b]  }
0x29: {  	[tilespmem:s0], [sflag:$0x1] =	stream.linear.gather [hbm4b:s29+s0], $0x6000, $0x38;
	[tilespmem:$0x1CE00] =	vst v63  }
0x2a: {  	s30 =	rddreg [dreg:$0x19];
	s31 =	simm.s32 $0x2  }
0x2b: {  	[tilespmem:s21], [sflag:$0x2] =	stream.linear.gather [hbm4b:s30+s0], $0x280, $0x38;
	[tilespmem:$0x1CE00] =	vst v63  }
0x2c: {  	_ =	swait.ge [sflag:s31], $0x280  }
0x2d: {  	s1 =	simm.s32 $0x6280;
	[sflag:s31] =	ssyncset.done $0x0  }
0x2e: {  	s2 =	simm.s32 $0x0;
	s0 =	simm.s32 $0x60B0;
	[sflag:s31] =	ssyncadd.s32 $0xFFFFFD80  }
.LBB2_2:
0x2f: {  	v7 =	vld [tilespmem:s0+$0xFFFFFF50];
	_ =	sdelay $0x1  }
0x30: {  	v8 =	vld [tilespmem:s0+$0x0];
	_ =	sdelay $0x2  }
0x31: {  	v7 =	vmul.u32 $0x43, v7;
	_ =	sdelay $0x1  }
0x32: {  	v7 =	vadd.s32 v8, v7  }
0x33: {  	v8 =	vmul.u32 $0x7, v7  }
0x34: {  	p1 =	sne.s32 s2, $0xA0  }
.Ltmp2:
0x35: {  	_ = 	snop;
	(pc) =	sbr.rel @p1 .LBB2_2-.Ltmp2, $4  }
0x36: {  	v9 =	vor.u32 s2, v2  }
0x37: {  	v9 =	vcvt.s32.f32 v9  }
0x38: {  	[tilespmem:s1+$0x0] =	vst v7  }
0x39: {  	s0 =	sadd.s32 $0x10, s0;
	s2 =	sadd.s32 $0x10, s2;
	s1 =	sadd.s32 $0x10, s1;
	[tilespmem:v8+s22+$0x0] =	vst.idx.msk $0xffff, v9  }
0x3a: {  	s0 =	simm.s32 $0x6280  }
0x3b: {  	v7 =	vld [tilespmem:s0+$0x0];
	_ =	sdelay $0x3  }
0x3c: {  	s29 =	simm.s32 $0x6290  }
0x3d: {  	v8 =	vld [tilespmem:s29+$0x0];
	v7 =	vmul.u32 $0x7, v7;
	_ =	sdelay $0x3  }
0x3e: {  	s30 =	simm.s32 $0x62A0  }
0x3f: {  	v10 =	vld [tilespmem:s30+$0x0];
	v9 =	vmul.u32 $0x7, v8  }
0x40: {  	v11 =	vld.idx.msk [tilespmem:v7+s22+$0x0], $0xffff  }
0x41: {  	s31 =	simm.s32 $0x0  }
0x42: {  	v8 =	vor.u32 s31, v2  }
0x43: {  	v12 =	vcvt.s32.f32 v8  }
0x44: {  	s1 =	simm.s32 $0x10;
	v10 =	vmul.u32 $0x7, v10  }
0x45: {  	s2 =	simm.s32 $0x30;
	s3 =	simm.s32 $0x62B0;
	s0 =	simm.s32 $0x20;
	v7 =	vimm.s32 $0x0;
	v9 =	vld.idx.msk [tilespmem:v9+s22+$0x0], $0xffff;
	vm9 =	vlt.f32 v11, v12;
	vm10 =	vgt.f32 v11, v12  }
.LBB2_4:
0x46: {  	v11 =	vld [tilespmem:s3+$0x0];
	p1 =	sne.s32 s2, $0xA0;
	vm11 =	vlt.u32 v8, $0xAA;
	vm9 =	vmor vm10, vm9;
	s4 =	smov.u32 s2;
	s2 =	sadd.s32 $0x10, s2  }
.Ltmp3:
0x47: {  	vm9 =	vmand vm11, vm9;
	(pc) =	sbr.rel @p1 .LBB2_4-.Ltmp3, $3  }
0x48: {  	v8 =	vor.u32 s1, v2;
	s1 =	smov.u32 s0;
	s0 =	smov.u32 s4;
	v12 =	vsel vm9, $0x1, v3  }
0x49: {  	v13 =	vcvt.s32.f32 v8;
	v7 =	vadd.s32 v12, v7;
	_ =	sdelay $0x1  }
0x4a: {  	s3 =	sadd.s32 $0x10, s3;
	vm9 =	vlt.f32 v9, v13;
	vm10 =	vgt.f32 v9, v13;
	v9 =	vld.idx.msk [tilespmem:v10+s22+$0x0], $0xffff;
	v10 =	vmul.u32 $0x7, v11  }
0x4b: {  	_ =	sdelay $0x4  }
0x4c: {  	v10 =	vld.idx.msk [tilespmem:v10+s22+$0x0], $0xffff  }
0x4d: {  	v11 =	vor.u32 s1, v2;
	vm9 =	vmor vm10, vm9;
	vm10 =	vlt.u32 v8, $0xAA  }
0x4e: {  	v13 =	vor.u32 s0, v2;
	v12 =	vcvt.s32.f32 v11;
	vm9 =	vmand vm10, vm9  }
0x4f: {  	v14 =	vcvt.s32.f32 v13;
	v8 =	vsel vm9, $0x1, v3  }
0x50: {  	vm9 =	vlt.u32 v11, $0xAA;
	vm6 =	vlt.f32 v9, v12;
	vm11 =	vgt.f32 v9, v12  }
0x51: {  	vm6 =	vmor vm11, vm6;
	vm11 =	vlt.f32 v10, v14;
	vm10 =	vgt.f32 v10, v14  }
0x52: {  	vm9 =	vmand vm9, vm6;
	vm10 =	vmor vm10, vm11;
	vm11 =	vlt.u32 v13, $0xAA  }
0x53: {  	v7 =	vadd.s32 v8, v7;
	v8 =	vsel vm9, $0x1, v3;
	vm9 =	vmand vm11, vm10  }
0x54: {  	v7 =	vadd.s32 v8, v7;
	v8 =	vsel vm9, $0x1, v3  }
0x55: {  	v7 =	vadd.s32 v8, v7  }
0x56: {  	v7 =	vxor.u32 $0x80000000, v7  }
0x57: {  	(xrf0) =	vmax.scan.msk.u32 $0xffff, v7;
	_ =	sdelay $0x5  }
0x58: {  	v7, _, _ =	vpop (xrf0)  }
0x59: {  	(v2sf) =	vpush v7, $0xF;
	_ =	sdelay $0xe  }
0x5a: {  	s30 =	spop (v2sf)  }
0x5b: {  	p1 =	sne.s32 s30, $0x80000000  }
.Ltmp4:
0x5c: {  	_ = 	snop;
	(pc) =	sbr.rel @p1 .LBB2_11-.Ltmp4, $4  }
0x5d: {  	s31 =	simm.s32 $0x1  }
0x5e: {  	_ =	swait.ge [sflag:s31], $0x6000  }
0x5f: {  	[sflag:s31] =	ssyncset.done $0x0  }
0x60: {  	s0 =	simm.s32 $0x0;
	vm11 =	vcmask $0xF0C;
	[sflag:s31] =	ssyncadd.s32 $0xFFFFA000  }
0x61: {  	s13 =	rddreg [dreg:$0x4]  }
0x62: {  	s0 =	sadd.s32 $0x0, s13  }
0x63: {  	s1 =	smulhi.u32 $0x24924925, s0;
	_ =	sdelay $0x1  }
0x64: {  	s2 =	ssub.s32 s0, s1  }
0x65: {  	s3 =	rddreg [dreg:$0x5];
	s2 =	sshrl.u32 s2, $0x1  }
0x66: {  	v8 =	vld [tilespmem:s3+$0x6160];
	s1 =	sadd.s32 s1, s2  }
0x67: {  	v7 =	vld [tilespmem:s3+$0x6170];
	s1 =	sshrl.u32 s1, $0x2  }
0x68: {  	s12 =	ssub.s32 s1, s3  }
0x69: {  	v9 =	vmov s12;
	s2 =	sadd.s32 $0xFFFFFFF0, s12  }
0x6a: {  	vm9 =	veq.s32 v9, v2;
	v9 =	vmov s2  }
0x6b: {  	v10 =	vnsel vm9, $0x0, v8;
	vm9 =	veq.s32 v9, v2  }
0x6c: {  	(xrf2) =	vadd.scan.msk.f32 $0xffff, v10;
	v9 =	vnsel vm9, $0x0, v7  }
0x6d: {  	(xrf2) =	vadd.scan.msk.f32 $0xffff, v9;
	_ =	sdelay $0x6  }
0x6e: {  	s1 =	smul.u32 $0xCCCCCCCD, s1;
	_ =	sdelay $0x1  }
0x6f: {  	s14 =	sshll.u32 s1, $0x1F;
	s1 =	sshrl.u32 s1, $0x1;
	v9, _, _ =	vpop (xrf2)  }
0x70: {  	s15 =	smulhi.u32 $0x24924925, s13;
	s1 =	sor.u32 s14, s1;
	(v2sf) =	vpush v9, $0xF;
	v9, _, _ =	vpop (xrf2)  }
0x71: {  	s16 =	sshrl.u32 s13, $0x1;
	p1 =	slt.u32 s0, $0x7;
	p2 =	sgt.u32 s1, $0x19999999;
	(v2sf) =	vpush v9, $0xF  }
0x72: {  	s17 =	smulhi.u32 $0xEA0EA0EB, s16;
	s18 =	ssub.s32 s13, s15;
	p1 =	por !p1, !p2  }
0x73: {  	s2 =	simm.s32 $0x1;
	s1 =	sshrl.u32 s18, $0x1;
	p1 =	por !p1, !p1  }
0x74: {  	s0 =	sshrl.u32 s17, $0x5;
	s1 =	sadd.s32 s15, s1;
	s2 =	simm.s32 @!p1 $0x0  }
0x75: {  	s1 =	sshrl.u32 s1, $0x2;
	s0 =	ssub.s32 s0, s2  }
0x76: {  	s0 =	ssub.s32 s0, s1  }
0x77: {  	s19 =	rddreg [dreg:$0x3];
	s0 =	smul.u32 $0x7, s0  }
0x78: {  	s20 =	sadd.s32 $0x0, s19  }
0x79: {  	s0 =	sadd.s32 s0, s20  }
0x7a: {  	p1 =	slt.s32 s0, $0x17  }
0x7b: {  	s0 =	simm.s32 @!p1 $0x17  }
0x7c: {  	s0 =	sshll.u32 s0, $0xC  }
0x7d: {  	s30 =	sshra.s32 s0, $0x2  }
0x7e: {  	v9 =	vld [tilespmem:s30+$0x0]  }
0x7f: {  	s21 =	spop (v2sf)  }
0x80: {  	s23 =	spop (v2sf)  }
0x81: {  	s19 =	sadd.f32 s23, s21;
	_ =	sdelay $0x1  }
0x82: {  	v9 =	vmul.f32 s19, v9  }
0x83: {  	s28 =	simm.s32 $0xFC00  }
0x84: {  	[tilespmem:s28+$0xFFFFFE00] =	vst v9  }
0x85: {  	v9 =	vld [tilespmem:s30+$0x10];
	_ =	sdelay $0x4  }
0x86: {  	v9 =	vmul.f32 s19, v9;
	_ =	sdelay $0x1  }
0x87: {  	[tilespmem:s28+$0xFFFFFE10] =	vst v9  }
0x88: {  	v9 =	vld [tilespmem:s30+$0x20];
	_ =	sdelay $0x4  }
0x89: {  	v9 =	vmul.f32 s19, v9;
	_ =	sdelay $0x1  }
0x8a: {  	[tilespmem:s28+$0xFFFFFE20] =	vst v9  }
0x8b: {  	v9 =	vld [tilespmem:s30+$0x30];
	_ =	sdelay $0x3  }
0x8c: {  	s24 =	sadd.s32 $0x1, s13  }
0x8d: {  	s25 =	smulhi.u32 $0x24924925, s24;
	v9 =	vmul.f32 s19, v9;
	_ =	sdelay $0x1  }
0x8e: {  	s26 =	ssub.s32 s24, s25;
	[tilespmem:s28+$0xFFFFFE30] =	vst v9  }
0x8f: {  	s2 =	sshrl.u32 s26, $0x1;
	v9 =	vld [tilespmem:s30+$0x40]  }
0x90: {  	s0 =	sadd.s32 s25, s2  }
0x91: {  	s4 =	smov.u32 s3;
	s0 =	sshrl.u32 s0, $0x2  }
0x92: {  	s3 =	ssub.s32 s0, s4  }
0x93: {  	v10 =	vmov s3;
	s2 =	sadd.s32 $0xFFFFFFF0, s3  }
0x94: {  	vm9 =	veq.s32 v10, v2;
	v10 =	vmov s2;
	v9 =	vmul.f32 s19, v9  }
0x95: {  	v11 =	vnsel vm9, $0x0, v8;
	vm9 =	veq.s32 v10, v2  }
0x96: {  	(xrf2) =	vadd.scan.msk.f32 $0xffff, v11;
	v10 =	vnsel vm9, $0x0, v7;
	[tilespmem:s28+$0xFFFFFE40] =	vst v9  }
0x97: {  	(xrf2) =	vadd.scan.msk.f32 $0xffff, v10;
	v9 =	vld [tilespmem:s30+$0x50];
	_ =	sdelay $0x4  }
0x98: {  	v9 =	vmul.f32 s19, v9;
	_ =	sdelay $0x1  }
0x99: {  	s0 =	smul.u32 $0xCCCCCCCD, s0  }
0x9a: {  	s7 =	sadd.s32 $0x1, s13;
	[tilespmem:s28+$0xFFFFFE50] =	vst v9  }
0x9b: {  	s5 =	smov.u32 s4;
	s4 =	sshll.u32 s0, $0x1F;
	s6 =	sshrl.u32 s0, $0x1;
	v10 =	vld [tilespmem:s30+$0x60];
	v9, _, _ =	vpop (xrf2)  }
0x9c: {  	s8 =	smulhi.u32 $0x24924925, s7;
	s2 =	sor.u32 s4, s6;
	(v2sf) =	vpush v9, $0xF;
	v9, _, _ =	vpop (xrf2)  }
0x9d: {  	s9 =	sshrl.u32 s7, $0x1;
	p5 =	slt.u32 s24, $0x7;
	p6 =	sgt.u32 s2, $0x19999999;
	(v2sf) =	vpush v9, $0xF  }
0x9e: {  	s10 =	smulhi.u32 $0xEA0EA0EB, s9;
	s11 =	ssub.s32 s7, s8;
	p1 =	por !p5, !p6  }
0x9f: {  	s3 =	simm.s32 $0x1;
	s2 =	sshrl.u32 s11, $0x1;
	p1 =	por !p1, !p1  }
0xa0: {  	s1 =	sshrl.u32 s10, $0x5;
	s2 =	sadd.s32 s8, s2;
	s3 =	simm.s32 @!p1 $0x0;
	v9 =	vmul.f32 s19, v10  }
0xa1: {  	s2 =	sshrl.u32 s2, $0x2;
	s1 =	ssub.s32 s1, s3  }
0xa2: {  	s1 =	ssub.s32 s1, s2;
	[tilespmem:s28+$0xFFFFFE60] =	vst v9  }
0xa3: {  	s12 =	rddreg [dreg:$0x3];
	s1 =	smul.u32 $0x7, s1;
	v9 =	vld [tilespmem:s30+$0x70]  }
0xa4: {  	s14 =	sadd.s32 $0x1, s12  }
0xa5: {  	s1 =	sadd.s32 s1, s14  }
0xa6: {  	p1 =	slt.s32 s1, $0x17  }
0xa7: {  	s1 =	simm.s32 @!p1 $0x17  }
0xa8: {  	s1 =	sshll.u32 s1, $0xC;
	v9 =	vmul.f32 s19, v9  }
0xa9: {  	s12 =	sshra.s32 s1, $0x2  }
0xaa: {  	[tilespmem:s28+$0xFFFFFE70] =	vst v9;
	v9 =	vld [tilespmem:s12+$0x0]  }
0xab: {  	v10 =	vld [tilespmem:s30+$0x80];
	s15 =	spop (v2sf)  }
0xac: {  	s16 =	spop (v2sf)  }
0xad: {  	s9 =	sadd.f32 s16, s15;
	_ =	sdelay $0x1  }
0xae: {  	v9 =	vmul.f32 s9, v9  }
0xaf: {  	s8 =	simm.s32 $0x10000;
	v10 =	vmul.f32 s19, v10  }
0xb0: {  	[tilespmem:s8+$0xFFFFFE00] =	vst v9  }
0xb1: {  	[tilespmem:s28+$0xFFFFFE80] =	vst v10;
	v9 =	vld [tilespmem:s12+$0x10]  }
0xb2: {  	v10 =	vld [tilespmem:s30+$0x90];
	_ =	sdelay $0x3  }
0xb3: {  	v9 =	vmul.f32 s9, v9  }
0xb4: {  	v10 =	vmul.f32 s19, v10  }
0xb5: {  	[tilespmem:s8+$0xFFFFFE10] =	vst v9  }
0xb6: {  	[tilespmem:s28+$0xFFFFFE90] =	vst v10;
	v9 =	vld [tilespmem:s12+$0x20]  }
0xb7: {  	v10 =	vld [tilespmem:s30+$0xA0];
	_ =	sdelay $0x3  }
0xb8: {  	v9 =	vmul.f32 s9, v9  }
0xb9: {  	v10 =	vmul.f32 s19, v10  }
0xba: {  	[tilespmem:s8+$0xFFFFFE20] =	vst v9  }
0xbb: {  	[tilespmem:s28+$0xFFFFFEA0] =	vst v10;
	v9 =	vld [tilespmem:s12+$0x30]  }
0xbc: {  	v10 =	vld [tilespmem:s30+$0xB0];
	_ =	sdelay $0x2  }
0xbd: {  	s17 =	sadd.s32 $0x2, s13  }
0xbe: {  	s18 =	smulhi.u32 $0x24924925, s17;
	v9 =	vmul.f32 s9, v9  }
0xbf: {  	v10 =	vmul.f32 s19, v10  }
0xc0: {  	s20 =	ssub.s32 s17, s18;
	[tilespmem:s8+$0xFFFFFE30] =	vst v9  }
0xc1: {  	s3 =	sshrl.u32 s20, $0x1;
	[tilespmem:s28+$0xFFFFFEB0] =	vst v10;
	v9 =	vld [tilespmem:s12+$0x40]  }
0xc2: {  	s2 =	sadd.s32 s18, s3;
	v10 =	vld [tilespmem:s30+$0xC0]  }
0xc3: {  	s2 =	sshrl.u32 s2, $0x2  }
0xc4: {  	s21 =	ssub.s32 s2, s5  }
0xc5: {  	v11 =	vmov s21;
	s3 =	sadd.s32 $0xFFFFFFF0, s21  }
0xc6: {  	vm9 =	veq.s32 v11, v2;
	v11 =	vmov s3;
	v9 =	vmul.f32 s9, v9  }
0xc7: {  	v12 =	vnsel vm9, $0x0, v8;
	vm9 =	veq.s32 v11, v2;
	v10 =	vmul.f32 s19, v10  }
0xc8: {  	v11 =	vnsel vm9, $0x0, v7;
	(xrf2) =	vadd.scan.msk.f32 $0xffff, v12;
	[tilespmem:s8+$0xFFFFFE40] =	vst v9  }
0xc9: {  	(xrf2) =	vadd.scan.msk.f32 $0xffff, v11;
	[tilespmem:s28+$0xFFFFFEC0] =	vst v10;
	v9 =	vld [tilespmem:s12+$0x50]  }
0xca: {  	v10 =	vld [tilespmem:s30+$0xD0];
	_ =	sdelay $0x4  }
0xcb: {  	v9 =	vmul.f32 s9, v9;
	v10 =	vmul.f32 s19, v10  }
0xcc: {  	s2 =	smul.u32 $0xCCCCCCCD, s2  }
0xcd: {  	[tilespmem:s8+$0xFFFFFE50] =	vst v9  }
0xce: {  	s0 =	sadd.s32 $0x1, s7;
	s23 =	sshll.u32 s2, $0x1F;
	s2 =	sshrl.u32 s2, $0x1;
	v11, _, _ =	vpop (xrf2);
	[tilespmem:s28+$0xFFFFFED0] =	vst v10;
	v9 =	vld [tilespmem:s12+$0x60]  }
0xcf: {  	s24 =	smulhi.u32 $0x24924925, s0;
	s2 =	sor.u32 s23, s2;
	(v2sf) =	vpush v11, $0xF;
	v11 =	vld [tilespmem:s30+$0xE0];
	v10, _, _ =	vpop (xrf2)  }
0xd0: {  	p3 =	slt.u32 s17, $0x7;
	s25 =	sshrl.u32 s0, $0x1;
	p4 =	sgt.u32 s2, $0x19999999;
	(v2sf) =	vpush v10, $0xF  }
0xd1: {  	s26 =	smulhi.u32 $0xEA0EA0EB, s25;
	s3 =	ssub.s32 s0, s24;
	p1 =	por !p3, !p4  }
0xd2: {  	s2 =	sshrl.u32 s3, $0x1;
	s3 =	simm.s32 $0x1;
	p1 =	por !p1, !p1  }
0xd3: {  	s1 =	sshrl.u32 s26, $0x5;
	s2 =	sadd.s32 s24, s2;
	s3 =	simm.s32 @!p1 $0x0;
	v9 =	vmul.f32 s9, v9  }
0xd4: {  	s2 =	sshrl.u32 s2, $0x2;
	s1 =	ssub.s32 s1, s3;
	v10 =	vmul.f32 s19, v11  }
0xd5: {  	s1 =	ssub.s32 s1, s2;
	[tilespmem:s8+$0xFFFFFE60] =	vst v9  }
0xd6: {  	s4 =	rddreg [dreg:$0x3];
	s1 =	smul.u32 $0x7, s1;
	[tilespmem:s28+$0xFFFFFEE0] =	vst v10;
	v9 =	vld [tilespmem:s12+$0x70]  }
0xd7: {  	s6 =	sadd.s32 $0x2, s4;
	v10 =	vld [tilespmem:s30+$0xF0]  }
0xd8: {  	s1 =	sadd.s32 s1, s6  }
0xd9: {  	p1 =	slt.s32 s1, $0x17  }
0xda: {  	s1 =	simm.s32 @!p1 $0x17  }
0xdb: {  	s1 =	sshll.u32 s1, $0xC;
	v9 =	vmul.f32 s9, v9  }
0xdc: {  	s23 =	sshra.s32 s1, $0x2;
	v10 =	vmul.f32 s19, v10  }
0xdd: {  	v11 =	vld [tilespmem:s23+$0x0];
	[tilespmem:s8+$0xFFFFFE70] =	vst v9  }
0xde: {  	s7 =	spop (v2sf);
	[tilespmem:s28+$0xFFFFFEF0] =	vst v10;
	v9 =	vld [tilespmem:s12+$0x80]  }
0xdf: {  	v10 =	vld [tilespmem:s30+$0x100];
	s10 =	spop (v2sf)  }
0xe0: {  	s21 =	sadd.f32 s10, s7;
	_ =	sdelay $0x1  }
0xe1: {  	v11 =	vmul.f32 s21, v11  }
0xe2: {  	s29 =	simm.s32 $0x10400;
	v9 =	vmul.f32 s9, v9  }
0xe3: {  	v10 =	vmul.f32 s19, v10;
	[tilespmem:s29+$0xFFFFFE00] =	vst v11  }
0xe4: {  	v11 =	vld [tilespmem:s23+$0x10];
	[tilespmem:s8+$0xFFFFFE80] =	vst v9  }
0xe5: {  	[tilespmem:s28+$0xFFFFFF00] =	vst v10;
	v9 =	vld [tilespmem:s12+$0x90]  }
0xe6: {  	v10 =	vld [tilespmem:s30+$0x110];
	_ =	sdelay $0x2  }
0xe7: {  	v11 =	vmul.f32 s21, v11  }
0xe8: {  	v9 =	vmul.f32 s9, v9  }
0xe9: {  	v10 =	vmul.f32 s19, v10;
	[tilespmem:s29+$0xFFFFFE10] =	vst v11  }
0xea: {  	v11 =	vld [tilespmem:s23+$0x20];
	[tilespmem:s8+$0xFFFFFE90] =	vst v9  }
0xeb: {  	[tilespmem:s28+$0xFFFFFF10] =	vst v10;
	v9 =	vld [tilespmem:s12+$0xA0]  }
0xec: {  	v10 =	vld [tilespmem:s30+$0x120];
	_ =	sdelay $0x2  }
0xed: {  	v11 =	vmul.f32 s21, v11  }
0xee: {  	v9 =	vmul.f32 s9, v9  }
0xef: {  	v10 =	vmul.f32 s19, v10;
	[tilespmem:s29+$0xFFFFFE20] =	vst v11  }
0xf0: {  	v11 =	vld [tilespmem:s23+$0x30];
	[tilespmem:s8+$0xFFFFFEA0] =	vst v9  }
0xf1: {  	[tilespmem:s28+$0xFFFFFF20] =	vst v10;
	v9 =	vld [tilespmem:s12+$0xB0]  }
0xf2: {  	v10 =	vld [tilespmem:s30+$0x130];
	_ =	sdelay $0x2  }
0xf3: {  	s11 =	sadd.s32 $0x3, s13;
	v11 =	vmul.f32 s21, v11  }
0xf4: {  	s14 =	smulhi.u32 $0x24924925, s11;
	v9 =	vmul.f32 s9, v9  }
0xf5: {  	v10 =	vmul.f32 s19, v10;
	[tilespmem:s29+$0xFFFFFE30] =	vst v11  }
0xf6: {  	s15 =	ssub.s32 s11, s14;
	v11 =	vld [tilespmem:s23+$0x40];
	[tilespmem:s8+$0xFFFFFEB0] =	vst v9  }
0xf7: {  	s3 =	sshrl.u32 s15, $0x1;
	[tilespmem:s28+$0xFFFFFF30] =	vst v10;
	v9 =	vld [tilespmem:s12+$0xC0]  }
0xf8: {  	s2 =	sadd.s32 s14, s3;
	v10 =	vld [tilespmem:s30+$0x140]  }
0xf9: {  	s2 =	sshrl.u32 s2, $0x2  }
0xfa: {  	s16 =	ssub.s32 s2, s5  }
0xfb: {  	v12 =	vmov s16;
	s3 =	sadd.s32 $0xFFFFFFF0, s16;
	v11 =	vmul.f32 s21, v11  }
0xfc: {  	vm9 =	veq.s32 v12, v2;
	v12 =	vmov s3;
	v9 =	vmul.f32 s9, v9  }
0xfd: {  	v13 =	vnsel vm9, $0x0, v8;
	vm9 =	veq.s32 v12, v2;
	v10 =	vmul.f32 s19, v10;
	[tilespmem:s29+$0xFFFFFE40] =	vst v11  }
0xfe: {  	v12 =	vnsel vm9, $0x0, v7;
	(xrf2) =	vadd.scan.msk.f32 $0xffff, v13;
	v11 =	vld [tilespmem:s23+$0x50];
	[tilespmem:s8+$0xFFFFFEC0] =	vst v9  }
0xff: {  	(xrf2) =	vadd.scan.msk.f32 $0xffff, v12;
	[tilespmem:s28+$0xFFFFFF40] =	vst v10;
	v9 =	vld [tilespmem:s12+$0xD0]  }
0x100: {  	v10 =	vld [tilespmem:s30+$0x150];
	_ =	sdelay $0x3  }
0x101: {  	v11 =	vmul.f32 s21, v11  }
0x102: {  	v9 =	vmul.f32 s9, v9;
	v10 =	vmul.f32 s19, v10  }
0x103: {  	s2 =	smul.u32 $0xCCCCCCCD, s2;
	[tilespmem:s29+$0xFFFFFE50] =	vst v11  }
0x104: {  	v12 =	vld [tilespmem:s23+$0x60];
	[tilespmem:s8+$0xFFFFFED0] =	vst v9  }
0x105: {  	s0 =	sadd.s32 $0x1, s0;
	s17 =	sshll.u32 s2, $0x1F;
	s2 =	sshrl.u32 s2, $0x1;
	[tilespmem:s28+$0xFFFFFF50] =	vst v10;
	v11, _, _ =	vpop (xrf2);
	v9 =	vld [tilespmem:s12+$0xE0]  }
0x106: {  	s18 =	smulhi.u32 $0x24924925, s0;
	s2 =	sor.u32 s17, s2;
	(v2sf) =	vpush v11, $0xF;
	v10, _, _ =	vpop (xrf2);
	v11 =	vld [tilespmem:s30+$0x160]  }
0x107: {  	p5 =	slt.u32 s11, $0x7;
	s20 =	sshrl.u32 s0, $0x1;
	p6 =	sgt.u32 s2, $0x19999999;
	(v2sf) =	vpush v10, $0xF  }
0x108: {  	s24 =	smulhi.u32 $0xEA0EA0EB, s20;
	s25 =	ssub.s32 s0, s18;
	p1 =	por !p5, !p6  }
0x109: {  	s3 =	simm.s32 $0x1;
	s2 =	sshrl.u32 s25, $0x1;
	p1 =	por !p1, !p1;
	v10 =	vmul.f32 s21, v12  }
0x10a: {  	s1 =	sshrl.u32 s24, $0x5;
	s2 =	sadd.s32 s18, s2;
	s3 =	simm.s32 @!p1 $0x0;
	v9 =	vmul.f32 s9, v9  }
0x10b: {  	s2 =	sshrl.u32 s2, $0x2;
	s1 =	ssub.s32 s1, s3;
	[tilespmem:s29+$0xFFFFFE60] =	vst v10;
	v10 =	vmul.f32 s19, v11  }
0x10c: {  	s1 =	ssub.s32 s1, s2;
	v11 =	vld [tilespmem:s23+$0x70];
	[tilespmem:s8+$0xFFFFFEE0] =	vst v9  }
0x10d: {  	s1 =	smul.u32 $0x7, s1;
	s26 =	rddreg [dreg:$0x3];
	v9 =	vld [tilespmem:s12+$0xF0];
	[tilespmem:s28+$0xFFFFFF60] =	vst v10  }
0x10e: {  	s3 =	sadd.s32 $0x3, s26;
	v10 =	vld [tilespmem:s30+$0x170]  }
0x10f: {  	s1 =	sadd.s32 s1, s3  }
0x110: {  	p1 =	slt.s32 s1, $0x17  }
0x111: {  	s1 =	simm.s32 @!p1 $0x17;
	v11 =	vmul.f32 s21, v11  }
0x112: {  	s1 =	sshll.u32 s1, $0xC;
	v9 =	vmul.f32 s9, v9  }
0x113: {  	s7 =	smov.u32 s5;
	s5 =	sshra.s32 s1, $0x2;
	[tilespmem:s29+$0xFFFFFE70] =	vst v11;
	v10 =	vmul.f32 s19, v10  }
0x114: {  	v11 =	vld [tilespmem:s5+$0x0];
	[tilespmem:s8+$0xFFFFFEF0] =	vst v9  }
0x115: {  	s4 =	spop (v2sf);
	[tilespmem:s28+$0xFFFFFF70] =	vst v10;
	v10 =	vld [tilespmem:s12+$0x100]  }
0x116: {  	v9 =	vld [tilespmem:s23+$0x80];
	s6 =	spop (v2sf)  }
0x117: {  	s26 =	sadd.f32 s6, s4;
	_ =	sdelay $0x1  }
0x118: {  	v12 =	vld [tilespmem:s30+$0x180];
	v11 =	vmul.f32 s26, v11  }
0x119: {  	s6 =	simm.s32 $0x10800;
	v10 =	vmul.f32 s9, v10  }
0x11a: {  	v9 =	vmul.f32 s21, v9;
	[tilespmem:s6+$0xFFFFFE00] =	vst v11  }
0x11b: {  	v11 =	vld [tilespmem:s5+$0x10];
	[tilespmem:s8+$0xFFFFFF00] =	vst v10  }
0x11c: {  	[tilespmem:s29+$0xFFFFFE80] =	vst v9;
	v10 =	vld [tilespmem:s12+$0x110]  }
0x11d: {  	v9 =	vmul.f32 s19, v12;
	v12 =	vld [tilespmem:s23+$0x90];
	_ =	sdelay $0x1  }
0x11e: {  	[tilespmem:s28+$0xFFFFFF80] =	vst v9  }
0x11f: {  	v9 =	vld [tilespmem:s30+$0x190];
	v11 =	vmul.f32 s26, v11  }
0x120: {  	v10 =	vmul.f32 s9, v10  }
0x121: {  	v12 =	vmul.f32 s21, v12;
	[tilespmem:s6+$0xFFFFFE10] =	vst v11  }
0x122: {  	v11 =	vld [tilespmem:s5+$0x20];
	[tilespmem:s8+$0xFFFFFF10] =	vst v10  }
0x123: {  	[tilespmem:s29+$0xFFFFFE90] =	vst v12;
	v10 =	vld [tilespmem:s12+$0x120]  }
0x124: {  	v9 =	vmul.f32 s19, v9;
	v12 =	vld [tilespmem:s23+$0xA0];
	_ =	sdelay $0x1  }
0x125: {  	[tilespmem:s28+$0xFFFFFF90] =	vst v9  }
0x126: {  	v9 =	vld [tilespmem:s30+$0x1A0];
	v11 =	vmul.f32 s26, v11  }
0x127: {  	v10 =	vmul.f32 s9, v10  }
0x128: {  	v12 =	vmul.f32 s21, v12;
	[tilespmem:s6+$0xFFFFFE20] =	vst v11  }
0x129: {  	v11 =	vld [tilespmem:s5+$0x30];
	[tilespmem:s8+$0xFFFFFF20] =	vst v10  }
0x12a: {  	[tilespmem:s29+$0xFFFFFEA0] =	vst v12;
	v10 =	vld [tilespmem:s12+$0x130]  }
0x12b: {  	v9 =	vmul.f32 s19, v9;
	v12 =	vld [tilespmem:s23+$0xB0];
	_ =	sdelay $0x1  }
0x12c: {  	s10 =	sadd.s32 $0x4, s13;
	[tilespmem:s28+$0xFFFFFFA0] =	vst v9  }
0x12d: {  	s11 =	smulhi.u32 $0x24924925, s10;
	v9 =	vld [tilespmem:s30+$0x1B0];
	v11 =	vmul.f32 s26, v11  }
0x12e: {  	v10 =	vmul.f32 s9, v10  }
0x12f: {  	s14 =	ssub.s32 s10, s11;
	v12 =	vmul.f32 s21, v12;
	[tilespmem:s6+$0xFFFFFE30] =	vst v11  }
0x130: {  	s3 =	sshrl.u32 s14, $0x1;
	v11 =	vld [tilespmem:s5+$0x40];
	[tilespmem:s8+$0xFFFFFF30] =	vst v10  }
0x131: {  	s2 =	sadd.s32 s11, s3;
	[tilespmem:s29+$0xFFFFFEB0] =	vst v12;
	v10 =	vld [tilespmem:s12+$0x140]  }
0x132: {  	s2 =	sshrl.u32 s2, $0x2;
	v9 =	vmul.f32 s19, v9;
	v12 =	vld [tilespmem:s23+$0xC0]  }
0x133: {  	s15 =	ssub.s32 s2, s7  }
0x134: {  	s3 =	sadd.s32 $0xFFFFFFF0, s15;
	[tilespmem:s28+$0xFFFFFFB0] =	vst v9;
	v9 =	vmov s15  }
0x135: {  	v13 =	vld [tilespmem:s30+$0x1C0];
	vm9 =	veq.s32 v9, v2;
	v9 =	vmov s3;
	v11 =	vmul.f32 s26, v11  }
0x136: {  	v14 =	vnsel vm9, $0x0, v8;
	vm9 =	veq.s32 v9, v2;
	v10 =	vmul.f32 s9, v10  }
0x137: {  	(xrf2) =	vadd.scan.msk.f32 $0xffff, v14;
	v9 =	vmul.f32 s21, v12;
	v12 =	vnsel vm9, $0x0, v7;
	[tilespmem:s6+$0xFFFFFE40] =	vst v11  }
0x138: {  	(xrf2) =	vadd.scan.msk.f32 $0xffff, v12;
	v11 =	vld [tilespmem:s5+$0x50];
	[tilespmem:s8+$0xFFFFFF40] =	vst v10  }
0x139: {  	[tilespmem:s29+$0xFFFFFEC0] =	vst v9;
	v10 =	vld [tilespmem:s12+$0x150]  }
0x13a: {  	v9 =	vmul.f32 s19, v13;
	v12 =	vld [tilespmem:s23+$0xD0];
	_ =	sdelay $0x1  }
0x13b: {  	[tilespmem:s28+$0xFFFFFFC0] =	vst v9  }
0x13c: {  	v9 =	vld [tilespmem:s30+$0x1D0];
	v11 =	vmul.f32 s26, v11  }
0x13d: {  	v10 =	vmul.f32 s9, v10  }
0x13e: {  	s2 =	smul.u32 $0xCCCCCCCD, s2;
	v12 =	vmul.f32 s21, v12  }
0x13f: {  	[tilespmem:s6+$0xFFFFFE50] =	vst v11  }
0x140: {  	s16 =	sshll.u32 s2, $0x1F;
	s17 =	sshrl.u32 s2, $0x1;
	s2 =	sadd.s32 $0x1, s0;
	[tilespmem:s29+$0xFFFFFED0] =	vst v12;
	v13 =	vld [tilespmem:s5+$0x60];
	v11, _, _ =	vpop (xrf2)  }
0x141: {  	s0 =	smulhi.u32 $0x24924925, s2;
	s3 =	sor.u32 s16, s17;
	v9 =	vmul.f32 s19, v9;
	v12 =	vld [tilespmem:s23+$0xE0];
	[tilespmem:s8+$0xFFFFFF50] =	vst v10;
	(v2sf) =	vpush v11, $0xF;
	v10, _, _ =	vpop (xrf2)  }
0x142: {  	p3 =	slt.u32 s10, $0x7;
	s18 =	sshrl.u32 s2, $0x1;
	p4 =	sgt.u32 s3, $0x19999999;
	v11 =	vld [tilespmem:s12+$0x160];
	(v2sf) =	vpush v10, $0xF  }
0x143: {  	s20 =	smulhi.u32 $0xEA0EA0EB, s18;
	s24 =	ssub.s32 s2, s0;
	p1 =	por !p3, !p4;
	[tilespmem:s28+$0xFFFFFFD0] =	vst v9  }
0x144: {  	s4 =	simm.s32 $0x1;
	s3 =	sshrl.u32 s24, $0x1;
	p1 =	por !p1, !p1;
	v9 =	vld [tilespmem:s30+$0x1E0]  }
0x145: {  	s1 =	sshrl.u32 s20, $0x5;
	s0 =	sadd.s32 s0, s3;
	s4 =	simm.s32 @!p1 $0x0;
	v10 =	vmul.f32 s26, v13  }
0x146: {  	s0 =	sshrl.u32 s0, $0x2;
	s1 =	ssub.s32 s1, s4;
	v12 =	vmul.f32 s21, v12  }
0x147: {  	s0 =	ssub.s32 s1, s0;
	[tilespmem:s6+$0xFFFFFE60] =	vst v10;
	v10 =	vmul.f32 s9, v11  }
0x148: {  	s25 =	rddreg [dreg:$0x3];
	s0 =	smul.u32 $0x7, s0;
	[tilespmem:s29+$0xFFFFFEE0] =	vst v12;
	v11 =	vld [tilespmem:s5+$0x70]  }
0x149: {  	s4 =	sadd.s32 $0x4, s25;
	v9 =	vmul.f32 s19, v9;
	v12 =	vld [tilespmem:s23+$0xF0];
	[tilespmem:s8+$0xFFFFFF60] =	vst v10  }
0x14a: {  	s0 =	sadd.s32 s0, s4;
	v10 =	vld [tilespmem:s12+$0x170]  }
0x14b: {  	p1 =	slt.s32 s0, $0x17;
	[tilespmem:s28+$0xFFFFFFE0] =	vst v9  }
0x14c: {  	s0 =	simm.s32 @!p1 $0x17;
	v9 =	vld [tilespmem:s30+$0x1F0]  }
0x14d: {  	s0 =	sshll.u32 s0, $0xC;
	v11 =	vmul.f32 s26, v11  }
0x14e: {  	s10 =	sshra.s32 s0, $0x2;
	v12 =	vmul.f32 s21, v12  }
0x14f: {  	[tilespmem:s6+$0xFFFFFE70] =	vst v11;
	v10 =	vmul.f32 s9, v10;
	v11 =	vld [tilespmem:s10+$0x0]  }
0x150: {  	[tilespmem:s29+$0xFFFFFEF0] =	vst v12;
	s6 =	spop (v2sf)  }
0x151: {  	s11 =	smov.u32 s7;
	v9 =	vmul.f32 s19, v9;
	[tilespmem:s8+$0xFFFFFF70] =	vst v10;
	v10 =	vld [tilespmem:s23+$0x100];
	s7 =	spop (v2sf)  }
0x152: {  	v12 =	vld [tilespmem:s5+$0x80];
	s16 =	sadd.f32 s7, s6  }
0x153: {  	[tilespmem:s28+$0xFFFFFFF0] =	vst v9  }
0x154: {  	v13 =	vld [tilespmem:s30+$0x200];
	v11 =	vmul.f32 s16, v11  }
0x155: {  	v9 =	vld [tilespmem:s12+$0x180];
	s7 =	simm.s32 $0x10C00  }
0x156: {  	v10 =	vmul.f32 s21, v10;
	[tilespmem:s7+$0xFFFFFE00] =	vst v11  }
0x157: {  	v12 =	vmul.f32 s26, v12;
	v11 =	vld [tilespmem:s10+$0x10]  }
0x158: {  	s1 =	simm.s32 $0x10800;
	[tilespmem:s29+$0xFFFFFF00] =	vst v10  }
0x159: {  	[tilespmem:s1+$0xFFFFFE80] =	vst v12;
	v10 =	vmul.f32 s19, v13;
	v13 =	vld [tilespmem:s23+$0x110]  }
0x15a: {  	v9 =	vmul.f32 s9, v9;
	v12 =	vld [tilespmem:s5+$0x90];
	_ =	sdelay $0x1  }
0x15b: {  	[tilespmem:s8+$0xFFFFFF80] =	vst v9;
	v11 =	vmul.f32 s16, v11  }
0x15c: {  	v9 =	vld [tilespmem:s12+$0x190];
	[tilespmem:s28+$0x0] =	vst v10  }
0x15d: {  	v10 =	vld [tilespmem:s30+$0x210];
	[tilespmem:s7+$0xFFFFFE10] =	vst v11;
	v11 =	vmul.f32 s21, v13  }
0x15e: {  	v12 =	vmul.f32 s26, v12  }
0x15f: {  	v13 =	vld [tilespmem:s10+$0x20];
	[tilespmem:s29+$0xFFFFFF10] =	vst v11  }
0x160: {  	[tilespmem:s1+$0xFFFFFE90] =	vst v12;
	v11 =	vld [tilespmem:s23+$0x120]  }
0x161: {  	v9 =	vmul.f32 s9, v9;
	v12 =	vld [tilespmem:s5+$0xA0]  }
0x162: {  	v10 =	vmul.f32 s19, v10  }
0x163: {  	[tilespmem:s8+$0xFFFFFF90] =	vst v9  }
0x164: {  	v9 =	vld [tilespmem:s12+$0x1A0];
	[tilespmem:s28+$0x10] =	vst v10;
	v13 =	vmul.f32 s16, v13  }
0x165: {  	v10 =	vld [tilespmem:s30+$0x220];
	v11 =	vmul.f32 s21, v11  }
0x166: {  	v12 =	vmul.f32 s26, v12;
	[tilespmem:s7+$0xFFFFFE20] =	vst v13  }
0x167: {  	v13 =	vld [tilespmem:s10+$0x30];
	[tilespmem:s29+$0xFFFFFF20] =	vst v11  }
0x168: {  	[tilespmem:s1+$0xFFFFFEA0] =	vst v12;
	v11 =	vld [tilespmem:s23+$0x130]  }
0x169: {  	v9 =	vmul.f32 s9, v9;
	v12 =	vld [tilespmem:s5+$0xB0]  }
0x16a: {  	v10 =	vmul.f32 s19, v10  }
0x16b: {  	s14 =	sadd.s32 $0x5, s13;
	[tilespmem:s8+$0xFFFFFFA0] =	vst v9  }
0x16c: {  	s15 =	smulhi.u32 $0x24924925, s14;
	v9 =	vld [tilespmem:s12+$0x1B0];
	[tilespmem:s28+$0x20] =	vst v10;
	v13 =	vmul.f32 s16, v13  }
0x16d: {  	v10 =	vld [tilespmem:s30+$0x230];
	v11 =	vmul.f32 s21, v11  }
0x16e: {  	s17 =	ssub.s32 s14, s15;
	v12 =	vmul.f32 s26, v12;
	[tilespmem:s7+$0xFFFFFE30] =	vst v13  }
0x16f: {  	s0 =	smov.u32 s5;
	s5 =	sshrl.u32 s17, $0x1;
	v13 =	vld [tilespmem:s10+$0x40];
	[tilespmem:s29+$0xFFFFFF30] =	vst v11  }
0x170: {  	s3 =	sadd.s32 s15, s5;
	[tilespmem:s1+$0xFFFFFEB0] =	vst v12;
	v11 =	vld [tilespmem:s23+$0x140]  }
0x171: {  	s3 =	sshrl.u32 s3, $0x2;
	v9 =	vmul.f32 s9, v9;
	v12 =	vld [tilespmem:s0+$0xC0]  }
0x172: {  	s18 =	ssub.s32 s3, s11;
	v10 =	vmul.f32 s19, v10  }
0x173: {  	s5 =	sadd.s32 $0xFFFFFFF0, s18;
	[tilespmem:s8+$0xFFFFFFB0] =	vst v9;
	v9 =	vmov s18  }
0x174: {  	v14 =	vld [tilespmem:s12+$0x1C0];
	[tilespmem:s28+$0x30] =	vst v10;
	vm9 =	veq.s32 v9, v2;
	v10 =	vmov s5;
	v13 =	vmul.f32 s16, v13  }
0x175: {  	v9 =	vld [tilespmem:s30+$0x240];
	v15 =	vnsel vm9, $0x0, v8;
	vm9 =	veq.s32 v10, v2;
	v11 =	vmul.f32 s21, v11  }
0x176: {  	(xrf2) =	vadd.scan.msk.f32 $0xffff, v15;
	v10 =	vmul.f32 s26, v12;
	v12 =	vnsel vm9, $0x0, v7;
	[tilespmem:s7+$0xFFFFFE40] =	vst v13  }
0x177: {  	(xrf2) =	vadd.scan.msk.f32 $0xffff, v12;
	v12 =	vld [tilespmem:s10+$0x50];
	[tilespmem:s29+$0xFFFFFF40] =	vst v11  }
0x178: {  	[tilespmem:s1+$0xFFFFFEC0] =	vst v10;
	v11 =	vld [tilespmem:s23+$0x150]  }
0x179: {  	v10 =	vmul.f32 s9, v14;
	v13 =	vld [tilespmem:s0+$0xD0]  }
0x17a: {  	v9 =	vmul.f32 s19, v9  }
0x17b: {  	[tilespmem:s8+$0xFFFFFFC0] =	vst v10  }
0x17c: {  	v10 =	vld [tilespmem:s12+$0x1D0];
	[tilespmem:s28+$0x40] =	vst v9;
	v12 =	vmul.f32 s16, v12  }
0x17d: {  	v9 =	vld [tilespmem:s30+$0x250];
	v11 =	vmul.f32 s21, v11  }
0x17e: {  	s3 =	smul.u32 $0xCCCCCCCD, s3;
	v13 =	vmul.f32 s26, v13  }
0x17f: {  	[tilespmem:s7+$0xFFFFFE50] =	vst v12  }
0x180: {  	s20 =	sshll.u32 s3, $0x1F;
	s24 =	sshrl.u32 s3, $0x1;
	s3 =	sadd.s32 $0x1, s2;
	[tilespmem:s1+$0xFFFFFED0] =	vst v13;
	v14 =	vld [tilespmem:s10+$0x60];
	v12, _, _ =	vpop (xrf2)  }
0x181: {  	s2 =	smulhi.u32 $0x24924925, s3;
	s5 =	sor.u32 s20, s24;
	v10 =	vmul.f32 s9, v10;
	v13 =	vld [tilespmem:s0+$0xE0];
	[tilespmem:s29+$0xFFFFFF50] =	vst v11;
	(v2sf) =	vpush v12, $0xF;
	v11, _, _ =	vpop (xrf2)  }
0x182: {  	p5 =	slt.u32 s14, $0x7;
	s25 =	sshrl.u32 s3, $0x1;
	p6 =	sgt.u32 s5, $0x19999999;
	v9 =	vmul.f32 s19, v9;
	v12 =	vld [tilespmem:s23+$0x160];
	(v2sf) =	vpush v11, $0xF  }
0x183: {  	s14 =	smulhi.u32 $0xEA0EA0EB, s25;
	s15 =	ssub.s32 s3, s2;
	p1 =	por !p5, !p6;
	[tilespmem:s8+$0xFFFFFFD0] =	vst v10  }
0x184: {  	s6 =	simm.s32 $0x1;
	s5 =	sshrl.u32 s15, $0x1;
	p1 =	por !p1, !p1;
	v10 =	vld [tilespmem:s12+$0x1E0];
	[tilespmem:s28+$0x50] =	vst v9  }
0x185: {  	s4 =	sshrl.u32 s14, $0x5;
	s2 =	sadd.s32 s2, s5;
	s6 =	simm.s32 @!p1 $0x0;
	v9 =	vld [tilespmem:s30+$0x260];
	v11 =	vmul.f32 s16, v14  }
0x186: {  	s2 =	sshrl.u32 s2, $0x2;
	s4 =	ssub.s32 s4, s6;
	v13 =	vmul.f32 s26, v13  }
0x187: {  	s2 =	ssub.s32 s4, s2;
	[tilespmem:s7+$0xFFFFFE60] =	vst v11;
	v11 =	vmul.f32 s21, v12  }
0x188: {  	s17 =	rddreg [dreg:$0x3];
	s2 =	smul.u32 $0x7, s2;
	[tilespmem:s1+$0xFFFFFEE0] =	vst v13;
	v12 =	vld [tilespmem:s10+$0x70]  }
0x189: {  	s18 =	sadd.s32 $0x5, s17;
	v10 =	vmul.f32 s9, v10;
	v13 =	vld [tilespmem:s0+$0xF0];
	[tilespmem:s29+$0xFFFFFF60] =	vst v11  }
0x18a: {  	s2 =	sadd.s32 s2, s18;
	v9 =	vmul.f32 s19, v9;
	v11 =	vld [tilespmem:s23+$0x170]  }
0x18b: {  	p1 =	slt.s32 s2, $0x17;
	[tilespmem:s8+$0xFFFFFFE0] =	vst v10  }
0x18c: {  	s2 =	simm.s32 @!p1 $0x17;
	v10 =	vld [tilespmem:s12+$0x1F0];
	[tilespmem:s28+$0x60] =	vst v9  }
0x18d: {  	s2 =	sshll.u32 s2, $0xC;
	v9 =	vld [tilespmem:s30+$0x270];
	v12 =	vmul.f32 s16, v12  }
0x18e: {  	s17 =	sshra.s32 s2, $0x2;
	v13 =	vmul.f32 s26, v13  }
0x18f: {  	[tilespmem:s7+$0xFFFFFE70] =	vst v12;
	v11 =	vmul.f32 s21, v11;
	v12 =	vld [tilespmem:s17+$0x0]  }
0x190: {  	[tilespmem:s1+$0xFFFFFEF0] =	vst v13;
	s20 =	spop (v2sf)  }
0x191: {  	v10 =	vmul.f32 s9, v10;
	[tilespmem:s29+$0xFFFFFF70] =	vst v11;
	v11 =	vld [tilespmem:s0+$0x100];
	s24 =	spop (v2sf)  }
0x192: {  	v13 =	vld [tilespmem:s10+$0x80];
	v9 =	vmul.f32 s19, v9;
	s6 =	sadd.f32 s24, s20  }
0x193: {  	[tilespmem:s8+$0xFFFFFFF0] =	vst v10;
	v10 =	vld [tilespmem:s23+$0x180]  }
0x194: {  	[tilespmem:s28+$0x70] =	vst v9;
	v9 =	vld [tilespmem:s12+$0x200];
	v12 =	vmul.f32 s6, v12  }
0x195: {  	s15 =	simm.s32 $0x11000;
	v14 =	vld [tilespmem:s30+$0x280]  }
0x196: {  	v11 =	vmul.f32 s26, v11;
	[tilespmem:s15+$0xFFFFFE00] =	vst v12  }
0x197: {  	v13 =	vmul.f32 s16, v13;
	v12 =	vld [tilespmem:s17+$0x10]  }
0x198: {  	s2 =	simm.s32 $0x10C00;
	v10 =	vmul.f32 s21, v10;
	[tilespmem:s1+$0xFFFFFF00] =	vst v11  }
0x199: {  	[tilespmem:s2+$0xFFFFFE80] =	vst v13;
	v9 =	vmul.f32 s9, v9;
	v11 =	vld [tilespmem:s0+$0x110]  }
0x19a: {  	v13 =	vld [tilespmem:s10+$0x90];
	[tilespmem:s29+$0xFFFFFF80] =	vst v10;
	v10 =	vmul.f32 s19, v14  }
0x19b: {  	[tilespmem:s8+$0x0] =	vst v9  }
0x19c: {  	v14 =	vld [tilespmem:s23+$0x190];
	[tilespmem:s28+$0x80] =	vst v10;
	v10 =	vmul.f32 s6, v12  }
0x19d: {  	v9 =	vld [tilespmem:s12+$0x210]  }
0x19e: {  	v12 =	vld [tilespmem:s30+$0x290];
	[tilespmem:s15+$0xFFFFFE10] =	vst v10;
	v10 =	vmul.f32 s26, v11  }
0x19f: {  	v13 =	vmul.f32 s16, v13  }
0x1a0: {  	v11 =	vld [tilespmem:s17+$0x20];
	[tilespmem:s1+$0xFFFFFF10] =	vst v10  }
0x1a1: {  	[tilespmem:s2+$0xFFFFFE90] =	vst v13;
	v13 =	vmul.f32 s21, v14;
	v10 =	vld [tilespmem:s0+$0x120]  }
0x1a2: {  	v9 =	vmul.f32 s9, v9;
	v14 =	vld [tilespmem:s10+$0xA0]  }
0x1a3: {  	[tilespmem:s29+$0xFFFFFF90] =	vst v13;
	v12 =	vmul.f32 s19, v12  }
0x1a4: {  	[tilespmem:s8+$0x10] =	vst v9;
	v13 =	vld [tilespmem:s23+$0x1A0]  }
0x1a5: {  	v9 =	vld [tilespmem:s12+$0x220];
	[tilespmem:s28+$0x90] =	vst v12;
	v11 =	vmul.f32 s6, v11  }
0x1a6: {  	v12 =	vld [tilespmem:s30+$0x2A0];
	v10 =	vmul.f32 s26, v10  }
0x1a7: {  	v14 =	vmul.f32 s16, v14;
	[tilespmem:s15+$0xFFFFFE20] =	vst v11  }
0x1a8: {  	v11 =	vld [tilespmem:s17+$0x30];
	[tilespmem:s1+$0xFFFFFF20] =	vst v10  }
0x1a9: {  	[tilespmem:s2+$0xFFFFFEA0] =	vst v14;
	v13 =	vmul.f32 s21, v13;
	v10 =	vld [tilespmem:s0+$0x130]  }
0x1aa: {  	v9 =	vmul.f32 s9, v9;
	v14 =	vld [tilespmem:s10+$0xB0]  }
0x1ab: {  	[tilespmem:s29+$0xFFFFFFA0] =	vst v13;
	v12 =	vmul.f32 s19, v12  }
0x1ac: {  	s7 =	sadd.s32 $0x6, s13;
	[tilespmem:s8+$0x20] =	vst v9;
	v13 =	vld [tilespmem:s23+$0x1B0]  }
0x1ad: {  	s25 =	smulhi.u32 $0x24924925, s7;
	v9 =	vld [tilespmem:s12+$0x230];
	[tilespmem:s28+$0xA0] =	vst v12;
	v11 =	vmul.f32 s6, v11  }
0x1ae: {  	v12 =	vld [tilespmem:s30+$0x2B0];
	v10 =	vmul.f32 s26, v10  }
0x1af: {  	s14 =	ssub.s32 s7, s25;
	v14 =	vmul.f32 s16, v14;
	[tilespmem:s15+$0xFFFFFE30] =	vst v11  }
0x1b0: {  	s4 =	smov.u32 s10;
	s10 =	sshrl.u32 s14, $0x1;
	v11 =	vld [tilespmem:s17+$0x40];
	[tilespmem:s1+$0xFFFFFF30] =	vst v10  }
0x1b1: {  	s5 =	sadd.s32 s25, s10;
	[tilespmem:s2+$0xFFFFFEB0] =	vst v14;
	v13 =	vmul.f32 s21, v13;
	v10 =	vld [tilespmem:s0+$0x140]  }
0x1b2: {  	s5 =	sshrl.u32 s5, $0x2;
	v9 =	vmul.f32 s9, v9;
	v14 =	vld [tilespmem:s4+$0xC0]  }
0x1b3: {  	s18 =	ssub.s32 s5, s11;
	[tilespmem:s29+$0xFFFFFFB0] =	vst v13;
	v12 =	vmul.f32 s19, v12  }
0x1b4: {  	s10 =	sadd.s32 $0xFFFFFFF0, s18;
	v13 =	vmov s18;
	[tilespmem:s8+$0x30] =	vst v9;
	v15 =	vld [tilespmem:s23+$0x1C0]  }
0x1b5: {  	vm9 =	veq.s32 v13, v2;
	v9 =	vld [tilespmem:s12+$0x240];
	[tilespmem:s28+$0xB0] =	vst v12;
	v12 =	vmov s10;
	v11 =	vmul.f32 s6, v11  }
0x1b6: {  	v13 =	vnsel vm9, $0x0, v8;
	vm9 =	veq.s32 v12, v2;
	v10 =	vmul.f32 s26, v10  }
0x1b7: {  	(xrf2) =	vadd.scan.msk.f32 $0xffff, v13;
	v16 =	vld [tilespmem:s30+$0x2C0];
	v12 =	vmul.f32 s16, v14;
	v13 =	vnsel vm9, $0x0, v7;
	[tilespmem:s15+$0xFFFFFE40] =	vst v11  }
0x1b8: {  	(xrf2) =	vadd.scan.msk.f32 $0xffff, v13;
	v11 =	vld [tilespmem:s17+$0x50];
	[tilespmem:s1+$0xFFFFFF40] =	vst v10  }
0x1b9: {  	[tilespmem:s2+$0xFFFFFEC0] =	vst v12;
	v12 =	vmul.f32 s21, v15;
	v10 =	vld [tilespmem:s0+$0x150]  }
0x1ba: {  	v9 =	vmul.f32 s9, v9;
	v13 =	vld [tilespmem:s4+$0xD0]  }
0x1bb: {  	[tilespmem:s29+$0xFFFFFFC0] =	vst v12  }
0x1bc: {  	[tilespmem:s8+$0x40] =	vst v9;
	v12 =	vmul.f32 s19, v16;
	v14 =	vld [tilespmem:s23+$0x1D0]  }
0x1bd: {  	v9 =	vld [tilespmem:s12+$0x250];
	v11 =	vmul.f32 s6, v11  }
0x1be: {  	[tilespmem:s28+$0xC0] =	vst v12;
	v10 =	vmul.f32 s26, v10  }
0x1bf: {  	s5 =	smul.u32 $0xCCCCCCCD, s5;
	v12 =	vld [tilespmem:s30+$0x2D0];
	v13 =	vmul.f32 s16, v13  }
0x1c0: {  	[tilespmem:s15+$0xFFFFFE50] =	vst v11  }
0x1c1: {  	s20 =	sshll.u32 s5, $0x1F;
	s14 =	sshrl.u32 s5, $0x1;
	s5 =	sadd.s32 $0x1, s3;
	[tilespmem:s2+$0xFFFFFED0] =	vst v13;
	v13 =	vmul.f32 s21, v14;
	v15 =	vld [tilespmem:s17+$0x60];
	v11, _, _ =	vpop (xrf2)  }
0x1c2: {  	s3 =	smulhi.u32 $0x24924925, s5;
	s10 =	sor.u32 s20, s14;
	v9 =	vmul.f32 s9, v9;
	v14 =	vld [tilespmem:s4+$0xE0];
	[tilespmem:s1+$0xFFFFFF50] =	vst v10;
	(v2sf) =	vpush v11, $0xF;
	v10, _, _ =	vpop (xrf2)  }
0x1c3: {  	p3 =	slt.u32 s7, $0x7;
	s24 =	sshrl.u32 s5, $0x1;
	p4 =	sgt.u32 s10, $0x19999999;
	[tilespmem:s29+$0xFFFFFFD0] =	vst v13;
	v11 =	vld [tilespmem:s0+$0x160];
	(v2sf) =	vpush v10, $0xF  }
0x1c4: {  	s25 =	smulhi.u32 $0xEA0EA0EB, s24;
	s14 =	ssub.s32 s5, s3;
	p1 =	por !p3, !p4;
	[tilespmem:s8+$0x50] =	vst v9;
	v12 =	vmul.f32 s19, v12;
	v10 =	vld [tilespmem:s23+$0x1E0]  }
0x1c5: {  	s10 =	sshrl.u32 s14, $0x1;
	s14 =	simm.s32 $0x1;
	p1 =	por !p1, !p1;
	v9 =	vld [tilespmem:s12+$0x260]  }
0x1c6: {  	s7 =	sshrl.u32 s25, $0x5;
	s3 =	sadd.s32 s3, s10;
	s14 =	simm.s32 @!p1 $0x0;
	[tilespmem:s28+$0xD0] =	vst v12;
	v12 =	vmul.f32 s6, v15  }
0x1c7: {  	s3 =	sshrl.u32 s3, $0x2;
	s7 =	ssub.s32 s7, s14;
	v13 =	vld [tilespmem:s30+$0x2E0];
	v14 =	vmul.f32 s16, v14  }
0x1c8: {  	s3 =	ssub.s32 s7, s3;
	[tilespmem:s15+$0xFFFFFE60] =	vst v12;
	v11 =	vmul.f32 s26, v11  }
0x1c9: {  	s18 =	rddreg [dreg:$0x3];
	s3 =	smul.u32 $0x7, s3;
	[tilespmem:s2+$0xFFFFFEE0] =	vst v14;
	v12 =	vld [tilespmem:s17+$0x70];
	v10 =	vmul.f32 s21, v10  }
0x1ca: {  	s20 =	sadd.s32 $0x6, s18;
	v9 =	vmul.f32 s9, v9;
	v14 =	vld [tilespmem:s4+$0xF0];
	[tilespmem:s1+$0xFFFFFF60] =	vst v11  }
0x1cb: {  	s3 =	sadd.s32 s3, s20;
	v11 =	vld [tilespmem:s0+$0x170];
	[tilespmem:s29+$0xFFFFFFE0] =	vst v10  }
0x1cc: {  	p1 =	slt.s32 s3, $0x17;
	[tilespmem:s8+$0x60] =	vst v9;
	v10 =	vmul.f32 s19, v13;
	v13 =	vld [tilespmem:s23+$0x1F0]  }
0x1cd: {  	s3 =	simm.s32 @!p1 $0x17;
	v9 =	vld [tilespmem:s12+$0x270]  }
0x1ce: {  	s3 =	sshll.u32 s3, $0xC;
	[tilespmem:s28+$0xE0] =	vst v10;
	v10 =	vmul.f32 s6, v12  }
0x1cf: {  	s14 =	sshra.s32 s3, $0x2;
	v14 =	vmul.f32 s16, v14;
	v12 =	vld [tilespmem:s30+$0x2F0]  }
0x1d0: {  	[tilespmem:s15+$0xFFFFFE70] =	vst v10;
	v10 =	vmul.f32 s26, v11;
	v11 =	vld [tilespmem:s14+$0x0]  }
0x1d1: {  	[tilespmem:s2+$0xFFFFFEF0] =	vst v14;
	v14 =	vld [tilespmem:s17+$0x80];
	v13 =	vmul.f32 s21, v13;
	s24 =	spop (v2sf)  }
0x1d2: {  	v9 =	vmul.f32 s9, v9;
	[tilespmem:s1+$0xFFFFFF70] =	vst v10;
	v10 =	vld [tilespmem:s4+$0x100];
	s25 =	spop (v2sf)  }
0x1d3: {  	[tilespmem:s29+$0xFFFFFFF0] =	vst v13;
	v13 =	vld [tilespmem:s0+$0x180];
	s24 =	sadd.f32 s25, s24  }
0x1d4: {  	[tilespmem:s8+$0x70] =	vst v9;
	v12 =	vmul.f32 s19, v12;
	v9 =	vld [tilespmem:s23+$0x200]  }
0x1d5: {  	v11 =	vmul.f32 s24, v11  }
0x1d6: {  	s10 =	simm.s32 $0x11400;
	[tilespmem:s28+$0xF0] =	vst v12;
	v12 =	vld [tilespmem:s12+$0x280];
	v14 =	vmul.f32 s6, v14  }
0x1d7: {  	v15 =	vld [tilespmem:s30+$0x300];
	v10 =	vmul.f32 s16, v10;
	[tilespmem:s10+$0xFFFFFE00] =	vst v11  }
0x1d8: {  	[tilespmem:s15+$0xFFFFFE80] =	vst v14;
	v13 =	vmul.f32 s26, v13;
	v11 =	vld [tilespmem:s14+$0x10]  }
0x1d9: {  	v14 =	vld [tilespmem:s17+$0x90];
	[tilespmem:s2+$0xFFFFFF00] =	vst v10;
	v9 =	vmul.f32 s21, v9  }
0x1da: {  	v10 =	vld [tilespmem:s4+$0x110];
	[tilespmem:s1+$0xFFFFFF80] =	vst v13  }
0x1db: {  	v12 =	vmul.f32 s9, v12;
	v13 =	vld [tilespmem:s0+$0x190];
	[tilespmem:s29+$0x0] =	vst v9  }
0x1dc: {  	v9 =	vmul.f32 s19, v15;
	v15 =	vld [tilespmem:s23+$0x210]  }
0x1dd: {  	[tilespmem:s8+$0x80] =	vst v12;
	v11 =	vmul.f32 s24, v11  }
0x1de: {  	s20 =	simm.s32 $0x11400;
	v12 =	vld [tilespmem:s12+$0x290];
	[tilespmem:s28+$0x100] =	vst v9;
	v9 =	vmul.f32 s6, v14  }
0x1df: {  	v14 =	vld [tilespmem:s30+$0x310];
	v10 =	vmul.f32 s16, v10;
	[tilespmem:s20+$0xFFFFFE10] =	vst v11  }
0x1e0: {  	[tilespmem:s15+$0xFFFFFE90] =	vst v9;
	v9 =	vmul.f32 s26, v13;
	v11 =	vld [tilespmem:s14+$0x20]  }
0x1e1: {  	v13 =	vld [tilespmem:s17+$0xA0];
	[tilespmem:s2+$0xFFFFFF10] =	vst v10;
	v10 =	vmul.f32 s21, v15  }
0x1e2: {  	v15 =	vld [tilespmem:s4+$0x120];
	[tilespmem:s1+$0xFFFFFF90] =	vst v9  }
0x1e3: {  	v9 =	vmul.f32 s9, v12;
	v12 =	vld [tilespmem:s0+$0x1A0];
	[tilespmem:s29+$0x10] =	vst v10  }
0x1e4: {  	v10 =	vmul.f32 s19, v14;
	v14 =	vld [tilespmem:s23+$0x220]  }
0x1e5: {  	[tilespmem:s8+$0x90] =	vst v9;
	v9 =	vmul.f32 s24, v11  }
0x1e6: {  	[tilespmem:s28+$0x110] =	vst v10;
	v10 =	vmul.f32 s6, v13;
	v11 =	vld [tilespmem:s12+$0x2A0]  }
0x1e7: {  	v13 =	vld [tilespmem:s30+$0x320];
	[tilespmem:s20+$0xFFFFFE20] =	vst v9;
	v9 =	vmul.f32 s16, v15  }
0x1e8: {  	[tilespmem:s15+$0xFFFFFEA0] =	vst v10;
	v10 =	vmul.f32 s26, v12;
	v15 =	vld [tilespmem:s14+$0x30]  }
0x1e9: {  	v12 =	vld [tilespmem:s17+$0xB0];
	[tilespmem:s2+$0xFFFFFF20] =	vst v9;
	v9 =	vmul.f32 s21, v14  }
0x1ea: {  	[tilespmem:s1+$0xFFFFFFA0] =	vst v10;
	v14 =	vld [tilespmem:s4+$0x130]  }
0x1eb: {  	v10 =	vmul.f32 s9, v11;
	v11 =	vld [tilespmem:s0+$0x1B0];
	[tilespmem:s29+$0x20] =	vst v9  }
0x1ec: {  	s10 =	sadd.s32 $0x7, s13;
	v9 =	vmul.f32 s19, v13;
	v13 =	vld [tilespmem:s23+$0x230]  }
0x1ed: {  	s18 =	smulhi.u32 $0x24924925, s10;
	[tilespmem:s8+$0xA0] =	vst v10;
	v10 =	vmul.f32 s24, v15  }
0x1ee: {  	v15 =	vld [tilespmem:s12+$0x2B0];
	[tilespmem:s28+$0x120] =	vst v9;
	v9 =	vmul.f32 s6, v12  }
0x1ef: {  	s25 =	ssub.s32 s10, s18;
	v12 =	vld [tilespmem:s30+$0x330];
	[tilespmem:s20+$0xFFFFFE30] =	vst v10;
	v10 =	vmul.f32 s16, v14  }
0x1f0: {  	s3 =	smov.u32 s17;
	s17 =	sshrl.u32 s25, $0x1;
	[tilespmem:s15+$0xFFFFFEB0] =	vst v9;
	v9 =	vmul.f32 s26, v11;
	v14 =	vld [tilespmem:s14+$0x40]  }
0x1f1: {  	s7 =	sadd.s32 s18, s17;
	v11 =	vld [tilespmem:s3+$0xC0];
	[tilespmem:s2+$0xFFFFFF30] =	vst v10;
	v10 =	vmul.f32 s21, v13  }
0x1f2: {  	s7 =	sshrl.u32 s7, $0x2;
	[tilespmem:s1+$0xFFFFFFB0] =	vst v9;
	v13 =	vld [tilespmem:s4+$0x140]  }
0x1f3: {  	s11 =	ssub.s32 s7, s11;
	v9 =	vmul.f32 s9, v15;
	v16 =	vld [tilespmem:s0+$0x1C0];
	[tilespmem:s29+$0x30] =	vst v10  }
0x1f4: {  	s17 =	sadd.s32 $0xFFFFFFF0, s11;
	v15 =	vmov s11;
	v10 =	vmul.f32 s19, v12;
	v12 =	vld [tilespmem:s23+$0x240]  }
0x1f5: {  	vm9 =	veq.s32 v15, v2;
	[tilespmem:s8+$0xB0] =	vst v9;
	v9 =	vmov s17;
	v14 =	vmul.f32 s24, v14  }
0x1f6: {  	s18 =	simm.s32 $0x11400;
	v15 =	vnsel vm9, $0x0, v8;
	v17 =	vld [tilespmem:s12+$0x2C0];
	[tilespmem:s28+$0x130] =	vst v10;
	vm9 =	veq.s32 v9, v2;
	v9 =	vmul.f32 s6, v11  }
0x1f7: {  	(xrf2) =	vadd.scan.msk.f32 $0xffff, v15;
	v10 =	vld [tilespmem:s30+$0x340];
	v11 =	vnsel vm9, $0x0, v7;
	[tilespmem:s18+$0xFFFFFE40] =	vst v14;
	v13 =	vmul.f32 s16, v13  }
0x1f8: {  	(xrf2) =	vadd.scan.msk.f32 $0xffff, v11;
	[tilespmem:s15+$0xFFFFFEC0] =	vst v9;
	v9 =	vmul.f32 s26, v16;
	v11 =	vld [tilespmem:s14+$0x50]  }
0x1f9: {  	v14 =	vld [tilespmem:s3+$0xD0];
	[tilespmem:s2+$0xFFFFFF40] =	vst v13;
	v12 =	vmul.f32 s21, v12  }
0x1fa: {  	[tilespmem:s1+$0xFFFFFFC0] =	vst v9;
	v13 =	vld [tilespmem:s4+$0x150]  }
0x1fb: {  	v9 =	vmul.f32 s9, v17;
	v15 =	vld [tilespmem:s0+$0x1D0];
	[tilespmem:s29+$0x40] =	vst v12  }
0x1fc: {  	v10 =	vmul.f32 s19, v10;
	v12 =	vld [tilespmem:s23+$0x250]  }
0x1fd: {  	[tilespmem:s8+$0xC0] =	vst v9;
	v9 =	vmul.f32 s24, v11  }
0x1fe: {  	v11 =	vld [tilespmem:s12+$0x2D0];
	[tilespmem:s28+$0x140] =	vst v10;
	v10 =	vmul.f32 s6, v14  }
0x1ff: {  	s7 =	smul.u32 $0xCCCCCCCD, s7;
	v14 =	vld [tilespmem:s30+$0x350];
	[tilespmem:s18+$0xFFFFFE50] =	vst v9;
	v9 =	vmul.f32 s16, v13  }
0x200: {  	s11 =	sadd.s32 $0x1, s5;
	[tilespmem:s15+$0xFFFFFED0] =	vst v10;
	v10 =	vmul.f32 s26, v15  }
0x201: {  	s25 =	sshrl.u32 s7, $0x1;
	s20 =	sshll.u32 s7, $0x1F;
	s5 =	smulhi.u32 $0x24924925, s11;
	v13, _, _ =	vpop (xrf2);
	v16 =	vld [tilespmem:s14+$0x60];
	[tilespmem:s2+$0xFFFFFF50] =	vst v9;
	v9 =	vmul.f32 s21, v12  }
0x202: {  	p5 =	slt.u32 s10, $0x7;
	s17 =	sor.u32 s20, s25;
	v15 =	vld [tilespmem:s3+$0xE0];
	(v2sf) =	vpush v13, $0xF;
	v12, _, _ =	vpop (xrf2);
	[tilespmem:s1+$0xFFFFFFD0] =	vst v10  }
0x203: {  	p6 =	sgt.u32 s17, $0x19999999;
	s7 =	ssub.s32 s11, s5;
	s18 =	sshrl.u32 s11, $0x1;
	v13 =	vld [tilespmem:s4+$0x160];
	v10 =	vmul.f32 s9, v11;
	(v2sf) =	vpush v12, $0xF;
	[tilespmem:s29+$0x50] =	vst v9  }
0x204: {  	p1 =	por !p5, !p6;
	s20 =	smulhi.u32 $0xEA0EA0EB, s18;
	v11 =	vld [tilespmem:s0+$0x1E0];
	v9 =	vmul.f32 s19, v14;
	[dreg:$0x9] =	wrdreg s11  }
0x205: {  	s25 =	simm.s32 $0x1;
	s17 =	sshrl.u32 s7, $0x1;
	p1 =	por !p1, !p1;
	v12 =	vld [tilespmem:s23+$0x260];
	[tilespmem:s8+$0xD0] =	vst v10  }
0x206: {  	s5 =	sadd.s32 s5, s17;
	s25 =	simm.s32 @!p1 $0x0;
	s10 =	sshrl.u32 s20, $0x5;
	v10 =	vmul.f32 s24, v16;
	[tilespmem:s28+$0x150] =	vst v9;
	v14 =	vld [tilespmem:s12+$0x2E0]  }
0x207: {  	s5 =	sshrl.u32 s5, $0x2;
	s18 =	simm.s32 $0x11400;
	s10 =	ssub.s32 s10, s25;
	v9 =	vmul.f32 s6, v15;
	v15 =	vld [tilespmem:s30+$0x360]  }
0x208: {  	s5 =	ssub.s32 s10, s5;
	[tilespmem:s18+$0xFFFFFE60] =	vst v10;
	v10 =	vmul.f32 s16, v13  }
0x209: {  	s11 =	rddreg [dreg:$0x3];
	s5 =	smul.u32 $0x7, s5;
	[tilespmem:s15+$0xFFFFFEE0] =	vst v9;
	v9 =	vmul.f32 s26, v11;
	v13 =	vld [tilespmem:s14+$0x70]  }
0x20a: {  	s25 =	sadd.s32 $0x7, s11;
	v11 =	vld [tilespmem:s3+$0xF0];
	[tilespmem:s2+$0xFFFFFF60] =	vst v10;
	v10 =	vmul.f32 s21, v12  }
0x20b: {  	s5 =	sadd.s32 s5, s25;
	[tilespmem:s1+$0xFFFFFFE0] =	vst v9;
	v12 =	vld [tilespmem:s4+$0x170];
	v9 =	vmul.f32 s9, v14  }
0x20c: {  	p1 =	slt.s32 s5, $0x17;
	v14 =	vld [tilespmem:s0+$0x1F0];
	[tilespmem:s29+$0x60] =	vst v10;
	v10 =	vmul.f32 s19, v15  }
0x20d: {  	s17 =	simm.s32 $0xFC00;
	s5 =	simm.s32 @!p1 $0x17;
	v15 =	vld [tilespmem:s23+$0x270];
	[tilespmem:s8+$0xE0] =	vst v9  }
0x20e: {  	s5 =	sshll.u32 s5, $0xC;
	v9 =	vmul.f32 s24, v13;
	v13 =	vld [tilespmem:s12+$0x2F0];
	[tilespmem:s17+$0x160] =	vst v10  }
0x20f: {  	s20 =	sshra.s32 s5, $0x2;
	v10 =	vmul.f32 s6, v11;
	v11 =	vld [tilespmem:s30+$0x370]  }
0x210: {  	[tilespmem:s18+$0xFFFFFE70] =	vst v9;
	v9 =	vmul.f32 s16, v12;
	v12 =	vld [tilespmem:s20+$0x0]  }
0x211: {  	s10 =	spop (v2sf);
	[tilespmem:s15+$0xFFFFFEF0] =	vst v10;
	v10 =	vmul.f32 s26, v14;
	v14 =	vld [tilespmem:s14+$0x80]  }
0x212: {  	[tilespmem:s2+$0xFFFFFF70] =	vst v9;
	s11 =	spop (v2sf);
	v9 =	vmul.f32 s21, v15;
	v15 =	vld [tilespmem:s3+$0x100]  }
0x213: {  	[tilespmem:s1+$0xFFFFFFF0] =	vst v10;
	s11 =	sadd.f32 s11, s10;
	v10 =	vmul.f32 s9, v13;
	v13 =	vld [tilespmem:s4+$0x180]  }
0x214: {  	[tilespmem:s29+$0x70] =	vst v9;
	v9 =	vmul.f32 s19, v11;
	v11 =	vld [tilespmem:s0+$0x200]  }
0x215: {  	[tilespmem:s8+$0xF0] =	vst v10;
	v10 =	vmul.f32 s11, v12;
	v12 =	vld [tilespmem:s23+$0x280]  }
0x216: {  	s10 =	simm.s32 $0x11800;
	[tilespmem:s17+$0x170] =	vst v9;
	v9 =	vmul.f32 s24, v14;
	v14 =	vld [tilespmem:s12+$0x300]  }
0x217: {  	s18 =	simm.s32 $0x11400;
	[tilespmem:s10+$0xFFFFFE00] =	vst v10;
	v10 =	vmul.f32 s6, v15;
	v15 =	vld [tilespmem:s30+$0x380]  }
0x218: {  	v16 =	vld [tilespmem:s20+$0x10];
	[tilespmem:s18+$0xFFFFFE80] =	vst v9;
	v9 =	vmul.f32 s16, v13  }
0x219: {  	v13 =	vld [tilespmem:s14+$0x90];
	[tilespmem:s15+$0xFFFFFF00] =	vst v10;
	v10 =	vmul.f32 s26, v11  }
0x21a: {  	v11 =	vld [tilespmem:s3+$0x110];
	[tilespmem:s2+$0xFFFFFF80] =	vst v9;
	v9 =	vmul.f32 s21, v12  }
0x21b: {  	v12 =	vld [tilespmem:s4+$0x190];
	[tilespmem:s1+$0x0] =	vst v10;
	v10 =	vmul.f32 s9, v14  }
0x21c: {  	v14 =	vld [tilespmem:s0+$0x210];
	[tilespmem:s29+$0x80] =	vst v9;
	v9 =	vmul.f32 s19, v15  }
0x21d: {  	v15 =	vmul.f32 s11, v16;
	v16 =	vld [tilespmem:s23+$0x290];
	[tilespmem:s8+$0x100] =	vst v10  }
0x21e: {  	v10 =	vmul.f32 s24, v13;
	v13 =	vld [tilespmem:s12+$0x310];
	[tilespmem:s17+$0x180] =	vst v9  }
0x21f: {  	[tilespmem:s10+$0xFFFFFE10] =	vst v15;
	v9 =	vmul.f32 s6, v11;
	v11 =	vld [tilespmem:s30+$0x390]  }
0x220: {  	v15 =	vld [tilespmem:s20+$0x20];
	[tilespmem:s18+$0xFFFFFE90] =	vst v10;
	v10 =	vmul.f32 s16, v12  }
0x221: {  	v12 =	vld [tilespmem:s14+$0xA0];
	[tilespmem:s15+$0xFFFFFF10] =	vst v9;
	v9 =	vmul.f32 s26, v14  }
0x222: {  	v14 =	vld [tilespmem:s3+$0x120];
	[tilespmem:s2+$0xFFFFFF90] =	vst v10;
	v10 =	vmul.f32 s21, v16  }
0x223: {  	v16 =	vld [tilespmem:s4+$0x1A0];
	[tilespmem:s1+$0x10] =	vst v9;
	v9 =	vmul.f32 s9, v13  }
0x224: {  	v13 =	vld [tilespmem:s0+$0x220];
	[tilespmem:s29+$0x90] =	vst v10;
	v10 =	vmul.f32 s19, v11  }
0x225: {  	v11 =	vmul.f32 s11, v15;
	v15 =	vld [tilespmem:s23+$0x2A0];
	[tilespmem:s8+$0x110] =	vst v9  }
0x226: {  	v9 =	vmul.f32 s24, v12;
	v12 =	vld [tilespmem:s12+$0x320];
	[tilespmem:s17+$0x190] =	vst v10  }
0x227: {  	s25 =	simm.s32 $0x11400;
	[tilespmem:s10+$0xFFFFFE20] =	vst v11;
	v10 =	vmul.f32 s6, v14;
	v11 =	vld [tilespmem:s30+$0x3A0]  }
0x228: {  	v14 =	vld [tilespmem:s20+$0x30];
	[tilespmem:s25+$0xFFFFFEA0] =	vst v9;
	v9 =	vmul.f32 s16, v16  }
0x229: {  	v16 =	vld [tilespmem:s14+$0xB0];
	[tilespmem:s15+$0xFFFFFF20] =	vst v10;
	v10 =	vmul.f32 s26, v13  }
0x22a: {  	s28 =	sadd.s32 $0x8, s13;
	v13 =	vld [tilespmem:s3+$0x130];
	[tilespmem:s2+$0xFFFFFFA0] =	vst v9;
	v9 =	vmul.f32 s21, v15  }
0x22b: {  	s18 =	smulhi.u32 $0x24924925, s28;
	[tilespmem:s1+$0x20] =	vst v10;
	v10 =	vmul.f32 s9, v12  }
0x22c: {  	v15 =	vld [tilespmem:s4+$0x1B0];
	[tilespmem:s29+$0xA0] =	vst v9;
	v9 =	vmul.f32 s19, v11  }
0x22d: {  	s5 =	smov.u32 s19;
	v12 =	vld [tilespmem:s0+$0x230];
	s19 =	ssub.s32 s28, s18;
	v11 =	vmul.f32 s11, v14;
	[tilespmem:s8+$0x120] =	vst v10  }
0x22e: {  	s13 =	smov.u32 s26;
	s26 =	sshrl.u32 s19, $0x1;
	v10 =	vmul.f32 s24, v16;
	[tilespmem:s17+$0x1A0] =	vst v9  }
0x22f: {  	v14 =	vld [tilespmem:s23+$0x2B0];
	s26 =	sadd.s32 s18, s26;
	s18 =	simm.s32 $0x11400;
	[tilespmem:s10+$0xFFFFFE30] =	vst v11;
	v11 =	vmul.f32 s6, v13  }
0x230: {  	v16 =	vld [tilespmem:s12+$0x330];
	[tilespmem:s18+$0xFFFFFEB0] =	vst v10  }
0x231: {  	s7 =	smov.u32 s11;
	v13 =	vld [tilespmem:s30+$0x3B0];
	v15 =	vmul.f32 s16, v15;
	[tilespmem:s15+$0xFFFFFF30] =	vst v11  }
0x232: {  	s11 =	smov.u32 s20;
	s29 =	sshrl.u32 s26, $0x2;
	v9 =	vld [tilespmem:s20+$0x40];
	v17 =	vmul.f32 s13, v12;
	s20 =	rddreg [dreg:$0x5]  }
0x233: {  	s25 =	smov.u32 s30;
	v10 =	vld [tilespmem:s14+$0xC0];
	[tilespmem:s2+$0xFFFFFFB0] =	vst v15;
	s30 =	ssub.s32 s29, s20  }
0x234: {  	s26 =	simm.s32 $0x8;
	v11 =	vld [tilespmem:s3+$0x140];
	[tilespmem:s1+$0x30] =	vst v17;
	v12 =	vmov s30  }
0x235: {  	s31 =	simm.s32 $0x10400;
	s18 =	simm.s32 $0x11800;
	vm9 =	veq.s32 v12, v2;
	v12 =	vld [tilespmem:s4+$0x1C0];
	[dreg:$0xb] =	wrdreg s26  }
0x236: {  	s19 =	simm.s32 $0x11400;
	v15 =	vmul.f32 s21, v14;
	v14 =	vmul.f32 s9, v16;
	s26 =	simm.s32 $0x9;
	[dreg:$0x8] =	wrdreg s18  }
.LBB2_7:
0x237: {  	_ = 	snop  }
0x238: {  	v16 =	vnsel vm9, $0x0, v8;
	v17 =	vld [tilespmem:s0+$0x240];
	[tilespmem:s31+$0xB0] =	vst v15;
	v13 =	vmul.f32 s5, v13  }
0x239: {  	s30 =	sadd.s32 $0xFFFFFFF0, s30;
	(xrf2) =	vadd.scan.msk.f32 $0xffff, v16;
	v9 =	vmul.f32 s7, v9;
	v16 =	vld [tilespmem:s23+$0x2C0];
	[tilespmem:s8+$0x130] =	vst v14  }
0x23a: {  	v15 =	vmov s30;
	v14 =	vld [tilespmem:s12+$0x340];
	[tilespmem:s17+$0x1B0] =	vst v13  }
0x23b: {  	vm9 =	veq.s32 v15, v2;
	v10 =	vmul.f32 s24, v10;
	[tilespmem:s10+$0xFFFFFE40] =	vst v9  }
0x23c: {  	v13 =	vnsel vm9, $0x0, v7;
	v9 =	vmul.f32 s6, v11;
	v11 =	vld [tilespmem:s25+$0x3C0]  }
0x23d: {  	(xrf2) =	vadd.scan.msk.f32 $0xffff, v13;
	v13 =	vld [tilespmem:s11+$0x50];
	[tilespmem:s19+$0xFFFFFEC0] =	vst v10;
	v10 =	vmul.f32 s16, v12  }
0x23e: {  	v12 =	vld [tilespmem:s14+$0xD0];
	[tilespmem:s15+$0xFFFFFF40] =	vst v9;
	v9 =	vmul.f32 s13, v17  }
0x23f: {  	v15 =	vld [tilespmem:s3+$0x150];
	[tilespmem:s2+$0xFFFFFFC0] =	vst v10;
	v10 =	vmul.f32 s21, v16  }
0x240: {  	v16 =	vld [tilespmem:s4+$0x1D0];
	[tilespmem:s1+$0x40] =	vst v9;
	v9 =	vmul.f32 s9, v14  }
0x241: {  	v14 =	vld [tilespmem:s0+$0x250];
	[tilespmem:s31+$0xC0] =	vst v10;
	v17 =	vmul.f32 s5, v11  }
0x242: {  	v11 =	vmul.f32 s7, v13;
	v13 =	vld [tilespmem:s23+$0x2D0];
	[tilespmem:s8+$0x140] =	vst v9  }
0x243: {  	v9 =	vmul.f32 s24, v12;
	v12 =	vld [tilespmem:s12+$0x350];
	[tilespmem:s17+$0x1C0] =	vst v17  }
0x244: {  	[tilespmem:s10+$0xFFFFFE50] =	vst v11  }
0x245: {  	v11 =	vmul.f32 s6, v15;
	v15 =	vld [tilespmem:s25+$0x3D0]  }
0x246: {  	[dreg:$0xe] =	wrdreg s26;
	p1 =	sne.s32 s26, $0x13;
	s29 =	smul.u32 $0xCCCCCCCD, s29;
	v17 =	vld [tilespmem:s11+$0x60];
	[tilespmem:s19+$0xFFFFFED0] =	vst v9;
	v9 =	vmul.f32 s16, v16  }
0x247: {  	s26 =	smov.u32 s11;
	s20 =	smov.u32 s19;
	v10, _, _ =	vpop (xrf2);
	s11 =	rddreg [dreg:$0x9];
	v16 =	vld [tilespmem:s14+$0xE0];
	[tilespmem:s15+$0xFFFFFF50] =	vst v11;
	v11 =	vmul.f32 s13, v14  }
0x248: {  	s30 =	sshll.u32 s29, $0x1F;
	(v2sf) =	vpush v10, $0xF;
	s19 =	sadd.s32 $0x1, s11;
	s11 =	smov.u32 s1;
	v10, _, _ =	vpop (xrf2);
	v14 =	vld [tilespmem:s3+$0x160];
	[tilespmem:s2+$0xFFFFFFD0] =	vst v9;
	v9 =	vmul.f32 s21, v13  }
0x249: {  	s29 =	sshrl.u32 s29, $0x1;
	s1 =	smov.u32 s13;
	s13 =	smov.u32 s31;
	(v2sf) =	vpush v10, $0xF;
	v10 =	vld [tilespmem:s4+$0x1E0];
	[tilespmem:s11+$0x50] =	vst v11;
	v11 =	vmul.f32 s9, v12  }
0x24a: {  	s29 =	sor.u32 s30, s29;
	s31 =	smulhi.u32 $0x24924925, s19;
	v12 =	vld [tilespmem:s0+$0x260];
	[tilespmem:s13+$0xD0] =	vst v9;
	v9 =	vmul.f32 s5, v15  }
0x24b: {  	p2 =	slt.u32 s28, $0x7;
	p3 =	sgt.u32 s29, $0x19999999;
	s30 =	sshrl.u32 s19, $0x1;
	v13 =	vmul.f32 s7, v17;
	v15 =	vld [tilespmem:s23+$0x2E0];
	[tilespmem:s8+$0x150] =	vst v11  }
0x24c: {  	p2 =	por !p2, !p3;
	s28 =	smulhi.u32 $0xEA0EA0EB, s30;
	s29 =	ssub.s32 s19, s31;
	v11 =	vmul.f32 s24, v16;
	v16 =	vld [tilespmem:s12+$0x360];
	[tilespmem:s17+$0x1D0] =	vst v9  }
0x24d: {  	p2 =	por !p2, !p2;
	s30 =	simm.s32 $0x1;
	s29 =	sshrl.u32 s29, $0x1;
	[tilespmem:s10+$0xFFFFFE60] =	vst v13  }
0x24e: {  	s30 =	simm.s32 @!p2 $0x0;
	s28 =	sshrl.u32 s28, $0x5;
	s29 =	sadd.s32 s31, s29;
	v9 =	vmul.f32 s6, v14;
	v13 =	vld [tilespmem:s25+$0x3E0]  }
0x24f: {  	s28 =	ssub.s32 s28, s30;
	s29 =	sshrl.u32 s29, $0x2;
	v14 =	vld [tilespmem:s26+$0x70];
	[tilespmem:s20+$0xFFFFFEE0] =	vst v11;
	v10 =	vmul.f32 s16, v10  }
0x250: {  	s18 =	rddreg [dreg:$0xb];
	s28 =	ssub.s32 s28, s29;
	v11 =	vld [tilespmem:s14+$0xF0];
	[tilespmem:s15+$0xFFFFFF60] =	vst v9;
	v9 =	vmul.f32 s1, v12  }
0x251: {  	s30 =	rddreg [dreg:$0x3];
	s28 =	smul.u32 $0x7, s28;
	v12 =	vld [tilespmem:s3+$0x170];
	[tilespmem:s2+$0xFFFFFFE0] =	vst v10;
	v10 =	vmul.f32 s21, v15  }
0x252: {  	s29 =	sadd.s32 s18, s30;
	v15 =	vld [tilespmem:s4+$0x1F0];
	[tilespmem:s11+$0x60] =	vst v9;
	v9 =	vmul.f32 s9, v16  }
0x253: {  	s28 =	sadd.s32 s28, s29;
	v16 =	vld [tilespmem:s0+$0x270];
	[tilespmem:s13+$0xE0] =	vst v10;
	v10 =	vmul.f32 s5, v13  }
0x254: {  	p2 =	slt.s32 s28, $0x17;
	v13 =	vmul.f32 s7, v14;
	v14 =	vld [tilespmem:s23+$0x2F0];
	[tilespmem:s8+$0x160] =	vst v9  }
0x255: {  	s28 =	simm.s32 @!p2 $0x17;
	v9 =	vmul.f32 s24, v11;
	v11 =	vld [tilespmem:s12+$0x370];
	[tilespmem:s17+$0x1E0] =	vst v10  }
0x256: {  	[dreg:$0x9] =	wrdreg s19;
	s28 =	sshll.u32 s28, $0xC;
	[tilespmem:s10+$0xFFFFFE70] =	vst v13  }
0x257: {  	s19 =	smov.u32 s12;
	s30 =	rddreg [dreg:$0xe];
	s28 =	sshra.s32 s28, $0x2;
	v10 =	vmul.f32 s6, v12;
	v12 =	vld [tilespmem:s25+$0x3F0]  }
0x258: {  	s12 =	smov.u32 s23;
	s23 =	smov.u32 s0;
	s0 =	smov.u32 s4;
	v13 =	vld [tilespmem:s28+$0x0];
	[tilespmem:s20+$0xFFFFFEF0] =	vst v9;
	v9 =	vmul.f32 s16, v15  }
0x259: {  	s4 =	smov.u32 s3;
	s29 =	spop (v2sf);
	s3 =	smov.u32 s14;
	v15 =	vld [tilespmem:s26+$0x80];
	[tilespmem:s15+$0xFFFFFF70] =	vst v10;
	v10 =	vmul.f32 s1, v16  }
0x25a: {  	s18 =	smov.u32 s30;
	s30 =	spop (v2sf);
	v16 =	vld [tilespmem:s3+$0x100];
	[tilespmem:s2+$0xFFFFFFF0] =	vst v9;
	v9 =	vmul.f32 s21, v14  }
0x25b: {  	s14 =	smov.u32 s26;
	s26 =	smov.u32 s28;
	s28 =	sadd.f32 s30, s29;
	v14 =	vld [tilespmem:s4+$0x180];
	[tilespmem:s11+$0x70] =	vst v10;
	v10 =	vmul.f32 s9, v11  }
0x25c: {  	v11 =	vld [tilespmem:s0+$0x200];
	[tilespmem:s13+$0xF0] =	vst v9;
	v9 =	vmul.f32 s5, v12  }
0x25d: {  	[dreg:$0xb] =	wrdreg s18;
	s10 =	sadd.s32 $0x400, s10;
	v12 =	vmul.f32 s28, v13;
	v13 =	vld [tilespmem:s23+$0x280];
	[tilespmem:s8+$0x170] =	vst v10  }
0x25e: {  	s5 =	smov.u32 s9;
	s9 =	smov.u32 s21;
	s21 =	smov.u32 s1;
	v10 =	vmul.f32 s7, v15;
	v15 =	vld [tilespmem:s12+$0x300];
	[tilespmem:s17+$0x1F0] =	vst v9  }
0x25f: {  	s1 =	smov.u32 s16;
	s16 =	smov.u32 s6;
	s6 =	smov.u32 s24;
	[tilespmem:s10+$0xFFFFFE00] =	vst v12  }
0x260: {  	s18 =	rddreg [dreg:$0x8];
	s30 =	smov.u32 s11;
	v9 =	vmul.f32 s6, v16;
	v12 =	vld [tilespmem:s19+$0x380]  }
0x261: {  	s11 =	smov.u32 s2;
	s2 =	smov.u32 s15;
	s15 =	smov.u32 s20;
	v16 =	vld [tilespmem:s26+$0x10];
	[tilespmem:s18+$0xFFFFFE80] =	vst v10;
	v10 =	vmul.f32 s16, v14  }
0x262: {  	v14 =	vld [tilespmem:s14+$0x90];
	[tilespmem:s15+$0xFFFFFF00] =	vst v9;
	v9 =	vmul.f32 s1, v11  }
0x263: {  	v11 =	vld [tilespmem:s3+$0x110];
	[tilespmem:s2+$0xFFFFFF80] =	vst v10;
	v10 =	vmul.f32 s21, v13  }
0x264: {  	v13 =	vld [tilespmem:s4+$0x190];
	[tilespmem:s11+$0x0] =	vst v9;
	v9 =	vmul.f32 s9, v15  }
0x265: {  	s25 =	smov.u32 s28;
	s17 =	smov.u32 s8;
	s8 =	smov.u32 s13;
	v15 =	vld [tilespmem:s0+$0x210];
	[tilespmem:s30+$0x80] =	vst v10;
	v10 =	vmul.f32 s5, v12  }
0x266: {  	s24 =	smov.u32 s7;
	v12 =	vmul.f32 s25, v16;
	v16 =	vld [tilespmem:s23+$0x290];
	[tilespmem:s8+$0x100] =	vst v9  }
0x267: {  	v9 =	vmul.f32 s24, v14;
	v14 =	vld [tilespmem:s12+$0x310];
	[tilespmem:s17+$0x180] =	vst v10  }
0x268: {  	[tilespmem:s10+$0xFFFFFE10] =	vst v12  }
0x269: {  	s20 =	smov.u32 s18;
	v10 =	vmul.f32 s6, v11;
	v11 =	vld [tilespmem:s19+$0x390]  }
0x26a: {  	v12 =	vld [tilespmem:s26+$0x20];
	[tilespmem:s20+$0xFFFFFE90] =	vst v9;
	v9 =	vmul.f32 s16, v13  }
0x26b: {  	v13 =	vld [tilespmem:s14+$0xA0];
	[tilespmem:s15+$0xFFFFFF10] =	vst v10;
	v10 =	vmul.f32 s1, v15  }
0x26c: {  	v15 =	vld [tilespmem:s3+$0x120];
	[tilespmem:s2+$0xFFFFFF90] =	vst v9;
	v9 =	vmul.f32 s21, v16  }
0x26d: {  	v16 =	vld [tilespmem:s4+$0x1A0];
	[tilespmem:s11+$0x10] =	vst v10;
	v10 =	vmul.f32 s9, v14  }
0x26e: {  	v14 =	vld [tilespmem:s0+$0x220];
	[tilespmem:s30+$0x90] =	vst v9;
	v9 =	vmul.f32 s5, v11  }
0x26f: {  	v11 =	vmul.f32 s25, v12;
	v12 =	vld [tilespmem:s23+$0x2A0];
	[tilespmem:s8+$0x110] =	vst v10  }
0x270: {  	v10 =	vmul.f32 s24, v13;
	v13 =	vld [tilespmem:s12+$0x320];
	[tilespmem:s17+$0x190] =	vst v9  }
0x271: {  	[tilespmem:s10+$0xFFFFFE20] =	vst v11  }
0x272: {  	v9 =	vmul.f32 s6, v15;
	v11 =	vld [tilespmem:s19+$0x3A0]  }
0x273: {  	s13 =	rddreg [dreg:$0x4];
	s18 =	smov.u32 s10;
	v15 =	vld [tilespmem:s26+$0x30];
	[tilespmem:s20+$0xFFFFFEA0] =	vst v10;
	v10 =	vmul.f32 s16, v16  }
0x274: {  	[dreg:$0x8] =	wrdreg s18;
	v16 =	vld [tilespmem:s14+$0xB0];
	[tilespmem:s15+$0xFFFFFF20] =	vst v9;
	v9 =	vmul.f32 s1, v14  }
0x275: {  	s18 =	rddreg [dreg:$0xe];
	v14 =	vld [tilespmem:s3+$0x130];
	[tilespmem:s2+$0xFFFFFFA0] =	vst v10;
	v10 =	vmul.f32 s21, v12  }
0x276: {  	s28 =	sadd.s32 s18, s13;
	v12 =	vld [tilespmem:s4+$0x1B0];
	[tilespmem:s11+$0x20] =	vst v9;
	v9 =	vmul.f32 s9, v13  }
0x277: {  	s29 =	smulhi.u32 $0x24924925, s28;
	v17 =	vld [tilespmem:s0+$0x230];
	[tilespmem:s30+$0xA0] =	vst v10;
	v10 =	vmul.f32 s5, v11  }
0x278: {  	v11 =	vmul.f32 s25, v15;
	v15 =	vld [tilespmem:s23+$0x2B0];
	[tilespmem:s8+$0x120] =	vst v9  }
0x279: {  	s31 =	smov.u32 s30;
	s30 =	ssub.s32 s28, s29;
	v18 =	vld [tilespmem:s12+$0x330];
	[tilespmem:s17+$0x1A0] =	vst v10  }
0x27a: {  	s30 =	sshrl.u32 s30, $0x1;
	v16 =	vmul.f32 s24, v16;
	[tilespmem:s10+$0xFFFFFE30] =	vst v11  }
.Ltmp5:
0x27b: {  	s29 =	sadd.s32 s29, s30;
	v11 =	vmul.f32 s6, v14;
	v13 =	vld [tilespmem:s19+$0x3B0];
	(pc) =	sbr.rel @p1 .LBB2_7-.Ltmp5, $4  }
0x27c: {  	s13 =	smov.u32 s1;
	s18 =	rddreg [dreg:$0x5];
	s29 =	sshrl.u32 s29, $0x2;
	v9 =	vld [tilespmem:s26+$0x40];
	[tilespmem:s20+$0xFFFFFEB0] =	vst v16;
	v12 =	vmul.f32 s16, v12  }
0x27d: {  	s7 =	smov.u32 s25;
	s30 =	ssub.s32 s29, s18;
	v10 =	vld [tilespmem:s14+$0xC0];
	[tilespmem:s15+$0xFFFFFF30] =	vst v11;
	v14 =	vmul.f32 s13, v17  }
0x27e: {  	s1 =	smov.u32 s11;
	s11 =	smov.u32 s26;
	s26 =	rddreg [dreg:$0xe];
	v16 =	vmov s30;
	v11 =	vld [tilespmem:s3+$0x140];
	[tilespmem:s2+$0xFFFFFFB0] =	vst v12  }
0x27f: {  	s25 =	smov.u32 s19;
	s19 =	smov.u32 s20;
	s26 =	sadd.s32 $0x1, s26;
	v15 =	vmul.f32 s21, v15;
	vm9 =	veq.s32 v16, v2;
	v12 =	vld [tilespmem:s4+$0x1C0];
	[tilespmem:s1+$0x30] =	vst v14;
	v14 =	vmul.f32 s9, v18  }
0x280: {  	s26 =	sadd.s32 $0xFFFFFFF0, s30;
	v17 =	vnsel vm9, $0x0, v8  }
0x281: {  	v13 =	vmul.f32 s5, v13;
	v16 =	vmov s26;
	(xrf2) =	vadd.scan.msk.f32 $0xffff, v17;
	v17 =	vld [tilespmem:s0+$0x240];
	[tilespmem:s31+$0xB0] =	vst v15  }
0x282: {  	v9 =	vmul.f32 s7, v9;
	[tilespmem:s8+$0x130] =	vst v14;
	vm9 =	veq.s32 v16, v2;
	v15 =	vld [tilespmem:s23+$0x2C0]  }
0x283: {  	v10 =	vmul.f32 s24, v10;
	v14 =	vld [tilespmem:s12+$0x340];
	[tilespmem:s17+$0x1B0] =	vst v13;
	v16 =	vnsel vm9, $0x0, v7  }
0x284: {  	[tilespmem:s10+$0xFFFFFE40] =	vst v9;
	v9 =	vmul.f32 s6, v11;
	v11 =	vld [tilespmem:s25+$0x3C0];
	(xrf2) =	vadd.scan.msk.f32 $0xffff, v16  }
0x285: {  	v13 =	vld [tilespmem:s11+$0x50];
	[tilespmem:s19+$0xFFFFFEC0] =	vst v10;
	v10 =	vmul.f32 s16, v12  }
0x286: {  	v12 =	vld [tilespmem:s14+$0xD0];
	[tilespmem:s15+$0xFFFFFF40] =	vst v9;
	v9 =	vmul.f32 s13, v17  }
0x287: {  	v16 =	vld [tilespmem:s3+$0x150];
	[tilespmem:s2+$0xFFFFFFC0] =	vst v10;
	v10 =	vmul.f32 s21, v15  }
0x288: {  	s20 =	smov.u32 s31;
	v15 =	vld [tilespmem:s4+$0x1D0];
	[tilespmem:s1+$0x40] =	vst v9;
	v9 =	vmul.f32 s9, v14  }
0x289: {  	v14 =	vld [tilespmem:s0+$0x250];
	[tilespmem:s20+$0xC0] =	vst v10;
	v10 =	vmul.f32 s5, v11  }
0x28a: {  	s31 =	smov.u32 s11;
	v11 =	vmul.f32 s7, v13;
	v13 =	vld [tilespmem:s23+$0x2D0];
	[tilespmem:s8+$0x140] =	vst v9  }
0x28b: {  	s18 =	smov.u32 s20;
	s11 =	smul.u32 $0xCCCCCCCD, s29;
	v12 =	vmul.f32 s24, v12;
	s20 =	rddreg [dreg:$0x9];
	[tilespmem:s17+$0x1C0] =	vst v10  }
0x28c: {  	s30 =	smov.u32 s7;
	v17 =	vld [tilespmem:s12+$0x350];
	[tilespmem:s10+$0xFFFFFE50] =	vst v11;
	v10 =	vmul.f32 s6, v16  }
0x28d: {  	s29 =	sshll.u32 s11, $0x1F;
	s26 =	sshrl.u32 s11, $0x1;
	v9, _, _ =	vpop (xrf2);
	s7 =	sadd.s32 $0x1, s20;
	v11 =	vld [tilespmem:s25+$0x3D0];
	[tilespmem:s19+$0xFFFFFED0] =	vst v12;
	v12 =	vmul.f32 s16, v15  }
0x28e: {  	p1 =	slt.u32 s28, $0x7;
	s26 =	sor.u32 s29, s26;
	(v2sf) =	vpush v9, $0xF;
	s29 =	smulhi.u32 $0x24924925, s7;
	v15 =	vld [tilespmem:s14+$0xE0];
	[tilespmem:s15+$0xFFFFFF50] =	vst v10;
	v9, _, _ =	vpop (xrf2);
	v10 =	vmul.f32 s13, v14  }
0x28f: {  	p2 =	sgt.u32 s26, $0x19999999;
	s20 =	smov.u32 s25;
	s25 =	sshrl.u32 s7, $0x1;
	[tilespmem:s2+$0xFFFFFFD0] =	vst v12;
	(v2sf) =	vpush v9, $0xF;
	v9 =	vld [tilespmem:s31+$0x60];
	v12 =	vmul.f32 s21, v13  }
0x290: {  	p1 =	por !p1, !p2;
	s26 =	smulhi.u32 $0xEA0EA0EB, s25;
	s7 =	ssub.s32 s7, s29;
	v13 =	vld [tilespmem:s4+$0x1E0];
	[tilespmem:s1+$0x50] =	vst v10  }
0x291: {  	s28 =	simm.s32 $0x1;
	p1 =	por !p1, !p1;
	v14 =	vld [tilespmem:s3+$0x160];
	s7 =	sshrl.u32 s7, $0x1;
	v10 =	vmul.f32 s9, v17;
	[tilespmem:s18+$0xD0] =	vst v12  }
0x292: {  	s28 =	simm.s32 @!p1 $0x0;
	s26 =	sshrl.u32 s26, $0x5;
	s7 =	sadd.s32 s29, s7;
	v11 =	vmul.f32 s5, v11;
	v12 =	vld [tilespmem:s23+$0x2E0]  }
0x293: {  	s26 =	ssub.s32 s26, s28;
	v16 =	vld [tilespmem:s0+$0x260];
	s7 =	sshrl.u32 s7, $0x2;
	[tilespmem:s8+$0x150] =	vst v10;
	v10 =	vmul.f32 s24, v15  }
0x294: {  	s7 =	ssub.s32 s26, s7;
	s11 =	rddreg [dreg:$0xb];
	[tilespmem:s17+$0x1D0] =	vst v11;
	v9 =	vmul.f32 s30, v9  }
0x295: {  	s28 =	rddreg [dreg:$0x3];
	s7 =	smul.u32 $0x7, s7;
	v11 =	vld [tilespmem:s20+$0x3E0];
	[tilespmem:s19+$0xFFFFFEE0] =	vst v10;
	v10 =	vmul.f32 s16, v13  }
0x296: {  	s29 =	smov.u32 s18;
	v15 =	vld [tilespmem:s12+$0x360];
	s18 =	sadd.s32 s11, s28;
	[tilespmem:s10+$0xFFFFFE60] =	vst v9;
	v9 =	vmul.f32 s6, v14  }
0x297: {  	v13 =	vld [tilespmem:s14+$0xF0];
	s7 =	sadd.s32 s7, s18;
	[tilespmem:s2+$0xFFFFFFE0] =	vst v10;
	v10 =	vmul.f32 s21, v12  }
0x298: {  	v14 =	vld [tilespmem:s31+$0x70];
	p1 =	slt.s32 s7, $0x17;
	[tilespmem:s15+$0xFFFFFF60] =	vst v9;
	v9 =	vmul.f32 s13, v16  }
0x299: {  	v12 =	vld [tilespmem:s4+$0x1F0];
	s7 =	simm.s32 @!p1 $0x17;
	[tilespmem:s29+$0xE0] =	vst v10  }
0x29a: {  	v16 =	vld [tilespmem:s3+$0x170];
	s7 =	sshll.u32 s7, $0xC;
	v10 =	vmul.f32 s5, v11;
	[tilespmem:s1+$0x60] =	vst v9  }
0x29b: {  	v9 =	vmul.f32 s9, v15;
	s26 =	sshra.s32 s7, $0x2;
	v15 =	vld [tilespmem:s0+$0x270]  }
0x29c: {  	v13 =	vmul.f32 s24, v13;
	v11 =	vld [tilespmem:s26+$0x0];
	[tilespmem:s17+$0x1E0] =	vst v10  }
0x29d: {  	v14 =	vmul.f32 s30, v14;
	[tilespmem:s8+$0x160] =	vst v9;
	s25 =	spop (v2sf);
	v9 =	vld [tilespmem:s23+$0x2F0]  }
0x29e: {  	[tilespmem:s19+$0xFFFFFEF0] =	vst v13;
	v12 =	vmul.f32 s16, v12;
	v10 =	vld [tilespmem:s12+$0x370];
	s11 =	spop (v2sf)  }
0x29f: {  	[tilespmem:s10+$0xFFFFFE70] =	vst v14;
	v14 =	vmul.f32 s6, v16;
	s25 =	sadd.f32 s11, s25  }
0x2a0: {  	[tilespmem:s2+$0xFFFFFFF0] =	vst v12;
	v13 =	vld [tilespmem:s31+$0x80];
	v15 =	vmul.f32 s13, v15  }
0x2a1: {  	[tilespmem:s15+$0xFFFFFF70] =	vst v14;
	v14 =	vld [tilespmem:s14+$0x100];
	v11 =	vmul.f32 s25, v11  }
0x2a2: {  	s28 =	sadd.s32 $0x400, s10;
	v12 =	vld [tilespmem:s3+$0x180];
	v9 =	vmul.f32 s21, v9;
	[tilespmem:s1+$0x70] =	vst v15  }
0x2a3: {  	v16 =	vld [tilespmem:s20+$0x3F0];
	v10 =	vmul.f32 s9, v10;
	[tilespmem:s28+$0xFFFFFE00] =	vst v11  }
0x2a4: {  	[tilespmem:s29+$0xF0] =	vst v9;
	v11 =	vld [tilespmem:s26+$0x10]  }
0x2a5: {  	v15 =	vld [tilespmem:s4+$0x200];
	v9 =	vmul.f32 s30, v13;
	[tilespmem:s8+$0x170] =	vst v10  }
0x2a6: {  	v13 =	vld [tilespmem:s0+$0x280];
	v10 =	vmul.f32 s24, v14;
	s10 =	rddreg [dreg:$0x8]  }
0x2a7: {  	v14 =	vld [tilespmem:s23+$0x300];
	[tilespmem:s10+$0xFFFFFE80] =	vst v9;
	v9 =	vmul.f32 s6, v12  }
0x2a8: {  	v12 =	vmul.f32 s5, v16;
	v16 =	vld [tilespmem:s31+$0x90];
	[tilespmem:s19+$0xFFFFFF00] =	vst v10  }
0x2a9: {  	v10 =	vld [tilespmem:s14+$0x110];
	[tilespmem:s15+$0xFFFFFF80] =	vst v9;
	v9 =	vmul.f32 s25, v11  }
0x2aa: {  	[tilespmem:s17+$0x1F0] =	vst v12;
	v11 =	vmul.f32 s16, v15;
	v12 =	vld [tilespmem:s3+$0x190]  }
0x2ab: {  	v15 =	vld [tilespmem:s12+$0x380];
	v13 =	vmul.f32 s13, v13;
	[tilespmem:s28+$0xFFFFFE10] =	vst v9  }
0x2ac: {  	[tilespmem:s2+$0x0] =	vst v11;
	v9 =	vmul.f32 s21, v14;
	v11 =	vld [tilespmem:s26+$0x20]  }
0x2ad: {  	[tilespmem:s1+$0x80] =	vst v13;
	v13 =	vmul.f32 s30, v16  }
0x2ae: {  	v14 =	vld [tilespmem:s4+$0x210];
	[tilespmem:s29+$0x100] =	vst v9;
	v9 =	vmul.f32 s24, v10  }
0x2af: {  	[tilespmem:s10+$0xFFFFFE90] =	vst v13;
	v12 =	vmul.f32 s6, v12  }
0x2b0: {  	v13 =	vmul.f32 s9, v15;
	v15 =	vld [tilespmem:s31+$0xA0];
	[tilespmem:s19+$0xFFFFFF10] =	vst v9  }
0x2b1: {  	v9 =	vld [tilespmem:s14+$0x120];
	[tilespmem:s15+$0xFFFFFF90] =	vst v12;
	v11 =	vmul.f32 s25, v11  }
0x2b2: {  	[tilespmem:s8+$0x180] =	vst v13;
	v13 =	vld [tilespmem:s3+$0x1A0]  }
0x2b3: {  	v12 =	vmul.f32 s16, v14;
	v14 =	vld [tilespmem:s12+$0x390];
	[tilespmem:s28+$0xFFFFFE20] =	vst v11  }
0x2b4: {  	v11 =	vld [tilespmem:s26+$0x30]  }
0x2b5: {  	v15 =	vmul.f32 s30, v15  }
0x2b6: {  	v9 =	vmul.f32 s24, v9  }
0x2b7: {  	[tilespmem:s10+$0xFFFFFEA0] =	vst v15;
	v13 =	vmul.f32 s6, v13  }
0x2b8: {  	v14 =	vmul.f32 s9, v14;
	v15 =	vld [tilespmem:s31+$0xB0];
	[tilespmem:s19+$0xFFFFFF20] =	vst v9  }
0x2b9: {  	v9 =	vld [tilespmem:s14+$0x130];
	[tilespmem:s15+$0xFFFFFFA0] =	vst v13;
	v11 =	vmul.f32 s25, v11  }
0x2ba: {  	[tilespmem:s8+$0x190] =	vst v14;
	v13 =	vld [tilespmem:s3+$0x1B0]  }
0x2bb: {  	v14 =	vld [tilespmem:s12+$0x3A0];
	[tilespmem:s28+$0xFFFFFE30] =	vst v11  }
0x2bc: {  	v11 =	vld [tilespmem:s26+$0x40]  }
0x2bd: {  	v15 =	vmul.f32 s30, v15  }
0x2be: {  	v9 =	vmul.f32 s24, v9  }
0x2bf: {  	[tilespmem:s10+$0xFFFFFEB0] =	vst v15;
	v13 =	vmul.f32 s6, v13  }
0x2c0: {  	v14 =	vmul.f32 s9, v14;
	v15 =	vld [tilespmem:s31+$0xC0];
	[tilespmem:s19+$0xFFFFFF30] =	vst v9  }
0x2c1: {  	v9 =	vld [tilespmem:s14+$0x140];
	[tilespmem:s15+$0xFFFFFFB0] =	vst v13;
	v11 =	vmul.f32 s25, v11  }
0x2c2: {  	[tilespmem:s8+$0x1A0] =	vst v14;
	v13 =	vld [tilespmem:s3+$0x1C0]  }
0x2c3: {  	v14 =	vld [tilespmem:s12+$0x3B0];
	[tilespmem:s28+$0xFFFFFE40] =	vst v11  }
0x2c4: {  	v11 =	vld [tilespmem:s26+$0x50]  }
0x2c5: {  	v15 =	vmul.f32 s30, v15  }
0x2c6: {  	v9 =	vmul.f32 s24, v9  }
0x2c7: {  	[tilespmem:s10+$0xFFFFFEC0] =	vst v15;
	v13 =	vmul.f32 s6, v13  }
0x2c8: {  	v14 =	vmul.f32 s9, v14;
	v15 =	vld [tilespmem:s31+$0xD0];
	[tilespmem:s19+$0xFFFFFF40] =	vst v9  }
0x2c9: {  	v9 =	vld [tilespmem:s14+$0x150];
	[tilespmem:s15+$0xFFFFFFC0] =	vst v13;
	v11 =	vmul.f32 s25, v11  }
0x2ca: {  	[tilespmem:s8+$0x1B0] =	vst v14;
	v13 =	vld [tilespmem:s3+$0x1D0]  }
0x2cb: {  	v14 =	vld [tilespmem:s12+$0x3C0];
	[tilespmem:s28+$0xFFFFFE50] =	vst v11  }
0x2cc: {  	v11 =	vld [tilespmem:s26+$0x60]  }
0x2cd: {  	v15 =	vmul.f32 s30, v15  }
0x2ce: {  	v9 =	vmul.f32 s24, v9  }
0x2cf: {  	[tilespmem:s10+$0xFFFFFED0] =	vst v15;
	v13 =	vmul.f32 s6, v13  }
0x2d0: {  	v14 =	vmul.f32 s9, v14;
	v15 =	vld [tilespmem:s31+$0xE0];
	[tilespmem:s19+$0xFFFFFF50] =	vst v9  }
0x2d1: {  	v9 =	vld [tilespmem:s14+$0x160];
	[tilespmem:s15+$0xFFFFFFD0] =	vst v13;
	v11 =	vmul.f32 s25, v11  }
0x2d2: {  	[tilespmem:s8+$0x1C0] =	vst v14;
	v13 =	vld [tilespmem:s3+$0x1E0]  }
0x2d3: {  	v14 =	vld [tilespmem:s12+$0x3D0];
	[tilespmem:s28+$0xFFFFFE60] =	vst v11  }
0x2d4: {  	v11 =	vld [tilespmem:s26+$0x70]  }
0x2d5: {  	v15 =	vmul.f32 s30, v15  }
0x2d6: {  	v16 =	vld [tilespmem:s0+$0x290];
	v9 =	vmul.f32 s24, v9  }
0x2d7: {  	v10 =	vld [tilespmem:s23+$0x310];
	[tilespmem:s10+$0xFFFFFEE0] =	vst v15;
	v13 =	vmul.f32 s6, v13  }
0x2d8: {  	v14 =	vmul.f32 s9, v14;
	v15 =	vld [tilespmem:s31+$0xF0];
	[tilespmem:s19+$0xFFFFFF60] =	vst v9  }
0x2d9: {  	v9 =	vld [tilespmem:s14+$0x170];
	[tilespmem:s15+$0xFFFFFFE0] =	vst v13;
	v11 =	vmul.f32 s25, v11  }
0x2da: {  	[tilespmem:s8+$0x1D0] =	vst v14;
	v13 =	vld [tilespmem:s3+$0x1F0]  }
0x2db: {  	v16 =	vmul.f32 s13, v16;
	v14 =	vld [tilespmem:s12+$0x3E0];
	[tilespmem:s28+$0xFFFFFE70] =	vst v11  }
0x2dc: {  	[tilespmem:s2+$0x10] =	vst v12;
	v10 =	vmul.f32 s21, v10;
	v11 =	vld [tilespmem:s26+$0x80]  }
0x2dd: {  	[tilespmem:s1+$0x90] =	vst v16;
	v12 =	vld [tilespmem:s4+$0x220];
	v15 =	vmul.f32 s30, v15  }
0x2de: {  	v16 =	vld [tilespmem:s0+$0x2A0];
	[tilespmem:s29+$0x110] =	vst v10;
	v9 =	vmul.f32 s24, v9  }
0x2df: {  	v10 =	vld [tilespmem:s23+$0x320];
	[tilespmem:s10+$0xFFFFFEF0] =	vst v15;
	v13 =	vmul.f32 s6, v13  }
0x2e0: {  	v14 =	vmul.f32 s9, v14;
	[tilespmem:s19+$0xFFFFFF70] =	vst v9;
	v9 =	vld [tilespmem:s31+$0x100]  }
0x2e1: {  	[tilespmem:s15+$0xFFFFFFF0] =	vst v13;
	v11 =	vmul.f32 s25, v11  }
0x2e2: {  	v12 =	vmul.f32 s16, v12;
	[tilespmem:s8+$0x1E0] =	vst v14;
	v14 =	vld [tilespmem:s3+$0x200]  }
0x2e3: {  	v16 =	vmul.f32 s13, v16;
	[tilespmem:s28+$0xFFFFFE80] =	vst v11  }
0x2e4: {  	[tilespmem:s2+$0x20] =	vst v12;
	v10 =	vmul.f32 s21, v10;
	v11 =	vld [tilespmem:s26+$0x90]  }
0x2e5: {  	[tilespmem:s1+$0xA0] =	vst v16;
	v15 =	vld [tilespmem:s12+$0x3F0];
	v9 =	vmul.f32 s30, v9  }
0x2e6: {  	v12 =	vld [tilespmem:s4+$0x230];
	[tilespmem:s29+$0x120] =	vst v10  }
0x2e7: {  	v16 =	vld [tilespmem:s0+$0x2B0];
	[tilespmem:s10+$0xFFFFFF00] =	vst v9;
	v9 =	vmul.f32 s6, v14  }
0x2e8: {  	v10 =	vld [tilespmem:s23+$0x330]  }
0x2e9: {  	[tilespmem:s15+$0x0] =	vst v9;
	v9 =	vmul.f32 s25, v11  }
0x2ea: {  	v14 =	vmul.f32 s9, v15  }
0x2eb: {  	v12 =	vmul.f32 s16, v12;
	[tilespmem:s28+$0xFFFFFE90] =	vst v9  }
0x2ec: {  	v16 =	vmul.f32 s13, v16;
	[tilespmem:s8+$0x1F0] =	vst v14;
	v14 =	vld [tilespmem:s26+$0xA0]  }
0x2ed: {  	[tilespmem:s2+$0x30] =	vst v12;
	v10 =	vmul.f32 s21, v10  }
0x2ee: {  	[tilespmem:s1+$0xB0] =	vst v16;
	v12 =	vld [tilespmem:s4+$0x240]  }
0x2ef: {  	v16 =	vld [tilespmem:s0+$0x2C0];
	[tilespmem:s29+$0x130] =	vst v10  }
0x2f0: {  	v10 =	vld [tilespmem:s23+$0x340]  }
0x2f1: {  	v14 =	vmul.f32 s25, v14;
	_ =	sdelay $0x1  }
0x2f2: {  	v12 =	vmul.f32 s16, v12;
	[tilespmem:s28+$0xFFFFFEA0] =	vst v14  }
0x2f3: {  	v16 =	vmul.f32 s13, v16;
	v14 =	vld [tilespmem:s26+$0xB0]  }
0x2f4: {  	[tilespmem:s2+$0x40] =	vst v12;
	v10 =	vmul.f32 s21, v10  }
0x2f5: {  	[tilespmem:s1+$0xC0] =	vst v16;
	v12 =	vld [tilespmem:s4+$0x250]  }
0x2f6: {  	v16 =	vld [tilespmem:s0+$0x2D0];
	[tilespmem:s29+$0x140] =	vst v10  }
0x2f7: {  	v10 =	vld [tilespmem:s23+$0x350]  }
0x2f8: {  	v14 =	vmul.f32 s25, v14;
	_ =	sdelay $0x1  }
0x2f9: {  	v12 =	vmul.f32 s16, v12;
	[tilespmem:s28+$0xFFFFFEB0] =	vst v14  }
0x2fa: {  	v16 =	vmul.f32 s13, v16;
	v14 =	vld [tilespmem:s26+$0xC0]  }
0x2fb: {  	[tilespmem:s2+$0x50] =	vst v12;
	v10 =	vmul.f32 s21, v10  }
0x2fc: {  	[tilespmem:s1+$0xD0] =	vst v16;
	v12 =	vld [tilespmem:s4+$0x260]  }
0x2fd: {  	v16 =	vld [tilespmem:s0+$0x2E0];
	[tilespmem:s29+$0x150] =	vst v10  }
0x2fe: {  	v10 =	vld [tilespmem:s23+$0x360]  }
0x2ff: {  	v14 =	vmul.f32 s25, v14;
	_ =	sdelay $0x1  }
0x300: {  	v12 =	vmul.f32 s16, v12;
	[tilespmem:s28+$0xFFFFFEC0] =	vst v14  }
0x301: {  	v16 =	vmul.f32 s13, v16;
	v14 =	vld [tilespmem:s26+$0xD0]  }
0x302: {  	[tilespmem:s2+$0x60] =	vst v12;
	v10 =	vmul.f32 s21, v10  }
0x303: {  	[tilespmem:s1+$0xE0] =	vst v16;
	v12 =	vld [tilespmem:s4+$0x270]  }
0x304: {  	v16 =	vld [tilespmem:s0+$0x2F0];
	[tilespmem:s29+$0x160] =	vst v10  }
0x305: {  	v10 =	vld [tilespmem:s23+$0x370]  }
0x306: {  	v14 =	vmul.f32 s25, v14  }
0x307: {  	v13 =	vld [tilespmem:s14+$0x180]  }
0x308: {  	v12 =	vmul.f32 s16, v12;
	[tilespmem:s28+$0xFFFFFED0] =	vst v14  }
0x309: {  	v16 =	vmul.f32 s13, v16;
	v14 =	vld [tilespmem:s26+$0xE0]  }
0x30a: {  	[tilespmem:s2+$0x70] =	vst v12;
	v10 =	vmul.f32 s21, v10  }
0x30b: {  	[tilespmem:s1+$0xF0] =	vst v16;
	v12 =	vld [tilespmem:s4+$0x280]  }
0x30c: {  	[tilespmem:s29+$0x170] =	vst v10;
	v10 =	vld [tilespmem:s0+$0x300];
	v13 =	vmul.f32 s24, v13  }
0x30d: {  	v16 =	vld [tilespmem:s23+$0x380]  }
0x30e: {  	v15 =	vld [tilespmem:s31+$0x110];
	[tilespmem:s19+$0xFFFFFF80] =	vst v13;
	v14 =	vmul.f32 s25, v14  }
0x30f: {  	v13 =	vld [tilespmem:s14+$0x190]  }
0x310: {  	v11 =	vmul.f32 s16, v12;
	v12 =	vld [tilespmem:s3+$0x210];
	[tilespmem:s28+$0xFFFFFEE0] =	vst v14  }
0x311: {  	v10 =	vmul.f32 s13, v10;
	v14 =	vld [tilespmem:s26+$0xF0]  }
0x312: {  	[tilespmem:s2+$0x80] =	vst v11;
	v9 =	vmul.f32 s21, v16  }
0x313: {  	v11 =	vld [tilespmem:s4+$0x290];
	[tilespmem:s1+$0x100] =	vst v10;
	v15 =	vmul.f32 s30, v15  }
0x314: {  	v10 =	vld [tilespmem:s0+$0x310];
	[tilespmem:s29+$0x180] =	vst v9;
	v13 =	vmul.f32 s24, v13  }
0x315: {  	v9 =	vld [tilespmem:s23+$0x390];
	[tilespmem:s10+$0xFFFFFF10] =	vst v15;
	v12 =	vmul.f32 s6, v12  }
0x316: {  	v15 =	vld [tilespmem:s31+$0x120];
	[tilespmem:s19+$0xFFFFFF90] =	vst v13;
	v14 =	vmul.f32 s25, v14  }
0x317: {  	v13 =	vld [tilespmem:s14+$0x1A0];
	[tilespmem:s15+$0x10] =	vst v12  }
0x318: {  	v12 =	vld [tilespmem:s3+$0x220];
	[tilespmem:s28+$0xFFFFFEF0] =	vst v14  }
0x319: {  	v14 =	vld [tilespmem:s26+$0x100];
	_ =	sdelay $0x4  }
0x31a: {  	v14 =	vmul.f32 s25, v14;
	_ =	sdelay $0x1  }
0x31b: {  	[tilespmem:s28+$0xFFFFFF00] =	vst v14  }
0x31c: {  	v14 =	vld [tilespmem:s26+$0x110];
	_ =	sdelay $0x4  }
0x31d: {  	v14 =	vmul.f32 s25, v14;
	_ =	sdelay $0x1  }
0x31e: {  	[tilespmem:s28+$0xFFFFFF10] =	vst v14  }
0x31f: {  	v14 =	vld [tilespmem:s26+$0x120];
	_ =	sdelay $0x3  }
0x320: {  	v15 =	vmul.f32 s30, v15  }
0x321: {  	v14 =	vmul.f32 s25, v14  }
0x322: {  	[tilespmem:s10+$0xFFFFFF20] =	vst v15  }
0x323: {  	v15 =	vld [tilespmem:s31+$0x130];
	[tilespmem:s28+$0xFFFFFF20] =	vst v14  }
0x324: {  	v14 =	vld [tilespmem:s26+$0x130];
	_ =	sdelay $0x3  }
0x325: {  	v15 =	vmul.f32 s30, v15  }
0x326: {  	v14 =	vmul.f32 s25, v14  }
0x327: {  	[tilespmem:s10+$0xFFFFFF30] =	vst v15  }
0x328: {  	v15 =	vld [tilespmem:s31+$0x140];
	[tilespmem:s28+$0xFFFFFF30] =	vst v14  }
0x329: {  	v14 =	vld [tilespmem:s26+$0x140];
	_ =	sdelay $0x3  }
0x32a: {  	v15 =	vmul.f32 s30, v15  }
0x32b: {  	v14 =	vmul.f32 s25, v14  }
0x32c: {  	[tilespmem:s10+$0xFFFFFF40] =	vst v15  }
0x32d: {  	v15 =	vld [tilespmem:s31+$0x150];
	[tilespmem:s28+$0xFFFFFF40] =	vst v14  }
0x32e: {  	v14 =	vld [tilespmem:s26+$0x150];
	_ =	sdelay $0x3  }
0x32f: {  	v15 =	vmul.f32 s30, v15  }
0x330: {  	v14 =	vmul.f32 s25, v14  }
0x331: {  	[tilespmem:s10+$0xFFFFFF50] =	vst v15  }
0x332: {  	v15 =	vld [tilespmem:s31+$0x160];
	[tilespmem:s28+$0xFFFFFF50] =	vst v14  }
0x333: {  	v14 =	vld [tilespmem:s26+$0x160];
	_ =	sdelay $0x3  }
0x334: {  	v15 =	vmul.f32 s30, v15  }
0x335: {  	v14 =	vmul.f32 s25, v14  }
0x336: {  	[tilespmem:s10+$0xFFFFFF60] =	vst v15  }
0x337: {  	v15 =	vld [tilespmem:s31+$0x170];
	[tilespmem:s28+$0xFFFFFF60] =	vst v14  }
0x338: {  	v14 =	vld [tilespmem:s26+$0x170];
	_ =	sdelay $0x3  }
0x339: {  	v15 =	vmul.f32 s30, v15  }
0x33a: {  	v14 =	vmul.f32 s25, v14  }
0x33b: {  	[tilespmem:s10+$0xFFFFFF70] =	vst v15  }
0x33c: {  	v15 =	vld [tilespmem:s31+$0x180];
	[tilespmem:s28+$0xFFFFFF70] =	vst v14  }
0x33d: {  	v14 =	vld [tilespmem:s26+$0x180];
	_ =	sdelay $0x3  }
0x33e: {  	v15 =	vmul.f32 s30, v15  }
0x33f: {  	v14 =	vmul.f32 s25, v14  }
0x340: {  	[tilespmem:s10+$0xFFFFFF80] =	vst v15  }
0x341: {  	v15 =	vld [tilespmem:s31+$0x190];
	[tilespmem:s28+$0xFFFFFF80] =	vst v14  }
0x342: {  	v14 =	vld [tilespmem:s26+$0x190];
	_ =	sdelay $0x3  }
0x343: {  	v15 =	vmul.f32 s30, v15  }
0x344: {  	v14 =	vmul.f32 s25, v14  }
0x345: {  	[tilespmem:s10+$0xFFFFFF90] =	vst v15  }
0x346: {  	v15 =	vld [tilespmem:s31+$0x1A0];
	[tilespmem:s28+$0xFFFFFF90] =	vst v14  }
0x347: {  	v14 =	vld [tilespmem:s26+$0x1A0];
	_ =	sdelay $0x2  }
0x348: {  	v13 =	vmul.f32 s24, v13  }
0x349: {  	v15 =	vmul.f32 s30, v15  }
0x34a: {  	[tilespmem:s19+$0xFFFFFFA0] =	vst v13;
	v13 =	vmul.f32 s25, v14  }
0x34b: {  	[tilespmem:s10+$0xFFFFFFA0] =	vst v15;
	v14 =	vld [tilespmem:s14+$0x1B0]  }
0x34c: {  	v15 =	vld [tilespmem:s31+$0x1B0];
	[tilespmem:s28+$0xFFFFFFA0] =	vst v13  }
0x34d: {  	v13 =	vld [tilespmem:s26+$0x1B0];
	_ =	sdelay $0x2  }
0x34e: {  	v14 =	vmul.f32 s24, v14  }
0x34f: {  	v15 =	vmul.f32 s30, v15  }
0x350: {  	[tilespmem:s19+$0xFFFFFFB0] =	vst v14;
	v13 =	vmul.f32 s25, v13  }
0x351: {  	[tilespmem:s10+$0xFFFFFFB0] =	vst v15;
	v14 =	vld [tilespmem:s14+$0x1C0]  }
0x352: {  	v15 =	vld [tilespmem:s31+$0x1C0];
	[tilespmem:s28+$0xFFFFFFB0] =	vst v13  }
0x353: {  	v13 =	vld [tilespmem:s26+$0x1C0];
	_ =	sdelay $0x2  }
0x354: {  	v14 =	vmul.f32 s24, v14  }
0x355: {  	v15 =	vmul.f32 s30, v15  }
0x356: {  	[tilespmem:s19+$0xFFFFFFC0] =	vst v14;
	v13 =	vmul.f32 s25, v13  }
0x357: {  	[tilespmem:s10+$0xFFFFFFC0] =	vst v15;
	v14 =	vld [tilespmem:s14+$0x1D0]  }
0x358: {  	v15 =	vld [tilespmem:s31+$0x1D0];
	[tilespmem:s28+$0xFFFFFFC0] =	vst v13  }
0x359: {  	v13 =	vld [tilespmem:s26+$0x1D0];
	_ =	sdelay $0x2  }
0x35a: {  	v14 =	vmul.f32 s24, v14  }
0x35b: {  	v15 =	vmul.f32 s30, v15  }
0x35c: {  	[tilespmem:s19+$0xFFFFFFD0] =	vst v14;
	v13 =	vmul.f32 s25, v13  }
0x35d: {  	[tilespmem:s10+$0xFFFFFFD0] =	vst v15;
	v14 =	vld [tilespmem:s14+$0x1E0]  }
0x35e: {  	v15 =	vld [tilespmem:s31+$0x1E0];
	[tilespmem:s28+$0xFFFFFFD0] =	vst v13  }
0x35f: {  	v13 =	vld [tilespmem:s26+$0x1E0];
	_ =	sdelay $0x2  }
0x360: {  	v14 =	vmul.f32 s24, v14  }
0x361: {  	v15 =	vmul.f32 s30, v15  }
0x362: {  	[tilespmem:s19+$0xFFFFFFE0] =	vst v14;
	v13 =	vmul.f32 s25, v13  }
0x363: {  	[tilespmem:s10+$0xFFFFFFE0] =	vst v15;
	v14 =	vld [tilespmem:s14+$0x1F0]  }
0x364: {  	v15 =	vld [tilespmem:s31+$0x1F0];
	[tilespmem:s28+$0xFFFFFFE0] =	vst v13  }
0x365: {  	v13 =	vld [tilespmem:s26+$0x1F0];
	_ =	sdelay $0x2  }
0x366: {  	v14 =	vmul.f32 s24, v14  }
0x367: {  	v15 =	vmul.f32 s30, v15  }
0x368: {  	[tilespmem:s19+$0xFFFFFFF0] =	vst v14;
	v13 =	vmul.f32 s25, v13  }
0x369: {  	[tilespmem:s10+$0xFFFFFFF0] =	vst v15;
	v14 =	vld [tilespmem:s14+$0x200]  }
0x36a: {  	v15 =	vld [tilespmem:s31+$0x200];
	[tilespmem:s28+$0xFFFFFFF0] =	vst v13  }
0x36b: {  	v13 =	vld [tilespmem:s26+$0x200];
	_ =	sdelay $0x2  }
0x36c: {  	v14 =	vmul.f32 s24, v14  }
0x36d: {  	v15 =	vmul.f32 s30, v15  }
0x36e: {  	[tilespmem:s19+$0x0] =	vst v14;
	v13 =	vmul.f32 s25, v13  }
0x36f: {  	[tilespmem:s10+$0x0] =	vst v15;
	v14 =	vld [tilespmem:s14+$0x210]  }
0x370: {  	v15 =	vld [tilespmem:s31+$0x210];
	[tilespmem:s28+$0x0] =	vst v13  }
0x371: {  	v13 =	vld [tilespmem:s26+$0x210];
	_ =	sdelay $0x2  }
0x372: {  	v14 =	vmul.f32 s24, v14  }
0x373: {  	v15 =	vmul.f32 s30, v15  }
0x374: {  	[tilespmem:s19+$0x10] =	vst v14;
	v13 =	vmul.f32 s25, v13  }
0x375: {  	[tilespmem:s10+$0x10] =	vst v15;
	v14 =	vld [tilespmem:s14+$0x220]  }
0x376: {  	v15 =	vld [tilespmem:s31+$0x220];
	[tilespmem:s28+$0x10] =	vst v13  }
0x377: {  	v13 =	vld [tilespmem:s26+$0x220];
	_ =	sdelay $0x1  }
0x378: {  	v12 =	vmul.f32 s6, v12  }
0x379: {  	v14 =	vmul.f32 s24, v14  }
0x37a: {  	[tilespmem:s15+$0x20] =	vst v12;
	v12 =	vmul.f32 s30, v15  }
0x37b: {  	v15 =	vld [tilespmem:s3+$0x230];
	[tilespmem:s19+$0x20] =	vst v14;
	v13 =	vmul.f32 s25, v13  }
0x37c: {  	[tilespmem:s10+$0x20] =	vst v12;
	v14 =	vld [tilespmem:s14+$0x230]  }
0x37d: {  	v12 =	vld [tilespmem:s31+$0x230];
	[tilespmem:s28+$0x20] =	vst v13  }
0x37e: {  	v13 =	vld [tilespmem:s26+$0x230];
	_ =	sdelay $0x1  }
0x37f: {  	v15 =	vmul.f32 s6, v15  }
0x380: {  	v14 =	vmul.f32 s24, v14  }
0x381: {  	[tilespmem:s15+$0x30] =	vst v15;
	v12 =	vmul.f32 s30, v12  }
0x382: {  	v15 =	vld [tilespmem:s3+$0x240];
	[tilespmem:s19+$0x30] =	vst v14;
	v13 =	vmul.f32 s25, v13  }
0x383: {  	[tilespmem:s10+$0x30] =	vst v12;
	v14 =	vld [tilespmem:s14+$0x240]  }
0x384: {  	v12 =	vld [tilespmem:s31+$0x240];
	[tilespmem:s28+$0x30] =	vst v13  }
0x385: {  	v13 =	vld [tilespmem:s26+$0x240];
	_ =	sdelay $0x1  }
0x386: {  	v15 =	vmul.f32 s6, v15  }
0x387: {  	v14 =	vmul.f32 s24, v14  }
0x388: {  	[tilespmem:s15+$0x40] =	vst v15;
	v12 =	vmul.f32 s30, v12  }
0x389: {  	v15 =	vld [tilespmem:s3+$0x250];
	[tilespmem:s19+$0x40] =	vst v14;
	v13 =	vmul.f32 s25, v13  }
0x38a: {  	[tilespmem:s10+$0x40] =	vst v12;
	v14 =	vld [tilespmem:s14+$0x250]  }
0x38b: {  	v12 =	vld [tilespmem:s31+$0x250];
	[tilespmem:s28+$0x40] =	vst v13  }
0x38c: {  	v13 =	vld [tilespmem:s26+$0x250];
	_ =	sdelay $0x1  }
0x38d: {  	v15 =	vmul.f32 s6, v15  }
0x38e: {  	v14 =	vmul.f32 s24, v14  }
0x38f: {  	[tilespmem:s15+$0x50] =	vst v15;
	v12 =	vmul.f32 s30, v12  }
0x390: {  	v15 =	vld [tilespmem:s3+$0x260];
	[tilespmem:s19+$0x50] =	vst v14;
	v13 =	vmul.f32 s25, v13  }
0x391: {  	[tilespmem:s10+$0x50] =	vst v12;
	v14 =	vld [tilespmem:s14+$0x260]  }
0x392: {  	v12 =	vld [tilespmem:s31+$0x260];
	[tilespmem:s28+$0x50] =	vst v13  }
0x393: {  	v13 =	vld [tilespmem:s26+$0x260];
	_ =	sdelay $0x1  }
0x394: {  	v15 =	vmul.f32 s6, v15  }
0x395: {  	v14 =	vmul.f32 s24, v14  }
0x396: {  	[tilespmem:s15+$0x60] =	vst v15;
	v12 =	vmul.f32 s30, v12  }
0x397: {  	v15 =	vld [tilespmem:s3+$0x270];
	[tilespmem:s19+$0x60] =	vst v14;
	v13 =	vmul.f32 s25, v13  }
0x398: {  	[tilespmem:s10+$0x60] =	vst v12;
	v14 =	vld [tilespmem:s14+$0x270]  }
0x399: {  	v12 =	vld [tilespmem:s31+$0x270];
	[tilespmem:s28+$0x60] =	vst v13  }
0x39a: {  	v13 =	vld [tilespmem:s26+$0x270];
	_ =	sdelay $0x1  }
0x39b: {  	v15 =	vmul.f32 s6, v15  }
0x39c: {  	v14 =	vmul.f32 s24, v14  }
0x39d: {  	[tilespmem:s15+$0x70] =	vst v15;
	v12 =	vmul.f32 s30, v12  }
0x39e: {  	v15 =	vld [tilespmem:s3+$0x280];
	[tilespmem:s19+$0x70] =	vst v14;
	v13 =	vmul.f32 s25, v13  }
0x39f: {  	[tilespmem:s10+$0x70] =	vst v12;
	v14 =	vld [tilespmem:s14+$0x280]  }
0x3a0: {  	v12 =	vld [tilespmem:s31+$0x280];
	[tilespmem:s28+$0x70] =	vst v13  }
0x3a1: {  	v13 =	vld [tilespmem:s26+$0x280];
	_ =	sdelay $0x1  }
0x3a2: {  	v15 =	vmul.f32 s6, v15  }
0x3a3: {  	v14 =	vmul.f32 s24, v14  }
0x3a4: {  	[tilespmem:s15+$0x80] =	vst v15;
	v12 =	vmul.f32 s30, v12  }
0x3a5: {  	v15 =	vld [tilespmem:s3+$0x290];
	[tilespmem:s19+$0x80] =	vst v14;
	v13 =	vmul.f32 s25, v13  }
0x3a6: {  	[tilespmem:s10+$0x80] =	vst v12;
	v14 =	vld [tilespmem:s14+$0x290]  }
0x3a7: {  	v12 =	vld [tilespmem:s31+$0x290];
	[tilespmem:s28+$0x80] =	vst v13  }
0x3a8: {  	v13 =	vld [tilespmem:s26+$0x290]  }
0x3a9: {  	v11 =	vmul.f32 s16, v11  }
0x3aa: {  	v15 =	vmul.f32 s6, v15  }
0x3ab: {  	[tilespmem:s2+$0x90] =	vst v11;
	v11 =	vmul.f32 s24, v14  }
0x3ac: {  	[tilespmem:s15+$0x90] =	vst v15;
	v12 =	vmul.f32 s30, v12;
	v14 =	vld [tilespmem:s4+$0x2A0]  }
0x3ad: {  	v15 =	vld [tilespmem:s3+$0x2A0];
	[tilespmem:s19+$0x90] =	vst v11;
	v11 =	vmul.f32 s25, v13  }
0x3ae: {  	[tilespmem:s10+$0x90] =	vst v12;
	v13 =	vld [tilespmem:s14+$0x2A0]  }
0x3af: {  	v12 =	vld [tilespmem:s31+$0x2A0];
	[tilespmem:s28+$0x90] =	vst v11  }
0x3b0: {  	v11 =	vld [tilespmem:s26+$0x2A0]  }
0x3b1: {  	v14 =	vmul.f32 s16, v14  }
0x3b2: {  	v15 =	vmul.f32 s6, v15  }
0x3b3: {  	[tilespmem:s2+$0xA0] =	vst v14;
	v13 =	vmul.f32 s24, v13  }
0x3b4: {  	[tilespmem:s15+$0xA0] =	vst v15;
	v12 =	vmul.f32 s30, v12;
	v14 =	vld [tilespmem:s4+$0x2B0]  }
0x3b5: {  	v15 =	vld [tilespmem:s3+$0x2B0];
	[tilespmem:s19+$0xA0] =	vst v13;
	v11 =	vmul.f32 s25, v11  }
0x3b6: {  	[tilespmem:s10+$0xA0] =	vst v12;
	v13 =	vld [tilespmem:s14+$0x2B0]  }
0x3b7: {  	v12 =	vld [tilespmem:s31+$0x2B0];
	[tilespmem:s28+$0xA0] =	vst v11  }
0x3b8: {  	v11 =	vld [tilespmem:s26+$0x2B0]  }
0x3b9: {  	v14 =	vmul.f32 s16, v14  }
0x3ba: {  	v15 =	vmul.f32 s6, v15  }
0x3bb: {  	[tilespmem:s2+$0xB0] =	vst v14;
	v13 =	vmul.f32 s24, v13  }
0x3bc: {  	[tilespmem:s15+$0xB0] =	vst v15;
	v12 =	vmul.f32 s30, v12;
	v14 =	vld [tilespmem:s4+$0x2C0]  }
0x3bd: {  	v15 =	vld [tilespmem:s3+$0x2C0];
	[tilespmem:s19+$0xB0] =	vst v13;
	v11 =	vmul.f32 s25, v11  }
0x3be: {  	[tilespmem:s10+$0xB0] =	vst v12;
	v13 =	vld [tilespmem:s14+$0x2C0]  }
0x3bf: {  	v12 =	vld [tilespmem:s31+$0x2C0];
	[tilespmem:s28+$0xB0] =	vst v11  }
0x3c0: {  	v11 =	vld [tilespmem:s26+$0x2C0]  }
0x3c1: {  	v14 =	vmul.f32 s16, v14  }
0x3c2: {  	v15 =	vmul.f32 s6, v15  }
0x3c3: {  	[tilespmem:s2+$0xC0] =	vst v14;
	v13 =	vmul.f32 s24, v13  }
0x3c4: {  	[tilespmem:s15+$0xC0] =	vst v15;
	v12 =	vmul.f32 s30, v12;
	v14 =	vld [tilespmem:s4+$0x2D0]  }
0x3c5: {  	v15 =	vld [tilespmem:s3+$0x2D0];
	[tilespmem:s19+$0xC0] =	vst v13;
	v11 =	vmul.f32 s25, v11  }
0x3c6: {  	[tilespmem:s10+$0xC0] =	vst v12;
	v13 =	vld [tilespmem:s14+$0x2D0]  }
0x3c7: {  	v12 =	vld [tilespmem:s31+$0x2D0];
	[tilespmem:s28+$0xC0] =	vst v11  }
0x3c8: {  	v11 =	vld [tilespmem:s26+$0x2D0]  }
0x3c9: {  	v14 =	vmul.f32 s16, v14  }
0x3ca: {  	v15 =	vmul.f32 s6, v15  }
0x3cb: {  	[tilespmem:s2+$0xD0] =	vst v14;
	v13 =	vmul.f32 s24, v13  }
0x3cc: {  	[tilespmem:s15+$0xD0] =	vst v15;
	v12 =	vmul.f32 s30, v12;
	v14 =	vld [tilespmem:s4+$0x2E0]  }
0x3cd: {  	v15 =	vld [tilespmem:s3+$0x2E0];
	[tilespmem:s19+$0xD0] =	vst v13;
	v11 =	vmul.f32 s25, v11  }
0x3ce: {  	[tilespmem:s10+$0xD0] =	vst v12;
	v13 =	vld [tilespmem:s14+$0x2E0]  }
0x3cf: {  	v12 =	vld [tilespmem:s31+$0x2E0];
	[tilespmem:s28+$0xD0] =	vst v11  }
0x3d0: {  	v11 =	vld [tilespmem:s26+$0x2E0]  }
0x3d1: {  	v14 =	vmul.f32 s16, v14  }
0x3d2: {  	v15 =	vmul.f32 s6, v15  }
0x3d3: {  	[tilespmem:s2+$0xE0] =	vst v14;
	v13 =	vmul.f32 s24, v13  }
0x3d4: {  	[tilespmem:s15+$0xE0] =	vst v15;
	v12 =	vmul.f32 s30, v12;
	v14 =	vld [tilespmem:s4+$0x2F0]  }
0x3d5: {  	v15 =	vld [tilespmem:s3+$0x2F0];
	[tilespmem:s19+$0xE0] =	vst v13;
	v11 =	vmul.f32 s25, v11  }
0x3d6: {  	[tilespmem:s10+$0xE0] =	vst v12;
	v13 =	vld [tilespmem:s14+$0x2F0]  }
0x3d7: {  	v12 =	vld [tilespmem:s31+$0x2F0];
	[tilespmem:s28+$0xE0] =	vst v11  }
0x3d8: {  	v11 =	vld [tilespmem:s26+$0x2F0]  }
0x3d9: {  	v14 =	vmul.f32 s16, v14  }
0x3da: {  	v15 =	vmul.f32 s6, v15  }
0x3db: {  	[tilespmem:s2+$0xF0] =	vst v14;
	v13 =	vmul.f32 s24, v13  }
0x3dc: {  	[tilespmem:s15+$0xF0] =	vst v15;
	v12 =	vmul.f32 s30, v12;
	v14 =	vld [tilespmem:s4+$0x300]  }
0x3dd: {  	v15 =	vld [tilespmem:s3+$0x300];
	[tilespmem:s19+$0xF0] =	vst v13;
	v11 =	vmul.f32 s25, v11  }
0x3de: {  	[tilespmem:s10+$0xF0] =	vst v12;
	v13 =	vld [tilespmem:s14+$0x300]  }
0x3df: {  	v12 =	vld [tilespmem:s31+$0x300];
	[tilespmem:s28+$0xF0] =	vst v11  }
0x3e0: {  	v11 =	vld [tilespmem:s26+$0x300]  }
0x3e1: {  	v14 =	vmul.f32 s16, v14  }
0x3e2: {  	v15 =	vmul.f32 s6, v15  }
0x3e3: {  	[tilespmem:s2+$0x100] =	vst v14;
	v13 =	vmul.f32 s24, v13  }
0x3e4: {  	[tilespmem:s15+$0x100] =	vst v15;
	v12 =	vmul.f32 s30, v12;
	v14 =	vld [tilespmem:s4+$0x310]  }
0x3e5: {  	v15 =	vld [tilespmem:s3+$0x310];
	[tilespmem:s19+$0x100] =	vst v13;
	v11 =	vmul.f32 s25, v11  }
0x3e6: {  	[tilespmem:s10+$0x100] =	vst v12;
	v13 =	vld [tilespmem:s14+$0x310]  }
0x3e7: {  	v12 =	vld [tilespmem:s31+$0x310];
	[tilespmem:s28+$0x100] =	vst v11  }
0x3e8: {  	v10 =	vmul.f32 s13, v10;
	v11 =	vld [tilespmem:s26+$0x310]  }
0x3e9: {  	v14 =	vmul.f32 s16, v14  }
0x3ea: {  	[tilespmem:s1+$0x110] =	vst v10;
	v10 =	vmul.f32 s6, v15  }
0x3eb: {  	v15 =	vld [tilespmem:s0+$0x320];
	[tilespmem:s2+$0x110] =	vst v14;
	v13 =	vmul.f32 s24, v13  }
0x3ec: {  	[tilespmem:s15+$0x110] =	vst v10;
	v10 =	vmul.f32 s30, v12;
	v14 =	vld [tilespmem:s4+$0x320]  }
0x3ed: {  	v12 =	vld [tilespmem:s3+$0x320];
	[tilespmem:s19+$0x110] =	vst v13;
	v11 =	vmul.f32 s25, v11  }
0x3ee: {  	[tilespmem:s10+$0x110] =	vst v10;
	v13 =	vld [tilespmem:s14+$0x320]  }
0x3ef: {  	v10 =	vld [tilespmem:s31+$0x320];
	[tilespmem:s28+$0x110] =	vst v11  }
0x3f0: {  	v11 =	vmul.f32 s13, v15;
	v15 =	vld [tilespmem:s26+$0x320]  }
0x3f1: {  	v14 =	vmul.f32 s16, v14  }
0x3f2: {  	[tilespmem:s1+$0x120] =	vst v11;
	v11 =	vmul.f32 s6, v12  }
0x3f3: {  	[tilespmem:s2+$0x120] =	vst v14;
	v12 =	vld [tilespmem:s0+$0x330];
	v13 =	vmul.f32 s24, v13  }
0x3f4: {  	v10 =	vmul.f32 s30, v10;
	v14 =	vld [tilespmem:s4+$0x330];
	[tilespmem:s15+$0x120] =	vst v11  }
0x3f5: {  	v11 =	vld [tilespmem:s3+$0x330];
	[tilespmem:s19+$0x120] =	vst v13;
	v13 =	vmul.f32 s25, v15  }
0x3f6: {  	[tilespmem:s10+$0x120] =	vst v10;
	v15 =	vld [tilespmem:s14+$0x330]  }
0x3f7: {  	v10 =	vld [tilespmem:s31+$0x330];
	[tilespmem:s28+$0x120] =	vst v13  }
0x3f8: {  	v12 =	vmul.f32 s13, v12;
	v13 =	vld [tilespmem:s26+$0x330]  }
0x3f9: {  	v14 =	vmul.f32 s16, v14  }
0x3fa: {  	[tilespmem:s1+$0x130] =	vst v12;
	v11 =	vmul.f32 s6, v11  }
0x3fb: {  	[tilespmem:s2+$0x130] =	vst v14;
	v12 =	vld [tilespmem:s0+$0x340];
	v14 =	vmul.f32 s24, v15  }
0x3fc: {  	v10 =	vmul.f32 s30, v10;
	v15 =	vld [tilespmem:s4+$0x340];
	[tilespmem:s15+$0x130] =	vst v11  }
0x3fd: {  	v11 =	vld [tilespmem:s3+$0x340];
	[tilespmem:s19+$0x130] =	vst v14;
	v13 =	vmul.f32 s25, v13  }
0x3fe: {  	[tilespmem:s10+$0x130] =	vst v10;
	v14 =	vld [tilespmem:s14+$0x340]  }
0x3ff: {  	v10 =	vld [tilespmem:s31+$0x340];
	[tilespmem:s28+$0x130] =	vst v13  }
0x400: {  	v12 =	vmul.f32 s13, v12;
	v13 =	vld [tilespmem:s26+$0x340]  }
0x401: {  	v15 =	vmul.f32 s16, v15  }
0x402: {  	[tilespmem:s1+$0x140] =	vst v12;
	v11 =	vmul.f32 s6, v11  }
0x403: {  	[tilespmem:s2+$0x140] =	vst v15;
	v12 =	vld [tilespmem:s0+$0x350];
	v14 =	vmul.f32 s24, v14  }
0x404: {  	v10 =	vmul.f32 s30, v10;
	v15 =	vld [tilespmem:s4+$0x350];
	[tilespmem:s15+$0x140] =	vst v11  }
0x405: {  	v11 =	vld [tilespmem:s3+$0x350];
	[tilespmem:s19+$0x140] =	vst v14;
	v13 =	vmul.f32 s25, v13  }
0x406: {  	[tilespmem:s10+$0x140] =	vst v10;
	v14 =	vld [tilespmem:s14+$0x350]  }
0x407: {  	v10 =	vld [tilespmem:s31+$0x350];
	[tilespmem:s28+$0x140] =	vst v13  }
0x408: {  	v12 =	vmul.f32 s13, v12;
	v13 =	vld [tilespmem:s26+$0x350]  }
0x409: {  	v15 =	vmul.f32 s16, v15  }
0x40a: {  	[tilespmem:s1+$0x150] =	vst v12;
	v11 =	vmul.f32 s6, v11  }
0x40b: {  	[tilespmem:s2+$0x150] =	vst v15;
	v12 =	vld [tilespmem:s0+$0x360];
	v14 =	vmul.f32 s24, v14  }
0x40c: {  	v10 =	vmul.f32 s30, v10;
	v15 =	vld [tilespmem:s4+$0x360];
	[tilespmem:s15+$0x150] =	vst v11  }
0x40d: {  	v11 =	vld [tilespmem:s3+$0x360];
	[tilespmem:s19+$0x150] =	vst v14;
	v13 =	vmul.f32 s25, v13  }
0x40e: {  	[tilespmem:s10+$0x150] =	vst v10;
	v14 =	vld [tilespmem:s14+$0x360]  }
0x40f: {  	v10 =	vld [tilespmem:s31+$0x360];
	[tilespmem:s28+$0x150] =	vst v13  }
0x410: {  	v12 =	vmul.f32 s13, v12;
	v13 =	vld [tilespmem:s26+$0x360]  }
0x411: {  	v15 =	vmul.f32 s16, v15  }
0x412: {  	[tilespmem:s1+$0x160] =	vst v12;
	v11 =	vmul.f32 s6, v11  }
0x413: {  	[tilespmem:s2+$0x160] =	vst v15;
	v12 =	vld [tilespmem:s0+$0x370];
	v14 =	vmul.f32 s24, v14  }
0x414: {  	v10 =	vmul.f32 s30, v10;
	v15 =	vld [tilespmem:s4+$0x370];
	[tilespmem:s15+$0x160] =	vst v11  }
0x415: {  	v11 =	vld [tilespmem:s3+$0x370];
	[tilespmem:s19+$0x160] =	vst v14;
	v13 =	vmul.f32 s25, v13  }
0x416: {  	[tilespmem:s10+$0x160] =	vst v10;
	v14 =	vld [tilespmem:s14+$0x370]  }
0x417: {  	v10 =	vld [tilespmem:s31+$0x370];
	[tilespmem:s28+$0x160] =	vst v13  }
0x418: {  	v12 =	vmul.f32 s13, v12;
	v13 =	vld [tilespmem:s26+$0x370]  }
0x419: {  	v15 =	vmul.f32 s16, v15  }
0x41a: {  	[tilespmem:s1+$0x170] =	vst v12;
	v11 =	vmul.f32 s6, v11  }
0x41b: {  	[tilespmem:s2+$0x170] =	vst v15;
	v12 =	vld [tilespmem:s0+$0x380];
	v14 =	vmul.f32 s24, v14  }
0x41c: {  	v10 =	vmul.f32 s30, v10;
	v15 =	vld [tilespmem:s4+$0x380];
	[tilespmem:s15+$0x170] =	vst v11  }
0x41d: {  	v11 =	vld [tilespmem:s3+$0x380];
	[tilespmem:s19+$0x170] =	vst v14;
	v13 =	vmul.f32 s25, v13  }
0x41e: {  	[tilespmem:s10+$0x170] =	vst v10;
	v14 =	vld [tilespmem:s14+$0x380]  }
0x41f: {  	v10 =	vld [tilespmem:s31+$0x380];
	[tilespmem:s28+$0x170] =	vst v13  }
0x420: {  	v12 =	vmul.f32 s13, v12;
	v13 =	vld [tilespmem:s26+$0x380]  }
0x421: {  	v15 =	vmul.f32 s16, v15  }
0x422: {  	[tilespmem:s1+$0x180] =	vst v12;
	v11 =	vmul.f32 s6, v11  }
0x423: {  	[tilespmem:s2+$0x180] =	vst v15;
	v12 =	vld [tilespmem:s0+$0x390];
	v14 =	vmul.f32 s24, v14  }
0x424: {  	v10 =	vmul.f32 s30, v10;
	v15 =	vld [tilespmem:s4+$0x390];
	[tilespmem:s15+$0x180] =	vst v11  }
0x425: {  	v11 =	vld [tilespmem:s3+$0x390];
	[tilespmem:s19+$0x180] =	vst v14;
	v13 =	vmul.f32 s25, v13  }
0x426: {  	[tilespmem:s10+$0x180] =	vst v10;
	v14 =	vld [tilespmem:s14+$0x390]  }
0x427: {  	v9 =	vmul.f32 s21, v9;
	v10 =	vld [tilespmem:s31+$0x390];
	[tilespmem:s28+$0x180] =	vst v13  }
0x428: {  	v12 =	vmul.f32 s13, v12;
	v13 =	vld [tilespmem:s26+$0x390]  }
0x429: {  	[tilespmem:s29+$0x190] =	vst v9;
	v9 =	vmul.f32 s16, v15  }
0x42a: {  	v15 =	vld [tilespmem:s23+$0x3A0];
	[tilespmem:s1+$0x190] =	vst v12;
	v11 =	vmul.f32 s6, v11  }
0x42b: {  	[tilespmem:s2+$0x190] =	vst v9;
	v12 =	vld [tilespmem:s0+$0x3A0];
	v9 =	vmul.f32 s24, v14  }
0x42c: {  	v10 =	vmul.f32 s30, v10;
	v14 =	vld [tilespmem:s4+$0x3A0];
	[tilespmem:s15+$0x190] =	vst v11  }
0x42d: {  	v11 =	vld [tilespmem:s3+$0x3A0];
	[tilespmem:s19+$0x190] =	vst v9;
	v9 =	vmul.f32 s25, v13  }
0x42e: {  	[tilespmem:s10+$0x190] =	vst v10;
	v13 =	vld [tilespmem:s14+$0x3A0]  }
0x42f: {  	v10 =	vmul.f32 s21, v15;
	v15 =	vld [tilespmem:s31+$0x3A0];
	[tilespmem:s28+$0x190] =	vst v9  }
0x430: {  	v9 =	vmul.f32 s13, v12;
	v12 =	vld [tilespmem:s26+$0x3A0]  }
0x431: {  	[tilespmem:s29+$0x1A0] =	vst v10;
	v10 =	vmul.f32 s16, v14  }
0x432: {  	v14 =	vld [tilespmem:s23+$0x3B0];
	[tilespmem:s1+$0x1A0] =	vst v9;
	v9 =	vmul.f32 s6, v11  }
0x433: {  	[tilespmem:s2+$0x1A0] =	vst v10;
	v11 =	vld [tilespmem:s0+$0x3B0];
	v10 =	vmul.f32 s24, v13  }
0x434: {  	v13 =	vld [tilespmem:s4+$0x3B0];
	[tilespmem:s15+$0x1A0] =	vst v9;
	v9 =	vmul.f32 s30, v15  }
0x435: {  	v15 =	vld [tilespmem:s3+$0x3B0];
	[tilespmem:s19+$0x1A0] =	vst v10;
	v10 =	vmul.f32 s25, v12  }
0x436: {  	v12 =	vld [tilespmem:s14+$0x3B0];
	[tilespmem:s10+$0x1A0] =	vst v9  }
0x437: {  	v9 =	vmul.f32 s21, v14;
	v14 =	vld [tilespmem:s31+$0x3B0];
	[tilespmem:s28+$0x1A0] =	vst v10  }
0x438: {  	v10 =	vmul.f32 s13, v11;
	v11 =	vld [tilespmem:s26+$0x3B0]  }
0x439: {  	[tilespmem:s29+$0x1B0] =	vst v9;
	v9 =	vmul.f32 s16, v13  }
0x43a: {  	v13 =	vld [tilespmem:s23+$0x3C0];
	[tilespmem:s1+$0x1B0] =	vst v10;
	v10 =	vmul.f32 s6, v15  }
0x43b: {  	[tilespmem:s2+$0x1B0] =	vst v9;
	v15 =	vld [tilespmem:s0+$0x3C0];
	v9 =	vmul.f32 s24, v12  }
0x43c: {  	v12 =	vld [tilespmem:s4+$0x3C0];
	[tilespmem:s15+$0x1B0] =	vst v10;
	v10 =	vmul.f32 s30, v14  }
0x43d: {  	v14 =	vld [tilespmem:s3+$0x3C0];
	[tilespmem:s19+$0x1B0] =	vst v9;
	v9 =	vmul.f32 s25, v11  }
0x43e: {  	v11 =	vld [tilespmem:s14+$0x3C0];
	[tilespmem:s10+$0x1B0] =	vst v10  }
0x43f: {  	v10 =	vmul.f32 s21, v13;
	v13 =	vld [tilespmem:s31+$0x3C0];
	[tilespmem:s28+$0x1B0] =	vst v9  }
0x440: {  	v9 =	vmul.f32 s13, v15;
	v15 =	vld [tilespmem:s26+$0x3C0]  }
0x441: {  	[tilespmem:s29+$0x1C0] =	vst v10;
	v10 =	vmul.f32 s16, v12  }
0x442: {  	[tilespmem:s1+$0x1C0] =	vst v9;
	v9 =	vmul.f32 s6, v14  }
0x443: {  	[tilespmem:s2+$0x1C0] =	vst v10;
	v10 =	vmul.f32 s24, v11  }
0x444: {  	v12 =	vld [tilespmem:s23+$0x3D0];
	[tilespmem:s15+$0x1C0] =	vst v9;
	v9 =	vmul.f32 s30, v13  }
0x445: {  	v14 =	vld [tilespmem:s0+$0x3D0];
	[tilespmem:s19+$0x1C0] =	vst v10;
	v10 =	vmul.f32 s25, v15  }
0x446: {  	v11 =	vld [tilespmem:s4+$0x3D0];
	[tilespmem:s10+$0x1C0] =	vst v9  }
0x447: {  	v13 =	vld [tilespmem:s3+$0x3D0];
	[tilespmem:s28+$0x1C0] =	vst v10  }
0x448: {  	v15 =	vld [tilespmem:s14+$0x3D0];
	s18 =	sld [smem:$0x7FB]  }
0x449: {  	v9 =	vmul.f32 s21, v12  }
0x44a: {  	v10 =	vmul.f32 s13, v14  }
0x44b: {  	v12 =	vld [tilespmem:s31+$0x3D0];
	[tilespmem:s29+$0x1D0] =	vst v9;
	v9 =	vmul.f32 s16, v11;
	s20 =	smulhi.u32 $0x24924925, s18  }
0x44c: {  	v14 =	vld [tilespmem:s26+$0x3D0];
	[tilespmem:s1+$0x1D0] =	vst v10;
	v10 =	vmul.f32 s6, v13  }
0x44d: {  	[tilespmem:s2+$0x1D0] =	vst v9;
	v9 =	vmul.f32 s24, v15;
	s5 =	ssub.s32 s18, s20  }
0x44e: {  	v11 =	vld [tilespmem:s23+$0x3E0];
	[tilespmem:s15+$0x1D0] =	vst v10;
	s8 =	sshrl.u32 s5, $0x1  }
0x44f: {  	[tilespmem:s19+$0x1D0] =	vst v9;
	s7 =	sadd.s32 s20, s8  }
0x450: {  	v13 =	vld [tilespmem:s0+$0x3E0];
	v10 =	vmul.f32 s30, v12;
	s5 =	rddreg [dreg:$0x5];
	s7 =	sshrl.u32 s7, $0x2  }
0x451: {  	v15 =	vld [tilespmem:s4+$0x3E0];
	v9 =	vmul.f32 s25, v14;
	s11 =	ssub.s32 s7, s5  }
0x452: {  	v12 =	vld [tilespmem:s3+$0x3E0];
	[tilespmem:s10+$0x1D0] =	vst v10;
	v10 =	vmov s11;
	s8 =	sadd.s32 $0xFFFFFFF0, s11  }
0x453: {  	v14 =	vld [tilespmem:s14+$0x3E0];
	v11 =	vmul.f32 s21, v11;
	[tilespmem:s28+$0x1D0] =	vst v9;
	vm9 =	veq.s32 v10, v2;
	v9 =	vmov s8  }
0x454: {  	v16 =	vld [tilespmem:s31+$0x3E0];
	v17 =	vnsel vm9, $0x0, v8;
	vm9 =	veq.s32 v9, v2  }
0x455: {  	[tilespmem:s29+$0x1E0] =	vst v11;
	v10 =	vmul.f32 s13, v13;
	v13 =	vld [tilespmem:s26+$0x3E0];
	(xrf2) =	vadd.scan.msk.f32 $0xffff, v17;
	v11 =	vnsel vm9, $0x0, v7  }
0x456: {  	v9 =	vmul.f32 s16, v15;
	(xrf2) =	vadd.scan.msk.f32 $0xffff, v11  }
0x457: {  	v15 =	vld [tilespmem:s23+$0x3F0];
	[tilespmem:s1+$0x1E0] =	vst v10;
	v10 =	vmul.f32 s6, v12  }
0x458: {  	v11 =	vld [tilespmem:s0+$0x3F0];
	[tilespmem:s2+$0x1E0] =	vst v9;
	v9 =	vmul.f32 s24, v14  }
0x459: {  	v12 =	vld [tilespmem:s4+$0x3F0];
	[tilespmem:s15+$0x1E0] =	vst v10;
	v10 =	vmul.f32 s30, v16  }
0x45a: {  	v14 =	vld [tilespmem:s3+$0x3F0];
	[tilespmem:s19+$0x1E0] =	vst v9;
	v9 =	vmul.f32 s25, v13  }
0x45b: {  	v13 =	vld [tilespmem:s14+$0x3F0];
	[tilespmem:s10+$0x1E0] =	vst v10  }
0x45c: {  	v10 =	vmul.f32 s21, v15;
	v15 =	vld [tilespmem:s31+$0x3F0];
	[tilespmem:s28+$0x1E0] =	vst v9  }
0x45d: {  	v9 =	vmul.f32 s13, v11;
	v11 =	vld [tilespmem:s26+$0x3F0]  }
0x45e: {  	[tilespmem:s29+$0x1F0] =	vst v10;
	v10 =	vmul.f32 s16, v12  }
0x45f: {  	[tilespmem:s1+$0x1F0] =	vst v9;
	v9 =	vmul.f32 s6, v14;
	v12, _, _ =	vpop (xrf2)  }
0x460: {  	s12 =	sshrl.u32 s18, $0x1;
	[tilespmem:s2+$0x1F0] =	vst v10;
	v10 =	vmul.f32 s24, v13;
	(v2sf) =	vpush v12, $0xF;
	v12, _, _ =	vpop (xrf2)  }
0x461: {  	s0 =	smulhi.u32 $0xEA0EA0EB, s12;
	[tilespmem:s15+$0x1F0] =	vst v9;
	v9 =	vmul.f32 s30, v15;
	(v2sf) =	vpush v12, $0xF  }
0x462: {  	[tilespmem:s19+$0x1F0] =	vst v10;
	v10 =	vmul.f32 s25, v11  }
0x463: {  	s0 =	sshrl.u32 s0, $0x5;
	[tilespmem:s10+$0x1F0] =	vst v9  }
0x464: {  	s0 =	smul.u32 $0x7, s0;
	[tilespmem:s28+$0x1F0] =	vst v10  }
0x465: {  	s13 =	smul.u32 $0x7, s7;
	s14 =	sld [smem:$0x7FC]  }
0x466: {  	s1 =	simm.s32 @!p0 $0x0;
	s2 =	simm.s32 @!p0 $0xFA00;
	s3 =	rddreg [dreg:$0x1c]  }
0x467: {  	[hbm4b:s3+s1] =	stream.linear.scatter @!p0 [tilespmem:s2], [sflag:$0x1], $0x5000, $0x38;
	[tilespmem:$0x1CE00] =	vst v63  }
0x468: {  	s0 =	sadd.s32 s0, s14  }
0x469: {  	s0 =	ssub.s32 s0, s13  }
0x46a: {  	p1 =	slt.s32 s0, $0x17  }
0x46b: {  	s0 =	simm.s32 @!p1 $0x17  }
0x46c: {  	s0 =	sshll.u32 s0, $0xC  }
0x46d: {  	s20 =	sshra.s32 s0, $0x2  }
0x46e: {  	v9 =	vld [tilespmem:s20+$0x0]  }
0x46f: {  	s15 =	spop (v2sf)  }
0x470: {  	s16 =	spop (v2sf)  }
0x471: {  	s31 =	sadd.f32 s16, s15;
	_ =	sdelay $0x1  }
0x472: {  	v9 =	vmul.f32 s31, v9  }
0x473: {  	s19 =	simm.s32 $0x0  }
0x474: {  	[tilespmem:s19+$0x14A00] =	vst v9  }
0x475: {  	v9 =	vld [tilespmem:s20+$0x10];
	_ =	sdelay $0x4  }
0x476: {  	v9 =	vmul.f32 s31, v9;
	_ =	sdelay $0x1  }
0x477: {  	[tilespmem:s19+$0x14A10] =	vst v9  }
0x478: {  	v9 =	vld [tilespmem:s20+$0x20];
	_ =	sdelay $0x4  }
0x479: {  	v9 =	vmul.f32 s31, v9;
	_ =	sdelay $0x1  }
0x47a: {  	[tilespmem:s19+$0x14A20] =	vst v9  }
0x47b: {  	v9 =	vld [tilespmem:s20+$0x30];
	_ =	sdelay $0x1  }
0x47c: {  	s17 =	sadd.s32 $0x1, s18  }
0x47d: {  	s18 =	smulhi.u32 $0x24924925, s17;
	_ =	sdelay $0x1  }
0x47e: {  	s21 =	ssub.s32 s17, s18;
	v9 =	vmul.f32 s31, v9  }
0x47f: {  	s2 =	sshrl.u32 s21, $0x1  }
0x480: {  	s0 =	sadd.s32 s18, s2;
	[tilespmem:s19+$0x14A30] =	vst v9  }
0x481: {  	s0 =	sshrl.u32 s0, $0x2;
	v9 =	vld [tilespmem:s20+$0x40]  }
0x482: {  	s23 =	ssub.s32 s0, s5  }
0x483: {  	v10 =	vmov s23;
	s2 =	sadd.s32 $0xFFFFFFF0, s23  }
0x484: {  	vm9 =	veq.s32 v10, v2;
	v10 =	vmov s2  }
0x485: {  	v11 =	vnsel vm9, $0x0, v8;
	vm9 =	veq.s32 v10, v2  }
0x486: {  	(xrf2) =	vadd.scan.msk.f32 $0xffff, v11;
	v10 =	vnsel vm9, $0x0, v7;
	v9 =	vmul.f32 s31, v9  }
0x487: {  	(xrf2) =	vadd.scan.msk.f32 $0xffff, v10  }
0x488: {  	[tilespmem:s19+$0x14A40] =	vst v9  }
0x489: {  	v9 =	vld [tilespmem:s20+$0x50];
	_ =	sdelay $0x4  }
0x48a: {  	v9 =	vmul.f32 s31, v9;
	_ =	sdelay $0x1  }
0x48b: {  	v10, _, _ =	vpop (xrf2);
	[tilespmem:s19+$0x14A50] =	vst v9  }
0x48c: {  	(v2sf) =	vpush v10, $0xF;
	v10, _, _ =	vpop (xrf2);
	v9 =	vld [tilespmem:s20+$0x60]  }
0x48d: {  	(v2sf) =	vpush v10, $0xF  }
0x48e: {  	s24 =	sshrl.u32 s17, $0x1  }
0x48f: {  	s2 =	smulhi.u32 $0xEA0EA0EB, s24;
	_ =	sdelay $0x1  }
0x490: {  	s2 =	sshrl.u32 s2, $0x5;
	v9 =	vmul.f32 s31, v9  }
0x491: {  	s2 =	smul.u32 $0x7, s2  }
0x492: {  	s26 =	sadd.s32 $0x1, s14;
	s25 =	smul.u32 $0x7, s0;
	[tilespmem:s19+$0x14A60] =	vst v9  }
0x493: {  	s2 =	sadd.s32 s2, s26;
	v9 =	vld [tilespmem:s20+$0x70]  }
0x494: {  	s2 =	ssub.s32 s2, s25  }
0x495: {  	p1 =	slt.s32 s2, $0x17  }
0x496: {  	s2 =	simm.s32 @!p1 $0x17  }
0x497: {  	s2 =	sshll.u32 s2, $0xC  }
0x498: {  	s29 =	sshra.s32 s2, $0x2;
	v9 =	vmul.f32 s31, v9  }
0x499: {  	v10 =	vld [tilespmem:s29+$0x0]  }
0x49a: {  	s4 =	spop (v2sf);
	[tilespmem:s19+$0x14A70] =	vst v9  }
0x49b: {  	s6 =	spop (v2sf);
	v9 =	vld [tilespmem:s20+$0x80]  }
0x49c: {  	s23 =	sadd.f32 s6, s4;
	_ =	sdelay $0x1  }
0x49d: {  	v10 =	vmul.f32 s23, v10  }
0x49e: {  	s16 =	simm.s32 $0x400  }
0x49f: {  	[tilespmem:s16+$0x14A00] =	vst v10;
	v9 =	vmul.f32 s31, v9  }
0x4a0: {  	v10 =	vld [tilespmem:s29+$0x10]  }
0x4a1: {  	[tilespmem:s19+$0x14A80] =	vst v9  }
0x4a2: {  	v9 =	vld [tilespmem:s20+$0x90];
	_ =	sdelay $0x2  }
0x4a3: {  	v10 =	vmul.f32 s23, v10;
	_ =	sdelay $0x1  }
0x4a4: {  	[tilespmem:s16+$0x14A10] =	vst v10;
	v9 =	vmul.f32 s31, v9  }
0x4a5: {  	v10 =	vld [tilespmem:s29+$0x20]  }
0x4a6: {  	[tilespmem:s19+$0x14A90] =	vst v9  }
0x4a7: {  	v9 =	vld [tilespmem:s20+$0xA0];
	_ =	sdelay $0x2  }
0x4a8: {  	v10 =	vmul.f32 s23, v10;
	_ =	sdelay $0x1  }
0x4a9: {  	[tilespmem:s16+$0x14A20] =	vst v10;
	v9 =	vmul.f32 s31, v9  }
0x4aa: {  	v10 =	vld [tilespmem:s29+$0x30]  }
0x4ab: {  	[tilespmem:s19+$0x14AA0] =	vst v9  }
0x4ac: {  	v9 =	vld [tilespmem:s20+$0xB0];
	_ =	sdelay $0x2  }
0x4ad: {  	s1 =	sadd.s32 $0x1, s17;
	v10 =	vmul.f32 s23, v10  }
0x4ae: {  	s7 =	smulhi.u32 $0x24924925, s1  }
0x4af: {  	[tilespmem:s16+$0x14A30] =	vst v10;
	v9 =	vmul.f32 s31, v9  }
0x4b0: {  	s8 =	ssub.s32 s1, s7;
	v10 =	vld [tilespmem:s29+$0x40]  }
0x4b1: {  	s3 =	sshrl.u32 s8, $0x1;
	[tilespmem:s19+$0x14AB0] =	vst v9  }
0x4b2: {  	s2 =	sadd.s32 s7, s3;
	v9 =	vld [tilespmem:s20+$0xC0]  }
0x4b3: {  	s2 =	sshrl.u32 s2, $0x2  }
0x4b4: {  	s9 =	ssub.s32 s2, s5  }
0x4b5: {  	v11 =	vmov s9;
	s3 =	sadd.s32 $0xFFFFFFF0, s9;
	v10 =	vmul.f32 s23, v10  }
0x4b6: {  	vm9 =	veq.s32 v11, v2;
	v11 =	vmov s3  }
0x4b7: {  	v12 =	vnsel vm9, $0x0, v8;
	vm9 =	veq.s32 v11, v2;
	[tilespmem:s16+$0x14A40] =	vst v10;
	v9 =	vmul.f32 s31, v9  }
0x4b8: {  	(xrf2) =	vadd.scan.msk.f32 $0xffff, v12;
	v11 =	vnsel vm9, $0x0, v7;
	v10 =	vld [tilespmem:s29+$0x50]  }
0x4b9: {  	(xrf2) =	vadd.scan.msk.f32 $0xffff, v11;
	[tilespmem:s19+$0x14AC0] =	vst v9  }
0x4ba: {  	v9 =	vld [tilespmem:s20+$0xD0];
	_ =	sdelay $0x2  }
0x4bb: {  	v10 =	vmul.f32 s23, v10;
	_ =	sdelay $0x1  }
0x4bc: {  	[tilespmem:s16+$0x14A50] =	vst v10;
	v9 =	vmul.f32 s31, v9  }
0x4bd: {  	v11 =	vld [tilespmem:s29+$0x60];
	_ =	sdelay $0x1  }
0x4be: {  	v10, _, _ =	vpop (xrf2);
	[tilespmem:s19+$0x14AD0] =	vst v9  }
0x4bf: {  	(v2sf) =	vpush v10, $0xF;
	v10 =	vld [tilespmem:s20+$0xE0];
	v9, _, _ =	vpop (xrf2)  }
0x4c0: {  	(v2sf) =	vpush v9, $0xF  }
0x4c1: {  	s11 =	sshrl.u32 s1, $0x1;
	v9 =	vmul.f32 s23, v11  }
0x4c2: {  	s3 =	smulhi.u32 $0xEA0EA0EB, s11  }
0x4c3: {  	[tilespmem:s16+$0x14A60] =	vst v9  }
0x4c4: {  	s3 =	sshrl.u32 s3, $0x5;
	v10 =	vmul.f32 s31, v10;
	v9 =	vld [tilespmem:s29+$0x70]  }
0x4c5: {  	s3 =	smul.u32 $0x7, s3  }
0x4c6: {  	s0 =	sadd.s32 $0x1, s26;
	s2 =	smul.u32 $0x7, s2;
	[tilespmem:s19+$0x14AE0] =	vst v10  }
0x4c7: {  	s3 =	sadd.s32 s3, s0;
	v10 =	vld [tilespmem:s20+$0xF0]  }
0x4c8: {  	s2 =	ssub.s32 s3, s2  }
0x4c9: {  	p1 =	slt.s32 s2, $0x17;
	v9 =	vmul.f32 s23, v9  }
0x4ca: {  	s2 =	simm.s32 @!p1 $0x17  }
0x4cb: {  	s2 =	sshll.u32 s2, $0xC;
	[tilespmem:s16+$0x14A70] =	vst v9  }
0x4cc: {  	s10 =	smov.u32 s5;
	s5 =	sshra.s32 s2, $0x2;
	v10 =	vmul.f32 s31, v10;
	v11 =	vld [tilespmem:s29+$0x80]  }
0x4cd: {  	v9 =	vld [tilespmem:s5+$0x0]  }
0x4ce: {  	s12 =	spop (v2sf);
	[tilespmem:s19+$0x14AF0] =	vst v10  }
0x4cf: {  	v10 =	vld [tilespmem:s20+$0x100];
	s13 =	spop (v2sf)  }
0x4d0: {  	s6 =	sadd.f32 s13, s12  }
0x4d1: {  	v11 =	vmul.f32 s23, v11  }
0x4d2: {  	v9 =	vmul.f32 s6, v9  }
0x4d3: {  	s14 =	simm.s32 $0x800;
	[tilespmem:s16+$0x14A80] =	vst v11  }
0x4d4: {  	[tilespmem:s14+$0x14A00] =	vst v9;
	v9 =	vmul.f32 s31, v10  }
0x4d5: {  	v11 =	vld [tilespmem:s29+$0x90]  }
0x4d6: {  	v10 =	vld [tilespmem:s5+$0x10];
	[tilespmem:s19+$0x14B00] =	vst v9  }
0x4d7: {  	v9 =	vld [tilespmem:s20+$0x110];
	_ =	sdelay $0x2  }
0x4d8: {  	v11 =	vmul.f32 s23, v11  }
0x4d9: {  	v10 =	vmul.f32 s6, v10  }
0x4da: {  	[tilespmem:s16+$0x14A90] =	vst v11;
	v9 =	vmul.f32 s31, v9  }
0x4db: {  	v11 =	vld [tilespmem:s29+$0xA0];
	[tilespmem:s14+$0x14A10] =	vst v10  }
0x4dc: {  	v10 =	vld [tilespmem:s5+$0x20];
	[tilespmem:s19+$0x14B10] =	vst v9  }
0x4dd: {  	v9 =	vld [tilespmem:s20+$0x120];
	_ =	sdelay $0x2  }
0x4de: {  	v11 =	vmul.f32 s23, v11  }
0x4df: {  	v10 =	vmul.f32 s6, v10  }
0x4e0: {  	[tilespmem:s16+$0x14AA0] =	vst v11;
	v9 =	vmul.f32 s31, v9  }
0x4e1: {  	v11 =	vld [tilespmem:s29+$0xB0];
	[tilespmem:s14+$0x14A20] =	vst v10  }
0x4e2: {  	v10 =	vld [tilespmem:s5+$0x30];
	[tilespmem:s19+$0x14B20] =	vst v9  }
0x4e3: {  	v9 =	vld [tilespmem:s20+$0x130];
	_ =	sdelay $0x2  }
0x4e4: {  	s17 =	sadd.s32 $0x1, s1;
	v11 =	vmul.f32 s23, v11  }
0x4e5: {  	s1 =	smulhi.u32 $0x24924925, s17;
	v10 =	vmul.f32 s6, v10  }
0x4e6: {  	s15 =	simm.s32 $0x800;
	[tilespmem:s16+$0x14AB0] =	vst v11;
	v9 =	vmul.f32 s31, v9  }
0x4e7: {  	s18 =	ssub.s32 s17, s1;
	v11 =	vld [tilespmem:s29+$0xC0];
	[tilespmem:s15+$0x14A30] =	vst v10  }
0x4e8: {  	s2 =	sshrl.u32 s18, $0x1;
	v10 =	vld [tilespmem:s5+$0x40];
	[tilespmem:s19+$0x14B30] =	vst v9  }
0x4e9: {  	s1 =	sadd.s32 s1, s2;
	v9 =	vld [tilespmem:s20+$0x140]  }
0x4ea: {  	s1 =	sshrl.u32 s1, $0x2  }
0x4eb: {  	s21 =	ssub.s32 s1, s10  }
0x4ec: {  	v12 =	vmov s21;
	s2 =	sadd.s32 $0xFFFFFFF0, s21;
	v11 =	vmul.f32 s23, v11  }
0x4ed: {  	vm9 =	veq.s32 v12, v2;
	v12 =	vmov s2;
	v10 =	vmul.f32 s6, v10  }
0x4ee: {  	s25 =	simm.s32 $0x800;
	v13 =	vnsel vm9, $0x0, v8;
	vm9 =	veq.s32 v12, v2;
	[tilespmem:s16+$0x14AC0] =	vst v11;
	v9 =	vmul.f32 s31, v9  }
0x4ef: {  	v12 =	vnsel vm9, $0x0, v7;
	(xrf2) =	vadd.scan.msk.f32 $0xffff, v13;
	v11 =	vld [tilespmem:s29+$0xD0];
	[tilespmem:s25+$0x14A40] =	vst v10  }
0x4f0: {  	(xrf2) =	vadd.scan.msk.f32 $0xffff, v12;
	v10 =	vld [tilespmem:s5+$0x50];
	[tilespmem:s19+$0x14B40] =	vst v9  }
0x4f1: {  	v9 =	vld [tilespmem:s20+$0x150];
	_ =	sdelay $0x2  }
0x4f2: {  	v11 =	vmul.f32 s23, v11  }
0x4f3: {  	v10 =	vmul.f32 s6, v10  }
0x4f4: {  	[tilespmem:s16+$0x14AD0] =	vst v11;
	v9 =	vmul.f32 s31, v9  }
0x4f5: {  	v11 =	vld [tilespmem:s29+$0xE0];
	[tilespmem:s25+$0x14A50] =	vst v10  }
0x4f6: {  	v12 =	vld [tilespmem:s5+$0x60]  }
0x4f7: {  	v10, _, _ =	vpop (xrf2);
	[tilespmem:s19+$0x14B50] =	vst v9  }
0x4f8: {  	(v2sf) =	vpush v10, $0xF;
	v10 =	vld [tilespmem:s20+$0x160];
	v9, _, _ =	vpop (xrf2)  }
0x4f9: {  	(v2sf) =	vpush v9, $0xF  }
0x4fa: {  	s4 =	sshrl.u32 s17, $0x1;
	v11 =	vmul.f32 s23, v11  }
0x4fb: {  	s2 =	smulhi.u32 $0xEA0EA0EB, s4;
	v9 =	vmul.f32 s6, v12  }
0x4fc: {  	s26 =	simm.s32 $0x800;
	[tilespmem:s16+$0x14AE0] =	vst v11  }
0x4fd: {  	s2 =	sshrl.u32 s2, $0x5;
	[tilespmem:s26+$0x14A60] =	vst v9;
	v9 =	vmul.f32 s31, v10  }
0x4fe: {  	s7 =	smul.u32 $0x7, s2;
	v11 =	vld [tilespmem:s29+$0xF0]  }
0x4ff: {  	s24 =	smov.u32 s10;
	s1 =	smul.u32 $0x7, s1;
	s10 =	sadd.s32 $0x1, s0;
	v10 =	vld [tilespmem:s5+$0x70];
	[tilespmem:s19+$0x14B60] =	vst v9  }
0x500: {  	s0 =	sadd.s32 s7, s10;
	v9 =	vld [tilespmem:s20+$0x170]  }
0x501: {  	s0 =	ssub.s32 s0, s1  }
0x502: {  	p1 =	slt.s32 s0, $0x17  }
0x503: {  	s0 =	simm.s32 @!p1 $0x17;
	v11 =	vmul.f32 s23, v11  }
0x504: {  	s0 =	sshll.u32 s0, $0xC;
	v10 =	vmul.f32 s6, v10  }
0x505: {  	s25 =	sshra.s32 s0, $0x2;
	[tilespmem:s16+$0x14AF0] =	vst v11;
	v9 =	vmul.f32 s31, v9  }
0x506: {  	[tilespmem:s26+$0x14A70] =	vst v10;
	v10 =	vld [tilespmem:s25+$0x0]  }
0x507: {  	s11 =	spop (v2sf);
	[tilespmem:s19+$0x14B70] =	vst v9;
	v9 =	vld [tilespmem:s29+$0x100]  }
0x508: {  	v11 =	vld [tilespmem:s5+$0x80];
	s12 =	spop (v2sf)  }
0x509: {  	s11 =	sadd.f32 s12, s11;
	_ =	sdelay $0x1  }
0x50a: {  	v12 =	vld [tilespmem:s20+$0x180];
	v10 =	vmul.f32 s11, v10  }
0x50b: {  	s30 =	simm.s32 $0xC00;
	v9 =	vmul.f32 s23, v9  }
0x50c: {  	v11 =	vmul.f32 s6, v11;
	[tilespmem:s30+$0x14A00] =	vst v10  }
0x50d: {  	[tilespmem:s16+$0x14B00] =	vst v9;
	v10 =	vld [tilespmem:s25+$0x10]  }
0x50e: {  	[tilespmem:s26+$0x14A80] =	vst v11;
	v9 =	vld [tilespmem:s29+$0x110]  }
0x50f: {  	v11 =	vmul.f32 s31, v12;
	v12 =	vld [tilespmem:s5+$0x90];
	_ =	sdelay $0x1  }
0x510: {  	[tilespmem:s19+$0x14B80] =	vst v11  }
0x511: {  	v11 =	vld [tilespmem:s20+$0x190];
	v10 =	vmul.f32 s11, v10  }
0x512: {  	v9 =	vmul.f32 s23, v9  }
0x513: {  	v12 =	vmul.f32 s6, v12;
	[tilespmem:s30+$0x14A10] =	vst v10  }
0x514: {  	[tilespmem:s16+$0x14B10] =	vst v9;
	v10 =	vld [tilespmem:s25+$0x20]  }
0x515: {  	[tilespmem:s26+$0x14A90] =	vst v12;
	v9 =	vld [tilespmem:s29+$0x120]  }
0x516: {  	v11 =	vmul.f32 s31, v11;
	v12 =	vld [tilespmem:s5+$0xA0];
	_ =	sdelay $0x1  }
0x517: {  	[tilespmem:s19+$0x14B90] =	vst v11  }
0x518: {  	v11 =	vld [tilespmem:s20+$0x1A0];
	v10 =	vmul.f32 s11, v10  }
0x519: {  	v9 =	vmul.f32 s23, v9  }
0x51a: {  	v12 =	vmul.f32 s6, v12;
	[tilespmem:s30+$0x14A20] =	vst v10  }
0x51b: {  	[tilespmem:s16+$0x14B20] =	vst v9;
	v10 =	vld [tilespmem:s25+$0x30]  }
0x51c: {  	[tilespmem:s26+$0x14AA0] =	vst v12;
	v9 =	vld [tilespmem:s29+$0x130]  }
0x51d: {  	v11 =	vmul.f32 s31, v11;
	v12 =	vld [tilespmem:s5+$0xB0];
	_ =	sdelay $0x1  }
0x51e: {  	s13 =	sadd.s32 $0x1, s17;
	[tilespmem:s19+$0x14BA0] =	vst v11  }
0x51f: {  	s3 =	smulhi.u32 $0x24924925, s13;
	v11 =	vld [tilespmem:s20+$0x1B0];
	v10 =	vmul.f32 s11, v10  }
0x520: {  	v9 =	vmul.f32 s23, v9  }
0x521: {  	s14 =	ssub.s32 s13, s3;
	v12 =	vmul.f32 s6, v12;
	[tilespmem:s30+$0x14A30] =	vst v10  }
0x522: {  	s4 =	sshrl.u32 s14, $0x1;
	[tilespmem:s16+$0x14B30] =	vst v9;
	v10 =	vld [tilespmem:s25+$0x40]  }
0x523: {  	s3 =	sadd.s32 s3, s4;
	[tilespmem:s26+$0x14AB0] =	vst v12;
	v9 =	vld [tilespmem:s29+$0x140]  }
0x524: {  	s3 =	sshrl.u32 s3, $0x2;
	v11 =	vmul.f32 s31, v11;
	v12 =	vld [tilespmem:s5+$0xC0]  }
0x525: {  	s15 =	ssub.s32 s3, s24  }
0x526: {  	s4 =	sadd.s32 $0xFFFFFFF0, s15;
	[tilespmem:s19+$0x14BB0] =	vst v11;
	v11 =	vmov s15  }
0x527: {  	v13 =	vld [tilespmem:s20+$0x1C0];
	vm9 =	veq.s32 v11, v2;
	v11 =	vmov s4;
	v10 =	vmul.f32 s11, v10  }
0x528: {  	v14 =	vnsel vm9, $0x0, v8;
	vm9 =	veq.s32 v11, v2;
	v9 =	vmul.f32 s23, v9  }
0x529: {  	(xrf2) =	vadd.scan.msk.f32 $0xffff, v14;
	v11 =	vmul.f32 s6, v12;
	v12 =	vnsel vm9, $0x0, v7;
	[tilespmem:s30+$0x14A40] =	vst v10  }
0x52a: {  	s17 =	simm.s32 $0x800;
	(xrf2) =	vadd.scan.msk.f32 $0xffff, v12;
	[tilespmem:s16+$0x14B40] =	vst v9;
	v10 =	vld [tilespmem:s25+$0x50]  }
0x52b: {  	[tilespmem:s17+$0x14AC0] =	vst v11;
	v9 =	vld [tilespmem:s29+$0x150]  }
0x52c: {  	v11 =	vmul.f32 s31, v13;
	v12 =	vld [tilespmem:s5+$0xD0];
	_ =	sdelay $0x1  }
0x52d: {  	[tilespmem:s19+$0x14BC0] =	vst v11  }
0x52e: {  	v11 =	vld [tilespmem:s20+$0x1D0];
	v10 =	vmul.f32 s11, v10  }
0x52f: {  	v9 =	vmul.f32 s23, v9  }
0x530: {  	v12 =	vmul.f32 s6, v12  }
0x531: {  	[tilespmem:s30+$0x14A50] =	vst v10  }
0x532: {  	[tilespmem:s17+$0x14AD0] =	vst v12;
	v13 =	vld [tilespmem:s25+$0x60];
	v10, _, _ =	vpop (xrf2)  }
0x533: {  	v11 =	vmul.f32 s31, v11;
	v12 =	vld [tilespmem:s5+$0xE0];
	[tilespmem:s16+$0x14B50] =	vst v9;
	(v2sf) =	vpush v10, $0xF;
	v9, _, _ =	vpop (xrf2)  }
0x534: {  	v10 =	vld [tilespmem:s29+$0x160];
	(v2sf) =	vpush v9, $0xF  }
0x535: {  	s21 =	sshrl.u32 s13, $0x1;
	[tilespmem:s19+$0x14BD0] =	vst v11  }
0x536: {  	s4 =	smulhi.u32 $0xEA0EA0EB, s21;
	v9 =	vld [tilespmem:s20+$0x1E0]  }
0x537: {  	v11 =	vmul.f32 s11, v13  }
0x538: {  	s4 =	sshrl.u32 s4, $0x5;
	v12 =	vmul.f32 s6, v12  }
0x539: {  	s18 =	simm.s32 $0x800;
	s4 =	smul.u32 $0x7, s4;
	[tilespmem:s30+$0x14A60] =	vst v11;
	v10 =	vmul.f32 s23, v10  }
0x53a: {  	s1 =	smov.u32 s24;
	s24 =	smul.u32 $0x7, s3;
	s26 =	sadd.s32 $0x1, s10;
	[tilespmem:s18+$0x14AE0] =	vst v12;
	v11 =	vld [tilespmem:s25+$0x70]  }
0x53b: {  	s2 =	sadd.s32 s4, s26;
	v12 =	vld [tilespmem:s5+$0xF0];
	v9 =	vmul.f32 s31, v9;
	[tilespmem:s16+$0x14B60] =	vst v10  }
0x53c: {  	s2 =	ssub.s32 s2, s24;
	v10 =	vld [tilespmem:s29+$0x170]  }
0x53d: {  	p1 =	slt.s32 s2, $0x17;
	[tilespmem:s19+$0x14BE0] =	vst v9  }
0x53e: {  	s2 =	simm.s32 @!p1 $0x17;
	v9 =	vld [tilespmem:s20+$0x1F0]  }
0x53f: {  	s0 =	smov.u32 s6;
	s2 =	sshll.u32 s2, $0xC;
	v11 =	vmul.f32 s11, v11  }
0x540: {  	s6 =	sshra.s32 s2, $0x2;
	v12 =	vmul.f32 s0, v12  }
0x541: {  	[tilespmem:s30+$0x14A70] =	vst v11;
	v10 =	vmul.f32 s23, v10;
	v11 =	vld [tilespmem:s6+$0x0]  }
0x542: {  	[tilespmem:s18+$0x14AF0] =	vst v12;
	s4 =	spop (v2sf)  }
0x543: {  	v9 =	vmul.f32 s31, v9;
	[tilespmem:s16+$0x14B70] =	vst v10;
	v10 =	vld [tilespmem:s5+$0x100];
	s8 =	spop (v2sf)  }
0x544: {  	v12 =	vld [tilespmem:s25+$0x80];
	s2 =	sadd.f32 s8, s4  }
0x545: {  	[tilespmem:s19+$0x14BF0] =	vst v9  }
0x546: {  	v13 =	vld [tilespmem:s20+$0x200];
	v11 =	vmul.f32 s2, v11  }
0x547: {  	s9 =	simm.s32 $0x1000;
	v9 =	vld [tilespmem:s29+$0x180]  }
0x548: {  	v10 =	vmul.f32 s0, v10;
	[tilespmem:s9+$0x14A00] =	vst v11  }
0x549: {  	v12 =	vmul.f32 s11, v12;
	v11 =	vld [tilespmem:s6+$0x10]  }
0x54a: {  	[tilespmem:s18+$0x14B00] =	vst v10  }
0x54b: {  	[tilespmem:s30+$0x14A80] =	vst v12;
	v10 =	vmul.f32 s31, v13;
	v13 =	vld [tilespmem:s5+$0x110]  }
0x54c: {  	v9 =	vmul.f32 s23, v9;
	v12 =	vld [tilespmem:s25+$0x90];
	_ =	sdelay $0x1  }
0x54d: {  	[tilespmem:s16+$0x14B80] =	vst v9;
	v11 =	vmul.f32 s2, v11  }
0x54e: {  	s12 =	simm.s32 $0x1000;
	v9 =	vld [tilespmem:s29+$0x190];
	[tilespmem:s19+$0x14C00] =	vst v10  }
0x54f: {  	v10 =	vld [tilespmem:s20+$0x210];
	[tilespmem:s12+$0x14A10] =	vst v11;
	v11 =	vmul.f32 s0, v13  }
0x550: {  	v12 =	vmul.f32 s11, v12  }
0x551: {  	v13 =	vld [tilespmem:s6+$0x20];
	[tilespmem:s18+$0x14B10] =	vst v11  }
0x552: {  	[tilespmem:s30+$0x14A90] =	vst v12;
	v11 =	vld [tilespmem:s5+$0x120]  }
0x553: {  	v9 =	vmul.f32 s23, v9;
	v12 =	vld [tilespmem:s25+$0xA0]  }
0x554: {  	v10 =	vmul.f32 s31, v10  }
0x555: {  	[tilespmem:s16+$0x14B90] =	vst v9  }
0x556: {  	v9 =	vld [tilespmem:s29+$0x1A0];
	[tilespmem:s19+$0x14C10] =	vst v10;
	v13 =	vmul.f32 s2, v13  }
0x557: {  	v10 =	vld [tilespmem:s20+$0x220];
	v11 =	vmul.f32 s0, v11  }
0x558: {  	v12 =	vmul.f32 s11, v12;
	[tilespmem:s12+$0x14A20] =	vst v13  }
0x559: {  	v13 =	vld [tilespmem:s6+$0x30];
	[tilespmem:s18+$0x14B20] =	vst v11  }
0x55a: {  	[tilespmem:s30+$0x14AA0] =	vst v12;
	v11 =	vld [tilespmem:s5+$0x130]  }
0x55b: {  	v9 =	vmul.f32 s23, v9;
	v12 =	vld [tilespmem:s25+$0xB0]  }
0x55c: {  	v10 =	vmul.f32 s31, v10  }
0x55d: {  	s7 =	sadd.s32 $0x1, s13;
	[tilespmem:s16+$0x14BA0] =	vst v9  }
0x55e: {  	s13 =	smulhi.u32 $0x24924925, s7;
	v9 =	vld [tilespmem:s29+$0x1B0];
	[tilespmem:s19+$0x14C20] =	vst v10;
	v13 =	vmul.f32 s2, v13  }
0x55f: {  	v10 =	vld [tilespmem:s20+$0x230];
	v11 =	vmul.f32 s0, v11  }
0x560: {  	s14 =	ssub.s32 s7, s13;
	v12 =	vmul.f32 s11, v12;
	[tilespmem:s12+$0x14A30] =	vst v13  }
0x561: {  	s9 =	sshrl.u32 s14, $0x1;
	v13 =	vld [tilespmem:s6+$0x40];
	[tilespmem:s18+$0x14B30] =	vst v11  }
0x562: {  	s8 =	sadd.s32 s13, s9;
	[tilespmem:s30+$0x14AB0] =	vst v12;
	v11 =	vld [tilespmem:s5+$0x140]  }
0x563: {  	s8 =	sshrl.u32 s8, $0x2;
	v9 =	vmul.f32 s23, v9;
	v12 =	vld [tilespmem:s25+$0xC0]  }
0x564: {  	s15 =	ssub.s32 s8, s1;
	v10 =	vmul.f32 s31, v10  }
0x565: {  	s9 =	sadd.s32 $0xFFFFFFF0, s15;
	[tilespmem:s16+$0x14BB0] =	vst v9;
	v9 =	vmov s15  }
0x566: {  	v14 =	vld [tilespmem:s29+$0x1C0];
	[tilespmem:s19+$0x14C30] =	vst v10;
	vm9 =	veq.s32 v9, v2;
	v10 =	vmov s9;
	v13 =	vmul.f32 s2, v13  }
0x567: {  	s17 =	simm.s32 $0x1000;
	v9 =	vld [tilespmem:s20+$0x240];
	v15 =	vnsel vm9, $0x0, v8;
	vm9 =	veq.s32 v10, v2;
	v11 =	vmul.f32 s0, v11  }
0x568: {  	s18 =	simm.s32 $0x800;
	(xrf2) =	vadd.scan.msk.f32 $0xffff, v15;
	v10 =	vmul.f32 s11, v12;
	v12 =	vnsel vm9, $0x0, v7;
	[tilespmem:s17+$0x14A40] =	vst v13  }
0x569: {  	(xrf2) =	vadd.scan.msk.f32 $0xffff, v12;
	v12 =	vld [tilespmem:s6+$0x50];
	[tilespmem:s18+$0x14B40] =	vst v11  }
0x56a: {  	[tilespmem:s30+$0x14AC0] =	vst v10;
	v11 =	vld [tilespmem:s5+$0x150]  }
0x56b: {  	v10 =	vmul.f32 s23, v14;
	v13 =	vld [tilespmem:s25+$0xD0]  }
0x56c: {  	v9 =	vmul.f32 s31, v9  }
0x56d: {  	[tilespmem:s16+$0x14BC0] =	vst v10  }
0x56e: {  	v10 =	vld [tilespmem:s29+$0x1D0];
	[tilespmem:s19+$0x14C40] =	vst v9;
	v12 =	vmul.f32 s2, v12  }
0x56f: {  	v9 =	vld [tilespmem:s20+$0x250];
	v11 =	vmul.f32 s0, v11  }
0x570: {  	v13 =	vmul.f32 s11, v13  }
0x571: {  	[tilespmem:s17+$0x14A50] =	vst v12  }
0x572: {  	[tilespmem:s30+$0x14AD0] =	vst v13;
	v14 =	vld [tilespmem:s6+$0x60];
	v12, _, _ =	vpop (xrf2)  }
0x573: {  	v10 =	vmul.f32 s23, v10;
	v13 =	vld [tilespmem:s25+$0xE0];
	[tilespmem:s18+$0x14B50] =	vst v11;
	(v2sf) =	vpush v12, $0xF;
	v11, _, _ =	vpop (xrf2)  }
0x574: {  	v9 =	vmul.f32 s31, v9;
	v12 =	vld [tilespmem:s5+$0x160];
	(v2sf) =	vpush v11, $0xF  }
0x575: {  	s24 =	sshrl.u32 s7, $0x1;
	[tilespmem:s16+$0x14BD0] =	vst v10  }
0x576: {  	s9 =	smulhi.u32 $0xEA0EA0EB, s24;
	v10 =	vld [tilespmem:s29+$0x1E0];
	[tilespmem:s19+$0x14C50] =	vst v9  }
0x577: {  	v9 =	vld [tilespmem:s20+$0x260];
	v11 =	vmul.f32 s2, v14  }
0x578: {  	s21 =	simm.s32 $0x1000;
	s9 =	sshrl.u32 s9, $0x5;
	v13 =	vmul.f32 s11, v13  }
0x579: {  	s9 =	smul.u32 $0x7, s9;
	[tilespmem:s21+$0x14A60] =	vst v11;
	v11 =	vmul.f32 s0, v12  }
0x57a: {  	s3 =	sadd.s32 $0x1, s26;
	s4 =	simm.s32 $0x800;
	s8 =	smul.u32 $0x7, s8;
	[tilespmem:s30+$0x14AE0] =	vst v13;
	v12 =	vld [tilespmem:s6+$0x70]  }
0x57b: {  	s9 =	sadd.s32 s9, s3;
	v10 =	vmul.f32 s23, v10;
	v13 =	vld [tilespmem:s25+$0xF0];
	[tilespmem:s4+$0x14B60] =	vst v11  }
0x57c: {  	s8 =	ssub.s32 s9, s8;
	v9 =	vmul.f32 s31, v9;
	v11 =	vld [tilespmem:s5+$0x170]  }
0x57d: {  	p1 =	slt.s32 s8, $0x17;
	[tilespmem:s16+$0x14BE0] =	vst v10  }
0x57e: {  	s8 =	simm.s32 @!p1 $0x17;
	v10 =	vld [tilespmem:s29+$0x1F0];
	[tilespmem:s19+$0x14C60] =	vst v9  }
0x57f: {  	s8 =	sshll.u32 s8, $0xC;
	v9 =	vld [tilespmem:s20+$0x270];
	v12 =	vmul.f32 s2, v12  }
0x580: {  	s12 =	sshra.s32 s8, $0x2;
	v13 =	vmul.f32 s11, v13  }
0x581: {  	[tilespmem:s21+$0x14A70] =	vst v12;
	v11 =	vmul.f32 s0, v11;
	v12 =	vld [tilespmem:s12+$0x0]  }
0x582: {  	[tilespmem:s30+$0x14AF0] =	vst v13;
	s26 =	spop (v2sf)  }
0x583: {  	s13 =	smov.u32 s1;
	v10 =	vmul.f32 s23, v10;
	[tilespmem:s4+$0x14B70] =	vst v11;
	v11 =	vld [tilespmem:s25+$0x100];
	s1 =	spop (v2sf)  }
0x584: {  	v13 =	vld [tilespmem:s6+$0x80];
	v9 =	vmul.f32 s31, v9;
	s1 =	sadd.f32 s1, s26  }
0x585: {  	[tilespmem:s16+$0x14BF0] =	vst v10;
	v10 =	vld [tilespmem:s5+$0x180]  }
0x586: {  	[tilespmem:s19+$0x14C70] =	vst v9;
	v9 =	vld [tilespmem:s29+$0x200];
	v12 =	vmul.f32 s1, v12  }
0x587: {  	s8 =	simm.s32 $0x1400;
	v14 =	vld [tilespmem:s20+$0x280]  }
0x588: {  	v11 =	vmul.f32 s11, v11;
	[tilespmem:s8+$0x14A00] =	vst v12  }
0x589: {  	v13 =	vmul.f32 s2, v13;
	v12 =	vld [tilespmem:s12+$0x10]  }
0x58a: {  	v10 =	vmul.f32 s0, v10;
	[tilespmem:s30+$0x14B00] =	vst v11  }
0x58b: {  	[tilespmem:s21+$0x14A80] =	vst v13;
	v9 =	vmul.f32 s23, v9;
	v11 =	vld [tilespmem:s25+$0x110]  }
0x58c: {  	v13 =	vld [tilespmem:s6+$0x90];
	[tilespmem:s4+$0x14B80] =	vst v10;
	v10 =	vmul.f32 s31, v14  }
0x58d: {  	[tilespmem:s16+$0x14C00] =	vst v9  }
0x58e: {  	v14 =	vld [tilespmem:s5+$0x190];
	[tilespmem:s19+$0x14C80] =	vst v10;
	v10 =	vmul.f32 s1, v12  }
0x58f: {  	v9 =	vld [tilespmem:s29+$0x210]  }
0x590: {  	v12 =	vld [tilespmem:s20+$0x290];
	[tilespmem:s8+$0x14A10] =	vst v10;
	v10 =	vmul.f32 s11, v11  }
0x591: {  	v13 =	vmul.f32 s2, v13  }
0x592: {  	v11 =	vld [tilespmem:s12+$0x20];
	[tilespmem:s30+$0x14B10] =	vst v10  }
0x593: {  	[tilespmem:s21+$0x14A90] =	vst v13;
	v13 =	vmul.f32 s0, v14;
	v10 =	vld [tilespmem:s25+$0x120]  }
0x594: {  	v9 =	vmul.f32 s23, v9;
	v14 =	vld [tilespmem:s6+$0xA0]  }
0x595: {  	[tilespmem:s4+$0x14B90] =	vst v13;
	v12 =	vmul.f32 s31, v12  }
0x596: {  	[tilespmem:s16+$0x14C10] =	vst v9;
	v13 =	vld [tilespmem:s5+$0x1A0]  }
0x597: {  	v9 =	vld [tilespmem:s29+$0x220];
	[tilespmem:s19+$0x14C90] =	vst v12;
	v11 =	vmul.f32 s1, v11  }
0x598: {  	v12 =	vld [tilespmem:s20+$0x2A0];
	v10 =	vmul.f32 s11, v10  }
0x599: {  	v14 =	vmul.f32 s2, v14;
	[tilespmem:s8+$0x14A20] =	vst v11  }
0x59a: {  	v11 =	vld [tilespmem:s12+$0x30];
	[tilespmem:s30+$0x14B20] =	vst v10  }
0x59b: {  	[tilespmem:s21+$0x14AA0] =	vst v14;
	v13 =	vmul.f32 s0, v13;
	v10 =	vld [tilespmem:s25+$0x130]  }
0x59c: {  	v9 =	vmul.f32 s23, v9;
	v14 =	vld [tilespmem:s6+$0xB0]  }
0x59d: {  	[tilespmem:s4+$0x14BA0] =	vst v13;
	v12 =	vmul.f32 s31, v12  }
0x59e: {  	s10 =	sadd.s32 $0x1, s7;
	[tilespmem:s16+$0x14C20] =	vst v9;
	v13 =	vld [tilespmem:s5+$0x1B0]  }
0x59f: {  	s7 =	smulhi.u32 $0x24924925, s10;
	v9 =	vld [tilespmem:s29+$0x230];
	[tilespmem:s19+$0x14CA0] =	vst v12;
	v11 =	vmul.f32 s1, v11  }
0x5a0: {  	v12 =	vld [tilespmem:s20+$0x2B0];
	v10 =	vmul.f32 s11, v10  }
0x5a1: {  	s9 =	ssub.s32 s10, s7;
	v14 =	vmul.f32 s2, v14;
	[tilespmem:s8+$0x14A30] =	vst v11  }
0x5a2: {  	s14 =	sshrl.u32 s9, $0x1;
	v11 =	vld [tilespmem:s12+$0x40];
	[tilespmem:s30+$0x14B30] =	vst v10  }
0x5a3: {  	s7 =	sadd.s32 s7, s14;
	[tilespmem:s21+$0x14AB0] =	vst v14;
	v13 =	vmul.f32 s0, v13;
	v10 =	vld [tilespmem:s25+$0x140]  }
0x5a4: {  	s7 =	sshrl.u32 s7, $0x2;
	v9 =	vmul.f32 s23, v9;
	v14 =	vld [tilespmem:s6+$0xC0]  }
0x5a5: {  	s17 =	ssub.s32 s7, s13;
	[tilespmem:s4+$0x14BB0] =	vst v13;
	v12 =	vmul.f32 s31, v12  }
0x5a6: {  	s14 =	sadd.s32 $0xFFFFFFF0, s17;
	v13 =	vmov s17;
	[tilespmem:s16+$0x14C30] =	vst v9  }
0x5a7: {  	v15 =	vld [tilespmem:s5+$0x1C0];
	vm9 =	veq.s32 v13, v2;
	[tilespmem:s19+$0x14CB0] =	vst v12;
	v12 =	vmov s14;
	v11 =	vmul.f32 s1, v11  }
0x5a8: {  	v9 =	vld [tilespmem:s29+$0x240];
	v13 =	vnsel vm9, $0x0, v8;
	vm9 =	veq.s32 v12, v2;
	v10 =	vmul.f32 s11, v10  }
0x5a9: {  	(xrf2) =	vadd.scan.msk.f32 $0xffff, v13;
	v16 =	vld [tilespmem:s20+$0x2C0];
	v12 =	vmul.f32 s2, v14;
	v13 =	vnsel vm9, $0x0, v7;
	[tilespmem:s8+$0x14A40] =	vst v11  }
0x5aa: {  	s18 =	simm.s32 $0x1000;
	(xrf2) =	vadd.scan.msk.f32 $0xffff, v13;
	v11 =	vld [tilespmem:s12+$0x50];
	[tilespmem:s30+$0x14B40] =	vst v10  }
0x5ab: {  	[tilespmem:s18+$0x14AC0] =	vst v12;
	v10 =	vld [tilespmem:s25+$0x150]  }
0x5ac: {  	v12 =	vmul.f32 s0, v15;
	v13 =	vld [tilespmem:s6+$0xD0]  }
0x5ad: {  	v9 =	vmul.f32 s23, v9  }
0x5ae: {  	[tilespmem:s4+$0x14BC0] =	vst v12;
	v12 =	vmul.f32 s31, v16  }
0x5af: {  	[tilespmem:s16+$0x14C40] =	vst v9;
	v14 =	vld [tilespmem:s5+$0x1D0];
	v11 =	vmul.f32 s1, v11  }
0x5b0: {  	v9 =	vld [tilespmem:s29+$0x250];
	[tilespmem:s19+$0x14CC0] =	vst v12;
	v10 =	vmul.f32 s11, v10  }
0x5b1: {  	v12 =	vld [tilespmem:s20+$0x2D0];
	v13 =	vmul.f32 s2, v13  }
0x5b2: {  	[tilespmem:s8+$0x14A50] =	vst v11  }
0x5b3: {  	[tilespmem:s18+$0x14AD0] =	vst v13;
	v15 =	vld [tilespmem:s12+$0x60];
	v11, _, _ =	vpop (xrf2)  }
0x5b4: {  	v13 =	vmul.f32 s0, v14;
	v14 =	vld [tilespmem:s6+$0xE0];
	[tilespmem:s30+$0x14B50] =	vst v10;
	(v2sf) =	vpush v11, $0xF;
	v10, _, _ =	vpop (xrf2)  }
0x5b5: {  	v9 =	vmul.f32 s23, v9;
	v11 =	vld [tilespmem:s25+$0x160];
	(v2sf) =	vpush v10, $0xF  }
0x5b6: {  	s26 =	sshrl.u32 s10, $0x1;
	[tilespmem:s4+$0x14BD0] =	vst v13;
	v12 =	vmul.f32 s31, v12  }
0x5b7: {  	s14 =	smulhi.u32 $0xEA0EA0EB, s26;
	[tilespmem:s16+$0x14C50] =	vst v9;
	v10 =	vld [tilespmem:s5+$0x1E0]  }
0x5b8: {  	v9 =	vld [tilespmem:s29+$0x260];
	[tilespmem:s19+$0x14CD0] =	vst v12;
	v12 =	vmul.f32 s1, v15  }
0x5b9: {  	s14 =	sshrl.u32 s14, $0x5;
	v13 =	vld [tilespmem:s20+$0x2E0];
	v14 =	vmul.f32 s2, v14  }
0x5ba: {  	s24 =	simm.s32 $0x1000;
	s14 =	smul.u32 $0x7, s14;
	[tilespmem:s8+$0x14A60] =	vst v12;
	v11 =	vmul.f32 s11, v11  }
0x5bb: {  	s21 =	smov.u32 s13;
	s13 =	smul.u32 $0x7, s7;
	s7 =	sadd.s32 $0x1, s3;
	[tilespmem:s24+$0x14AE0] =	vst v14;
	v12 =	vld [tilespmem:s12+$0x70]  }
0x5bc: {  	s3 =	sadd.s32 s14, s7;
	v14 =	vld [tilespmem:s6+$0xF0];
	v10 =	vmul.f32 s0, v10;
	[tilespmem:s30+$0x14B60] =	vst v11  }
0x5bd: {  	s3 =	ssub.s32 s3, s13;
	v9 =	vmul.f32 s23, v9;
	v11 =	vld [tilespmem:s25+$0x170]  }
0x5be: {  	p1 =	slt.s32 s3, $0x17;
	[tilespmem:s4+$0x14BE0] =	vst v10;
	v10 =	vmul.f32 s31, v13  }
0x5bf: {  	s3 =	simm.s32 @!p1 $0x17;
	[tilespmem:s16+$0x14C60] =	vst v9;
	v13 =	vld [tilespmem:s5+$0x1F0]  }
0x5c0: {  	s3 =	sshll.u32 s3, $0xC;
	v9 =	vld [tilespmem:s29+$0x270];
	[tilespmem:s19+$0x14CE0] =	vst v10;
	v10 =	vmul.f32 s1, v12  }
0x5c1: {  	s3 =	sshra.s32 s3, $0x2;
	v14 =	vmul.f32 s2, v14;
	v12 =	vld [tilespmem:s20+$0x2F0]  }
0x5c2: {  	[tilespmem:s8+$0x14A70] =	vst v10;
	v10 =	vmul.f32 s11, v11;
	v11 =	vld [tilespmem:s3+$0x0]  }
0x5c3: {  	[tilespmem:s24+$0x14AF0] =	vst v14;
	v14 =	vld [tilespmem:s12+$0x80];
	s17 =	spop (v2sf)  }
0x5c4: {  	v13 =	vmul.f32 s0, v13;
	[tilespmem:s30+$0x14B70] =	vst v10;
	v10 =	vld [tilespmem:s6+$0x100];
	s18 =	spop (v2sf)  }
0x5c5: {  	v9 =	vmul.f32 s23, v9;
	s9 =	sadd.f32 s18, s17  }
0x5c6: {  	[tilespmem:s4+$0x14BF0] =	vst v13;
	v12 =	vmul.f32 s31, v12;
	v13 =	vld [tilespmem:s25+$0x180]  }
0x5c7: {  	[tilespmem:s16+$0x14C70] =	vst v9;
	v9 =	vld [tilespmem:s5+$0x200];
	v11 =	vmul.f32 s9, v11  }
0x5c8: {  	s13 =	simm.s32 $0x1800;
	[tilespmem:s19+$0x14CF0] =	vst v12;
	v12 =	vld [tilespmem:s29+$0x280];
	v14 =	vmul.f32 s1, v14  }
0x5c9: {  	v15 =	vld [tilespmem:s20+$0x300];
	v10 =	vmul.f32 s2, v10;
	[tilespmem:s13+$0x14A00] =	vst v11  }
0x5ca: {  	s24 =	simm.s32 $0x1000;
	[tilespmem:s8+$0x14A80] =	vst v14;
	v11 =	vld [tilespmem:s3+$0x10]  }
0x5cb: {  	v13 =	vmul.f32 s11, v13;
	v14 =	vld [tilespmem:s12+$0x90];
	[tilespmem:s24+$0x14B00] =	vst v10  }
0x5cc: {  	v9 =	vmul.f32 s0, v9;
	v10 =	vld [tilespmem:s6+$0x110]  }
0x5cd: {  	s26 =	simm.s32 $0x800;
	[tilespmem:s30+$0x14B80] =	vst v13;
	v12 =	vmul.f32 s23, v12  }
0x5ce: {  	v13 =	vld [tilespmem:s25+$0x190];
	[tilespmem:s26+$0x14C00] =	vst v9;
	v9 =	vmul.f32 s31, v15  }
0x5cf: {  	v15 =	vld [tilespmem:s5+$0x210];
	[tilespmem:s16+$0x14C80] =	vst v12;
	v11 =	vmul.f32 s9, v11  }
0x5d0: {  	v12 =	vld [tilespmem:s29+$0x290];
	[tilespmem:s19+$0x14D00] =	vst v9;
	v9 =	vmul.f32 s1, v14  }
0x5d1: {  	v14 =	vld [tilespmem:s20+$0x310];
	v10 =	vmul.f32 s2, v10;
	[tilespmem:s13+$0x14A10] =	vst v11  }
0x5d2: {  	[tilespmem:s8+$0x14A90] =	vst v9;
	v11 =	vld [tilespmem:s3+$0x20]  }
0x5d3: {  	v9 =	vmul.f32 s11, v13;
	v13 =	vld [tilespmem:s12+$0xA0];
	[tilespmem:s24+$0x14B10] =	vst v10  }
0x5d4: {  	v10 =	vmul.f32 s0, v15;
	v15 =	vld [tilespmem:s6+$0x120]  }
0x5d5: {  	[tilespmem:s30+$0x14B90] =	vst v9;
	v9 =	vmul.f32 s23, v12  }
0x5d6: {  	v12 =	vld [tilespmem:s25+$0x1A0];
	[tilespmem:s26+$0x14C10] =	vst v10;
	v10 =	vmul.f32 s31, v14  }
0x5d7: {  	v14 =	vld [tilespmem:s5+$0x220];
	[tilespmem:s16+$0x14C90] =	vst v9;
	v9 =	vmul.f32 s9, v11  }
0x5d8: {  	[tilespmem:s19+$0x14D10] =	vst v10;
	v10 =	vmul.f32 s1, v13;
	v11 =	vld [tilespmem:s29+$0x2A0]  }
0x5d9: {  	v13 =	vld [tilespmem:s20+$0x320];
	[tilespmem:s13+$0x14A20] =	vst v9;
	v9 =	vmul.f32 s2, v15  }
0x5da: {  	s14 =	simm.s32 $0x1000;
	[tilespmem:s8+$0x14AA0] =	vst v10;
	v15 =	vld [tilespmem:s3+$0x30]  }
0x5db: {  	v10 =	vmul.f32 s11, v12;
	v12 =	vld [tilespmem:s12+$0xB0];
	[tilespmem:s14+$0x14B20] =	vst v9  }
0x5dc: {  	v9 =	vmul.f32 s0, v14;
	v14 =	vld [tilespmem:s6+$0x130]  }
0x5dd: {  	s18 =	simm.s32 $0x800;
	[tilespmem:s30+$0x14BA0] =	vst v10;
	v10 =	vmul.f32 s23, v11  }
0x5de: {  	s4 =	sadd.s32 $0x1, s10;
	v11 =	vld [tilespmem:s25+$0x1B0];
	[tilespmem:s18+$0x14C20] =	vst v9;
	v9 =	vmul.f32 s31, v13  }
0x5df: {  	s10 =	smulhi.u32 $0x24924925, s4;
	v13 =	vld [tilespmem:s5+$0x230];
	[tilespmem:s16+$0x14CA0] =	vst v10;
	v10 =	vmul.f32 s9, v15  }
0x5e0: {  	v15 =	vld [tilespmem:s29+$0x2B0];
	[tilespmem:s19+$0x14D20] =	vst v9;
	v9 =	vmul.f32 s1, v12  }
0x5e1: {  	s24 =	ssub.s32 s4, s10;
	v12 =	vld [tilespmem:s20+$0x330];
	[tilespmem:s13+$0x14A30] =	vst v10;
	v10 =	vmul.f32 s2, v14  }
0x5e2: {  	s17 =	sshrl.u32 s24, $0x1;
	[tilespmem:s8+$0x14AB0] =	vst v9;
	v14 =	vld [tilespmem:s3+$0x40]  }
0x5e3: {  	s10 =	sadd.s32 s10, s17;
	v9 =	vmul.f32 s11, v11;
	v11 =	vld [tilespmem:s12+$0xC0];
	[tilespmem:s14+$0x14B30] =	vst v10  }
0x5e4: {  	s10 =	sshrl.u32 s10, $0x2;
	v10 =	vmul.f32 s0, v13;
	v13 =	vld [tilespmem:s6+$0x140]  }
0x5e5: {  	s26 =	ssub.s32 s10, s21;
	[tilespmem:s30+$0x14BB0] =	vst v9;
	v9 =	vmul.f32 s23, v15  }
0x5e6: {  	s17 =	sadd.s32 $0xFFFFFFF0, s26;
	v15 =	vmov s26;
	v16 =	vld [tilespmem:s25+$0x1C0];
	[tilespmem:s18+$0x14C30] =	vst v10;
	v10 =	vmul.f32 s31, v12  }
0x5e7: {  	vm9 =	veq.s32 v15, v2;
	v12 =	vld [tilespmem:s5+$0x240];
	[tilespmem:s16+$0x14CB0] =	vst v9;
	v9 =	vmov s17;
	v14 =	vmul.f32 s9, v14  }
0x5e8: {  	v15 =	vnsel vm9, $0x0, v8;
	v17 =	vld [tilespmem:s29+$0x2C0];
	[tilespmem:s19+$0x14D30] =	vst v10;
	vm9 =	veq.s32 v9, v2;
	v9 =	vmul.f32 s1, v11  }
0x5e9: {  	(xrf2) =	vadd.scan.msk.f32 $0xffff, v15;
	v10 =	vld [tilespmem:s20+$0x340];
	v11 =	vnsel vm9, $0x0, v7;
	[tilespmem:s13+$0x14A40] =	vst v14;
	v13 =	vmul.f32 s2, v13  }
0x5ea: {  	s14 =	simm.s32 $0x1000;
	(xrf2) =	vadd.scan.msk.f32 $0xffff, v11;
	[tilespmem:s8+$0x14AC0] =	vst v9;
	v11 =	vld [tilespmem:s3+$0x50]  }
0x5eb: {  	v9 =	vmul.f32 s11, v16;
	v14 =	vld [tilespmem:s12+$0xD0];
	[tilespmem:s14+$0x14B40] =	vst v13  }
0x5ec: {  	v12 =	vmul.f32 s0, v12;
	v13 =	vld [tilespmem:s6+$0x150]  }
0x5ed: {  	s17 =	simm.s32 $0x800;
	[tilespmem:s30+$0x14BC0] =	vst v9;
	v9 =	vmul.f32 s23, v17  }
0x5ee: {  	v15 =	vld [tilespmem:s25+$0x1D0];
	[tilespmem:s17+$0x14C40] =	vst v12;
	v10 =	vmul.f32 s31, v10  }
0x5ef: {  	v12 =	vld [tilespmem:s5+$0x250];
	[tilespmem:s16+$0x14CC0] =	vst v9;
	v9 =	vmul.f32 s9, v11  }
0x5f0: {  	v11 =	vld [tilespmem:s29+$0x2D0];
	[tilespmem:s19+$0x14D40] =	vst v10;
	v10 =	vmul.f32 s1, v14  }
0x5f1: {  	v14 =	vld [tilespmem:s20+$0x350];
	[tilespmem:s13+$0x14A50] =	vst v9;
	v9 =	vmul.f32 s2, v13  }
0x5f2: {  	[tilespmem:s8+$0x14AD0] =	vst v10;
	v16 =	vld [tilespmem:s3+$0x60]  }
0x5f3: {  	v13, _, _ =	vpop (xrf2);
	v10 =	vmul.f32 s11, v15;
	v15 =	vld [tilespmem:s12+$0xE0];
	[tilespmem:s14+$0x14B50] =	vst v9  }
0x5f4: {  	(v2sf) =	vpush v13, $0xF;
	v9 =	vmul.f32 s0, v12;
	v12, _, _ =	vpop (xrf2);
	v13 =	vld [tilespmem:s6+$0x160]  }
0x5f5: {  	[tilespmem:s30+$0x14BD0] =	vst v10;
	v10 =	vmul.f32 s23, v11;
	(v2sf) =	vpush v12, $0xF  }
0x5f6: {  	s26 =	sshrl.u32 s4, $0x1;
	v11 =	vld [tilespmem:s25+$0x1E0];
	[tilespmem:s17+$0x14C50] =	vst v9;
	v9 =	vmul.f32 s31, v14  }
0x5f7: {  	s17 =	smulhi.u32 $0xEA0EA0EB, s26;
	v12 =	vld [tilespmem:s5+$0x260];
	[tilespmem:s16+$0x14CD0] =	vst v10;
	v10 =	vmul.f32 s9, v16  }
0x5f8: {  	v14 =	vld [tilespmem:s29+$0x2E0];
	[tilespmem:s19+$0x14D50] =	vst v9;
	v9 =	vmul.f32 s1, v15  }
0x5f9: {  	s17 =	sshrl.u32 s17, $0x5;
	v15 =	vld [tilespmem:s20+$0x360];
	[tilespmem:s13+$0x14A60] =	vst v10;
	v10 =	vmul.f32 s2, v13  }
0x5fa: {  	s18 =	simm.s32 $0x1000;
	s17 =	smul.u32 $0x7, s17;
	[tilespmem:s8+$0x14AE0] =	vst v9  }
0x5fb: {  	s7 =	sadd.s32 $0x1, s7;
	s10 =	smul.u32 $0x7, s10;
	v9 =	vmul.f32 s11, v11;
	v13 =	vld [tilespmem:s3+$0x70];
	[tilespmem:s18+$0x14B60] =	vst v10  }
0x5fc: {  	v11 =	vld [tilespmem:s12+$0xF0];
	v10 =	vmul.f32 s0, v12;
	[dreg:$0xa] =	wrdreg s7;
	s7 =	sadd.s32 s17, s7  }
0x5fd: {  	s21 =	simm.s32 $0x800;
	v12 =	vld [tilespmem:s6+$0x170];
	[tilespmem:s30+$0x14BE0] =	vst v9;
	v9 =	vmul.f32 s23, v14;
	s7 =	ssub.s32 s7, s10  }
0x5fe: {  	[tilespmem:s21+$0x14C60] =	vst v10;
	v10 =	vmul.f32 s31, v15;
	v14 =	vld [tilespmem:s25+$0x1F0];
	p1 =	slt.s32 s7, $0x17  }
0x5ff: {  	v15 =	vld [tilespmem:s5+$0x270];
	[tilespmem:s16+$0x14CE0] =	vst v9;
	s7 =	simm.s32 @!p1 $0x17  }
0x600: {  	v9 =	vmul.f32 s9, v13;
	[tilespmem:s19+$0x14D60] =	vst v10;
	v13 =	vld [tilespmem:s29+$0x2F0];
	s7 =	sshll.u32 s7, $0xC  }
0x601: {  	v10 =	vmul.f32 s1, v11;
	v11 =	vld [tilespmem:s20+$0x370];
	s15 =	sshra.s32 s7, $0x2  }
0x602: {  	[tilespmem:s13+$0x14A70] =	vst v9;
	v9 =	vmul.f32 s2, v12;
	v12 =	vld [tilespmem:s15+$0x0]  }
0x603: {  	s18 =	simm.s32 $0x1000;
	[tilespmem:s8+$0x14AF0] =	vst v10;
	s17 =	spop (v2sf);
	v10 =	vmul.f32 s11, v14;
	v14 =	vld [tilespmem:s3+$0x80]  }
0x604: {  	s21 =	spop (v2sf);
	[tilespmem:s18+$0x14B70] =	vst v9;
	v9 =	vmul.f32 s0, v15;
	v15 =	vld [tilespmem:s12+$0x100]  }
0x605: {  	s24 =	simm.s32 $0x800;
	s10 =	sadd.f32 s21, s17;
	[tilespmem:s30+$0x14BF0] =	vst v10;
	v10 =	vmul.f32 s23, v13;
	v13 =	vld [tilespmem:s6+$0x180]  }
0x606: {  	[tilespmem:s24+$0x14C70] =	vst v9;
	v9 =	vmul.f32 s31, v11;
	v11 =	vld [tilespmem:s25+$0x200]  }
0x607: {  	[tilespmem:s16+$0x14CF0] =	vst v10;
	v10 =	vmul.f32 s10, v12;
	v12 =	vld [tilespmem:s5+$0x280]  }
0x608: {  	s17 =	simm.s32 $0x1C00;
	[tilespmem:s19+$0x14D70] =	vst v9;
	v9 =	vmul.f32 s9, v14;
	v14 =	vld [tilespmem:s29+$0x300]  }
0x609: {  	[tilespmem:s17+$0x14A00] =	vst v10;
	v10 =	vmul.f32 s1, v15;
	v15 =	vld [tilespmem:s20+$0x380]  }
0x60a: {  	v16 =	vld [tilespmem:s15+$0x10];
	[tilespmem:s13+$0x14A80] =	vst v9;
	v9 =	vmul.f32 s2, v13  }
0x60b: {  	v13 =	vld [tilespmem:s3+$0x90];
	[tilespmem:s8+$0x14B00] =	vst v10;
	v10 =	vmul.f32 s11, v11  }
0x60c: {  	v11 =	vld [tilespmem:s12+$0x110];
	[tilespmem:s18+$0x14B80] =	vst v9;
	v9 =	vmul.f32 s0, v12  }
0x60d: {  	v12 =	vld [tilespmem:s6+$0x190];
	[tilespmem:s30+$0x14C00] =	vst v10;
	v10 =	vmul.f32 s23, v14  }
0x60e: {  	v14 =	vld [tilespmem:s25+$0x210];
	[tilespmem:s24+$0x14C80] =	vst v9;
	v9 =	vmul.f32 s31, v15  }
0x60f: {  	v15 =	vmul.f32 s10, v16;
	v16 =	vld [tilespmem:s5+$0x290];
	[tilespmem:s16+$0x14D00] =	vst v10  }
0x610: {  	v10 =	vmul.f32 s9, v13;
	v13 =	vld [tilespmem:s29+$0x310];
	[tilespmem:s19+$0x14D80] =	vst v9  }
0x611: {  	[tilespmem:s17+$0x14A10] =	vst v15;
	v9 =	vmul.f32 s1, v11;
	v11 =	vld [tilespmem:s20+$0x390]  }
0x612: {  	v15 =	vld [tilespmem:s15+$0x20];
	[tilespmem:s13+$0x14A90] =	vst v10;
	v10 =	vmul.f32 s2, v12  }
0x613: {  	v12 =	vld [tilespmem:s3+$0xA0];
	[tilespmem:s8+$0x14B10] =	vst v9;
	v9 =	vmul.f32 s11, v14  }
0x614: {  	v14 =	vld [tilespmem:s12+$0x120];
	[tilespmem:s18+$0x14B90] =	vst v10;
	v10 =	vmul.f32 s0, v16  }
0x615: {  	s26 =	simm.s32 $0x800;
	v16 =	vld [tilespmem:s6+$0x1A0];
	[tilespmem:s30+$0x14C10] =	vst v9;
	v9 =	vmul.f32 s23, v13  }
0x616: {  	v13 =	vld [tilespmem:s25+$0x220];
	[tilespmem:s26+$0x14C90] =	vst v10;
	v10 =	vmul.f32 s31, v11  }
0x617: {  	v11 =	vmul.f32 s10, v15;
	v15 =	vld [tilespmem:s5+$0x2A0];
	[tilespmem:s16+$0x14D10] =	vst v9  }
0x618: {  	v9 =	vmul.f32 s9, v12;
	[tilespmem:s19+$0x14D90] =	vst v10  }
0x619: {  	v12 =	vld [tilespmem:s29+$0x320];
	[tilespmem:s17+$0x14A20] =	vst v11;
	v10 =	vmul.f32 s1, v14  }
0x61a: {  	v11 =	vld [tilespmem:s20+$0x3A0];
	[tilespmem:s13+$0x14AA0] =	vst v9;
	v9 =	vmul.f32 s2, v16  }
0x61b: {  	s14 =	simm.s32 $0x1000;
	v14 =	vld [tilespmem:s15+$0x30];
	[tilespmem:s8+$0x14B20] =	vst v10;
	v10 =	vmul.f32 s11, v13  }
0x61c: {  	v16 =	vld [tilespmem:s3+$0xB0];
	[tilespmem:s14+$0x14BA0] =	vst v9;
	v9 =	vmul.f32 s0, v15  }
0x61d: {  	s18 =	simm.s32 $0x800;
	v13 =	vld [tilespmem:s12+$0x130];
	[tilespmem:s30+$0x14C20] =	vst v10  }
0x61e: {  	s4 =	sadd.s32 $0x1, s4;
	v15 =	vld [tilespmem:s6+$0x1B0];
	v10 =	vmul.f32 s23, v12;
	[tilespmem:s18+$0x14CA0] =	vst v9  }
0x61f: {  	s24 =	smulhi.u32 $0x24924925, s4;
	v17 =	vld [tilespmem:s25+$0x230];
	[dreg:$0x6] =	wrdreg s10  }
0x620: {  	s7 =	simm.s32 $0x1C00;
	s21 =	simm.s32 $0x400;
	v9 =	vmul.f32 s31, v11;
	[tilespmem:s16+$0x14D20] =	vst v10  }
0x621: {  	s28 =	ssub.s32 s4, s24;
	s26 =	simm.s32 $0x0;
	v11 =	vmul.f32 s10, v14;
	v14 =	vld [tilespmem:s5+$0x2B0];
	[dreg:$0xc] =	wrdreg s4  }
0x622: {  	s14 =	smov.u32 s5;
	s18 =	simm.s32 $0x1000;
	s10 =	simm.s32 $0x1800;
	[tilespmem:s19+$0x14DA0] =	vst v9  }
0x623: {  	v10 =	vmul.f32 s9, v16;
	s16 =	smov.u32 s29;
	s4 =	sshrl.u32 s28, $0x1;
	v16 =	vld [tilespmem:s29+$0x330];
	[dreg:$0x7] =	wrdreg s7  }
0x624: {  	s28 =	smov.u32 s9;
	s5 =	sadd.s32 s24, s4;
	s19 =	smov.u32 s1;
	v9 =	vmul.f32 s1, v13;
	[tilespmem:s17+$0x14A30] =	vst v11  }
0x625: {  	s4 =	smov.u32 s20;
	s24 =	smov.u32 s3;
	s1 =	simm.s32 $0x1000;
	v18 =	vld [tilespmem:s20+$0x3B0];
	[tilespmem:s13+$0x14AB0] =	vst v10  }
0x626: {  	s29 =	smov.u32 s23;
	s9 =	sshrl.u32 s5, $0x2;
	s7 =	smov.u32 s15;
	[tilespmem:s8+$0x14B30] =	vst v9;
	v12 =	vld [tilespmem:s15+$0x40]  }
0x627: {  	v13 =	vmul.f32 s2, v15;
	v15 =	vmul.f32 s11, v17;
	s5 =	smov.u32 s12;
	s20 =	simm.s32 $0x1400;
	v11 =	vld [tilespmem:s3+$0xC0];
	[dreg:$0x11] =	wrdreg s9  }
0x628: {  	s13 =	smov.u32 s11;
	s11 =	simm.s32 $0xC00;
	s17 =	rddreg [dreg:$0x5]  }
0x629: {  	s8 =	smov.u32 s25;
	s15 =	smov.u32 s2;
	v17 =	vmul.f32 s0, v14;
	s2 =	ssub.s32 s9, s17;
	v10 =	vld [tilespmem:s12+$0x140];
	[tilespmem:s30+$0x14C30] =	vst v15  }
0x62a: {  	[tilespmem:s18+$0x14BB0] =	vst v13;
	s12 =	smov.u32 s0;
	s9 =	smov.u32 s6;
	v9 =	vmov s2;
	v13 =	vld [tilespmem:s25+$0x240];
	s25 =	simm.s32 $0x800  }
0x62b: {  	s0 =	simm.s32 $0x800;
	v15 =	vmul.f32 s23, v16;
	vm9 =	veq.s32 v9, v2;
	[tilespmem:s25+$0x14CB0] =	vst v17;
	s25 =	smov.u32 s31;
	v16 =	vmul.f32 s31, v18;
	s31 =	simm.s32 $0x8000  }
0x62c: {  	s30 =	sadd.s32 $0xFFFFFFF0, s2;
	s2 =	simm.s32 $0x9000;
	v9 =	vld [tilespmem:s6+$0x1C0];
	v14 =	vnsel vm9, $0x0, v8;
	[dreg:$0xd] =	wrdreg s31  }
.LBB2_9:
0x62d: {  	[dreg:$0xf] =	wrdreg s2  }
0x62e: {  	p1 =	sne.s32 s2, $0x11000;
	s2 =	rddreg [dreg:$0x6]  }
0x62f: {  	(xrf2) =	vadd.scan.msk.f32 $0xffff, v14;
	v14 =	vld [tilespmem:s14+$0x2C0];
	v12 =	vmul.f32 s2, v12;
	[tilespmem:s21+$0x14D30] =	vst v15  }
0x630: {  	v17 =	vmov s30;
	v11 =	vmul.f32 s28, v11;
	s30 =	smov.u32 s28;
	s28 =	rddreg [dreg:$0x7];
	v15 =	vld [tilespmem:s16+$0x340];
	[tilespmem:s26+$0x14DB0] =	vst v16  }
0x631: {  	vm9 =	veq.s32 v17, v2;
	[tilespmem:s28+$0x14A40] =	vst v12  }
0x632: {  	v10 =	vmul.f32 s19, v10;
	v16 =	vnsel vm9, $0x0, v7;
	v12 =	vld [tilespmem:s4+$0x3C0]  }
0x633: {  	v9 =	vmul.f32 s15, v9;
	(xrf2) =	vadd.scan.msk.f32 $0xffff, v16;
	v16 =	vld [tilespmem:s7+$0x50];
	[tilespmem:s10+$0x14AC0] =	vst v11  }
0x634: {  	v11 =	vld [tilespmem:s24+$0xD0];
	[tilespmem:s20+$0x14B40] =	vst v10;
	v10 =	vmul.f32 s13, v13  }
0x635: {  	v13 =	vld [tilespmem:s5+$0x150];
	[tilespmem:s1+$0x14BC0] =	vst v9;
	v9 =	vmul.f32 s12, v14  }
0x636: {  	v14 =	vld [tilespmem:s9+$0x1D0];
	[tilespmem:s11+$0x14C40] =	vst v10;
	v10 =	vmul.f32 s29, v15  }
0x637: {  	v15 =	vld [tilespmem:s8+$0x250];
	[tilespmem:s0+$0x14CC0] =	vst v9;
	v17 =	vmul.f32 s25, v12  }
0x638: {  	v12 =	vmul.f32 s2, v16;
	v16 =	vld [tilespmem:s14+$0x2D0];
	[tilespmem:s21+$0x14D40] =	vst v10  }
0x639: {  	v10 =	vmul.f32 s30, v11;
	v11 =	vld [tilespmem:s16+$0x350];
	[tilespmem:s26+$0x14DC0] =	vst v17  }
0x63a: {  	s17 =	smov.u32 s4;
	[tilespmem:s28+$0x14A50] =	vst v12  }
0x63b: {  	s4 =	smov.u32 s7;
	s7 =	smov.u32 s10;
	v12 =	vmul.f32 s19, v13;
	v13 =	vld [tilespmem:s17+$0x3D0]  }
0x63c: {  	s6 =	smov.u32 s13;
	v17 =	vld [tilespmem:s4+$0x60];
	[tilespmem:s7+$0x14AD0] =	vst v10;
	v10 =	vmul.f32 s15, v14  }
0x63d: {  	s10 =	smov.u32 s1;
	s1 =	smov.u32 s12;
	v9, _, _ =	vpop (xrf2);
	v14 =	vld [tilespmem:s24+$0xE0];
	[tilespmem:s20+$0x14B50] =	vst v12;
	v12 =	vmul.f32 s6, v15  }
0x63e: {  	s3 =	smov.u32 s11;
	(v2sf) =	vpush v9, $0xF;
	v9, _, _ =	vpop (xrf2);
	v15 =	vld [tilespmem:s5+$0x160];
	[tilespmem:s10+$0x14BD0] =	vst v10;
	v10 =	vmul.f32 s1, v16  }
0x63f: {  	s13 =	smov.u32 s0;
	(v2sf) =	vpush v9, $0xF;
	v11 =	vmul.f32 s29, v11;
	v9 =	vld [tilespmem:s9+$0x1E0];
	[tilespmem:s3+$0x14C50] =	vst v12  }
0x640: {  	s18 =	rddreg [dreg:$0xc];
	v12 =	vld [tilespmem:s8+$0x260];
	[tilespmem:s13+$0x14CD0] =	vst v10;
	v10 =	vmul.f32 s25, v13  }
0x641: {  	s11 =	smov.u32 s30;
	s30 =	sshrl.u32 s18, $0x1;
	v13 =	vmul.f32 s2, v17;
	v16 =	vld [tilespmem:s14+$0x2E0];
	[tilespmem:s21+$0x14D50] =	vst v11  }
0x642: {  	s30 =	smulhi.u32 $0xEA0EA0EB, s30;
	v11 =	vmul.f32 s11, v14;
	v14 =	vld [tilespmem:s16+$0x360];
	[tilespmem:s26+$0x14DD0] =	vst v10  }
0x643: {  	[tilespmem:s28+$0x14A60] =	vst v13  }
0x644: {  	[dreg:$0xc] =	wrdreg s18;
	s30 =	sshrl.u32 s30, $0x5;
	v10 =	vmul.f32 s19, v15;
	v13 =	vld [tilespmem:s17+$0x3E0]  }
0x645: {  	s18 =	rddreg [dreg:$0x11];
	s30 =	smul.u32 $0x7, s30;
	v9 =	vmul.f32 s15, v9;
	v15 =	vld [tilespmem:s4+$0x70];
	[tilespmem:s7+$0x14AE0] =	vst v11  }
0x646: {  	s23 =	smov.u32 s29;
	s29 =	smul.u32 $0x7, s18;
	s18 =	rddreg [dreg:$0xa];
	v11 =	vld [tilespmem:s24+$0xF0];
	[tilespmem:s20+$0x14B60] =	vst v10;
	v10 =	vmul.f32 s6, v12  }
0x647: {  	s0 =	sadd.s32 $0x1, s18;
	v12 =	vld [tilespmem:s5+$0x170];
	[tilespmem:s10+$0x14BE0] =	vst v9;
	v9 =	vmul.f32 s1, v16  }
0x648: {  	s30 =	sadd.s32 s30, s0;
	v16 =	vld [tilespmem:s9+$0x1F0];
	[tilespmem:s3+$0x14C60] =	vst v10;
	v10 =	vmul.f32 s23, v14  }
0x649: {  	s29 =	ssub.s32 s30, s29;
	v14 =	vld [tilespmem:s8+$0x270];
	[tilespmem:s13+$0x14CE0] =	vst v9;
	v9 =	vmul.f32 s25, v13  }
0x64a: {  	p2 =	slt.s32 s29, $0x17;
	v13 =	vmul.f32 s2, v15;
	v15 =	vld [tilespmem:s14+$0x2F0];
	[tilespmem:s21+$0x14D60] =	vst v10  }
0x64b: {  	[dreg:$0x15] =	wrdreg s26;
	s29 =	simm.s32 @!p2 $0x17;
	v10 =	vmul.f32 s11, v11;
	v11 =	vld [tilespmem:s16+$0x370];
	[tilespmem:s26+$0x14DE0] =	vst v9  }
0x64c: {  	s31 =	smov.u32 s24;
	[dreg:$0x16] =	wrdreg s20;
	s29 =	sshll.u32 s29, $0xC;
	[tilespmem:s28+$0x14A70] =	vst v13  }
0x64d: {  	s12 =	smov.u32 s25;
	[dreg:$0x17] =	wrdreg s11;
	s29 =	sshra.s32 s29, $0x2;
	v9 =	vmul.f32 s19, v12;
	v12 =	vld [tilespmem:s17+$0x3F0]  }
0x64e: {  	[dreg:$0xa] =	wrdreg s0;
	s30 =	spop (v2sf);
	s11 =	smov.u32 s5;
	v13 =	vld [tilespmem:s29+$0x0];
	[tilespmem:s7+$0x14AF0] =	vst v10;
	v10 =	vmul.f32 s15, v16  }
0x64f: {  	s26 =	smov.u32 s1;
	s1 =	smov.u32 s13;
	s17 =	smov.u32 s31;
	v16 =	vld [tilespmem:s4+$0x80];
	[tilespmem:s20+$0x14B70] =	vst v9;
	v9 =	vmul.f32 s6, v14  }
0x650: {  	s13 =	smov.u32 s14;
	s14 =	smov.u32 s9;
	s9 =	spop (v2sf);
	v14 =	vld [tilespmem:s17+$0x100];
	[tilespmem:s10+$0x14BF0] =	vst v10;
	v10 =	vmul.f32 s26, v15  }
0x651: {  	s0 =	smov.u32 s6;
	s5 =	smov.u32 s29;
	s29 =	sadd.f32 s9, s30;
	v15 =	vld [tilespmem:s11+$0x180];
	[tilespmem:s3+$0x14C70] =	vst v9;
	v9 =	vmul.f32 s23, v11  }
0x652: {  	s24 =	smov.u32 s16;
	s25 =	smov.u32 s8;
	s16 =	rddreg [dreg:$0x15];
	v11 =	vld [tilespmem:s14+$0x200];
	[tilespmem:s1+$0x14CF0] =	vst v10;
	v10 =	vmul.f32 s12, v12  }
0x653: {  	s30 =	smov.u32 s23;
	s6 =	smov.u32 s15;
	s15 =	rddreg [dreg:$0xd];
	v12 =	vmul.f32 s29, v13;
	v13 =	vld [tilespmem:s25+$0x280];
	[tilespmem:s21+$0x14D70] =	vst v9  }
0x654: {  	s23 =	smov.u32 s26;
	s26 =	sshra.s32 s15, $0x2;
	s12 =	rddreg [dreg:$0x17];
	v9 =	vmul.f32 s2, v16;
	v16 =	vld [tilespmem:s13+$0x300];
	[tilespmem:s16+$0x14DF0] =	vst v10  }
0x655: {  	[dreg:$0x14] =	wrdreg s7;
	s8 =	smov.u32 s19;
	s9 =	smov.u32 s12;
	[tilespmem:s26+$0x14A00] =	vst v12  }
0x656: {  	s20 =	smov.u32 s4;
	s4 =	smov.u32 s21;
	s21 =	rddreg [dreg:$0x14];
	v10 =	vmul.f32 s9, v14;
	v12 =	vld [tilespmem:s24+$0x380]  }
0x657: {  	s19 =	rddreg [dreg:$0x16];
	s12 =	smov.u32 s21;
	v14 =	vld [tilespmem:s5+$0x10];
	[tilespmem:s28+$0x14A80] =	vst v9;
	v9 =	vmul.f32 s8, v15  }
0x658: {  	s31 =	smov.u32 s3;
	s3 =	smov.u32 s19;
	v15 =	vld [tilespmem:s20+$0x90];
	[tilespmem:s12+$0x14B00] =	vst v10;
	v10 =	vmul.f32 s6, v11  }
0x659: {  	s7 =	smov.u32 s2;
	s2 =	smov.u32 s10;
	v11 =	vld [tilespmem:s17+$0x110];
	[tilespmem:s3+$0x14B80] =	vst v9;
	v9 =	vmul.f32 s0, v13  }
0x65a: {  	s18 =	smov.u32 s1;
	v13 =	vld [tilespmem:s11+$0x190];
	[tilespmem:s2+$0x14C00] =	vst v10;
	v10 =	vmul.f32 s23, v16  }
0x65b: {  	s15 =	smov.u32 s29;
	s16 =	smov.u32 s18;
	v16 =	vld [tilespmem:s14+$0x210];
	[tilespmem:s31+$0x14C80] =	vst v9;
	v9 =	vmul.f32 s30, v12  }
0x65c: {  	v12 =	vmul.f32 s15, v14;
	v14 =	vld [tilespmem:s25+$0x290];
	[tilespmem:s16+$0x14D00] =	vst v10  }
0x65d: {  	s10 =	smov.u32 s26;
	v10 =	vmul.f32 s7, v15;
	v15 =	vld [tilespmem:s13+$0x310];
	[tilespmem:s4+$0x14D80] =	vst v9  }
0x65e: {  	[tilespmem:s10+$0x14A10] =	vst v12  }
0x65f: {  	s1 =	smov.u32 s28;
	v9 =	vmul.f32 s9, v11;
	v11 =	vld [tilespmem:s24+$0x390]  }
0x660: {  	v12 =	vld [tilespmem:s5+$0x20];
	[tilespmem:s1+$0x14A90] =	vst v10;
	v10 =	vmul.f32 s8, v13  }
0x661: {  	v13 =	vld [tilespmem:s20+$0xA0];
	[tilespmem:s12+$0x14B10] =	vst v9;
	v9 =	vmul.f32 s6, v16  }
0x662: {  	v16 =	vld [tilespmem:s17+$0x120];
	[tilespmem:s3+$0x14B90] =	vst v10;
	v10 =	vmul.f32 s0, v14  }
0x663: {  	v14 =	vld [tilespmem:s11+$0x1A0];
	[tilespmem:s2+$0x14C10] =	vst v9;
	v9 =	vmul.f32 s23, v15  }
0x664: {  	v15 =	vld [tilespmem:s14+$0x220];
	[tilespmem:s31+$0x14C90] =	vst v10;
	v10 =	vmul.f32 s30, v11  }
0x665: {  	v11 =	vmul.f32 s15, v12;
	v12 =	vld [tilespmem:s25+$0x2A0];
	[tilespmem:s16+$0x14D10] =	vst v9  }
0x666: {  	[dreg:$0x18] =	wrdreg s30;
	v9 =	vmul.f32 s7, v13;
	v13 =	vld [tilespmem:s13+$0x320];
	[tilespmem:s4+$0x14D90] =	vst v10  }
0x667: {  	[dreg:$0x6] =	wrdreg s15;
	[tilespmem:s10+$0x14A20] =	vst v11  }
0x668: {  	s21 =	rddreg [dreg:$0xc];
	v10 =	vmul.f32 s9, v16;
	v11 =	vld [tilespmem:s24+$0x3A0]  }
0x669: {  	[dreg:$0x7] =	wrdreg s10;
	v16 =	vld [tilespmem:s5+$0x30];
	[tilespmem:s1+$0x14AA0] =	vst v9;
	v9 =	vmul.f32 s8, v14  }
0x66a: {  	s19 =	sadd.s32 $0x1, s21;
	s26 =	rddreg [dreg:$0xf];
	v14 =	vld [tilespmem:s20+$0xB0];
	[tilespmem:s12+$0x14B20] =	vst v10;
	v10 =	vmul.f32 s6, v15  }
0x66b: {  	[dreg:$0xc] =	wrdreg s19;
	s18 =	smov.u32 s26;
	v15 =	vld [tilespmem:s17+$0x130];
	[tilespmem:s3+$0x14BA0] =	vst v9;
	v9 =	vmul.f32 s0, v12  }
0x66c: {  	s29 =	smulhi.u32 $0x24924925, s19;
	s21 =	smov.u32 s16;
	[dreg:$0xd] =	wrdreg s18;
	v17 =	vld [tilespmem:s11+$0x1B0];
	[tilespmem:s2+$0x14C20] =	vst v10;
	v10 =	vmul.f32 s23, v13  }
0x66d: {  	s28 =	smov.u32 s7;
	s26 =	smov.u32 s4;
	s18 =	rddreg [dreg:$0xf];
	v13 =	vld [tilespmem:s14+$0x230];
	[tilespmem:s31+$0x14CA0] =	vst v9;
	v9 =	vmul.f32 s30, v11  }
0x66e: {  	s30 =	ssub.s32 s19, s29;
	v11 =	vmul.f32 s15, v16;
	v16 =	vld [tilespmem:s25+$0x2B0];
	[tilespmem:s16+$0x14D20] =	vst v10;
	s16 =	smov.u32 s13;
	s19 =	smov.u32 s9  }
0x66f: {  	s15 =	smov.u32 s8;
	s30 =	sshrl.u32 s30, $0x1;
	v10 =	vmul.f32 s7, v14;
	v14 =	vld [tilespmem:s13+$0x330];
	s7 =	smov.u32 s5;
	[tilespmem:s4+$0x14DA0] =	vst v9  }
0x670: {  	s13 =	rddreg [dreg:$0x5];
	s29 =	sadd.s32 s29, s30;
	s4 =	smov.u32 s24;
	[tilespmem:s10+$0x14A30] =	vst v11  }
0x671: {  	v9 =	vmul.f32 s9, v15;
	s9 =	smov.u32 s11;
	s10 =	smov.u32 s1;
	v15 =	vmul.f32 s8, v17;
	s8 =	smov.u32 s14;
	v18 =	vld [tilespmem:s24+$0x3B0]  }
0x672: {  	s24 =	sshrl.u32 s29, $0x2;
	v12 =	vld [tilespmem:s5+$0x40];
	[tilespmem:s1+$0x14AB0] =	vst v10;
	s5 =	smov.u32 s17;
	s1 =	smov.u32 s3  }
.Ltmp6:
0x673: {  	v13 =	vmul.f32 s6, v13;
	s29 =	smov.u32 s23;
	s30 =	ssub.s32 s24, s13;
	v11 =	vld [tilespmem:s20+$0xC0];
	[tilespmem:s12+$0x14B30] =	vst v9;
	(pc) =	sbr.rel @p1 .LBB2_9-.Ltmp6, $4  }
0x674: {  	[dreg:$0x11] =	wrdreg s24;
	s24 =	smov.u32 s20;
	s20 =	smov.u32 s12;
	v16 =	vmul.f32 s0, v16;
	v9 =	vmov s30;
	v10 =	vld [tilespmem:s17+$0x140];
	[tilespmem:s3+$0x14BB0] =	vst v15  }
0x675: {  	s13 =	smov.u32 s6;
	s12 =	smov.u32 s0;
	s0 =	smov.u32 s31;
	vm9 =	veq.s32 v9, v2;
	v9 =	vld [tilespmem:s11+$0x1C0];
	[tilespmem:s2+$0x14C30] =	vst v13  }
0x676: {  	s30 =	sadd.s32 $0xFFFFFFF0, s30;
	s11 =	smov.u32 s2;
	v13 =	vld [tilespmem:s14+$0x240];
	[tilespmem:s31+$0x14CB0] =	vst v16;
	s31 =	rddreg [dreg:$0x18]  }
0x677: {  	v15 =	vmul.f32 s23, v14;
	s2 =	sadd.s32 $0x1000, s18;
	v14 =	vnsel vm9, $0x0, v8;
	s14 =	smov.u32 s25;
	s25 =	smov.u32 s31;
	v16 =	vmul.f32 s31, v18  }
0x678: {  	_ = 	snop  }
0x679: {  	s2 =	rddreg [dreg:$0x6];
	[tilespmem:s21+$0x14D30] =	vst v15  }
0x67a: {  	v8 =	vmov s30;
	v45 =	vld [tilespmem:s14+$0x2C0];
	v12 =	vmul.f32 s2, v12;
	[tilespmem:s26+$0x14DB0] =	vst v16  }
0x67b: {  	vm9 =	veq.s32 v8, v2;
	v8 =	vmul.f32 s28, v11;
	v46 =	vld [tilespmem:s16+$0x340];
	s3 =	rddreg [dreg:$0x7]  }
0x67c: {  	(xrf2) =	vadd.scan.msk.f32 $0xffff, v14;
	v10 =	vmul.f32 s19, v10;
	v7 =	vnsel vm9, $0x0, v7;
	v47 =	vld [tilespmem:s4+$0x3C0];
	[tilespmem:s3+$0x14A40] =	vst v12  }
0x67d: {  	(xrf2) =	vadd.scan.msk.f32 $0xffff, v7;
	[tilespmem:s10+$0x14AC0] =	vst v8;
	v8 =	vmul.f32 s15, v9;
	v7 =	vld [tilespmem:s7+$0x50]  }
0x67e: {  	[tilespmem:s20+$0x14B40] =	vst v10;
	v49 =	vmul.f32 s13, v13;
	v48 =	vld [tilespmem:s24+$0xD0]  }
0x67f: {  	v50 =	vld [tilespmem:s5+$0x150];
	[tilespmem:s1+$0x14BC0] =	vst v8;
	v8 =	vmul.f32 s12, v45  }
0x680: {  	[tilespmem:s11+$0x14C40] =	vst v49;
	v51 =	vld [tilespmem:s9+$0x1D0];
	v52 =	vmul.f32 s29, v46  }
0x681: {  	s30 =	smov.u32 s14;
	v53 =	vld [tilespmem:s8+$0x250];
	[tilespmem:s0+$0x14CC0] =	vst v8;
	v8 =	vmul.f32 s25, v47  }
0x682: {  	v54 =	vld [tilespmem:s30+$0x2D0];
	v7 =	vmul.f32 s2, v7;
	[tilespmem:s21+$0x14D40] =	vst v52  }
0x683: {  	s14 =	smov.u32 s19;
	v9 =	vmul.f32 s28, v48;
	[tilespmem:s26+$0x14DC0] =	vst v8;
	v10 =	vld [tilespmem:s16+$0x350]  }
0x684: {  	s23 =	smov.u32 s7;
	s6 =	smov.u32 s15;
	v8 =	vld [tilespmem:s4+$0x3D0];
	[tilespmem:s3+$0x14A50] =	vst v7;
	v7 =	vmul.f32 s14, v50  }
0x685: {  	s15 =	smov.u32 s20;
	s20 =	smov.u32 s13;
	[tilespmem:s10+$0x14AD0] =	vst v9;
	v56 =	vmul.f32 s6, v51;
	v55 =	vld [tilespmem:s23+$0x60]  }
0x686: {  	v58 =	vld [tilespmem:s24+$0xE0];
	[tilespmem:s15+$0x14B50] =	vst v7;
	v7 =	vmul.f32 s20, v53  }
0x687: {  	[tilespmem:s1+$0x14BD0] =	vst v56;
	v61 =	vmul.f32 s12, v54  }
0x688: {  	s13 =	smov.u32 s0;
	s0 =	smov.u32 s25;
	v57, _, _ =	vpop (xrf2);
	v60 =	vld [tilespmem:s5+$0x160];
	[tilespmem:s11+$0x14C50] =	vst v7;
	v7 =	vmul.f32 s29, v10  }
0x689: {  	(v2sf) =	vpush v57, $0xF;
	v59, _, _ =	vpop (xrf2);
	v62 =	vld [tilespmem:s9+$0x1E0];
	v8 =	vmul.f32 s0, v8;
	s25 =	rddreg [dreg:$0xc];
	[tilespmem:s13+$0x14CD0] =	vst v61  }
0x68a: {  	(v2sf) =	vpush v59, $0xF;
	v63 =	vld [tilespmem:s8+$0x260];
	v16 =	vmul.f32 s2, v55;
	[tilespmem:s21+$0x14D50] =	vst v7  }
0x68b: {  	s19 =	smov.u32 s5;
	s5 =	sshrl.u32 s25, $0x1;
	v17 =	vld [tilespmem:s30+$0x2E0];
	v7 =	vmul.f32 s28, v58;
	[tilespmem:s26+$0x14DD0] =	vst v8  }
0x68c: {  	s25 =	smulhi.u32 $0xEA0EA0EB, s5;
	v18 =	vld [tilespmem:s16+$0x360];
	[tilespmem:s3+$0x14A60] =	vst v16  }
0x68d: {  	v19 =	vld [tilespmem:s4+$0x3E0];
	v8 =	vmul.f32 s14, v60;
	[tilespmem:s10+$0x14AE0] =	vst v7  }
0x68e: {  	s7 =	smov.u32 s10;
	v7 =	vmul.f32 s6, v62;
	s25 =	sshrl.u32 s25, $0x5;
	v20 =	vld [tilespmem:s23+$0x70];
	s10 =	rddreg [dreg:$0x11]  }
0x68f: {  	s18 =	rddreg [dreg:$0xa];
	v21 =	vld [tilespmem:s24+$0xF0];
	s25 =	smul.u32 $0x7, s25;
	[tilespmem:s15+$0x14B60] =	vst v8;
	v8 =	vmul.f32 s20, v63  }
0x690: {  	s17 =	smul.u32 $0x7, s10;
	s5 =	sadd.s32 $0x1, s18;
	[tilespmem:s1+$0x14BE0] =	vst v7;
	v22 =	vld [tilespmem:s19+$0x170];
	v7 =	vmul.f32 s12, v17  }
0x691: {  	v23 =	vld [tilespmem:s9+$0x1F0];
	s10 =	sadd.s32 s25, s5;
	[tilespmem:s11+$0x14C60] =	vst v8;
	v8 =	vmul.f32 s29, v18  }
0x692: {  	s10 =	ssub.s32 s10, s17;
	v24 =	vld [tilespmem:s8+$0x270];
	[tilespmem:s13+$0x14CE0] =	vst v7;
	v7 =	vmul.f32 s0, v19  }
0x693: {  	s31 =	smov.u32 s28;
	p1 =	slt.s32 s10, $0x17;
	v25 =	vld [tilespmem:s30+$0x2F0];
	[tilespmem:s21+$0x14D60] =	vst v8;
	v14 =	vmul.f32 s2, v20  }
0x694: {  	s10 =	simm.s32 @!p1 $0x17;
	v26 =	vld [tilespmem:s16+$0x370];
	[tilespmem:s26+$0x14DE0] =	vst v7;
	v7 =	vmul.f32 s31, v21  }
0x695: {  	s10 =	sshll.u32 s10, $0xC;
	[tilespmem:s3+$0x14A70] =	vst v14;
	v10 =	vmul.f32 s14, v22  }
0x696: {  	s25 =	sshra.s32 s10, $0x2;
	[tilespmem:s7+$0x14AF0] =	vst v7;
	v7 =	vmul.f32 s6, v23  }
0x697: {  	v27 =	vld [tilespmem:s25+$0x0];
	[tilespmem:s15+$0x14B70] =	vst v10;
	v29 =	vmul.f32 s20, v24  }
0x698: {  	s10 =	spop (v2sf);
	[tilespmem:s1+$0x14BF0] =	vst v7;
	v7 =	vmul.f32 s12, v25  }
0x699: {  	s17 =	spop (v2sf);
	[tilespmem:s11+$0x14C70] =	vst v29;
	v32 =	vmul.f32 s29, v26  }
0x69a: {  	s18 =	sadd.f32 s17, s10;
	[tilespmem:s13+$0x14CF0] =	vst v7  }
0x69b: {  	[tilespmem:s21+$0x14D70] =	vst v32  }
0x69c: {  	v7 =	vmul.f32 s18, v27;
	s28 =	rddreg [dreg:$0xd]  }
0x69d: {  	s5 =	sshra.s32 s28, $0x2  }
0x69e: {  	[tilespmem:s5+$0x14A00] =	vst v7  }
0x69f: {  	v38 =	vld [tilespmem:s25+$0x10]  }
0x6a0: {  	v8 =	vld [tilespmem:s4+$0x3F0]  }
0x6a1: {  	v28 =	vld [tilespmem:s23+$0x80]  }
0x6a2: {  	v30 =	vld [tilespmem:s24+$0x100]  }
0x6a3: {  	v31 =	vld [tilespmem:s19+$0x180]  }
0x6a4: {  	v33 =	vld [tilespmem:s9+$0x200];
	v44 =	vmul.f32 s18, v38  }
0x6a5: {  	v34 =	vld [tilespmem:s8+$0x280];
	v8 =	vmul.f32 s0, v8  }
0x6a6: {  	v35 =	vmul.f32 s2, v28;
	v36 =	vld [tilespmem:s30+$0x300];
	[tilespmem:s5+$0x14A10] =	vst v44  }
0x6a7: {  	[tilespmem:s26+$0x14DF0] =	vst v8;
	v7 =	vmul.f32 s31, v30;
	v49 =	vld [tilespmem:s25+$0x20]  }
0x6a8: {  	v37 =	vld [tilespmem:s16+$0x380];
	[tilespmem:s3+$0x14A80] =	vst v35;
	v9 =	vmul.f32 s14, v31  }
0x6a9: {  	v10 =	vld [tilespmem:s23+$0x90];
	[tilespmem:s7+$0x14B00] =	vst v7;
	v7 =	vmul.f32 s6, v33  }
0x6aa: {  	[tilespmem:s15+$0x14B80] =	vst v9;
	v40 =	vmul.f32 s20, v34;
	v39 =	vld [tilespmem:s24+$0x110]  }
0x6ab: {  	v41 =	vld [tilespmem:s19+$0x190];
	[tilespmem:s1+$0x14C00] =	vst v7;
	v7 =	vmul.f32 s12, v36  }
0x6ac: {  	[tilespmem:s11+$0x14C80] =	vst v40;
	v42 =	vld [tilespmem:s9+$0x210];
	v56 =	vmul.f32 s18, v49  }
0x6ad: {  	v43 =	vmul.f32 s29, v37;
	v45 =	vld [tilespmem:s8+$0x290];
	[tilespmem:s13+$0x14D00] =	vst v7  }
0x6ae: {  	v7 =	vmul.f32 s2, v10;
	v46 =	vld [tilespmem:s30+$0x310];
	[tilespmem:s5+$0x14A20] =	vst v56  }
0x6af: {  	[tilespmem:s21+$0x14D80] =	vst v43;
	v47 =	vmul.f32 s31, v39;
	v13 =	vld [tilespmem:s25+$0x30]  }
0x6b0: {  	v48 =	vld [tilespmem:s16+$0x390];
	[tilespmem:s3+$0x14A90] =	vst v7;
	v7 =	vmul.f32 s14, v41  }
0x6b1: {  	v50 =	vld [tilespmem:s23+$0xA0];
	[tilespmem:s7+$0x14B10] =	vst v47;
	v51 =	vmul.f32 s6, v42  }
0x6b2: {  	[tilespmem:s15+$0x14B90] =	vst v7;
	v7 =	vmul.f32 s20, v45;
	v52 =	vld [tilespmem:s24+$0x120]  }
0x6b3: {  	v53 =	vld [tilespmem:s19+$0x1A0];
	[tilespmem:s1+$0x14C10] =	vst v51;
	v54 =	vmul.f32 s12, v46  }
0x6b4: {  	[tilespmem:s11+$0x14C90] =	vst v7;
	v55 =	vld [tilespmem:s9+$0x220];
	v21 =	vmul.f32 s18, v13  }
0x6b5: {  	v7 =	vmul.f32 s29, v48;
	v57 =	vld [tilespmem:s8+$0x2A0];
	[tilespmem:s13+$0x14D10] =	vst v54  }
0x6b6: {  	v58 =	vmul.f32 s2, v50;
	v59 =	vld [tilespmem:s30+$0x320];
	[tilespmem:s5+$0x14A30] =	vst v21  }
0x6b7: {  	[tilespmem:s21+$0x14D90] =	vst v7;
	v7 =	vmul.f32 s31, v52;
	v12 =	vld [tilespmem:s25+$0x40]  }
0x6b8: {  	v60 =	vld [tilespmem:s16+$0x3A0];
	[tilespmem:s3+$0x14AA0] =	vst v58;
	v61 =	vmul.f32 s14, v53  }
0x6b9: {  	v62 =	vld [tilespmem:s23+$0xB0];
	[tilespmem:s7+$0x14B20] =	vst v7;
	v7 =	vmul.f32 s6, v55  }
0x6ba: {  	[tilespmem:s15+$0x14BA0] =	vst v61;
	v17 =	vmul.f32 s20, v57;
	v63 =	vld [tilespmem:s24+$0x130]  }
0x6bb: {  	v18 =	vld [tilespmem:s19+$0x1B0];
	[tilespmem:s1+$0x14C20] =	vst v7;
	v7 =	vmul.f32 s12, v59  }
0x6bc: {  	[tilespmem:s11+$0x14CA0] =	vst v17;
	v19 =	vld [tilespmem:s9+$0x230];
	v32 =	vmul.f32 s18, v12  }
0x6bd: {  	v20 =	vmul.f32 s29, v60;
	v22 =	vld [tilespmem:s8+$0x2B0];
	[tilespmem:s13+$0x14D20] =	vst v7  }
0x6be: {  	v7 =	vmul.f32 s2, v62;
	v23 =	vld [tilespmem:s30+$0x330];
	[tilespmem:s5+$0x14A40] =	vst v32  }
0x6bf: {  	[tilespmem:s21+$0x14DA0] =	vst v20;
	v24 =	vmul.f32 s31, v63;
	v37 =	vld [tilespmem:s25+$0x50]  }
0x6c0: {  	v25 =	vld [tilespmem:s16+$0x3B0];
	[tilespmem:s3+$0x14AB0] =	vst v7;
	v7 =	vmul.f32 s14, v18  }
0x6c1: {  	v26 =	vld [tilespmem:s23+$0xC0];
	[tilespmem:s7+$0x14B30] =	vst v24;
	v27 =	vmul.f32 s6, v19  }
0x6c2: {  	[tilespmem:s15+$0x14BB0] =	vst v7;
	v7 =	vmul.f32 s20, v22;
	v28 =	vld [tilespmem:s24+$0x140]  }
0x6c3: {  	v29 =	vld [tilespmem:s19+$0x1C0];
	[tilespmem:s1+$0x14C30] =	vst v27;
	v30 =	vmul.f32 s12, v23  }
0x6c4: {  	[tilespmem:s11+$0x14CB0] =	vst v7;
	v31 =	vld [tilespmem:s9+$0x240];
	v11 =	vmul.f32 s18, v37  }
0x6c5: {  	v7 =	vmul.f32 s29, v25;
	v33 =	vld [tilespmem:s8+$0x2C0];
	[tilespmem:s13+$0x14D30] =	vst v30  }
0x6c6: {  	v34 =	vmul.f32 s2, v26;
	v35 =	vld [tilespmem:s30+$0x340];
	[tilespmem:s5+$0x14A50] =	vst v11  }
0x6c7: {  	[tilespmem:s21+$0x14DB0] =	vst v7;
	v36 =	vmul.f32 s31, v28;
	v11 =	vld [tilespmem:s25+$0x60]  }
0x6c8: {  	[tilespmem:s3+$0x14AC0] =	vst v34;
	v38 =	vmul.f32 s14, v29  }
0x6c9: {  	v7 =	vld [tilespmem:s16+$0x3C0];
	[tilespmem:s7+$0x14B40] =	vst v36;
	v15 =	vmul.f32 s6, v31  }
0x6ca: {  	v39 =	vld [tilespmem:s23+$0xD0];
	[tilespmem:s15+$0x14BC0] =	vst v38;
	v12 =	vmul.f32 s20, v33  }
0x6cb: {  	v40 =	vld [tilespmem:s24+$0x150];
	[tilespmem:s1+$0x14C40] =	vst v15;
	v14 =	vmul.f32 s12, v35  }
0x6cc: {  	v41 =	vld [tilespmem:s19+$0x1D0];
	[tilespmem:s11+$0x14CC0] =	vst v12;
	v11 =	vmul.f32 s18, v11  }
0x6cd: {  	v42 =	vld [tilespmem:s9+$0x250];
	[tilespmem:s13+$0x14D40] =	vst v14  }
0x6ce: {  	v8 =	vld [tilespmem:s8+$0x2D0];
	[tilespmem:s5+$0x14A60] =	vst v11  }
0x6cf: {  	v11 =	vld [tilespmem:s25+$0x70];
	_ =	sdelay $0x4  }
0x6d0: {  	v11 =	vmul.f32 s18, v11;
	_ =	sdelay $0x1  }
0x6d1: {  	[tilespmem:s5+$0x14A70] =	vst v11  }
0x6d2: {  	v11 =	vld [tilespmem:s25+$0x80];
	_ =	sdelay $0x4  }
0x6d3: {  	v11 =	vmul.f32 s18, v11;
	_ =	sdelay $0x1  }
0x6d4: {  	[tilespmem:s5+$0x14A80] =	vst v11  }
0x6d5: {  	v11 =	vld [tilespmem:s25+$0x90];
	_ =	sdelay $0x4  }
0x6d6: {  	v11 =	vmul.f32 s18, v11;
	_ =	sdelay $0x1  }
0x6d7: {  	[tilespmem:s5+$0x14A90] =	vst v11  }
0x6d8: {  	v11 =	vld [tilespmem:s25+$0xA0];
	_ =	sdelay $0x4  }
0x6d9: {  	v11 =	vmul.f32 s18, v11;
	_ =	sdelay $0x1  }
0x6da: {  	[tilespmem:s5+$0x14AA0] =	vst v11  }
0x6db: {  	v11 =	vld [tilespmem:s25+$0xB0];
	_ =	sdelay $0x4  }
0x6dc: {  	v11 =	vmul.f32 s18, v11;
	_ =	sdelay $0x1  }
0x6dd: {  	[tilespmem:s5+$0x14AB0] =	vst v11  }
0x6de: {  	v11 =	vld [tilespmem:s25+$0xC0];
	_ =	sdelay $0x4  }
0x6df: {  	v11 =	vmul.f32 s18, v11;
	_ =	sdelay $0x1  }
0x6e0: {  	[tilespmem:s5+$0x14AC0] =	vst v11  }
0x6e1: {  	v11 =	vld [tilespmem:s25+$0xD0];
	_ =	sdelay $0x3  }
0x6e2: {  	v43 =	vmul.f32 s2, v39  }
0x6e3: {  	v11 =	vmul.f32 s18, v11  }
0x6e4: {  	[tilespmem:s3+$0x14AD0] =	vst v43  }
0x6e5: {  	v12 =	vld [tilespmem:s23+$0xE0];
	[tilespmem:s5+$0x14AD0] =	vst v11  }
0x6e6: {  	v11 =	vld [tilespmem:s25+$0xE0];
	_ =	sdelay $0x3  }
0x6e7: {  	v12 =	vmul.f32 s2, v12  }
0x6e8: {  	v11 =	vmul.f32 s18, v11  }
0x6e9: {  	[tilespmem:s3+$0x14AE0] =	vst v12  }
0x6ea: {  	v12 =	vld [tilespmem:s23+$0xF0];
	[tilespmem:s5+$0x14AE0] =	vst v11  }
0x6eb: {  	v11 =	vld [tilespmem:s25+$0xF0];
	_ =	sdelay $0x3  }
0x6ec: {  	v12 =	vmul.f32 s2, v12  }
0x6ed: {  	v11 =	vmul.f32 s18, v11  }
0x6ee: {  	[tilespmem:s3+$0x14AF0] =	vst v12  }
0x6ef: {  	v12 =	vld [tilespmem:s23+$0x100];
	[tilespmem:s5+$0x14AF0] =	vst v11  }
0x6f0: {  	v11 =	vld [tilespmem:s25+$0x100];
	_ =	sdelay $0x3  }
0x6f1: {  	v12 =	vmul.f32 s2, v12  }
0x6f2: {  	v11 =	vmul.f32 s18, v11  }
0x6f3: {  	[tilespmem:s3+$0x14B00] =	vst v12  }
0x6f4: {  	v12 =	vld [tilespmem:s23+$0x110];
	[tilespmem:s5+$0x14B00] =	vst v11  }
0x6f5: {  	v11 =	vld [tilespmem:s25+$0x110];
	_ =	sdelay $0x3  }
0x6f6: {  	v12 =	vmul.f32 s2, v12  }
0x6f7: {  	v11 =	vmul.f32 s18, v11  }
0x6f8: {  	[tilespmem:s3+$0x14B10] =	vst v12  }
0x6f9: {  	v12 =	vld [tilespmem:s23+$0x120];
	[tilespmem:s5+$0x14B10] =	vst v11  }
0x6fa: {  	v11 =	vld [tilespmem:s25+$0x120];
	_ =	sdelay $0x3  }
0x6fb: {  	v12 =	vmul.f32 s2, v12  }
0x6fc: {  	v11 =	vmul.f32 s18, v11  }
0x6fd: {  	[tilespmem:s3+$0x14B20] =	vst v12  }
0x6fe: {  	v12 =	vld [tilespmem:s23+$0x130];
	[tilespmem:s5+$0x14B20] =	vst v11  }
0x6ff: {  	v11 =	vld [tilespmem:s25+$0x130];
	_ =	sdelay $0x3  }
0x700: {  	v12 =	vmul.f32 s2, v12  }
0x701: {  	v11 =	vmul.f32 s18, v11  }
0x702: {  	[tilespmem:s3+$0x14B30] =	vst v12  }
0x703: {  	v12 =	vld [tilespmem:s23+$0x140];
	[tilespmem:s5+$0x14B30] =	vst v11  }
0x704: {  	v11 =	vld [tilespmem:s25+$0x140];
	_ =	sdelay $0x3  }
0x705: {  	v12 =	vmul.f32 s2, v12  }
0x706: {  	v11 =	vmul.f32 s18, v11  }
0x707: {  	[tilespmem:s3+$0x14B40] =	vst v12  }
0x708: {  	v12 =	vld [tilespmem:s23+$0x150];
	[tilespmem:s5+$0x14B40] =	vst v11  }
0x709: {  	v11 =	vld [tilespmem:s25+$0x150];
	_ =	sdelay $0x2  }
0x70a: {  	v44 =	vmul.f32 s31, v40  }
0x70b: {  	v12 =	vmul.f32 s2, v12  }
0x70c: {  	[tilespmem:s7+$0x14B50] =	vst v44;
	v11 =	vmul.f32 s18, v11  }
0x70d: {  	v13 =	vld [tilespmem:s24+$0x160];
	[tilespmem:s3+$0x14B50] =	vst v12  }
0x70e: {  	v12 =	vld [tilespmem:s23+$0x160];
	[tilespmem:s5+$0x14B50] =	vst v11  }
0x70f: {  	v11 =	vld [tilespmem:s25+$0x160];
	_ =	sdelay $0x2  }
0x710: {  	v13 =	vmul.f32 s31, v13  }
0x711: {  	v12 =	vmul.f32 s2, v12  }
0x712: {  	[tilespmem:s7+$0x14B60] =	vst v13;
	v11 =	vmul.f32 s18, v11  }
0x713: {  	v13 =	vld [tilespmem:s24+$0x170];
	[tilespmem:s3+$0x14B60] =	vst v12  }
0x714: {  	v12 =	vld [tilespmem:s23+$0x170];
	[tilespmem:s5+$0x14B60] =	vst v11  }
0x715: {  	v11 =	vld [tilespmem:s25+$0x170];
	_ =	sdelay $0x2  }
0x716: {  	v13 =	vmul.f32 s31, v13  }
0x717: {  	v12 =	vmul.f32 s2, v12  }
0x718: {  	[tilespmem:s7+$0x14B70] =	vst v13;
	v11 =	vmul.f32 s18, v11  }
0x719: {  	v13 =	vld [tilespmem:s24+$0x180];
	[tilespmem:s3+$0x14B70] =	vst v12  }
0x71a: {  	v12 =	vld [tilespmem:s23+$0x180];
	[tilespmem:s5+$0x14B70] =	vst v11  }
0x71b: {  	v11 =	vld [tilespmem:s25+$0x180];
	_ =	sdelay $0x2  }
0x71c: {  	v13 =	vmul.f32 s31, v13  }
0x71d: {  	v12 =	vmul.f32 s2, v12  }
0x71e: {  	[tilespmem:s7+$0x14B80] =	vst v13;
	v11 =	vmul.f32 s18, v11  }
0x71f: {  	v13 =	vld [tilespmem:s24+$0x190];
	[tilespmem:s3+$0x14B80] =	vst v12  }
0x720: {  	v12 =	vld [tilespmem:s23+$0x190];
	[tilespmem:s5+$0x14B80] =	vst v11  }
0x721: {  	v11 =	vld [tilespmem:s25+$0x190];
	_ =	sdelay $0x2  }
0x722: {  	v13 =	vmul.f32 s31, v13  }
0x723: {  	v12 =	vmul.f32 s2, v12  }
0x724: {  	[tilespmem:s7+$0x14B90] =	vst v13;
	v11 =	vmul.f32 s18, v11  }
0x725: {  	v13 =	vld [tilespmem:s24+$0x1A0];
	[tilespmem:s3+$0x14B90] =	vst v12  }
0x726: {  	v12 =	vld [tilespmem:s23+$0x1A0];
	[tilespmem:s5+$0x14B90] =	vst v11  }
0x727: {  	v11 =	vld [tilespmem:s25+$0x1A0];
	_ =	sdelay $0x2  }
0x728: {  	v13 =	vmul.f32 s31, v13  }
0x729: {  	v12 =	vmul.f32 s2, v12  }
0x72a: {  	[tilespmem:s7+$0x14BA0] =	vst v13;
	v11 =	vmul.f32 s18, v11  }
0x72b: {  	v13 =	vld [tilespmem:s24+$0x1B0];
	[tilespmem:s3+$0x14BA0] =	vst v12  }
0x72c: {  	v12 =	vld [tilespmem:s23+$0x1B0];
	[tilespmem:s5+$0x14BA0] =	vst v11  }
0x72d: {  	v11 =	vld [tilespmem:s25+$0x1B0];
	_ =	sdelay $0x2  }
0x72e: {  	v13 =	vmul.f32 s31, v13  }
0x72f: {  	v12 =	vmul.f32 s2, v12  }
0x730: {  	[tilespmem:s7+$0x14BB0] =	vst v13;
	v11 =	vmul.f32 s18, v11  }
0x731: {  	v13 =	vld [tilespmem:s24+$0x1C0];
	[tilespmem:s3+$0x14BB0] =	vst v12  }
0x732: {  	v12 =	vld [tilespmem:s23+$0x1C0];
	[tilespmem:s5+$0x14BB0] =	vst v11  }
0x733: {  	v11 =	vld [tilespmem:s25+$0x1C0];
	_ =	sdelay $0x2  }
0x734: {  	v13 =	vmul.f32 s31, v13  }
0x735: {  	v12 =	vmul.f32 s2, v12  }
0x736: {  	[tilespmem:s7+$0x14BC0] =	vst v13;
	v11 =	vmul.f32 s18, v11  }
0x737: {  	v13 =	vld [tilespmem:s24+$0x1D0];
	[tilespmem:s3+$0x14BC0] =	vst v12  }
0x738: {  	v12 =	vld [tilespmem:s23+$0x1D0];
	[tilespmem:s5+$0x14BC0] =	vst v11  }
0x739: {  	v11 =	vld [tilespmem:s25+$0x1D0];
	_ =	sdelay $0x1  }
0x73a: {  	v10 =	vmul.f32 s14, v41  }
0x73b: {  	v13 =	vmul.f32 s31, v13  }
0x73c: {  	[tilespmem:s15+$0x14BD0] =	vst v10;
	v45 =	vmul.f32 s2, v12  }
0x73d: {  	v46 =	vld [tilespmem:s19+$0x1E0];
	[tilespmem:s7+$0x14BD0] =	vst v13;
	v11 =	vmul.f32 s18, v11  }
0x73e: {  	v13 =	vld [tilespmem:s24+$0x1E0];
	[tilespmem:s3+$0x14BD0] =	vst v45  }
0x73f: {  	v10 =	vld [tilespmem:s23+$0x1E0];
	[tilespmem:s5+$0x14BD0] =	vst v11  }
0x740: {  	v11 =	vld [tilespmem:s25+$0x1E0];
	_ =	sdelay $0x1  }
0x741: {  	v12 =	vmul.f32 s14, v46  }
0x742: {  	v13 =	vmul.f32 s31, v13  }
0x743: {  	[tilespmem:s15+$0x14BE0] =	vst v12;
	v10 =	vmul.f32 s2, v10  }
0x744: {  	[tilespmem:s7+$0x14BE0] =	vst v13;
	v12 =	vld [tilespmem:s19+$0x1F0];
	v11 =	vmul.f32 s18, v11  }
0x745: {  	v13 =	vld [tilespmem:s24+$0x1F0];
	[tilespmem:s3+$0x14BE0] =	vst v10  }
0x746: {  	v10 =	vld [tilespmem:s23+$0x1F0];
	[tilespmem:s5+$0x14BE0] =	vst v11  }
0x747: {  	v11 =	vld [tilespmem:s25+$0x1F0];
	_ =	sdelay $0x1  }
0x748: {  	v12 =	vmul.f32 s14, v12  }
0x749: {  	v13 =	vmul.f32 s31, v13  }
0x74a: {  	[tilespmem:s15+$0x14BF0] =	vst v12;
	v10 =	vmul.f32 s2, v10  }
0x74b: {  	[tilespmem:s7+$0x14BF0] =	vst v13;
	v12 =	vld [tilespmem:s19+$0x200];
	v11 =	vmul.f32 s18, v11  }
0x74c: {  	v13 =	vld [tilespmem:s24+$0x200];
	[tilespmem:s3+$0x14BF0] =	vst v10  }
0x74d: {  	v10 =	vld [tilespmem:s23+$0x200];
	[tilespmem:s5+$0x14BF0] =	vst v11  }
0x74e: {  	v11 =	vld [tilespmem:s25+$0x200];
	_ =	sdelay $0x1  }
0x74f: {  	v12 =	vmul.f32 s14, v12  }
0x750: {  	v13 =	vmul.f32 s31, v13  }
0x751: {  	[tilespmem:s15+$0x14C00] =	vst v12;
	v10 =	vmul.f32 s2, v10  }
0x752: {  	[tilespmem:s7+$0x14C00] =	vst v13;
	v12 =	vld [tilespmem:s19+$0x210];
	v11 =	vmul.f32 s18, v11  }
0x753: {  	v13 =	vld [tilespmem:s24+$0x210];
	[tilespmem:s3+$0x14C00] =	vst v10  }
0x754: {  	v10 =	vld [tilespmem:s23+$0x210];
	[tilespmem:s5+$0x14C00] =	vst v11  }
0x755: {  	v11 =	vld [tilespmem:s25+$0x210];
	_ =	sdelay $0x1  }
0x756: {  	v12 =	vmul.f32 s14, v12  }
0x757: {  	v13 =	vmul.f32 s31, v13  }
0x758: {  	[tilespmem:s15+$0x14C10] =	vst v12;
	v10 =	vmul.f32 s2, v10  }
0x759: {  	[tilespmem:s7+$0x14C10] =	vst v13;
	v12 =	vld [tilespmem:s19+$0x220];
	v11 =	vmul.f32 s18, v11  }
0x75a: {  	v13 =	vld [tilespmem:s24+$0x220];
	[tilespmem:s3+$0x14C10] =	vst v10  }
0x75b: {  	v10 =	vld [tilespmem:s23+$0x220];
	[tilespmem:s5+$0x14C10] =	vst v11  }
0x75c: {  	v11 =	vld [tilespmem:s25+$0x220];
	_ =	sdelay $0x1  }
0x75d: {  	v12 =	vmul.f32 s14, v12  }
0x75e: {  	v13 =	vmul.f32 s31, v13  }
0x75f: {  	[tilespmem:s15+$0x14C20] =	vst v12;
	v10 =	vmul.f32 s2, v10  }
0x760: {  	[tilespmem:s7+$0x14C20] =	vst v13;
	v12 =	vld [tilespmem:s19+$0x230];
	v11 =	vmul.f32 s18, v11  }
0x761: {  	v13 =	vld [tilespmem:s24+$0x230];
	[tilespmem:s3+$0x14C20] =	vst v10  }
0x762: {  	v10 =	vld [tilespmem:s23+$0x230];
	[tilespmem:s5+$0x14C20] =	vst v11  }
0x763: {  	v11 =	vld [tilespmem:s25+$0x230];
	_ =	sdelay $0x1  }
0x764: {  	v12 =	vmul.f32 s14, v12  }
0x765: {  	v13 =	vmul.f32 s31, v13  }
0x766: {  	[tilespmem:s15+$0x14C30] =	vst v12;
	v10 =	vmul.f32 s2, v10  }
0x767: {  	[tilespmem:s7+$0x14C30] =	vst v13;
	v12 =	vld [tilespmem:s19+$0x240];
	v11 =	vmul.f32 s18, v11  }
0x768: {  	v13 =	vld [tilespmem:s24+$0x240];
	[tilespmem:s3+$0x14C30] =	vst v10  }
0x769: {  	v10 =	vld [tilespmem:s23+$0x240];
	[tilespmem:s5+$0x14C30] =	vst v11  }
0x76a: {  	v11 =	vld [tilespmem:s25+$0x240];
	_ =	sdelay $0x1  }
0x76b: {  	v12 =	vmul.f32 s14, v12  }
0x76c: {  	v13 =	vmul.f32 s31, v13  }
0x76d: {  	[tilespmem:s15+$0x14C40] =	vst v12;
	v10 =	vmul.f32 s2, v10  }
0x76e: {  	[tilespmem:s7+$0x14C40] =	vst v13;
	v12 =	vld [tilespmem:s19+$0x250];
	v11 =	vmul.f32 s18, v11  }
0x76f: {  	v13 =	vld [tilespmem:s24+$0x250];
	[tilespmem:s3+$0x14C40] =	vst v10  }
0x770: {  	v10 =	vld [tilespmem:s23+$0x250];
	[tilespmem:s5+$0x14C40] =	vst v11  }
0x771: {  	v11 =	vld [tilespmem:s25+$0x250]  }
0x772: {  	v9 =	vmul.f32 s6, v42  }
0x773: {  	v12 =	vmul.f32 s14, v12  }
0x774: {  	[tilespmem:s1+$0x14C50] =	vst v9;
	v47 =	vmul.f32 s31, v13  }
0x775: {  	v48 =	vld [tilespmem:s9+$0x260];
	[tilespmem:s15+$0x14C50] =	vst v12;
	v10 =	vmul.f32 s2, v10  }
0x776: {  	[tilespmem:s7+$0x14C50] =	vst v47;
	v12 =	vld [tilespmem:s19+$0x260];
	v49 =	vmul.f32 s18, v11  }
0x777: {  	v50 =	vld [tilespmem:s24+$0x260];
	[tilespmem:s3+$0x14C50] =	vst v10  }
0x778: {  	v10 =	vld [tilespmem:s23+$0x260];
	[tilespmem:s5+$0x14C50] =	vst v49  }
0x779: {  	v9 =	vld [tilespmem:s25+$0x260]  }
0x77a: {  	v13 =	vmul.f32 s6, v48  }
0x77b: {  	v12 =	vmul.f32 s14, v12  }
0x77c: {  	[tilespmem:s1+$0x14C60] =	vst v13;
	v11 =	vmul.f32 s31, v50  }
0x77d: {  	v13 =	vld [tilespmem:s9+$0x270];
	[tilespmem:s15+$0x14C60] =	vst v12;
	v10 =	vmul.f32 s2, v10  }
0x77e: {  	v12 =	vld [tilespmem:s19+$0x270];
	[tilespmem:s7+$0x14C60] =	vst v11;
	v9 =	vmul.f32 s18, v9  }
0x77f: {  	[tilespmem:s3+$0x14C60] =	vst v10;
	v11 =	vld [tilespmem:s24+$0x270]  }
0x780: {  	v10 =	vld [tilespmem:s23+$0x270];
	[tilespmem:s5+$0x14C60] =	vst v9  }
0x781: {  	v9 =	vld [tilespmem:s25+$0x270]  }
0x782: {  	v13 =	vmul.f32 s6, v13  }
0x783: {  	v12 =	vmul.f32 s14, v12  }
0x784: {  	[tilespmem:s1+$0x14C70] =	vst v13;
	v11 =	vmul.f32 s31, v11  }
0x785: {  	v13 =	vld [tilespmem:s9+$0x280];
	[tilespmem:s15+$0x14C70] =	vst v12;
	v10 =	vmul.f32 s2, v10  }
0x786: {  	v12 =	vld [tilespmem:s19+$0x280];
	[tilespmem:s7+$0x14C70] =	vst v11;
	v9 =	vmul.f32 s18, v9  }
0x787: {  	[tilespmem:s3+$0x14C70] =	vst v10;
	v11 =	vld [tilespmem:s24+$0x280]  }
0x788: {  	v10 =	vld [tilespmem:s23+$0x280];
	[tilespmem:s5+$0x14C70] =	vst v9  }
0x789: {  	v9 =	vld [tilespmem:s25+$0x280]  }
0x78a: {  	v13 =	vmul.f32 s6, v13  }
0x78b: {  	v12 =	vmul.f32 s14, v12  }
0x78c: {  	[tilespmem:s1+$0x14C80] =	vst v13;
	v11 =	vmul.f32 s31, v11  }
0x78d: {  	v13 =	vld [tilespmem:s9+$0x290];
	[tilespmem:s15+$0x14C80] =	vst v12;
	v10 =	vmul.f32 s2, v10  }
0x78e: {  	v12 =	vld [tilespmem:s19+$0x290];
	[tilespmem:s7+$0x14C80] =	vst v11;
	v9 =	vmul.f32 s18, v9  }
0x78f: {  	[tilespmem:s3+$0x14C80] =	vst v10;
	v11 =	vld [tilespmem:s24+$0x290]  }
0x790: {  	v10 =	vld [tilespmem:s23+$0x290];
	[tilespmem:s5+$0x14C80] =	vst v9  }
0x791: {  	v9 =	vld [tilespmem:s25+$0x290]  }
0x792: {  	v13 =	vmul.f32 s6, v13  }
0x793: {  	v12 =	vmul.f32 s14, v12  }
0x794: {  	[tilespmem:s1+$0x14C90] =	vst v13;
	v11 =	vmul.f32 s31, v11  }
0x795: {  	v13 =	vld [tilespmem:s9+$0x2A0];
	[tilespmem:s15+$0x14C90] =	vst v12;
	v10 =	vmul.f32 s2, v10  }
0x796: {  	v12 =	vld [tilespmem:s19+$0x2A0];
	[tilespmem:s7+$0x14C90] =	vst v11;
	v9 =	vmul.f32 s18, v9  }
0x797: {  	[tilespmem:s3+$0x14C90] =	vst v10;
	v11 =	vld [tilespmem:s24+$0x2A0]  }
0x798: {  	v10 =	vld [tilespmem:s23+$0x2A0];
	[tilespmem:s5+$0x14C90] =	vst v9  }
0x799: {  	v9 =	vld [tilespmem:s25+$0x2A0]  }
0x79a: {  	v13 =	vmul.f32 s6, v13  }
0x79b: {  	v12 =	vmul.f32 s14, v12  }
0x79c: {  	[tilespmem:s1+$0x14CA0] =	vst v13;
	v11 =	vmul.f32 s31, v11  }
0x79d: {  	v13 =	vld [tilespmem:s9+$0x2B0];
	[tilespmem:s15+$0x14CA0] =	vst v12;
	v10 =	vmul.f32 s2, v10  }
0x79e: {  	v12 =	vld [tilespmem:s19+$0x2B0];
	[tilespmem:s7+$0x14CA0] =	vst v11;
	v9 =	vmul.f32 s18, v9  }
0x79f: {  	[tilespmem:s3+$0x14CA0] =	vst v10;
	v11 =	vld [tilespmem:s24+$0x2B0]  }
0x7a0: {  	v10 =	vld [tilespmem:s23+$0x2B0];
	[tilespmem:s5+$0x14CA0] =	vst v9  }
0x7a1: {  	v9 =	vld [tilespmem:s25+$0x2B0]  }
0x7a2: {  	v13 =	vmul.f32 s6, v13  }
0x7a3: {  	v12 =	vmul.f32 s14, v12  }
0x7a4: {  	[tilespmem:s1+$0x14CB0] =	vst v13;
	v11 =	vmul.f32 s31, v11  }
0x7a5: {  	v13 =	vld [tilespmem:s9+$0x2C0];
	[tilespmem:s15+$0x14CB0] =	vst v12;
	v10 =	vmul.f32 s2, v10  }
0x7a6: {  	v12 =	vld [tilespmem:s19+$0x2C0];
	[tilespmem:s7+$0x14CB0] =	vst v11;
	v9 =	vmul.f32 s18, v9  }
0x7a7: {  	[tilespmem:s3+$0x14CB0] =	vst v10;
	v11 =	vld [tilespmem:s24+$0x2C0]  }
0x7a8: {  	v10 =	vld [tilespmem:s23+$0x2C0];
	[tilespmem:s5+$0x14CB0] =	vst v9  }
0x7a9: {  	v9 =	vld [tilespmem:s25+$0x2C0]  }
0x7aa: {  	v13 =	vmul.f32 s6, v13  }
0x7ab: {  	v12 =	vmul.f32 s14, v12  }
0x7ac: {  	[tilespmem:s1+$0x14CC0] =	vst v13;
	v11 =	vmul.f32 s31, v11  }
0x7ad: {  	v13 =	vld [tilespmem:s9+$0x2D0];
	[tilespmem:s15+$0x14CC0] =	vst v12;
	v10 =	vmul.f32 s2, v10  }
0x7ae: {  	v12 =	vld [tilespmem:s19+$0x2D0];
	[tilespmem:s7+$0x14CC0] =	vst v11;
	v9 =	vmul.f32 s18, v9  }
0x7af: {  	[tilespmem:s3+$0x14CC0] =	vst v10;
	v11 =	vld [tilespmem:s24+$0x2D0]  }
0x7b0: {  	v10 =	vld [tilespmem:s23+$0x2D0];
	[tilespmem:s5+$0x14CC0] =	vst v9  }
0x7b1: {  	v8 =	vmul.f32 s20, v8;
	v9 =	vld [tilespmem:s25+$0x2D0]  }
0x7b2: {  	v13 =	vmul.f32 s6, v13  }
0x7b3: {  	[tilespmem:s11+$0x14CD0] =	vst v8;
	v8 =	vmul.f32 s14, v12  }
0x7b4: {  	v51 =	vld [tilespmem:s8+$0x2E0];
	[tilespmem:s1+$0x14CD0] =	vst v13;
	v11 =	vmul.f32 s31, v11  }
0x7b5: {  	v13 =	vld [tilespmem:s9+$0x2E0];
	[tilespmem:s15+$0x14CD0] =	vst v8;
	v8 =	vmul.f32 s2, v10  }
0x7b6: {  	v52 =	vld [tilespmem:s19+$0x2E0];
	[tilespmem:s7+$0x14CD0] =	vst v11;
	v9 =	vmul.f32 s18, v9  }
0x7b7: {  	[tilespmem:s3+$0x14CD0] =	vst v8;
	v11 =	vld [tilespmem:s24+$0x2E0]  }
0x7b8: {  	v8 =	vld [tilespmem:s23+$0x2E0];
	[tilespmem:s5+$0x14CD0] =	vst v9  }
0x7b9: {  	v53 =	vmul.f32 s20, v51;
	v54 =	vld [tilespmem:s25+$0x2E0]  }
0x7ba: {  	v13 =	vmul.f32 s6, v13  }
0x7bb: {  	[tilespmem:s11+$0x14CE0] =	vst v53;
	v55 =	vmul.f32 s14, v52  }
0x7bc: {  	v56 =	vld [tilespmem:s8+$0x2F0];
	[tilespmem:s1+$0x14CE0] =	vst v13;
	v11 =	vmul.f32 s31, v11  }
0x7bd: {  	v13 =	vld [tilespmem:s9+$0x2F0];
	[tilespmem:s15+$0x14CE0] =	vst v55;
	v8 =	vmul.f32 s2, v8  }
0x7be: {  	v9 =	vld [tilespmem:s19+$0x2F0];
	[tilespmem:s7+$0x14CE0] =	vst v11;
	v57 =	vmul.f32 s18, v54  }
0x7bf: {  	[tilespmem:s3+$0x14CE0] =	vst v8;
	v58 =	vld [tilespmem:s24+$0x2F0]  }
0x7c0: {  	v8 =	vld [tilespmem:s23+$0x2F0];
	[tilespmem:s5+$0x14CE0] =	vst v57  }
0x7c1: {  	v10 =	vmul.f32 s20, v56;
	v11 =	vld [tilespmem:s25+$0x2F0]  }
0x7c2: {  	v13 =	vmul.f32 s6, v13  }
0x7c3: {  	[tilespmem:s11+$0x14CF0] =	vst v10;
	v9 =	vmul.f32 s14, v9  }
0x7c4: {  	[tilespmem:s1+$0x14CF0] =	vst v13;
	v10 =	vld [tilespmem:s8+$0x300];
	v12 =	vmul.f32 s31, v58  }
0x7c5: {  	v13 =	vld [tilespmem:s9+$0x300];
	v8 =	vmul.f32 s2, v8;
	[tilespmem:s15+$0x14CF0] =	vst v9  }
0x7c6: {  	v9 =	vld [tilespmem:s19+$0x300];
	[tilespmem:s7+$0x14CF0] =	vst v12;
	v11 =	vmul.f32 s18, v11  }
0x7c7: {  	[tilespmem:s3+$0x14CF0] =	vst v8;
	v12 =	vld [tilespmem:s24+$0x300]  }
0x7c8: {  	v8 =	vld [tilespmem:s23+$0x300];
	[tilespmem:s5+$0x14CF0] =	vst v11  }
0x7c9: {  	v10 =	vmul.f32 s20, v10;
	v11 =	vld [tilespmem:s25+$0x300]  }
0x7ca: {  	v13 =	vmul.f32 s6, v13  }
0x7cb: {  	[tilespmem:s11+$0x14D00] =	vst v10;
	v9 =	vmul.f32 s14, v9  }
0x7cc: {  	[tilespmem:s1+$0x14D00] =	vst v13;
	v10 =	vld [tilespmem:s8+$0x310];
	v12 =	vmul.f32 s31, v12  }
0x7cd: {  	v13 =	vld [tilespmem:s9+$0x310];
	v8 =	vmul.f32 s2, v8;
	[tilespmem:s15+$0x14D00] =	vst v9  }
0x7ce: {  	v9 =	vld [tilespmem:s19+$0x310];
	[tilespmem:s7+$0x14D00] =	vst v12;
	v11 =	vmul.f32 s18, v11  }
0x7cf: {  	[tilespmem:s3+$0x14D00] =	vst v8;
	v12 =	vld [tilespmem:s24+$0x310]  }
0x7d0: {  	v8 =	vld [tilespmem:s23+$0x310];
	[tilespmem:s5+$0x14D00] =	vst v11  }
0x7d1: {  	v10 =	vmul.f32 s20, v10;
	v11 =	vld [tilespmem:s25+$0x310]  }
0x7d2: {  	v13 =	vmul.f32 s6, v13  }
0x7d3: {  	[tilespmem:s11+$0x14D10] =	vst v10;
	v9 =	vmul.f32 s14, v9  }
0x7d4: {  	[tilespmem:s1+$0x14D10] =	vst v13;
	v10 =	vld [tilespmem:s8+$0x320];
	v12 =	vmul.f32 s31, v12  }
0x7d5: {  	v13 =	vld [tilespmem:s9+$0x320];
	v8 =	vmul.f32 s2, v8;
	[tilespmem:s15+$0x14D10] =	vst v9  }
0x7d6: {  	v9 =	vld [tilespmem:s19+$0x320];
	[tilespmem:s7+$0x14D10] =	vst v12;
	v11 =	vmul.f32 s18, v11  }
0x7d7: {  	[tilespmem:s3+$0x14D10] =	vst v8;
	v12 =	vld [tilespmem:s24+$0x320]  }
0x7d8: {  	v8 =	vld [tilespmem:s23+$0x320];
	[tilespmem:s5+$0x14D10] =	vst v11  }
0x7d9: {  	v10 =	vmul.f32 s20, v10;
	v11 =	vld [tilespmem:s25+$0x320]  }
0x7da: {  	v13 =	vmul.f32 s6, v13  }
0x7db: {  	[tilespmem:s11+$0x14D20] =	vst v10;
	v9 =	vmul.f32 s14, v9  }
0x7dc: {  	[tilespmem:s1+$0x14D20] =	vst v13;
	v10 =	vld [tilespmem:s8+$0x330];
	v12 =	vmul.f32 s31, v12  }
0x7dd: {  	v13 =	vld [tilespmem:s9+$0x330];
	v8 =	vmul.f32 s2, v8;
	[tilespmem:s15+$0x14D20] =	vst v9  }
0x7de: {  	v9 =	vld [tilespmem:s19+$0x330];
	[tilespmem:s7+$0x14D20] =	vst v12;
	v11 =	vmul.f32 s18, v11  }
0x7df: {  	[tilespmem:s3+$0x14D20] =	vst v8;
	v12 =	vld [tilespmem:s24+$0x330]  }
0x7e0: {  	v8 =	vld [tilespmem:s23+$0x330];
	[tilespmem:s5+$0x14D20] =	vst v11  }
0x7e1: {  	v10 =	vmul.f32 s20, v10;
	v11 =	vld [tilespmem:s25+$0x330]  }
0x7e2: {  	v13 =	vmul.f32 s6, v13  }
0x7e3: {  	[tilespmem:s11+$0x14D30] =	vst v10;
	v9 =	vmul.f32 s14, v9  }
0x7e4: {  	[tilespmem:s1+$0x14D30] =	vst v13;
	v10 =	vld [tilespmem:s8+$0x340];
	v12 =	vmul.f32 s31, v12  }
0x7e5: {  	v13 =	vld [tilespmem:s9+$0x340];
	v8 =	vmul.f32 s2, v8;
	[tilespmem:s15+$0x14D30] =	vst v9  }
0x7e6: {  	v9 =	vld [tilespmem:s19+$0x340];
	[tilespmem:s7+$0x14D30] =	vst v12;
	v11 =	vmul.f32 s18, v11  }
0x7e7: {  	[tilespmem:s3+$0x14D30] =	vst v8;
	v12 =	vld [tilespmem:s24+$0x340]  }
0x7e8: {  	v8 =	vld [tilespmem:s23+$0x340];
	[tilespmem:s5+$0x14D30] =	vst v11  }
0x7e9: {  	v10 =	vmul.f32 s20, v10;
	v11 =	vld [tilespmem:s25+$0x340]  }
0x7ea: {  	v13 =	vmul.f32 s6, v13  }
0x7eb: {  	v59 =	vld [tilespmem:s30+$0x350];
	[tilespmem:s11+$0x14D40] =	vst v10;
	v9 =	vmul.f32 s14, v9  }
0x7ec: {  	[tilespmem:s1+$0x14D40] =	vst v13;
	v10 =	vld [tilespmem:s8+$0x350];
	v12 =	vmul.f32 s31, v12  }
0x7ed: {  	v13 =	vld [tilespmem:s9+$0x350];
	v8 =	vmul.f32 s2, v8;
	[tilespmem:s15+$0x14D40] =	vst v9  }
0x7ee: {  	v9 =	vld [tilespmem:s19+$0x350];
	[tilespmem:s7+$0x14D40] =	vst v12;
	v11 =	vmul.f32 s18, v11  }
0x7ef: {  	[tilespmem:s3+$0x14D40] =	vst v8;
	v12 =	vld [tilespmem:s24+$0x350]  }
0x7f0: {  	v8 =	vmul.f32 s12, v59;
	v60 =	vld [tilespmem:s23+$0x350];
	[tilespmem:s5+$0x14D40] =	vst v11  }
0x7f1: {  	v10 =	vmul.f32 s20, v10;
	v11 =	vld [tilespmem:s25+$0x350]  }
0x7f2: {  	[tilespmem:s13+$0x14D50] =	vst v8;
	v8 =	vmul.f32 s6, v13  }
0x7f3: {  	[tilespmem:s11+$0x14D50] =	vst v10;
	v61 =	vld [tilespmem:s30+$0x360];
	v9 =	vmul.f32 s14, v9  }
0x7f4: {  	v10 =	vld [tilespmem:s8+$0x360];
	[tilespmem:s1+$0x14D50] =	vst v8;
	v8 =	vmul.f32 s31, v12  }
0x7f5: {  	v62 =	vld [tilespmem:s9+$0x360];
	v63 =	vmul.f32 s2, v60;
	[tilespmem:s15+$0x14D50] =	vst v9  }
0x7f6: {  	v16 =	vld [tilespmem:s19+$0x360];
	[tilespmem:s7+$0x14D50] =	vst v8;
	v8 =	vmul.f32 s18, v11  }
0x7f7: {  	[tilespmem:s3+$0x14D50] =	vst v63;
	v17 =	vld [tilespmem:s24+$0x360]  }
0x7f8: {  	v18 =	vmul.f32 s12, v61;
	v19 =	vld [tilespmem:s23+$0x360];
	[tilespmem:s5+$0x14D50] =	vst v8  }
0x7f9: {  	v8 =	vmul.f32 s20, v10;
	v20 =	vld [tilespmem:s25+$0x360]  }
0x7fa: {  	[tilespmem:s13+$0x14D60] =	vst v18;
	v21 =	vmul.f32 s6, v62  }
0x7fb: {  	v22 =	vld [tilespmem:s30+$0x370];
	[tilespmem:s11+$0x14D60] =	vst v8;
	v8 =	vmul.f32 s14, v16  }
0x7fc: {  	[tilespmem:s1+$0x14D60] =	vst v21;
	v24 =	vmul.f32 s31, v17;
	v23 =	vld [tilespmem:s8+$0x370]  }
0x7fd: {  	v25 =	vld [tilespmem:s9+$0x370];
	[tilespmem:s15+$0x14D60] =	vst v8;
	v8 =	vmul.f32 s2, v19  }
0x7fe: {  	[tilespmem:s7+$0x14D60] =	vst v24;
	v26 =	vld [tilespmem:s19+$0x370];
	v27 =	vmul.f32 s18, v20  }
0x7ff: {  	v28 =	vld [tilespmem:s24+$0x370];
	[tilespmem:s3+$0x14D60] =	vst v8  }
0x800: {  	v8 =	vmul.f32 s12, v22;
	v29 =	vld [tilespmem:s23+$0x370];
	[tilespmem:s5+$0x14D60] =	vst v27  }
0x801: {  	v30 =	vmul.f32 s20, v23;
	v31 =	vld [tilespmem:s25+$0x370]  }
0x802: {  	[tilespmem:s13+$0x14D70] =	vst v8;
	v8 =	vmul.f32 s6, v25  }
0x803: {  	v32 =	vld [tilespmem:s30+$0x380];
	[tilespmem:s11+$0x14D70] =	vst v30;
	v33 =	vmul.f32 s14, v26  }
0x804: {  	[tilespmem:s1+$0x14D70] =	vst v8;
	v8 =	vmul.f32 s31, v28;
	v34 =	vld [tilespmem:s8+$0x380]  }
0x805: {  	v35 =	vld [tilespmem:s9+$0x380];
	[tilespmem:s15+$0x14D70] =	vst v33;
	v36 =	vmul.f32 s2, v29  }
0x806: {  	[tilespmem:s7+$0x14D70] =	vst v8;
	v37 =	vld [tilespmem:s19+$0x380];
	v8 =	vmul.f32 s18, v31  }
0x807: {  	v38 =	vld [tilespmem:s24+$0x380];
	[tilespmem:s3+$0x14D70] =	vst v36  }
0x808: {  	v39 =	vmul.f32 s12, v32;
	v40 =	vld [tilespmem:s23+$0x380];
	[tilespmem:s5+$0x14D70] =	vst v8  }
0x809: {  	v8 =	vmul.f32 s20, v34;
	v41 =	vld [tilespmem:s25+$0x380]  }
0x80a: {  	[tilespmem:s13+$0x14D80] =	vst v39;
	v42 =	vmul.f32 s6, v35  }
0x80b: {  	v43 =	vld [tilespmem:s30+$0x390];
	[tilespmem:s11+$0x14D80] =	vst v8;
	v8 =	vmul.f32 s14, v37  }
0x80c: {  	[tilespmem:s1+$0x14D80] =	vst v42;
	v45 =	vmul.f32 s31, v38;
	v44 =	vld [tilespmem:s8+$0x390]  }
0x80d: {  	v46 =	vld [tilespmem:s9+$0x390];
	[tilespmem:s15+$0x14D80] =	vst v8;
	v8 =	vmul.f32 s2, v40  }
0x80e: {  	[tilespmem:s7+$0x14D80] =	vst v45;
	v47 =	vld [tilespmem:s19+$0x390];
	v48 =	vmul.f32 s18, v41  }
0x80f: {  	v49 =	vld [tilespmem:s24+$0x390];
	[tilespmem:s3+$0x14D80] =	vst v8  }
0x810: {  	v8 =	vmul.f32 s12, v43;
	v50 =	vld [tilespmem:s23+$0x390];
	[tilespmem:s5+$0x14D80] =	vst v48  }
0x811: {  	v51 =	vmul.f32 s20, v44;
	v52 =	vld [tilespmem:s25+$0x390]  }
0x812: {  	[tilespmem:s13+$0x14D90] =	vst v8;
	v8 =	vmul.f32 s6, v46  }
0x813: {  	v53 =	vld [tilespmem:s30+$0x3A0];
	[tilespmem:s11+$0x14D90] =	vst v51;
	v54 =	vmul.f32 s14, v47  }
0x814: {  	[tilespmem:s1+$0x14D90] =	vst v8;
	v8 =	vmul.f32 s31, v49;
	v55 =	vld [tilespmem:s8+$0x3A0]  }
0x815: {  	v56 =	vld [tilespmem:s9+$0x3A0];
	[tilespmem:s15+$0x14D90] =	vst v54;
	v57 =	vmul.f32 s2, v50  }
0x816: {  	[tilespmem:s7+$0x14D90] =	vst v8;
	v58 =	vld [tilespmem:s19+$0x3A0];
	v8 =	vmul.f32 s18, v52  }
0x817: {  	v59 =	vld [tilespmem:s24+$0x3A0];
	[tilespmem:s3+$0x14D90] =	vst v57  }
0x818: {  	v60 =	vmul.f32 s12, v53;
	v61 =	vld [tilespmem:s23+$0x3A0];
	[tilespmem:s5+$0x14D90] =	vst v8  }
0x819: {  	v8 =	vmul.f32 s20, v55;
	v62 =	vld [tilespmem:s25+$0x3A0]  }
0x81a: {  	[tilespmem:s13+$0x14DA0] =	vst v60;
	v63 =	vmul.f32 s6, v56  }
0x81b: {  	v16 =	vld [tilespmem:s30+$0x3B0];
	[tilespmem:s11+$0x14DA0] =	vst v8;
	v8 =	vmul.f32 s14, v58  }
0x81c: {  	[tilespmem:s1+$0x14DA0] =	vst v63;
	v18 =	vmul.f32 s31, v59;
	v17 =	vld [tilespmem:s8+$0x3B0]  }
0x81d: {  	v19 =	vld [tilespmem:s9+$0x3B0];
	[tilespmem:s15+$0x14DA0] =	vst v8;
	v8 =	vmul.f32 s2, v61  }
0x81e: {  	[tilespmem:s7+$0x14DA0] =	vst v18;
	v20 =	vld [tilespmem:s19+$0x3B0];
	v21 =	vmul.f32 s18, v62  }
0x81f: {  	v22 =	vld [tilespmem:s24+$0x3B0];
	[tilespmem:s3+$0x14DA0] =	vst v8  }
0x820: {  	v8 =	vmul.f32 s12, v16;
	v23 =	vld [tilespmem:s23+$0x3B0];
	[tilespmem:s5+$0x14DA0] =	vst v21  }
0x821: {  	v24 =	vmul.f32 s20, v17;
	v25 =	vld [tilespmem:s25+$0x3B0]  }
0x822: {  	[tilespmem:s13+$0x14DB0] =	vst v8;
	v8 =	vmul.f32 s6, v19  }
0x823: {  	v26 =	vld [tilespmem:s30+$0x3C0];
	[tilespmem:s11+$0x14DB0] =	vst v24;
	v27 =	vmul.f32 s14, v20  }
0x824: {  	[tilespmem:s1+$0x14DB0] =	vst v8;
	v8 =	vmul.f32 s31, v22;
	v28 =	vld [tilespmem:s8+$0x3C0]  }
0x825: {  	v29 =	vld [tilespmem:s9+$0x3C0];
	[tilespmem:s15+$0x14DB0] =	vst v27;
	v30 =	vmul.f32 s2, v23  }
0x826: {  	[tilespmem:s7+$0x14DB0] =	vst v8;
	v31 =	vld [tilespmem:s19+$0x3C0];
	v8 =	vmul.f32 s18, v25  }
0x827: {  	v7 =	vmul.f32 s29, v7;
	v32 =	vld [tilespmem:s24+$0x3C0];
	[tilespmem:s3+$0x14DB0] =	vst v30  }
0x828: {  	v33 =	vmul.f32 s12, v26;
	v34 =	vld [tilespmem:s23+$0x3C0];
	[tilespmem:s5+$0x14DB0] =	vst v8  }
0x829: {  	[tilespmem:s21+$0x14DC0] =	vst v7;
	v7 =	vmul.f32 s20, v28;
	v8 =	vld [tilespmem:s25+$0x3C0]  }
0x82a: {  	v35 =	vld [tilespmem:s16+$0x3D0];
	[tilespmem:s13+$0x14DC0] =	vst v33;
	v36 =	vmul.f32 s6, v29  }
0x82b: {  	v37 =	vld [tilespmem:s30+$0x3D0];
	[tilespmem:s11+$0x14DC0] =	vst v7;
	v7 =	vmul.f32 s14, v31  }
0x82c: {  	[tilespmem:s1+$0x14DC0] =	vst v36;
	v39 =	vmul.f32 s31, v32;
	v38 =	vld [tilespmem:s8+$0x3D0]  }
0x82d: {  	v40 =	vld [tilespmem:s9+$0x3D0];
	[tilespmem:s15+$0x14DC0] =	vst v7;
	v7 =	vmul.f32 s2, v34  }
0x82e: {  	[tilespmem:s7+$0x14DC0] =	vst v39;
	v41 =	vld [tilespmem:s19+$0x3D0];
	v8 =	vmul.f32 s18, v8  }
0x82f: {  	v42 =	vmul.f32 s29, v35;
	v43 =	vld [tilespmem:s24+$0x3D0];
	[tilespmem:s3+$0x14DC0] =	vst v7  }
0x830: {  	v7 =	vmul.f32 s12, v37;
	v44 =	vld [tilespmem:s23+$0x3D0];
	[tilespmem:s5+$0x14DC0] =	vst v8  }
0x831: {  	[tilespmem:s21+$0x14DD0] =	vst v42;
	v8 =	vmul.f32 s20, v38;
	v45 =	vld [tilespmem:s25+$0x3D0]  }
0x832: {  	v46 =	vld [tilespmem:s16+$0x3E0];
	[tilespmem:s13+$0x14DD0] =	vst v7;
	v7 =	vmul.f32 s6, v40  }
0x833: {  	v47 =	vld [tilespmem:s30+$0x3E0];
	[tilespmem:s11+$0x14DD0] =	vst v8;
	v8 =	vmul.f32 s14, v41  }
0x834: {  	[tilespmem:s1+$0x14DD0] =	vst v7;
	v7 =	vmul.f32 s31, v43;
	v48 =	vld [tilespmem:s8+$0x3E0]  }
0x835: {  	v49 =	vld [tilespmem:s9+$0x3E0];
	[tilespmem:s15+$0x14DD0] =	vst v8;
	v8 =	vmul.f32 s2, v44  }
0x836: {  	[tilespmem:s7+$0x14DD0] =	vst v7;
	v50 =	vld [tilespmem:s19+$0x3E0];
	v7 =	vmul.f32 s18, v45  }
0x837: {  	v51 =	vmul.f32 s29, v46;
	v52 =	vld [tilespmem:s24+$0x3E0];
	[tilespmem:s3+$0x14DD0] =	vst v8  }
0x838: {  	v8 =	vmul.f32 s12, v47;
	v53 =	vld [tilespmem:s23+$0x3E0];
	[tilespmem:s5+$0x14DD0] =	vst v7  }
0x839: {  	[tilespmem:s21+$0x14DE0] =	vst v51;
	v7 =	vmul.f32 s20, v48;
	v54 =	vld [tilespmem:s25+$0x3E0]  }
0x83a: {  	v55 =	vld [tilespmem:s16+$0x3F0];
	[tilespmem:s13+$0x14DE0] =	vst v8;
	v8 =	vmul.f32 s6, v49  }
0x83b: {  	v56 =	vld [tilespmem:s30+$0x3F0];
	[tilespmem:s11+$0x14DE0] =	vst v7;
	v7 =	vmul.f32 s14, v50  }
0x83c: {  	[tilespmem:s1+$0x14DE0] =	vst v8;
	v8 =	vmul.f32 s31, v52;
	v57 =	vld [tilespmem:s8+$0x3F0]  }
0x83d: {  	v58 =	vld [tilespmem:s9+$0x3F0];
	[tilespmem:s15+$0x14DE0] =	vst v7;
	v7 =	vmul.f32 s2, v53  }
0x83e: {  	[tilespmem:s7+$0x14DE0] =	vst v8;
	v59 =	vld [tilespmem:s19+$0x3F0];
	v8 =	vmul.f32 s18, v54  }
0x83f: {  	v60 =	vmul.f32 s29, v55;
	v61 =	vld [tilespmem:s24+$0x3F0];
	[tilespmem:s3+$0x14DE0] =	vst v7  }
0x840: {  	v7 =	vmul.f32 s12, v56;
	v62 =	vld [tilespmem:s23+$0x3F0];
	[tilespmem:s5+$0x14DE0] =	vst v8  }
0x841: {  	[tilespmem:s21+$0x14DF0] =	vst v60;
	v8 =	vmul.f32 s20, v57;
	v63 =	vld [tilespmem:s25+$0x3F0]  }
0x842: {  	[tilespmem:s13+$0x14DF0] =	vst v7;
	v7 =	vmul.f32 s6, v58  }
0x843: {  	[tilespmem:s11+$0x14DF0] =	vst v8;
	v8 =	vmul.f32 s14, v59  }
0x844: {  	[tilespmem:s1+$0x14DF0] =	vst v7;
	v7 =	vmul.f32 s31, v61  }
0x845: {  	[tilespmem:s15+$0x14DF0] =	vst v8;
	v8 =	vmul.f32 s2, v62  }
0x846: {  	[tilespmem:s7+$0x14DF0] =	vst v7;
	v7 =	vmul.f32 s18, v63  }
0x847: {  	[tilespmem:s3+$0x14DF0] =	vst v8  }
0x848: {  	[tilespmem:s5+$0x14DF0] =	vst v7  }
0x849: {  	s0 =	simm.s32 @p0 $0x0;
	s1 =	simm.s32 @p0 $0xFA00;
	s2 =	rddreg [dreg:$0x1d]  }
0x84a: {  	[hbm4b:s2+s0] =	stream.linear.scatter @p0 [tilespmem:s1], [sflag:$0x2], $0x3000, $0x38;
	[tilespmem:$0x1CE00] =	vst v63  }
0x84b: {  	s0 =	simm.s32 @p0 $0x2  }
0x84c: {  	_ =	swait.ge @p0 [sflag:s0], $0x3000  }
0x84d: {  	[sflag:s0] =	ssyncset.done @p0 $0x0  }
0x84e: {  	[sflag:s0] =	ssyncadd.s32 @p0 $0xFFFFD000;
	s0 =	simm.s32 @!p0 $0x1  }
0x84f: {  	_ =	swait.ge @!p0 [sflag:s0], $0x5000  }
0x850: {  	s1 =	simm.s32 @!p0 $0x14A00;
	[sflag:s0] =	ssyncset.done @!p0 $0x0  }
0x851: {  	s2 =	rddreg [dreg:$0x1e];
	[sflag:s0] =	ssyncadd.s32 @!p0 $0xFFFFB000;
	s0 =	simm.s32 @!p0 $0x0  }
0x852: {  	[hbm4b:s2+s0] =	stream.linear.scatter @!p0 [tilespmem:s1], [sflag:$0x2], $0x4800, $0x38;
	[tilespmem:$0x1CE00] =	vst v63  }
.Ltmp7:
0x853: {  	s0 =	simm.s32 @!p0 $0x2;
	(pc) =	sbr.rel .LBB2_21-.Ltmp7, $4  }
0x854: {  	_ =	swait.ge @!p0 [sflag:s0], $0x4800  }
0x855: {  	s1 =	sld [smem:$0x7FA]  }
0x856: {  	s21 =	simm.s32 $0x6000;
	[sflag:s0] =	ssyncset.done @!p0 $0x0  }
0x857: {  	s23 =	simm.s32 $0x19200;
	s5 =	simm.s32 $0x6280;
	[sflag:s0] =	ssyncadd.s32 @!p0 $0xFFFFB800  }
.LBB2_11:
0x858: {  	[smem:$0x7F8] =	sst s0;
	s1 =	sshll.u32 s0, $0x7  }
0x859: {  	s29 =	rddreg [dreg:$0x1a];
	s30 =	simm.s32 $0x400;
	s2 =	simm.s32 $0x2000  }
0x85a: {  	s31 =	simm.s32 $0x2;
	[smem:$0x7F9] =	sst s1;
	s0 =	sadd.s32 s29, s1  }
0x85b: {  	[tilespmem:s23], [sflag:$0x2] =	stream.strided.gather [hbm4b:s0+s30], $0x3C00, s2, s30, $0x38;
	[tilespmem:$0x1CE00] =	vst v63  }
0x85c: {  	_ =	swait.ge [sflag:s31], $0x3C00  }
0x85d: {  	[sflag:s31] =	ssyncset.done $0x0  }
0x85e: {  	s3 =	simm.s32 $0x0;
	[sflag:s31] =	ssyncadd.s32 $0xFFFFC400  }
.LBB2_12:
0x85f: {  	s0 =	simm.s32 $0x0  }
0x860: {  	v8 =	vor.u32 s0, v2  }
0x861: {  	v7 =	vmulhi.u32 $0x24924925, v8;
	_ =	sdelay $0x1  }
0x862: {  	v9 =	vsub.s32 v8, v7  }
0x863: {  	v9 =	vshrl.u32 v9, $0x1  }
0x864: {  	v7 =	vadd.s32 v7, v9  }
0x865: {  	v7 =	vshrl.u32 v7, $0x2  }
0x866: {  	v9 =	vmul.u32 $0xFFFFFFF9, v7  }
0x867: {  	v10 =	vmov s0;
	v11 =	vsub.s32 $0x0, v8  }
0x868: {  	vm9 =	veq.s32 v10, v2;
	vm10 =	vne.s32 v9, v11  }
0x869: {  	vm9 =	vmand vm9, vm10  }
0x86a: {  	v9 =	vsel vm9, $0xFFFFFFFF, v3  }
0x86b: {  	s31 =	simm.s32 $0x10;
	v9 =	vadd.s32 v9, v7  }
0x86c: {  	v7 =	vor.u32 s31, v2  }
0x86d: {  	v10 =	vmulhi.u32 $0x24924925, v7;
	_ =	sdelay $0x1  }
0x86e: {  	v11 =	vsub.s32 v7, v10  }
0x86f: {  	v11 =	vshrl.u32 v11, $0x1;
	v12 =	vld.idx.msk [tilespmem:v9+s5+$0x0], $0xffff  }
0x870: {  	v10 =	vadd.s32 v10, v11  }
0x871: {  	v11 =	vshrl.u32 v10, $0x2  }
0x872: {  	v10 =	vmul.u32 $0xFFFFFFF9, v11  }
0x873: {  	v13 =	vmov s31;
	v14 =	vsub.s32 $0x0, v7;
	v9 =	vmul.u32 $0xFFFFFFF9, v9  }
0x874: {  	vm9 =	veq.s32 v13, v2;
	vm10 =	vne.s32 v10, v14;
	v10 =	vmul.u32 $0x7, v12  }
0x875: {  	v8 =	vadd.s32 v8, v9;
	vm9 =	vmand vm9, vm10  }
0x876: {  	v9 =	vsel vm9, $0xFFFFFFFF, v3;
	v10 =	vadd.s32 v10, v8  }
0x877: {  	v9 =	vadd.s32 v9, v11  }
0x878: {  	s0 =	simm.s32 $0x20  }
0x879: {  	s1 =	simm.s32 $0x30;
	v8 =	vor.u32 s0, v2  }
.LBB2_13:
0x87a: {  	p1 =	sne.s32 s1, $0x4A0;
	v11 =	vmulhi.u32 $0x24924925, v8  }
0x87b: {  	[tilespmem:v10+s22+$0x0] =	vst.idx.msk $0xffff, v4  }
0x87c: {  	v10 =	vsub.s32 v8, v11;
	v12 =	vld.idx.msk [tilespmem:v9+s5+$0x0], $0xffff  }
0x87d: {  	v10 =	vshrl.u32 v10, $0x1  }
0x87e: {  	v10 =	vadd.s32 v11, v10  }
0x87f: {  	v11 =	vshrl.u32 v10, $0x2  }
0x880: {  	v10 =	vmul.u32 $0xFFFFFFF9, v11  }
0x881: {  	v13 =	vmov s0;
	v14 =	vsub.s32 $0x0, v8;
	s0 =	smov.u32 s1;
	v9 =	vmul.u32 $0xFFFFFFF9, v9  }
0x882: {  	vm9 =	veq.s32 v13, v2;
	vm10 =	vne.s32 v10, v14;
	v10 =	vmul.u32 $0x7, v12  }
.Ltmp8:
0x883: {  	v9 =	vadd.s32 v7, v9;
	v7 =	vmov v8;
	vm9 =	vmand vm9, vm10;
	(pc) =	sbr.rel @p1 .LBB2_13-.Ltmp8, $3  }
0x884: {  	v8 =	vsel vm9, $0xFFFFFFFF, v3;
	v10 =	vadd.s32 v10, v9  }
0x885: {  	v9 =	vadd.s32 v8, v11;
	_ =	sdelay $0x1  }
0x886: {  	s1 =	sadd.s32 $0x10, s1;
	v8 =	vor.u32 s0, v2  }
0x887: {  	_ =	sdelay $0x1  }
0x888: {  	v11 =	vmulhi.u32 $0x24924925, v8;
	_ =	sdelay $0x1  }
0x889: {  	[tilespmem:v10+s22+$0x0] =	vst.idx.msk $0xffff, v4;
	v10 =	vsub.s32 v8, v11  }
0x88a: {  	v12 =	vld.idx.msk [tilespmem:v9+s5+$0x0], $0xffff;
	v10 =	vshrl.u32 v10, $0x1  }
0x88b: {  	v10 =	vadd.s32 v11, v10  }
0x88c: {  	v10 =	vshrl.u32 v10, $0x2  }
0x88d: {  	v11 =	vmul.u32 $0xFFFFFFF9, v10  }
0x88e: {  	v13 =	vmov s0;
	v14 =	vsub.s32 $0x0, v8;
	v9 =	vmul.u32 $0xFFFFFFF9, v9  }
0x88f: {  	vm9 =	veq.s32 v13, v2;
	vm10 =	vne.s32 v11, v14;
	v11 =	vmul.u32 $0x7, v12  }
0x890: {  	v7 =	vadd.s32 v7, v9;
	vm9 =	vmand vm9, vm10  }
0x891: {  	v9 =	vsel vm9, $0xFFFFFFFF, v3;
	v7 =	vadd.s32 v11, v7  }
0x892: {  	v9 =	vadd.s32 v9, v10;
	_ =	sdelay $0x3  }
0x893: {  	[tilespmem:v7+s22+$0x0] =	vst.idx.msk $0xffff, v4  }
0x894: {  	v7 =	vld.idx.msk [tilespmem:v9+s5+$0x0], $0xffff;
	_ =	sdelay $0x3  }
0x895: {  	v9 =	vmul.u32 $0xFFFFFFF9, v9  }
0x896: {  	v7 =	vmul.u32 $0x7, v7  }
0x897: {  	v8 =	vadd.s32 v8, v9  }
0x898: {  	v7 =	vadd.s32 v7, v8;
	_ =	sdelay $0x2  }
0x899: {  	s26 =	simm.s32 $0x0;
	v8 =	vmov s3  }
0x89a: {  	v12 =	vor.u32 s26, v2;
	v8 =	vand.u32 $0x7F, v8  }
0x89b: {  	[tilespmem:v7+s22+$0x0] =	vst.idx.msk $0xffff, v4;
	v7 =	vbroadcast v8, $0x0;
	v8 =	vmulhi.u32 $0x24924925, v12;
	_ =	sdelay $0x1  }
0x89c: {  	v9 =	vsub.s32 v12, v8  }
0x89d: {  	v9 =	vshrl.u32 v9, $0x1  }
0x89e: {  	v8 =	vadd.s32 v8, v9  }
0x89f: {  	v8 =	vshrl.u32 v8, $0x2  }
0x8a0: {  	v9 =	vmul.u32 $0xFFFFFFF9, v8  }
0x8a1: {  	v11 =	vsub.s32 $0x0, v12;
	v10 =	vmov s26  }
0x8a2: {  	vm9 =	veq.s32 v10, v2;
	vm10 =	vne.s32 v9, v11  }
0x8a3: {  	vm9 =	vmand vm9, vm10  }
0x8a4: {  	v9 =	vsel vm9, $0xFFFFFFFF, v3  }
0x8a5: {  	v14 =	vadd.s32 v9, v8  }
0x8a6: {  	(v2sf) =	vpush v14, $0x0  }
0x8a7: {  	(v2sf) =	vpush v14, $0x7;
	_ =	sdelay $0x1  }
0x8a8: {  	(v2sf) =	vpush v14, $0x1;
	_ =	sdelay $0x1  }
0x8a9: {  	(v2sf) =	vpush v14, $0x2;
	_ =	sdelay $0x2  }
0x8aa: {  	(v2sf) =	vpush v14, $0x3  }
0x8ab: {  	(v2sf) =	vpush v14, $0x4  }
0x8ac: {  	(v2sf) =	vpush v14, $0xC  }
0x8ad: {  	(v2sf) =	vpush v14, $0xD;
	_ =	sdelay $0x2  }
0x8ae: {  	(v2sf) =	vpush v14, $0xE  }
0x8af: {  	s1 =	spop (v2sf)  }
0x8b0: {  	(v2sf) =	vpush v14, $0x8;
	s0 =	smulhi.u32 $0x66666667, s1;
	s28 =	spop (v2sf)  }
0x8b1: {  	s1 =	sshra.s32 s1, $0x1F;
	s6 =	smulhi.u32 $0x66666667, s28  }
0x8b2: {  	s4 =	simm.s32 $0x10;
	(v2sf) =	vpush v14, $0xA;
	s30 =	spop (v2sf);
	s1 =	smul.u32 $0x66666667, s1  }
0x8b3: {  	[smem:$0x7F7] =	sst s3;
	v8 =	vor.u32 s4, v2;
	s3 =	sshra.s32 s28, $0x1F;
	s7 =	smulhi.u32 $0x66666667, s30  }
0x8b4: {  	v9 =	vmulhi.u32 $0x24924925, v8;
	s8 =	spop (v2sf);
	s3 =	smul.u32 $0x66666667, s3  }
0x8b5: {  	(v2sf) =	vpush v14, $0xF;
	s5 =	sshra.s32 s30, $0x1F;
	s11 =	smulhi.u32 $0x66666667, s8  }
0x8b6: {  	v10 =	vsub.s32 v8, v9;
	(v2sf) =	vpush v14, $0x9;
	s8 =	sshra.s32 s8, $0x1F;
	s5 =	smul.u32 $0x66666667, s5  }
0x8b7: {  	v10 =	vshrl.u32 v10, $0x1;
	s9 =	spop (v2sf);
	s8 =	smul.u32 $0x66666667, s8  }
0x8b8: {  	v9 =	vadd.s32 v9, v10;
	(v2sf) =	vpush v14, $0x5;
	s10 =	spop (v2sf);
	s24 =	smulhi.u32 $0x66666667, s9  }
0x8b9: {  	v9 =	vshrl.u32 v9, $0x2;
	s31 =	sshra.s32 s9, $0x1F;
	s12 =	spop (v2sf);
	s14 =	smulhi.u32 $0x66666667, s10  }
0x8ba: {  	v10 =	vmul.u32 $0xFFFFFFF9, v9;
	s10 =	sshra.s32 s10, $0x1F;
	s28 =	smul.u32 $0x66666667, s31;
	s15 =	spop (v2sf);
	(v2sf) =	vpush v14, $0xB  }
0x8bb: {  	v11 =	vmov s4;
	v13 =	vsub.s32 $0x0, v8;
	s19 =	smul.u32 $0x66666667, s10  }
0x8bc: {  	vm9 =	veq.s32 v11, v2;
	vm10 =	vne.s32 v10, v13;
	s4 =	sadd.s32 s1, s0;
	s2 =	sshra.s32 s12, $0x1F;
	s12 =	smulhi.u32 $0x66666667, s12  }
0x8bd: {  	vm9 =	vmand vm9, vm10;
	s13 =	sadd.s32 s3, s6;
	s17 =	smulhi.u32 $0x66666667, s15;
	s20 =	spop (v2sf);
	(v2sf) =	vpush v14, $0x6  }
0x8be: {  	v10 =	vsel vm9, $0xFFFFFFFF, v3;
	s10 =	sadd.s32 s5, s7;
	s6 =	sadd.s32 s8, s11;
	s7 =	smul.u32 $0x66666667, s2  }
0x8bf: {  	v9 =	vadd.s32 v10, v9;
	s22 =	sshra.s32 s15, $0x1F;
	s25 =	spop (v2sf);
	s30 =	smulhi.u32 $0x66666667, s20  }
0x8c0: {  	s2 =	sshra.s32 s10, $0x2;
	(v2sf) =	vpush v9, $0x0;
	s20 =	sshra.s32 s20, $0x1F;
	s3 =	smulhi.u32 $0x66666667, s25  }
0x8c1: {  	s24 =	sadd.s32 s28, s24;
	s9 =	spop (v2sf);
	(v2sf) =	vpush v9, $0x7;
	s20 =	smul.u32 $0x66666667, s20  }
0x8c2: {  	[smem:$0x7EF] =	sst s2;
	s11 =	sshra.s32 s25, $0x1F;
	s25 =	smulhi.u32 $0x66666667, s9  }
0x8c3: {  	s14 =	sadd.s32 s19, s14;
	s7 =	sadd.s32 s7, s12;
	s31 =	smul.u32 $0x66666667, s11  }
0x8c4: {  	s12 =	sshra.s32 s6, $0x1F;
	s29 =	spop (v2sf);
	s11 =	smul.u32 $0x66666667, s22  }
0x8c5: {  	s9 =	sshra.s32 s9, $0x1F;
	s16 =	smulhi.u32 $0x66666667, s29;
	s15 =	spop (v2sf)  }
0x8c6: {  	[smem:$0x7F3] =	sst s12;
	s9 =	smul.u32 $0x66666667, s9;
	s26 =	sshra.s32 s15, $0x1F  }
0x8c7: {  	s22 =	sshra.s32 s29, $0x1F;
	s19 =	spop (v2sf);
	s8 =	smul.u32 $0x66666667, s26  }
0x8c8: {  	s29 =	sshra.s32 s24, $0x1F;
	s0 =	sshra.s32 s19, $0x1F;
	s19 =	smulhi.u32 $0x66666667, s19  }
0x8c9: {  	s31 =	sadd.s32 s31, s3;
	s1 =	smul.u32 $0x66666667, s0;
	s2 =	spop (v2sf)  }
0x8ca: {  	s3 =	sshrl.u32 s6, $0x1F;
	s5 =	sshra.s32 s2, $0x1F;
	s2 =	smulhi.u32 $0x66666667, s2  }
0x8cb: {  	s17 =	sadd.s32 s11, s17;
	[smem:$0x7F1] =	sst s3;
	s28 =	smul.u32 $0x66666667, s5  }
0x8cc: {  	s26 =	sshra.s32 s6, $0x2;
	s11 =	spop (v2sf);
	s5 =	smul.u32 $0x66666667, s22  }
0x8cd: {  	s25 =	sadd.s32 s9, s25;
	[smem:$0x7F0] =	sst s26;
	s6 =	smulhi.u32 $0x66666667, s11  }
0x8ce: {  	(v2sf) =	vpush v9, $0x1;
	s9 =	sadd.s32 s1, s19;
	s0 =	sshra.s32 s11, $0x1F;
	s22 =	smulhi.u32 $0x66666667, s15  }
0x8cf: {  	s15 =	sadd.s32 s20, s30;
	s19 =	spop (v2sf);
	s11 =	sshrl.u32 s14, $0x1F  }
0x8d0: {  	s26 =	spop (v2sf);
	s30 =	sadd.s32 s8, s22;
	s3 =	sadd.s32 s28, s2  }
0x8d1: {  	s8 =	sshra.s32 s26, $0x1F;
	s1 =	smulhi.u32 $0x66666667, s26;
	s2 =	sadd.s32 s5, s16  }
0x8d2: {  	(v2sf) =	vpush v9, $0x2;
	s16 =	sshra.s32 s14, $0x2;
	s22 =	sshra.s32 s14, $0x1F;
	s12 =	smul.u32 $0x66666667, s8  }
0x8d3: {  	s14 =	sshrl.u32 s24, $0x1F;
	s5 =	sshra.s32 s31, $0x2;
	[smem:$0x7F4] =	sst s16  }
0x8d4: {  	(v2sf) =	vpush v9, $0x3;
	s16 =	sadd.s32 s12, s1;
	s12 =	sshra.s32 s24, $0x2;
	s24 =	sshra.s32 s7, $0x2  }
0x8d5: {  	vm6 =	vmmov vm4;
	(v2sf) =	vpush v9, $0x4;
	s1 =	sshrl.u32 s7, $0x1F;
	s7 =	sshrl.u32 s31, $0x1F;
	s31 =	sshra.s32 s13, $0x1F  }
0x8d6: {  	vm4 =	vcmask $0x300;
	(v2sf) =	vpush v9, $0xC;
	s20 =	sshra.s32 s4, $0x2;
	v10 =	vmov s31  }
0x8d7: {  	[smem:$0x7F2] =	sst s11;
	s8 =	sshrl.u32 s4, $0x1F;
	s4 =	sshra.s32 s4, $0x1F;
	v10 =	vsel vm4, s20, v10  }
0x8d8: {  	s18 =	sshrl.u32 s10, $0x1F;
	(v2sf) =	vpush v9, $0xD;
	s26 =	sshra.s32 s25, $0x2;
	v11 =	vmov s8;
	v10 =	vsel vm14, s4, v10;
	s4 =	sld [smem:$0x7EF]  }
0x8d9: {  	s10 =	sshra.s32 s10, $0x1F;
	s0 =	smul.u32 $0x66666667, s0;
	[smem:$0x7F6] =	sst s26;
	v11 =	vnsel vm4, $0x0, v11  }
0x8da: {  	s11 =	sshra.s32 s15, $0x2;
	s15 =	sshrl.u32 s15, $0x1F;
	v11 =	vsel vm0, s18, v11;
	s18 =	sld [smem:$0x7F0]  }
0x8db: {  	s28 =	sshrl.u32 s25, $0x1F;
	s25 =	sshra.s32 s17, $0x2;
	v16 =	vmov s5;
	s5 =	sld [smem:$0x7F1];
	v10 =	vsel vm0, s4, v10  }
0x8dc: {  	(v2sf) =	vpush v9, $0xE;
	s17 =	sshrl.u32 s17, $0x1F;
	s6 =	sadd.s32 s0, s6;
	[smem:$0x7F5] =	sst s28;
	v10 =	vsel vm11, s10, v10  }
0x8dd: {  	(v2sf) =	vpush v9, $0x8;
	s26 =	sshrl.u32 s30, $0x1F;
	s28 =	sshra.s32 s2, $0x2;
	v10 =	vsel vm1, s18, v10;
	s18 =	spop (v2sf)  }
0x8de: {  	(v2sf) =	vpush v9, $0xA;
	v11 =	vsel vm1, s5, v11;
	s5 =	smulhi.u32 $0x66666667, s18;
	s0 =	sshra.s32 s18, $0x1F;
	s18 =	sld [smem:$0x7F2]  }
0x8df: {  	(v2sf) =	vpush v9, $0xF;
	s8 =	sshrl.u32 s2, $0x1F;
	s2 =	sshrl.u32 s9, $0x1F;
	s31 =	sshra.s32 s3, $0x2  }
0x8e0: {  	v13 =	vmov s24;
	s24 =	smulhi.u32 $0x66666667, s19;
	v15 =	vmov s1;
	s19 =	sshra.s32 s19, $0x1F;
	s20 =	sshra.s32 s30, $0x2;
	v11 =	vsel vm2, s14, v11  }
0x8e1: {  	s30 =	sshrl.u32 s3, $0x1F;
	v13 =	vsel vm0, s25, v13;
	v15 =	vsel vm0, s17, v15;
	s1 =	spop (v2sf);
	v11 =	vsel vm3, s18, v11;
	s18 =	sld [smem:$0x7F3]  }
0x8e2: {  	v13 =	vsel vm1, s11, v13;
	v15 =	vsel vm1, s15, v15;
	s15 =	sshra.s32 s13, $0x2;
	s11 =	sld [smem:$0x7F4];
	s25 =	smulhi.u32 $0x66666667, s1  }
0x8e3: {  	vm13 =	vmmov vm5;
	vm5 =	vcmask $0x1714;
	v17 =	vmov s7;
	s7 =	spop (v2sf);
	s1 =	sshra.s32 s1, $0x1F;
	s0 =	smul.u32 $0x66666667, s0  }
0x8e4: {  	(v2sf) =	vpush v9, $0x9;
	s17 =	smul.u32 $0x66666667, s1;
	s1 =	sshrl.u32 s13, $0x1F;
	v10 =	vsel vm5, s18, v10;
	s18 =	spop (v2sf)  }
0x8e5: {  	s13 =	sshra.s32 s7, $0x1F;
	s7 =	smulhi.u32 $0x66666667, s7;
	v10 =	vsel vm2, s12, v10;
	s12 =	spop (v2sf)  }
0x8e6: {  	v16 =	vsel vm0, s20, v16;
	(v2sf) =	vpush v9, $0x5;
	vm5 =	vcmask $0x1F1C;
	s20 =	smulhi.u32 $0x66666667, s18;
	s14 =	sshra.s32 s18, $0x1F;
	s18 =	sld [smem:$0x7F6]  }
0x8e7: {  	s3 =	sshrl.u32 s6, $0x1F;
	v15 =	vsel vm2, s8, v15;
	v11 =	vsel vm6, s2, v11;
	v10 =	vsel vm5, s29, v10;
	s29 =	spop (v2sf);
	s8 =	smul.u32 $0x66666667, s14  }
0x8e8: {  	vm12 =	vcmask $0x2724;
	v22 =	vmul.u32 $0xFFFFFFF9, v14;
	v11 =	vsel vm7, s3, v11;
	s14 =	sld [smem:$0x7F5];
	s3 =	sshra.s32 s12, $0x1F;
	s12 =	smulhi.u32 $0x66666667, s12  }
0x8e9: {  	v17 =	vsel vm0, s26, v17;
	s26 =	simm.s32 $0x20;
	v13 =	vsel vm2, s28, v13;
	s4 =	sshra.s32 s9, $0x2;
	v10 =	vsel vm3, s11, v10;
	s2 =	smulhi.u32 $0x66666667, s29  }
0x8ea: {  	s10 =	sshra.s32 s9, $0x1F;
	s9 =	sshra.s32 s6, $0x1F;
	(v2sf) =	vpush v9, $0xB;
	vm5 =	vmmov vm13;
	s3 =	smul.u32 $0x66666667, s3;
	v10 =	vsel vm12, s22, v10  }
0x8eb: {  	s6 =	sshra.s32 s6, $0x2;
	v16 =	vsel vm1, s18, v16;
	v17 =	vsel vm1, s14, v17;
	v10 =	vsel vm6, s4, v10;
	s4 =	sadd.s32 s17, s25;
	s25 =	smul.u32 $0x66666667, s19  }
0x8ec: {  	s11 =	sadd.s32 s0, s5;
	s14 =	spop (v2sf);
	v16 =	vsel vm2, s31, v16;
	s31 =	smul.u32 $0x66666667, s13;
	v10 =	vsel vm15, s10, v10;
	v17 =	vsel vm2, s30, v17  }
0x8ed: {  	s13 =	sshra.s32 s16, $0x1F;
	s3 =	sadd.s32 s3, s12;
	s22 =	spop (v2sf);
	v13 =	vcombine.low v16, v13;
	v18 =	vsel vm7, s6, v10;
	v10 =	vor.u32 s26, v2  }
0x8ee: {  	s10 =	sshrl.u32 s11, $0x1F;
	s5 =	smulhi.u32 $0x66666667, s14;
	s19 =	spop (v2sf);
	v15 =	vcombine.low v17, v15;
	v17 =	vmov s26;
	v19 =	vmulhi.u32 $0x24924925, v10  }
0x8ef: {  	s14 =	sshra.s32 s14, $0x1F;
	s6 =	sadd.s32 s8, s20;
	v18 =	vsel vm13, s9, v18;
	s0 =	spop (v2sf);
	vm13 =	vcmask $0x3B38;
	(v2sf) =	vpush v9, $0x6  }
0x8f0: {  	s18 =	smulhi.u32 $0x66666667, s22;
	s17 =	sadd.s32 s25, s24;
	s8 =	sadd.s32 s31, s7;
	v13 =	vperm.xlane v13, v5;
	vm9 =	veq.s32 v17, v2;
	v16 =	vsub.s32 v10, v19  }
0x8f1: {  	s26 =	sshrl.u32 s4, $0x1F;
	s7 =	smulhi.u32 $0x66666667, s19;
	s19 =	sshra.s32 s19, $0x1F;
	v11 =	vsel vm13, s1, v11;
	v18 =	vsel vm13, s15, v18;
	v16 =	vshrl.u32 v16, $0x1  }
0x8f2: {  	s30 =	sshrl.u32 s17, $0x1F;
	s15 =	sshra.s32 s22, $0x1F;
	v15 =	vperm.xlane v15, v5;
	s19 =	smul.u32 $0x66666667, s19;
	v11 =	vperm.xlane v11, v6;
	v16 =	vadd.s32 v19, v16  }
0x8f3: {  	s9 =	sshra.s32 s29, $0x1F;
	v20 =	vmov s30;
	s22 =	smul.u32 $0x66666667, s15;
	s15 =	spop (v2sf);
	v18 =	vperm.xlane v18, v6;
	v16 =	vshrl.u32 v16, $0x2  }
0x8f4: {  	s28 =	sshra.s32 s17, $0x2;
	s9 =	smul.u32 $0x66666667, s9;
	v17 =	vnsel vm4, $0x0, v20;
	s31 =	sshra.s32 s15, $0x1F;
	v11 =	vsel vm8, v11, v15;
	v15 =	vmul.u32 $0xFFFFFFF9, v16  }
0x8f5: {  	v21 =	vsub.s32 $0x0, v10;
	v17 =	vsel vm0, s10, v17;
	s10 =	sadd.s32 s19, s7;
	s19 =	smul.u32 $0x66666667, s14;
	v19 =	vmov s13;
	s13 =	spop (v2sf)  }
0x8f6: {  	v22 =	vadd.s32 v12, v22;
	s15 =	smulhi.u32 $0x66666667, s15;
	s20 =	sadd.s32 s22, s18;
	v13 =	vsel vm8, v18, v13;
	s22 =	sshra.s32 s13, $0x1F;
	vm10 =	vne.s32 v15, v21  }
0x8f7: {  	s24 =	sshra.s32 s4, $0x2;
	s17 =	sshra.s32 s17, $0x1F;
	v17 =	vsel vm1, s26, v17;
	v19 =	vsel vm4, s28, v19;
	s12 =	smul.u32 $0x66666667, s22;
	vm9 =	vmand vm9, vm10  }
0x8f8: {  	s29 =	sshra.s32 s11, $0x2;
	s11 =	sshra.s32 s11, $0x1F;
	v13 =	vadd.s32 v11, v13;
	v19 =	vsel vm14, s17, v19;
	s22 =	smulhi.u32 $0x66666667, s13;
	v11 =	vsel vm9, $0xFFFFFFFF, v3  }
0x8f9: {  	s2 =	sadd.s32 s9, s2;
	s25 =	smul.u32 $0x66666667, s31;
	s31 =	sshra.s32 s20, $0x2;
	v18 =	vmul.u32 $0xFFFFFFF6, v13;
	v15 =	vsel vm0, s29, v19;
	v11 =	vadd.s32 v11, v16  }
0x8fa: {  	v20 =	vmov s31;
	s9 =	sadd.s32 s12, s22;
	s22 =	sshrl.u32 s20, $0x1F;
	s12 =	sadd.s32 s19, s5;
	v15 =	vsel vm11, s11, v15;
	(v2sf) =	vpush v11, $0x0  }
0x8fb: {  	s19 =	sadd.s32 s25, s15;
	v21 =	vmov s22;
	s22 =	sshra.s32 s12, $0x2;
	v15 =	vsel vm1, s24, v15;
	(v2sf) =	vpush v11, $0x7  }
0x8fc: {  	s25 =	sshrl.u32 s12, $0x1F;
	s26 =	sshra.s32 s19, $0x2;
	s12 =	sshrl.u32 s19, $0x1F;
	vm9 =	vlt.s32 v14, $0x1;
	v16 =	vsub.s32 $0x0, v14;
	(v2sf) =	vpush v11, $0x1  }
0x8fd: {  	s4 =	sshra.s32 s4, $0x1F;
	s1 =	smulhi.u32 $0x66666667, s0;
	s24 =	sshrl.u32 s8, $0x1F;
	v20 =	vsel vm0, s26, v20;
	v21 =	vsel vm0, s12, v21;
	vm10 =	vne.s32 v18, v16  }
0x8fe: {  	s0 =	sshra.s32 s0, $0x1F;
	s30 =	sshra.s32 s3, $0x2;
	s18 =	spop (v2sf);
	v17 =	vsel vm2, s24, v17;
	vm9 =	vmand vm9, vm10;
	(v2sf) =	vpush v11, $0x2  }
0x8ff: {  	s3 =	sshrl.u32 s3, $0x1F;
	s0 =	smul.u32 $0x66666667, s0;
	s17 =	simm.s32 $0x6280;
	v16 =	vmov s30;
	v19 =	vsel vm9, $0xFFFFFFFF, v3;
	(v2sf) =	vpush v11, $0x3  }
0x900: {  	s13 =	sshrl.u32 s6, $0x1F;
	s20 =	sshra.s32 s2, $0x2;
	s2 =	sshrl.u32 s2, $0x1F;
	v18 =	vmov s3;
	v13 =	vadd.s32 v19, v13;
	v19 =	vld.idx.msk [tilespmem:v14+s17+$0x0], $0xffff;
	(v2sf) =	vpush v11, $0x4  }
0x901: {  	s5 =	sshrl.u32 s9, $0x1F;
	v17 =	vsel vm3, s13, v17;
	s13 =	sshra.s32 s10, $0x2;
	s10 =	sshrl.u32 s10, $0x1F;
	v16 =	vsel vm0, s20, v16;
	v13 =	vmul.u32 $0x7, v13  }
0x902: {  	s0 =	sadd.s32 s0, s1;
	s28 =	sshra.s32 s18, $0x1F;
	s31 =	smulhi.u32 $0x66666667, s18;
	v12 =	vsel vm0, s2, v18;
	v17 =	vsel vm6, s5, v17;
	v21 =	vsel vm1, s10, v21  }
0x903: {  	s14 =	sshrl.u32 s0, $0x1F;
	s0 =	sshra.s32 s0, $0x2;
	s7 =	smul.u32 $0x66666667, s28;
	v20 =	vsel vm1, s13, v20;
	v16 =	vsel vm1, s22, v16;
	v13 =	vadd.s32 v22, v13  }
0x904: {  	s15 =	sshra.s32 s9, $0x2;
	s9 =	sshra.s32 s9, $0x1F;
	v18 =	vsel vm1, s25, v12;
	v12 =	vmul.u32 $0xFFFFFFF9, v9;
	s28 =	spop (v2sf);
	v23 =	vshll.u32 v13, $0x7  }
0x905: {  	s3 =	sadd.s32 s7, s31;
	vm9 =	vcmask $0x1714;
	s30 =	sshra.s32 s28, $0x1F;
	s18 =	smulhi.u32 $0x66666667, s28;
	v24 =	vmul.u32 $0x7, v19;
	v19 =	vor.u32 v7, v23  }
0x906: {  	s31 =	sshra.s32 s8, $0x2;
	s8 =	sshra.s32 s8, $0x1F;
	v14 =	vadd.s32 $0x160, v14;
	v15 =	vsel vm9, s4, v15;
	v18 =	vsel vm2, s14, v18;
	s24 =	smul.u32 $0x66666667, s30  }
0x907: {  	s20 =	sshrl.u32 s16, $0x1F;
	s19 =	sshrl.u32 s3, $0x1F;
	s3 =	sshra.s32 s3, $0x2;
	v16 =	vsel vm2, s0, v16;
	vm9 =	vcmask $0x1F1C;
	v15 =	vsel vm2, s31, v15  }
0x908: {  	s17 =	simm.s32 $0x30;
	v21 =	vsel vm2, s19, v21;
	s28 =	sshra.s32 s6, $0x2;
	v15 =	vsel vm9, s8, v15;
	(v2sf) =	vpush v11, $0xC;
	s2 =	sadd.s32 s24, s18  }
0x909: {  	v20 =	vsel vm2, s3, v20;
	s30 =	sshra.s32 s6, $0x1F;
	v15 =	vsel vm3, s28, v15;
	(v2sf) =	vpush v11, $0xD;
	s18 =	sshrl.u32 s2, $0x1F;
	s22 =	spop (v2sf)  }
0x90a: {  	v18 =	vcombine.low v21, v18;
	v13 =	vmul.u32 $0xFFFFFFF9, v11;
	v15 =	vsel vm12, s30, v15;
	v19 =	vld.idx.msk [tilespmem:v19+s23+$0x0], $0xffff;
	s23 =	sshra.s32 s2, $0x1F;
	s6 =	smulhi.u32 $0x66666667, s22;
	s24 =	spop (v2sf)  }
0x90b: {  	(v2sf) =	vpush v11, $0xE;
	v14 =	vld.idx.msk [tilespmem:v14+s21+$0x0], $0xffff;
	v23 =	vcombine.low v20, v16;
	v17 =	vsel vm7, s18, v17;
	s2 =	sshra.s32 s2, $0x2;
	s25 =	spop (v2sf);
	s26 =	smulhi.u32 $0x66666667, s24  }
0x90c: {  	v15 =	vsel vm6, s15, v15;
	(v2sf) =	vpush v11, $0x8;
	v17 =	vsel vm13, s20, v17;
	s8 =	sshra.s32 s22, $0x1F;
	s7 =	sshra.s32 s24, $0x1F;
	s0 =	smulhi.u32 $0x66666667, s25  }
0x90d: {  	v15 =	vsel vm15, s9, v15;
	(v2sf) =	vpush v11, $0xA;
	v16 =	vperm.xlane v17, v6;
	s28 =	sshra.s32 s25, $0x1F;
	s30 =	spop (v2sf);
	s31 =	smul.u32 $0x66666667, s7  }
0x90e: {  	v17 =	vperm.xlane v18, v5;
	v15 =	vsel vm7, s2, v15;
	(v2sf) =	vpush v11, $0xF;
	s7 =	sshra.s32 s16, $0x2;
	s12 =	spop (v2sf);
	s9 =	smulhi.u32 $0x66666667, s30  }
0x90f: {  	v20 =	vsel vm5, s23, v15;
	v15 =	vadd.s32 v22, v24;
	(v2sf) =	vpush v11, $0x9;
	s11 =	sshra.s32 s30, $0x1F;
	s15 =	smul.u32 $0x66666667, s28;
	s14 =	spop (v2sf)  }
0x910: {  	(v2sf) =	vpush v11, $0x5;
	v14 =	vmul.f32 v14, v19;
	v19 =	vperm.xlane v23, v5;
	s29 =	sadd.s32 s31, s26;
	s10 =	sshra.s32 s12, $0x1F;
	s1 =	sshra.s32 s14, $0x1F  }
.LBB2_15:
0x911: {  	s2 =	smul.u32 $0x66666667, s11  }
0x912: {  	s18 =	smov.u32 s17;
	s22 =	smulhi.u32 $0x66666667, s14  }
0x913: {  	s3 =	sadd.s32 $0x10, s17;
	s16 =	sshra.s32 s29, $0x1F;
	s1 =	smul.u32 $0x66666667, s1  }
0x914: {  	v18 =	vsel vm13, s7, v20;
	s4 =	simm.s32 $0x6380;
	s5 =	smul.u32 $0x66666667, s8;
	s7 =	smov.u32 s29  }
0x915: {  	p1 =	seq.s32 s17, $0x4A0;
	[dreg:$0x10] =	wrdreg s3;
	s26 =	sadd.s32 s15, s0  }
0x916: {  	v18 =	vperm.xlane v18, v6;
	s15 =	sshrl.u32 s26, $0x1F;
	s2 =	sadd.s32 s2, s9;
	s28 =	sshra.s32 s26, $0x2  }
0x917: {  	v16 =	vsel vm8, v16, v17;
	[tilespmem:v15+s4+$0x0] =	vst.idx.add.f32.msk $0xffff, v14;
	v14 =	vor.u32 s18, v2;
	s0 =	sadd.s32 s1, s22;
	s4 =	sadd.s32 s5, s6;
	s25 =	spop (v2sf)  }
0x918: {  	v17 =	vsel vm8, v18, v19;
	s11 =	sshrl.u32 s2, $0x1F;
	v19 =	vmov s18;
	s18 =	smul.u32 $0x66666667, s10;
	s24 =	spop (v2sf);
	(v2sf) =	vpush v11, $0xB  }
0x919: {  	s8 =	sshra.s32 s0, $0x2;
	s5 =	sshrl.u32 s4, $0x1F;
	s20 =	sshra.s32 s25, $0x1F  }
0x91a: {  	v16 =	vadd.s32 v16, v17;
	v17 =	vmulhi.u32 $0x24924925, v14;
	s30 =	sshra.s32 s24, $0x1F;
	s31 =	spop (v2sf);
	s19 =	smulhi.u32 $0x66666667, s24  }
0x91b: {  	v15 =	vmul.u32 $0xFFFFFFF6, v16;
	s24 =	sshra.s32 s2, $0x2;
	s2 =	sshra.s32 s2, $0x1F;
	s22 =	smul.u32 $0x66666667, s20  }
0x91c: {  	v18 =	vsub.s32 $0x0, v9;
	s20 =	simm.s32 $0x6280;
	[dreg:$0x13] =	wrdreg s2;
	s2 =	smulhi.u32 $0x66666667, s12  }
0x91d: {  	vm9 =	vlt.s32 v9, $0x1;
	vm10 =	vne.s32 v15, v18;
	v15 =	vsub.s32 v14, v17;
	s21 =	spop (v2sf);
	s14 =	smulhi.u32 $0x66666667, s31;
	s12 =	sshrl.u32 s0, $0x1F  }
0x91e: {  	vm9 =	vmand vm9, vm10;
	v15 =	vshrl.u32 v15, $0x1;
	(v2sf) =	vpush v11, $0x6;
	s0 =	sshra.s32 s0, $0x1F;
	s30 =	smul.u32 $0x66666667, s30;
	s13 =	spop (v2sf)  }
0x91f: {  	v18 =	vsel vm9, $0xFFFFFFFF, v3;
	v15 =	vadd.s32 v17, v15;
	s23 =	sshra.s32 s21, $0x1F;
	[dreg:$0x12] =	wrdreg s0;
	s21 =	smulhi.u32 $0x66666667, s21  }
0x920: {  	s9 =	sshra.s32 s31, $0x1F;
	v16 =	vadd.s32 v18, v16;
	v17 =	vshrl.u32 v15, $0x2;
	s31 =	spop (v2sf);
	s1 =	smulhi.u32 $0x66666667, s13  }
0x921: {  	v15 =	vadd.s32 v8, v12;
	v8 =	vmovc v10;
	v10 =	vmovc v14;
	v14 =	vmov s16;
	v18 =	vmul.u32 $0xFFFFFFF9, v17;
	s6 =	sshra.s32 s13, $0x1F;
	s13 =	sadd.s32 s18, s2;
	s16 =	smul.u32 $0x66666667, s23  }
0x922: {  	v12 =	vmov v13;
	v13 =	vsub.s32 $0x0, v10;
	s23 =	sshra.s32 s4, $0x2;
	s4 =	sshra.s32 s4, $0x1F;
	s10 =	smulhi.u32 $0x66666667, s31  }
0x923: {  	vm9 =	veq.s32 v19, v2;
	s19 =	sadd.s32 s30, s19;
	s29 =	spop (v2sf);
	vm10 =	vne.s32 v18, v13;
	s6 =	smul.u32 $0x66666667, s6  }
0x924: {  	v14 =	vsel vm4, s23, v14;
	s31 =	sshra.s32 s31, $0x1F;
	vm9 =	vmand vm9, vm10;
	s16 =	sadd.s32 s16, s21;
	s21 =	smulhi.u32 $0x66666667, s25  }
0x925: {  	v20 =	vld.idx.msk [tilespmem:v9+s20+$0x0], $0xffff;
	s20 =	sshra.s32 s13, $0x2;
	s2 =	sshra.s32 s13, $0x1F;
	v14 =	vsel vm14, s4, v14;
	s4 =	smul.u32 $0x66666667, s31;
	v13 =	vsel vm9, $0xFFFFFFFF, v3  }
0x926: {  	s3 =	sshra.s32 s29, $0x1F;
	s0 =	spop (v2sf);
	s31 =	smulhi.u32 $0x66666667, s29;
	v17 =	vadd.s32 v13, v17  }
0x927: {  	s23 =	sshra.s32 s26, $0x1F;
	s3 =	smul.u32 $0x66666667, s3;
	s25 =	spop (v2sf);
	(v2sf) =	vpush v17, $0x0  }
0x928: {  	v16 =	vmul.u32 $0x7, v16;
	s13 =	sshrl.u32 s13, $0x1F;
	s18 =	sshra.s32 s0, $0x1F;
	s0 =	smulhi.u32 $0x66666667, s0;
	(v2sf) =	vpush v17, $0x7  }
0x929: {  	v18 =	vmov s5;
	v14 =	vsel vm0, s28, v14;
	s1 =	sadd.s32 s6, s1;
	s28 =	sshrl.u32 s16, $0x1F;
	s18 =	smul.u32 $0x66666667, s18;
	(v2sf) =	vpush v17, $0x1  }
0x92a: {  	v21 =	vadd.s32 $0x160, v9;
	v19 =	vnsel vm4, $0x0, v18;
	s5 =	sadd.s32 s22, s21;
	s22 =	sshra.s32 s16, $0x2;
	v23 =	vmov s28;
	s28 =	simm.s32 $0x19200  }
0x92b: {  	v16 =	vadd.s32 v15, v16;
	v19 =	vsel vm0, s15, v19;
	v14 =	vsel vm11, s23, v14;
	s4 =	sadd.s32 s4, s10;
	s23 =	sshra.s32 s5, $0x2;
	s5 =	sshrl.u32 s5, $0x1F  }
0x92c: {  	v9 =	vmovc v11;
	v16 =	vshll.u32 v16, $0x7;
	v19 =	vsel vm1, s11, v19;
	v11 =	vmovc v17;
	s3 =	sadd.s32 s3, s31;
	s11 =	sadd.s32 s18, s0;
	s0 =	sshra.s32 s1, $0x2;
	(v2sf) =	vpush v17, $0x2  }
0x92d: {  	v18 =	vmul.u32 $0x7, v20;
	v14 =	vsel vm1, s24, v14;
	s18 =	sshra.s32 s19, $0x2;
	s26 =	sshra.s32 s25, $0x1F;
	s24 =	spop (v2sf);
	(v2sf) =	vpush v11, $0x3  }
0x92e: {  	v16 =	vor.u32 v7, v16;
	v20 =	vmov s23;
	s23 =	simm.s32 $0x6000;
	s1 =	sshrl.u32 s1, $0x1F;
	s21 =	smul.u32 $0x66666667, s26;
	(v2sf) =	vpush v11, $0x4  }
0x92f: {  	vm10 =	vcmask $0x1F1C;
	s31 =	sshra.s32 s3, $0x2;
	s3 =	sshrl.u32 s3, $0x1F;
	s26 =	smul.u32 $0x66666667, s9  }
0x930: {  	vm9 =	vcmask $0x1714;
	v22 =	vmov s22;
	v19 =	vsel vm2, s13, v19;
	s22 =	sshrl.u32 s11, $0x1F;
	s30 =	sshra.s32 s24, $0x1F;
	s16 =	smulhi.u32 $0x66666667, s24  }
0x931: {  	v13 =	vmul.u32 $0xFFFFFFF9, v17;
	v19 =	vsel vm3, s12, v19;
	v17 =	vmov s5;
	s5 =	sshra.s32 s11, $0x2;
	s24 =	smulhi.u32 $0x66666667, s25;
	s6 =	sadd.s32 s26, s14  }
0x932: {  	v15 =	vadd.s32 v15, v18;
	v20 =	vsel vm0, s18, v20;
	v19 =	vsel vm6, s22, v19;
	s26 =	sshrl.u32 s19, $0x1F;
	s15 =	smul.u32 $0x66666667, s30;
	s19 =	sshrl.u32 s7, $0x1F  }
0x933: {  	v24 =	vld.idx.msk [tilespmem:v16+s28+$0x0], $0xffff;
	s7 =	sshra.s32 s7, $0x2;
	s25 =	sshra.s32 s6, $0x2;
	v16 =	vsel vm0, s26, v17;
	s6 =	sshrl.u32 s6, $0x1F;
	v17 =	vsel vm0, s31, v22;
	v22 =	vsel vm0, s3, v23  }
0x934: {  	s30 =	sadd.s32 s21, s24;
	(v2sf) =	vpush v11, $0xC;
	v20 =	vsel vm1, s25, v20;
	v16 =	vsel vm1, s6, v16;
	s14 =	sadd.s32 s15, s16;
	s15 =	rddreg [dreg:$0x13]  }
0x935: {  	s16 =	sshrl.u32 s4, $0x1F;
	s4 =	sshra.s32 s4, $0x2;
	v22 =	vsel vm1, s1, v22;
	s18 =	sshrl.u32 s30, $0x1F;
	v17 =	vsel vm1, s0, v17;
	v14 =	vsel vm9, s15, v14  }
0x936: {  	s12 =	sshra.s32 s30, $0x2;
	s30 =	rddreg [dreg:$0x12];
	(v2sf) =	vpush v11, $0xD;
	v16 =	vsel vm2, s16, v16;
	v14 =	vsel vm2, s20, v14;
	s20 =	spop (v2sf)  }
0x937: {  	v21 =	vld.idx.msk [tilespmem:v21+s23+$0x0], $0xffff;
	s17 =	sshrl.u32 s14, $0x1F;
	v20 =	vsel vm2, s4, v20;
	v22 =	vsel vm2, s18, v22;
	v17 =	vsel vm2, s12, v17;
	s6 =	smulhi.u32 $0x66666667, s20;
	s23 =	spop (v2sf)  }
0x938: {  	s21 =	sshra.s32 s11, $0x1F;
	(v2sf) =	vpush v11, $0xE;
	v19 =	vsel vm7, s17, v19;
	v14 =	vsel vm10, s2, v14;
	s25 =	spop (v2sf);
	s4 =	smulhi.u32 $0x66666667, s23  }
0x939: {  	s22 =	sshra.s32 s14, $0x1F;
	s15 =	sshra.s32 s14, $0x2;
	v20 =	vcombine.low v17, v20;
	v17 =	vcombine.low v22, v16;
	v14 =	vsel vm3, s8, v14;
	s0 =	smulhi.u32 $0x66666667, s25  }
.Ltmp9:
0x93a: {  	s17 =	rddreg [dreg:$0x10];
	(v2sf) =	vpush v11, $0x8;
	v16 =	vsel vm13, s19, v19;
	v14 =	vsel vm12, s30, v14;
	s24 =	sshra.s32 s23, $0x1F;
	(pc) =	sbr.rel @!p1 .LBB2_15-.Ltmp9, $4  }
0x93b: {  	v16 =	vperm.xlane v16, v6;
	v14 =	vsel vm6, s5, v14;
	(v2sf) =	vpush v11, $0xA;
	s8 =	sshra.s32 s20, $0x1F;
	s28 =	spop (v2sf);
	s31 =	smul.u32 $0x66666667, s24  }
0x93c: {  	v17 =	vperm.xlane v17, v5;
	v14 =	vsel vm15, s21, v14;
	(v2sf) =	vpush v11, $0xF;
	s26 =	sshra.s32 s25, $0x1F;
	s12 =	spop (v2sf);
	s9 =	smulhi.u32 $0x66666667, s28  }
0x93d: {  	v19 =	vperm.xlane v20, v5;
	v22 =	vsel vm7, s15, v14;
	(v2sf) =	vpush v11, $0x9;
	s11 =	sshra.s32 s28, $0x1F;
	s15 =	smul.u32 $0x66666667, s26;
	s14 =	spop (v2sf)  }
0x93e: {  	v14 =	vmul.f32 v21, v24;
	v20 =	vsel vm5, s22, v22;
	(v2sf) =	vpush v11, $0x5;
	s10 =	sshra.s32 s12, $0x1F;
	s29 =	sadd.s32 s31, s4;
	s1 =	sshra.s32 s14, $0x1F  }
0x93f: {  	s2 =	smul.u32 $0x66666667, s11  }
0x940: {  	s4 =	smulhi.u32 $0x66666667, s14  }
0x941: {  	s31 =	smul.u32 $0x66666667, s1  }
0x942: {  	s12 =	smulhi.u32 $0x66666667, s12  }
0x943: {  	s8 =	smul.u32 $0x66666667, s8  }
0x944: {  	s0 =	sadd.s32 s15, s0;
	s20 =	smul.u32 $0x66666667, s10  }
0x945: {  	s22 =	sshra.s32 s29, $0x1F;
	s1 =	sshrl.u32 s0, $0x1F;
	s3 =	spop (v2sf)  }
0x946: {  	s19 =	sshra.s32 s0, $0x2;
	s30 =	sshra.s32 s3, $0x1F;
	s3 =	smulhi.u32 $0x66666667, s3  }
0x947: {  	s5 =	sadd.s32 s2, s9;
	s28 =	spop (v2sf);
	s14 =	smul.u32 $0x66666667, s30  }
0x948: {  	s2 =	sadd.s32 s31, s4;
	s13 =	smulhi.u32 $0x66666667, s28;
	s11 =	sshra.s32 s28, $0x1F  }
0x949: {  	s8 =	sadd.s32 s8, s6;
	s16 =	spop (v2sf);
	s11 =	smul.u32 $0x66666667, s11  }
0x94a: {  	s6 =	sadd.s32 s20, s12;
	s17 =	smulhi.u32 $0x66666667, s16;
	s16 =	sshra.s32 s16, $0x1F  }
0x94b: {  	s23 =	sshra.s32 s5, $0x2;
	s26 =	spop (v2sf);
	s16 =	smul.u32 $0x66666667, s16  }
0x94c: {  	s24 =	sshrl.u32 s5, $0x1F;
	s25 =	sshra.s32 s26, $0x1F;
	s28 =	smulhi.u32 $0x66666667, s26  }
0x94d: {  	s5 =	sshra.s32 s5, $0x1F;
	(v2sf) =	vpush v11, $0xB;
	s18 =	spop (v2sf);
	s30 =	smul.u32 $0x66666667, s25  }
0x94e: {  	s21 =	spop (v2sf);
	s12 =	sshra.s32 s18, $0x1F;
	s18 =	smulhi.u32 $0x66666667, s18  }
0x94f: {  	(v2sf) =	vpush v11, $0x6;
	s3 =	sadd.s32 s14, s3;
	s11 =	sadd.s32 s11, s13;
	s10 =	smulhi.u32 $0x66666667, s21  }
0x950: {  	s16 =	sadd.s32 s16, s17;
	s15 =	spop (v2sf);
	s12 =	smul.u32 $0x66666667, s12  }
0x951: {  	v20 =	vsel vm13, s7, v20;
	s21 =	sshra.s32 s21, $0x1F;
	s31 =	sshra.s32 s15, $0x1F;
	s4 =	sadd.s32 s30, s28  }
0x952: {  	v20 =	vperm.xlane v20, v6;
	s9 =	spop (v2sf);
	s28 =	sshra.s32 s8, $0x2;
	s13 =	smul.u32 $0x66666667, s21  }
0x953: {  	v16 =	vsel vm8, v16, v17;
	v53 =	vsub.s32 $0x0, v9;
	s30 =	sshrl.u32 s8, $0x1F;
	s8 =	sshra.s32 s8, $0x1F;
	s15 =	smulhi.u32 $0x66666667, s15  }
0x954: {  	v8 =	vadd.s32 v8, v12;
	v18 =	vmov s22;
	v47 =	vsel vm8, v20, v19;
	s21 =	sshra.s32 s11, $0x2;
	s11 =	sshrl.u32 s11, $0x1F;
	s26 =	sshra.s32 s9, $0x1F  }
0x955: {  	v58 =	vadd.s32 $0x160, v9;
	v16 =	vadd.s32 v16, v47;
	s20 =	smul.u32 $0x66666667, s31;
	s31 =	sshra.s32 s0, $0x1F;
	v18 =	vsel vm4, s28, v18;
	s28 =	sshrl.u32 s6, $0x1F  }
0x956: {  	v52 =	vmul.u32 $0xFFFFFFF6, v16;
	v21 =	vmov s30;
	s30 =	sshra.s32 s4, $0x2;
	s4 =	sshrl.u32 s4, $0x1F;
	s14 =	smul.u32 $0x66666667, s26;
	v18 =	vsel vm14, s8, v18  }
0x957: {  	s26 =	smulhi.u32 $0x66666667, s9;
	s9 =	sadd.s32 s12, s18;
	v21 =	vnsel vm4, $0x0, v21;
	v24 =	vmov s30;
	s25 =	sadd.s32 s13, s10;
	v18 =	vsel vm0, s19, v18  }
0x958: {  	v25 =	vmov s4;
	v21 =	vsel vm0, s1, v21;
	s19 =	sadd.s32 s20, s15;
	s1 =	sshrl.u32 s16, $0x1F;
	v18 =	vsel vm11, s31, v18;
	s31 =	sshra.s32 s3, $0x2  }
0x959: {  	s12 =	sshrl.u32 s9, $0x1F;
	s15 =	sshra.s32 s2, $0x2;
	s3 =	sshrl.u32 s3, $0x1F;
	v21 =	vsel vm1, s24, v21;
	v18 =	vsel vm1, s23, v18;
	v22 =	vmov s31  }
0x95a: {  	s8 =	sadd.s32 s14, s26;
	v23 =	vmov s3;
	v21 =	vsel vm2, s28, v21;
	s23 =	sshrl.u32 s2, $0x1F;
	s28 =	sshra.s32 s19, $0x2;
	v22 =	vsel vm0, s21, v22  }
0x95b: {  	s24 =	sshra.s32 s16, $0x2;
	s14 =	sshra.s32 s6, $0x1F;
	s3 =	sshrl.u32 s19, $0x1F;
	v23 =	vsel vm0, s11, v23;
	v21 =	vsel vm3, s23, v21;
	v48 =	vsel vm0, s28, v24  }
0x95c: {  	s16 =	sshra.s32 s2, $0x1F;
	s0 =	spop (v2sf);
	s31 =	sshra.s32 s6, $0x2;
	v18 =	vsel vm9, s5, v18;
	v49 =	vsel vm0, s3, v25;
	vm9 =	vne.s32 v52, v53  }
0x95d: {  	s30 =	sshrl.u32 s8, $0x1F;
	s10 =	sshra.s32 s0, $0x1F;
	s0 =	smulhi.u32 $0x66666667, s0;
	v22 =	vsel vm1, s24, v22;
	v23 =	vsel vm1, s1, v23;
	v50 =	vsel vm2, s31, v18  }
0x95e: {  	s11 =	sshrl.u32 s25, $0x1F;
	v21 =	vsel vm6, s30, v21;
	s3 =	smul.u32 $0x66666667, s10;
	v17 =	vsel vm10, s14, v50;
	vm10 =	vlt.s32 v9, $0x1;
	s17 =	spop (v2sf)  }
0x95f: {  	v20 =	vsel vm1, s12, v49;
	s1 =	sshra.s32 s25, $0x2;
	v51 =	vsel vm2, s11, v23;
	vm9 =	vmand vm10, vm9;
	s20 =	sshra.s32 s17, $0x1F;
	s7 =	smulhi.u32 $0x66666667, s17  }
0x960: {  	v22 =	vsel vm2, s1, v22;
	s0 =	sadd.s32 s3, s0;
	v17 =	vsel vm3, s15, v17;
	s17 =	sshra.s32 s9, $0x2;
	v54 =	vsel vm9, $0xFFFFFFFF, v3;
	s22 =	smul.u32 $0x66666667, s20  }
0x961: {  	s18 =	sshra.s32 s8, $0x2;
	v17 =	vsel vm12, s16, v17;
	s19 =	sshrl.u32 s0, $0x1F;
	v19 =	vsel vm1, s17, v48;
	v16 =	vadd.s32 v54, v16  }
0x962: {  	s0 =	sshra.s32 s0, $0x2;
	v20 =	vsel vm2, s19, v20;
	v17 =	vsel vm6, s18, v17;
	s20 =	sshra.s32 s8, $0x1F;
	v16 =	vmul.u32 $0x7, v16;
	s26 =	sadd.s32 s22, s7  }
0x963: {  	v19 =	vsel vm2, s0, v19;
	v17 =	vsel vm15, s20, v17;
	v55 =	vcombine.low v20, v51;
	s22 =	sshra.s32 s26, $0x2  }
0x964: {  	v56 =	vcombine.low v19, v22;
	s13 =	sshrl.u32 s26, $0x1F;
	s23 =	sshra.s32 s26, $0x1F;
	v16 =	vadd.s32 v8, v16;
	v17 =	vsel vm7, s22, v17  }
0x965: {  	s21 =	sshrl.u32 s29, $0x1F;
	s24 =	sshra.s32 s29, $0x2;
	v12 =	vperm.xlane v55, v5;
	v21 =	vsel vm7, s13, v21;
	v17 =	vsel vm5, s23, v17  }
0x966: {  	s25 =	simm.s32 $0x6380;
	v59 =	vperm.xlane v56, v5;
	v21 =	vsel vm13, s21, v21;
	v17 =	vsel vm13, s24, v17  }
0x967: {  	[tilespmem:v15+s25+$0x0] =	vst.idx.add.f32.msk $0xffff, v14;
	s26 =	simm.s32 $0x6280;
	v16 =	vshll.u32 v16, $0x7;
	v57 =	vperm.xlane v21, v6;
	v17 =	vperm.xlane v17, v6  }
0x968: {  	v9 =	vld.idx.msk [tilespmem:v9+s26+$0x0], $0xffff;
	v16 =	vor.u32 v7, v16  }
0x969: {  	v12 =	vsel vm8, v57, v12;
	v15 =	vsel vm8, v17, v59  }
0x96a: {  	v12 =	vadd.s32 v12, v15  }
0x96b: {  	s28 =	simm.s32 $0x6000;
	v15 =	vmul.u32 $0xFFFFFFF6, v12  }
0x96c: {  	v60 =	vsub.s32 $0x0, v11;
	s29 =	simm.s32 $0x19200;
	v14 =	vld.idx.msk [tilespmem:v58+s28+$0x0], $0xffff  }
0x96d: {  	vm9 =	vlt.s32 v11, $0x1;
	v9 =	vmul.u32 $0x7, v9;
	v16 =	vld.idx.msk [tilespmem:v16+s29+$0x0], $0xffff;
	vm10 =	vne.s32 v15, v60  }
0x96e: {  	vm9 =	vmand vm9, vm10  }
0x96f: {  	v8 =	vadd.s32 v8, v9;
	v61 =	vsel vm9, $0xFFFFFFFF, v3  }
0x970: {  	v9 =	vadd.s32 v61, v12  }
0x971: {  	v9 =	vmul.u32 $0x7, v9  }
0x972: {  	v10 =	vadd.s32 v10, v13;
	v62 =	vmul.f32 v14, v16  }
0x973: {  	v9 =	vadd.s32 v10, v9  }
0x974: {  	[tilespmem:v8+s25+$0x0] =	vst.idx.add.f32.msk $0xffff, v62;
	v8 =	vshll.u32 v9, $0x7;
	v9 =	vadd.s32 $0x160, v11  }
0x975: {  	v11 =	vld.idx.msk [tilespmem:v11+s26+$0x0], $0xffff;
	v7 =	vor.u32 v7, v8;
	_ =	sdelay $0x3  }
0x976: {  	v8 =	vld.idx.msk [tilespmem:v9+s28+$0x0], $0xffff  }
0x977: {  	v9 =	vmul.u32 $0x7, v11;
	v7 =	vld.idx.msk [tilespmem:v7+s29+$0x0], $0xffff;
	_ =	sdelay $0x1  }
0x978: {  	s18 =	sld [smem:$0x7FD];
	v9 =	vadd.s32 v10, v9;
	_ =	sdelay $0x2  }
0x979: {  	s31 =	sadd.s32 $0x0, s18;
	v7 =	vmul.f32 v8, v7  }
0x97a: {  	v8 =	vmov s31  }
0x97b: {  	[tilespmem:v9+s25+$0x0] =	vst.idx.add.f32.msk $0xffff, v7;
	v9 =	vbroadcast v8, $0x0;
	_ =	sdelay $0x1  }
0x97c: {  	v8 =	vor.u32 v2, v9  }
0x97d: {  	v10 =	vmulhi.u32 $0x24924925, v8;
	_ =	sdelay $0x1  }
0x97e: {  	v11 =	vsub.s32 v8, v10  }
0x97f: {  	v11 =	vshrl.u32 v11, $0x1  }
0x980: {  	v10 =	vadd.s32 v10, v11  }
0x981: {  	v10 =	vshrl.u32 v10, $0x2  }
0x982: {  	v11 =	vmul.u32 $0xFFFFFFF9, v10  }
0x983: {  	v63 =	vsub.s32 $0x0, v8  }
0x984: {  	vm9 =	veq.s32 v9, v2;
	vm10 =	vne.s32 v11, v63  }
0x985: {  	vm9 =	vmand vm9, vm10  }
0x986: {  	s30 =	sld [smem:$0x7F9];
	v9 =	vsel vm9, $0xFFFFFFFF, v3  }
0x987: {  	s3 =	sld [smem:$0x7F7];
	v9 =	vadd.s32 v9, v10;
	_ =	sdelay $0x1  }
0x988: {  	s2 =	simm.s32 $0xFA00;
	s5 =	simm.s32 $0x6280  }
0x989: {  	s0 =	sor.u32 s30, s3;
	s1 =	sadd.s32 $0x10, s18;
	s22 =	simm.s32 $0x6380  }
0x98a: {  	vm4 =	vmmov vm6;
	s21 =	simm.s32 $0x6000;
	s23 =	simm.s32 $0x19200;
	v7 =	vmov s0;
	s0 =	simm.s32 $0x20  }
.LBB2_17:
0x98b: {  	p1 =	sne.s32 s0, $0x30;
	v10 =	vmov s1;
	v11 =	vld.idx.msk [tilespmem:v9+s5+$0x0], $0xffff  }
0x98c: {  	v10 =	vbroadcast v10, $0x0;
	_ =	sdelay $0x1  }
0x98d: {  	v12 =	vor.u32 v2, v10  }
0x98e: {  	v13 =	vmulhi.u32 $0x24924925, v12  }
0x98f: {  	v9 =	vmul.u32 $0xFFFFFFF9, v9  }
0x990: {  	v11 =	vmul.u32 $0x7, v11;
	v14 =	vsub.s32 v12, v13  }
0x991: {  	v9 =	vadd.s32 v8, v9;
	v14 =	vshrl.u32 v14, $0x1  }
0x992: {  	v9 =	vadd.s32 v11, v9;
	v13 =	vadd.s32 v13, v14  }
0x993: {  	v11 =	vshrl.u32 v13, $0x2  }
0x994: {  	v13 =	vmul.u32 $0xFFFFFFF9, v11  }
0x995: {  	vm10 =	vge.u32 v8, v0;
	vm9 =	veq.s32 v10, v2;
	v10 =	vsub.s32 $0x0, v12  }
0x996: {  	vm12 =	vlt.u32 v8, v1;
	vm11 =	vne.s32 v13, v10;
	v10 =	vsub.s32 v8, v0;
	v8 =	vmovc v12  }
0x997: {  	vm10 =	vmand vm10, vm12;
	vm9 =	vmand vm9, vm11;
	v12 =	vld.idx.msk [tilespmem:v9+s22+$0x0], $0xffff;
	v9 =	vshll.u32 v10, $0xA  }
0x998: {  	v10 =	vsel vm9, $0xFFFFFFFF, v3;
	v13 =	vadd.s32 v7, v9  }
.Ltmp10:
0x999: {  	v9 =	vadd.s32 v10, v11;
	(pc) =	sbr.rel @p1 .LBB2_17-.Ltmp10, $2  }
0x99a: {  	_ =	sdelay $0x2  }
0x99b: {  	s1 =	sadd.s32 s0, s18;
	s0 =	sadd.s32 $0x10, s0;
	[tilespmem:v13+s2+$0x0] =	vst.idx.msk vm10, v12  }
0x99c: {  	_ =	sdelay $0x1  }
0x99d: {  	v10 =	vmov s1  }
0x99e: {  	v10 =	vbroadcast v10, $0x0  }
0x99f: {  	v11 =	vld.idx.msk [tilespmem:v9+s5+$0x0], $0xffff  }
0x9a0: {  	v12 =	vor.u32 v2, v10  }
0x9a1: {  	v13 =	vmulhi.u32 $0x24924925, v12;
	_ =	sdelay $0x1  }
0x9a2: {  	v58 =	vmul.u32 $0xFFFFFFF9, v9;
	v14 =	vsub.s32 v12, v13  }
0x9a3: {  	v11 =	vmul.u32 $0x7, v11;
	v14 =	vshrl.u32 v14, $0x1  }
0x9a4: {  	v9 =	vadd.s32 v8, v58;
	v13 =	vadd.s32 v13, v14  }
0x9a5: {  	v9 =	vadd.s32 v11, v9;
	v59 =	vshrl.u32 v13, $0x2  }
0x9a6: {  	v13 =	vmul.u32 $0xFFFFFFF9, v59  }
0x9a7: {  	vm10 =	vge.u32 v8, v0;
	vm12 =	vlt.u32 v8, v1;
	v60 =	vsub.s32 $0x0, v12  }
0x9a8: {  	v8 =	vsub.s32 v8, v0;
	vm9 =	veq.s32 v10, v2;
	vm11 =	vne.s32 v13, v60  }
0x9a9: {  	vm10 =	vmand vm10, vm12;
	v8 =	vshll.u32 v8, $0xA;
	vm9 =	vmand vm9, vm11  }
0x9aa: {  	v8 =	vadd.s32 v7, v8;
	v9 =	vld.idx.msk [tilespmem:v9+s22+$0x0], $0xffff;
	v61 =	vsel vm9, $0xFFFFFFFF, v3  }
0x9ab: {  	v10 =	vadd.s32 v61, v59;
	_ =	sdelay $0x3  }
0x9ac: {  	[tilespmem:v8+s2+$0x0] =	vst.idx.msk vm10, v9  }
0x9ad: {  	v8 =	vld.idx.msk [tilespmem:v10+s5+$0x0], $0xffff;
	_ =	sdelay $0x3  }
0x9ae: {  	v62 =	vmul.u32 $0xFFFFFFF9, v10  }
0x9af: {  	v8 =	vmul.u32 $0x7, v8  }
0x9b0: {  	v9 =	vadd.s32 v12, v62  }
0x9b1: {  	v8 =	vadd.s32 v8, v9;
	_ =	sdelay $0x2  }
0x9b2: {  	v63 =	vsub.s32 v12, v0;
	vm9 =	vge.u32 v12, v0;
	vm10 =	vlt.u32 v12, v1  }
0x9b3: {  	s3 =	sadd.s32 $0x1, s3;
	vm9 =	vmand vm9, vm10;
	v9 =	vshll.u32 v63, $0xA  }
0x9b4: {  	p1 =	sne.s32 s3, $0x80;
	v7 =	vadd.s32 v7, v9;
	v8 =	vld.idx.msk [tilespmem:v8+s22+$0x0], $0xffff  }
.Ltmp11:
0x9b5: {  	_ = 	snop;
	(pc) =	sbr.rel @p1 .LBB2_12-.Ltmp11, $2  }
0x9b6: {  	_ =	sdelay $0x2  }
0x9b7: {  	vm14 =	vcmask $0x704;
	vm11 =	vcmask $0xF0C;
	[tilespmem:v7+s2+$0x0] =	vst.idx.msk vm9, v8  }
0x9b8: {  	s0 =	sld [smem:$0x7F8];
	_ =	sdelay $0x2  }
0x9b9: {  	s0 =	sadd.s32 $0x1, s0  }
0x9ba: {  	p1 =	sne.s32 s0, $0x8  }
.Ltmp12:
0x9bb: {  	_ = 	snop;
	(pc) =	sbr.rel @p1 .LBB2_11-.Ltmp12, $1  }
0x9bc: {  	_ =	sdelay $0x3  }
0x9bd: {  	s0 =	simm.s32 @p0 $0x0;
	s1 =	simm.s32 @p0 $0xFA00;
	s2 =	rddreg [dreg:$0x1d]  }
0x9be: {  	[hbm4b:s2+s0] =	stream.linear.scatter @p0 [tilespmem:s1], [sflag:$0x2], $0x3000, $0x38;
	[tilespmem:$0x1CE00] =	vst v63  }
0x9bf: {  	s0 =	simm.s32 @p0 $0x2  }
0x9c0: {  	_ =	swait.ge @p0 [sflag:s0], $0x3000  }
0x9c1: {  	s1 =	simm.s32 @!p0 $0xFA00;
	[sflag:s0] =	ssyncset.done @p0 $0x0  }
0x9c2: {  	s2 =	rddreg [dreg:$0x1c];
	[sflag:s0] =	ssyncadd.s32 @p0 $0xFFFFD000;
	s0 =	simm.s32 @!p0 $0x0  }
0x9c3: {  	[hbm4b:s2+s0] =	stream.linear.scatter @!p0 [tilespmem:s1], [sflag:$0x2], $0x9800, $0x38;
	[tilespmem:$0x1CE00] =	vst v63  }
.Ltmp13:
0x9c4: {  	s0 =	simm.s32 @!p0 $0x2;
	(pc) =	sbr.rel .LBB2_21-.Ltmp13, $4  }
0x9c5: {  	_ =	swait.ge @!p0 [sflag:s0], $0x9800  }
0x9c6: {  	s1 =	sld [smem:$0x7FA]  }
0x9c7: {  	[sflag:s0] =	ssyncset.done @!p0 $0x0  }
0x9c8: {  	[sflag:s0] =	ssyncadd.s32 @!p0 $0xFFFF6800  }
.LBB2_22:
0x9c9: {  	_ =	sfence.sel $0x180000  }
0x9ca: {  	[bflag:$0x0] =	sbarrier.arrive $0xFFFF  }
0x9cb: {  	_ =	strace $0x90000047  }
0x9cc: {  	s0 =	stileid.u32;
	[bflag:$0x2] =	sbarrier.arrive $0xFFFF  }
0x9cd: {  	p0 =	sne.s32 s0, $0x0;
	s0 =	rddreg [dreg:$0x2]  }
0x9ce: {  	s0 =	sadd.s32 @!p0 $0x100000, s0  }
0x9cf: {  	[sflag:s0] =	ssyncadd.tile.s32 @!p0 $0x1;
	_ =	shalt  }
.Lfunc_end2:
_tile_overlayer_lowered:
.L_overlay_start_2:
0x9d0: {  	(tag) =	ssettag $0x2  }
0x9d1: {  	s0 =	rddreg [dreg:$0x0];
	s2 =	stileid.u32  }
0x9d2: {  	s1 =	rddreg [dreg:$0x1];
	p0 =	sne.s32 s2, $0x0  }
0x9d3: {  	s3 =	rddreg [dreg:$0x2];
	[bflag:$0x3] =	sbarrier.arrive $0xFFFF;
	s2 =	simm.s32 @!p0 $0x1C02  }
0x9d4: {  	[timem:s3], [sflag:s2] =	dma.local @!p0 [hbm:s0], s1  }
0x9d5: {  	s0 =	simm.s32 @!p0 $0x2  }
0x9d6: {  	_ =	swait.ge @!p0 [sflag:s0], s1  }
0x9d7: {  	s1 =	ssub.s32 @!p0 $0x0, s1;
	[sflag:s0] =	ssyncset.done @!p0 $0x0  }
0x9d8: {  	[sflag:s0] =	ssyncadd.s32 @!p0 s1  }
0x9d9: {  	[bflag:$0x3] =	sbarrier.arrive $0xFFFF  }
0x9da: {  	_ =	shalt  }

</sc_bundles>
